<compile_context>
chip_gen: v7x
topology: tpu7x:2x2x1
jax: 0.10.2.dev20260603
libtpu: 0.0.44.dev20260713+nightly
codegen_flags: <defaults>
</compile_context>

<pallas_src>
import jax
import jax.numpy as jnp
from jax import lax
from jax.experimental import pallas as pl
from jax.experimental.pallas import tpu as pltpu
from jax.experimental.pallas import tpu_sc as plsc

N_NODES = 100000
N_EDGES = 1600000
BATCH = 32

NTILES = 16
NCORES = 2
HB = BATCH // NCORES
K = 128

NPAD = 100096
ROWS_PER_TILE = NPAD // NTILES
TOT_CHUNKS = N_EDGES // K
BASE_CHUNKS = TOT_CHUNKS // NTILES
EXTRA_TILES = TOT_CHUNKS - BASE_CHUNKS * NTILES
MAIN_CHUNKS = BASE_CHUNKS - 1
HLOOP = MAIN_CHUNKS // 2


def _sc_body(src_hbm, des_hbm, par_hbm, xt_hbm, zer_hbm, out_hbm, *scr):
    (rs0, rd0, rp0, sg0, dg0, ss0, dd0, pc0, vs0, vd0, os0, od0,
     rs1, rd1, rp1, sg1, dg1, ss1, dd1, pc1, vs1, vd1, os1, od1,
     acc, semL0, semL1, semG0, semG1, semS0, semS1) = scr
    B0 = (rs0, rd0, rp0, sg0, dg0, ss0, dd0, pc0, vs0, vd0, os0, od0, semL0, semG0, semS0)
    B1 = (rs1, rd1, rp1, sg1, dg1, ss1, dd1, pc1, vs1, vd1, os1, od1, semL1, semG1, semS1)

    c = lax.axis_index("c")
    t = lax.axis_index("s")
    off = c * NPAD
    tile_base = t * BASE_CHUNKS * K

    def issue_loads(b, B):
        pltpu.async_copy(src_hbm.at[pl.ds(b, K)], B[0], B[12])
        pltpu.async_copy(des_hbm.at[pl.ds(b, K)], B[1], B[12])
        pltpu.async_copy(par_hbm.at[pl.ds(b, K)], B[2], B[12])

    def wait_loads(b, B):
        pltpu.make_async_copy(src_hbm.at[pl.ds(b, K)], B[0], B[12]).wait()
        pltpu.make_async_copy(des_hbm.at[pl.ds(b, K)], B[1], B[12]).wait()
        pltpu.make_async_copy(par_hbm.at[pl.ds(b, K)], B[2], B[12]).wait()

    def offset_pass(B):
        rs, rd, rp, sg, dg, ss, dd, pc = B[0], B[1], B[2], B[3], B[4], B[5], B[6], B[7]
        for i in range(K // 16):
            sl = pl.ds(i * 16, 16)
            s_ = rs[sl]
            d_ = rd[sl]
            sg[sl] = s_ + off
            dg[sl] = d_ + off
            ss[sl] = s_
            dd[sl] = d_
            pc[sl] = rp[sl]

    def issue_gathers(B):
        pltpu.async_copy(xt_hbm.at[B[3]], B[8], B[13])
        pltpu.async_copy(xt_hbm.at[B[4]], B[9], B[13])

    def wait_gathers(B):
        pltpu.make_async_copy(xt_hbm.at[B[3]], B[8], B[13]).wait()
        pltpu.make_async_copy(xt_hbm.at[B[4]], B[9], B[13]).wait()

    def compute(B):
        pc, vs, vd, os_, od_ = B[7], B[8], B[9], B[10], B[11]

        def grp_body(q, _):
            e0 = q * 16
            pv = pc[pl.ds(e0, 16)]
            for j in range(16):
                e = e0 + j
                d = vs[e] - vd[e]
                i_cur = d * pv[j]
                od_[e] = i_cur
                os_[e] = -i_cur
            return 0

        lax.fori_loop(0, K // 16, grp_body, 0)

    def issue_scatters(B):
        pltpu.async_copy(B[10], acc.at[B[5]], B[14], add=True)
        pltpu.async_copy(B[11], acc.at[B[6]], B[14], add=True)

    def wait_scatters(B):
        pltpu.make_async_copy(B[10], acc.at[B[5]], B[14]).wait()
        pltpu.make_async_copy(B[11], acc.at[B[6]], B[14]).wait()

    r0 = t * ROWS_PER_TILE
    pltpu.sync_copy(zer_hbm, acc.at[pl.ds(r0, ROWS_PER_TILE)])
    plsc.subcore_barrier()

    issue_loads(tile_base, B0)
    issue_loads(tile_base + K, B1)
    wait_loads(tile_base, B0)
    offset_pass(B0)
    issue_gathers(B0)

    def h_body(h, carry):
        wait_loads(tile_base + (2 * h + 1) * K, B1)

        @pl.when(h >= 1)
        def _():
            wait_scatters(B1)

        offset_pass(B1)
        issue_gathers(B1)

        @pl.when(h <= HLOOP - 2)
        def _():
            issue_loads(tile_base + (2 * h + 2) * K, B0)

        wait_gathers(B0)
        compute(B0)
        issue_scatters(B0)

        @pl.when(h <= HLOOP - 2)
        def _():
            wait_loads(tile_base + (2 * h + 2) * K, B0)
            wait_scatters(B0)
            offset_pass(B0)
            issue_gathers(B0)
            issue_loads(tile_base + (2 * h + 3) * K, B1)

        wait_gathers(B1)
        compute(B1)
        issue_scatters(B1)
        return carry

    lax.fori_loop(0, HLOOP, h_body, 0)

    wait_scatters(B0)
    wait_scatters(B1)

    def sync_chunk(b, B):
        issue_loads(b, B)
        wait_loads(b, B)
        offset_pass(B)
        issue_gathers(B)
        wait_gathers(B)
        compute(B)
        issue_scatters(B)
        wait_scatters(B)

    sync_chunk(tile_base + MAIN_CHUNKS * K, B0)

    @pl.when(t < EXTRA_TILES)
    def _():
        sync_chunk((BASE_CHUNKS * NTILES + t) * K, B1)

    plsc.subcore_barrier()

    pltpu.sync_copy(acc.at[pl.ds(r0, ROWS_PER_TILE)],
                    out_hbm.at[pl.ds(c * NPAD + r0, ROWS_PER_TILE)])


@jax.jit
def kernel(t, x, src, des, param):
    del t
    xp = jnp.pad(x, ((0, 0), (1, NPAD - (N_NODES + 1))))
    xt = jnp.transpose(xp.reshape(NCORES, HB, NPAD), (0, 2, 1)).reshape(
        NCORES * NPAD, HB)
    zer = jnp.zeros((ROWS_PER_TILE, HB), jnp.float32)

    def buf_set():
        return [
            pltpu.VMEM((K,), jnp.int32),
            pltpu.VMEM((K,), jnp.int32),
            pltpu.VMEM((K,), jnp.float32),
            pltpu.VMEM((K,), jnp.int32),
            pltpu.VMEM((K,), jnp.int32),
            pltpu.VMEM((K,), jnp.int32),
            pltpu.VMEM((K,), jnp.int32),
            pltpu.VMEM((K,), jnp.float32),
            pltpu.VMEM((K, HB), jnp.float32),
            pltpu.VMEM((K, HB), jnp.float32),
            pltpu.VMEM((K, HB), jnp.float32),
            pltpu.VMEM((K, HB), jnp.float32),
        ]

    mesh = plsc.VectorSubcoreMesh(core_axis_name="c", subcore_axis_name="s")
    fn = pl.kernel(
        _sc_body,
        out_type=jax.ShapeDtypeStruct((NCORES * NPAD, HB), jnp.float32),
        mesh=mesh,
        compiler_params=pltpu.CompilerParams(use_tc_tiling_on_sc=False),
        scratch_types=buf_set() + buf_set() + [
            pltpu.VMEM_SHARED((NPAD, HB), jnp.float32),
            pltpu.SemaphoreType.DMA,
            pltpu.SemaphoreType.DMA,
            pltpu.SemaphoreType.DMA,
            pltpu.SemaphoreType.DMA,
            pltpu.SemaphoreType.DMA,
            pltpu.SemaphoreType.DMA,
        ],
    )
    out = fn(src, des, param, xt, zer)
    res = jnp.transpose(out.reshape(NCORES, NPAD, HB), (0, 2, 1)).reshape(
        BATCH, NPAD)
    return res[:, 1:N_NODES + 1]

# --- scband reference (transcript-rebuilt; emitter-appended) ---
"""Pipeline reference for scband-circuit-layer-3075196584637 (READ-ONLY COPY).

The authoritative reference and input builder live on the scoring server;
editing this copy changes nothing except your own understanding.
"""

import jax, jax.numpy as jnp
import numpy as np

N_NODES = 100000   # max_node_index; aux vector has N_NODES+1 entries (index 0 = ground)
N_EDGES = 1600000
BATCH = 32


def setup_inputs(seed: int = 0) -> dict:
    key = jax.random.key(seed)
    k1, k2, k3, k4 = jax.random.split(key, 4)
    # net_topo: each row (src, des) with node ids in [0, N_NODES]; 0 is the ground node
    src = jax.random.randint(k1, (N_EDGES,), 0, N_NODES + 1, dtype=jnp.int32)
    des = jax.random.randint(k2, (N_EDGES,), 0, N_NODES + 1, dtype=jnp.int32)
    x = jax.random.normal(k3, (BATCH, N_NODES), dtype=jnp.float32)
    # per-edge learned parameter (Resistor conductance), 'gauss' init: N(0, 0.01)
    param = jax.random.normal(k4, (N_EDGES,), dtype=jnp.float32) * 0.01
    t = jnp.zeros((), dtype=jnp.float32)
    return {"t": t, "x": x, "src": src, "des": des, "param": param}


def reference(t, x, src, des, param):
    # aux_v: prepend ground node voltage (0) so node index 0 maps to ground
    aux_v = jnp.concatenate([jnp.zeros_like(x[..., :1]), x], axis=-1)  # [B, N+1]
    v_src = jnp.take(aux_v, src, axis=-1)   # gather  [B, E]
    v_des = jnp.take(aux_v, des, axis=-1)   # gather  [B, E]
    # edge model (Resistor): branch current i = g * (v_src - v_des)
    state_i = param * (v_src - v_des)       # [B, E]
    result = jnp.zeros_like(aux_v)          # [B, N+1]
    result = result.at[:, src].add(-state_i)  # scatter-add (KCL: current leaves src)
    result = result.at[:, des].add(state_i)   # scatter-add (current enters des)
    return result[..., 1:]                  # drop ground node slot

if __name__ == "__main__":
    import jax
    _d = setup_inputs()
    print(jax.jit(kernel)(*tuple(_d.values())))

</pallas_src>

<mosaic_0001>
#map = affine_map<(d0, d1) -> (0)>
#map1 = affine_map<(d0, d1) -> (0, 0)>
module attributes {stable_mosaic.version = 14 : i64} {
  func.func @_sc_body(%arg0: i32, %arg1: i32, %arg2: memref<1600000xi32, #tpu.memory_space<hbm>>, %arg3: memref<1600000xi32, #tpu.memory_space<hbm>>, %arg4: memref<1600000xf32, #tpu.memory_space<hbm>>, %arg5: memref<200192x16xf32, #tpu.memory_space<hbm>>, %arg6: memref<6256x16xf32, #tpu.memory_space<hbm>>, %arg7: memref<200192x16xf32, #tpu.memory_space<hbm>>, %arg8: memref<128xi32, #tpu.memory_space<vmem>>, %arg9: memref<128xi32, #tpu.memory_space<vmem>>, %arg10: memref<128xf32, #tpu.memory_space<vmem>>, %arg11: memref<128xi32, #tpu.memory_space<vmem>>, %arg12: memref<128xi32, #tpu.memory_space<vmem>>, %arg13: memref<128xi32, #tpu.memory_space<vmem>>, %arg14: memref<128xi32, #tpu.memory_space<vmem>>, %arg15: memref<128xf32, #tpu.memory_space<vmem>>, %arg16: memref<128x16xf32, #tpu.memory_space<vmem>>, %arg17: memref<128x16xf32, #tpu.memory_space<vmem>>, %arg18: memref<128x16xf32, #tpu.memory_space<vmem>>, %arg19: memref<128x16xf32, #tpu.memory_space<vmem>>, %arg20: memref<128xi32, #tpu.memory_space<vmem>>, %arg21: memref<128xi32, #tpu.memory_space<vmem>>, %arg22: memref<128xf32, #tpu.memory_space<vmem>>, %arg23: memref<128xi32, #tpu.memory_space<vmem>>, %arg24: memref<128xi32, #tpu.memory_space<vmem>>, %arg25: memref<128xi32, #tpu.memory_space<vmem>>, %arg26: memref<128xi32, #tpu.memory_space<vmem>>, %arg27: memref<128xf32, #tpu.memory_space<vmem>>, %arg28: memref<128x16xf32, #tpu.memory_space<vmem>>, %arg29: memref<128x16xf32, #tpu.memory_space<vmem>>, %arg30: memref<128x16xf32, #tpu.memory_space<vmem>>, %arg31: memref<128x16xf32, #tpu.memory_space<vmem>>, %arg32: memref<100096x16xf32, #tpu.memory_space<vmem_shared>>, %arg33: memref<!tpu.dma_semaphore, #tpu.memory_space<semaphore_mem>>, %arg34: memref<!tpu.dma_semaphore, #tpu.memory_space<semaphore_mem>>, %arg35: memref<!tpu.dma_semaphore, #tpu.memory_space<semaphore_mem>>, %arg36: memref<!tpu.dma_semaphore, #tpu.memory_space<semaphore_mem>>, %arg37: memref<!tpu.dma_semaphore, #tpu.memory_space<semaphore_mem>>, %arg38: memref<!tpu.dma_semaphore, #tpu.memory_space<semaphore_mem>>) attributes {dimension_semantics = [#tpu.dimension_semantics<core_parallel>, #tpu.dimension_semantics<subcore_parallel>], iteration_bounds = array<i64: 2, 16>, scalar_prefetch = 0 : i64, scratch_operands = 31 : i64, tpu.core_type = #tpu.core_type<sc_vector_subcore>, window_params = [{transform_indices = #map}, {transform_indices = #map}, {transform_indices = #map}, {transform_indices = #map1}, {transform_indices = #map1}, {transform_indices = #map1}]} {
    %mul3A = arith.constant 100096 : i32
    %mul3A_0 = arith.muli %arg0, %mul3A : i32
    %mul3A_1 = arith.constant 781 : i32
    %mul3A_2 = arith.muli %arg1, %mul3A_1 : i32
    %mul3A_3 = arith.constant 128 : i32
    %mul3A_4 = arith.muli %mul3A_2, %mul3A_3 : i32
    %mul3A_5 = arith.constant 6256 : i32
    %mul3A_6 = arith.muli %arg1, %mul3A_5 : i32
    "tpu.region"() ({
      %run_scoped3A = tpu.sem_alloc : memref<!tpu.dma_semaphore, #tpu.memory_space<semaphore_mem>>
      %dma_start3A_624 = arith.constant 0 : i32
      %dma_start3A_625 = tpu.memref_slice %arg32[%mul3A_6, %dma_start3A_624] : memref<100096x16xf32, #tpu.memory_space<vmem_shared>> -> memref<6256x16xf32, #tpu.memory_space<vmem_shared>>
      tpu.enqueue_dma source(%arg6 : memref<6256x16xf32, #tpu.memory_space<hbm>>) target(%dma_start3A_625 : memref<6256x16xf32, #tpu.memory_space<vmem_shared>>) target_semaphore(%run_scoped3A : memref<!tpu.dma_semaphore, #tpu.memory_space<semaphore_mem>>)
      %dma_wait3A_626 = arith.constant 0 : i32
      %dma_wait3A_627 = tpu.memref_slice %arg32[%mul3A_6, %dma_wait3A_626] : memref<100096x16xf32, #tpu.memory_space<vmem_shared>> -> memref<6256x16xf32, #tpu.memory_space<vmem_shared>>
      tpu.wait_dma2 semaphore(%run_scoped3A : memref<!tpu.dma_semaphore, #tpu.memory_space<semaphore_mem>>) src(%arg6 : memref<6256x16xf32, #tpu.memory_space<hbm>>) dst(%dma_wait3A_627 : memref<6256x16xf32, #tpu.memory_space<vmem_shared>>)
      tpu.yield
    }) : () -> ()
    %barrier3A = arith.constant 0 : index
    tpu.barrier barrier_id(%barrier3A)
    %dma_start3A = tpu.memref_slice %arg2[%mul3A_4] : memref<1600000xi32, #tpu.memory_space<hbm>> -> memref<128xi32, #tpu.memory_space<hbm>>
    %dma_start3A_7 = tpu.memref_slice %arg2[%mul3A_4] : memref<1600000xi32, #tpu.memory_space<hbm>> -> memref<128xi32, #tpu.memory_space<hbm>>
    tpu.enqueue_dma source(%dma_start3A_7 : memref<128xi32, #tpu.memory_space<hbm>>) target(%arg8 : memref<128xi32, #tpu.memory_space<vmem>>) target_semaphore(%arg33 : memref<!tpu.dma_semaphore, #tpu.memory_space<semaphore_mem>>)
    %dma_start3A_8 = tpu.memref_slice %arg3[%mul3A_4] : memref<1600000xi32, #tpu.memory_space<hbm>> -> memref<128xi32, #tpu.memory_space<hbm>>
    %dma_start3A_9 = tpu.memref_slice %arg3[%mul3A_4] : memref<1600000xi32, #tpu.memory_space<hbm>> -> memref<128xi32, #tpu.memory_space<hbm>>
    tpu.enqueue_dma source(%dma_start3A_9 : memref<128xi32, #tpu.memory_space<hbm>>) target(%arg9 : memref<128xi32, #tpu.memory_space<vmem>>) target_semaphore(%arg33 : memref<!tpu.dma_semaphore, #tpu.memory_space<semaphore_mem>>)
    %dma_start3A_10 = tpu.memref_slice %arg4[%mul3A_4] : memref<1600000xf32, #tpu.memory_space<hbm>> -> memref<128xf32, #tpu.memory_space<hbm>>
    %dma_start3A_11 = tpu.memref_slice %arg4[%mul3A_4] : memref<1600000xf32, #tpu.memory_space<hbm>> -> memref<128xf32, #tpu.memory_space<hbm>>
    tpu.enqueue_dma source(%dma_start3A_11 : memref<128xf32, #tpu.memory_space<hbm>>) target(%arg10 : memref<128xf32, #tpu.memory_space<vmem>>) target_semaphore(%arg33 : memref<!tpu.dma_semaphore, #tpu.memory_space<semaphore_mem>>)
    %add3A = arith.constant 128 : i32
    %add3A_12 = arith.addi %mul3A_4, %add3A : i32
    %dma_start3A_13 = tpu.memref_slice %arg2[%add3A_12] : memref<1600000xi32, #tpu.memory_space<hbm>> -> memref<128xi32, #tpu.memory_space<hbm>>
    %dma_start3A_14 = tpu.memref_slice %arg2[%add3A_12] : memref<1600000xi32, #tpu.memory_space<hbm>> -> memref<128xi32, #tpu.memory_space<hbm>>
    tpu.enqueue_dma source(%dma_start3A_14 : memref<128xi32, #tpu.memory_space<hbm>>) target(%arg20 : memref<128xi32, #tpu.memory_space<vmem>>) target_semaphore(%arg34 : memref<!tpu.dma_semaphore, #tpu.memory_space<semaphore_mem>>)
    %dma_start3A_15 = tpu.memref_slice %arg3[%add3A_12] : memref<1600000xi32, #tpu.memory_space<hbm>> -> memref<128xi32, #tpu.memory_space<hbm>>
    %dma_start3A_16 = tpu.memref_slice %arg3[%add3A_12] : memref<1600000xi32, #tpu.memory_space<hbm>> -> memref<128xi32, #tpu.memory_space<hbm>>
    tpu.enqueue_dma source(%dma_start3A_16 : memref<128xi32, #tpu.memory_space<hbm>>) target(%arg21 : memref<128xi32, #tpu.memory_space<vmem>>) target_semaphore(%arg34 : memref<!tpu.dma_semaphore, #tpu.memory_space<semaphore_mem>>)
    %dma_start3A_17 = tpu.memref_slice %arg4[%add3A_12] : memref<1600000xf32, #tpu.memory_space<hbm>> -> memref<128xf32, #tpu.memory_space<hbm>>
    %dma_start3A_18 = tpu.memref_slice %arg4[%add3A_12] : memref<1600000xf32, #tpu.memory_space<hbm>> -> memref<128xf32, #tpu.memory_space<hbm>>
    tpu.enqueue_dma source(%dma_start3A_18 : memref<128xf32, #tpu.memory_space<hbm>>) target(%arg22 : memref<128xf32, #tpu.memory_space<vmem>>) target_semaphore(%arg34 : memref<!tpu.dma_semaphore, #tpu.memory_space<semaphore_mem>>)
    %dma_wait3A = tpu.memref_slice %arg2[%mul3A_4] : memref<1600000xi32, #tpu.memory_space<hbm>> -> memref<128xi32, #tpu.memory_space<hbm>>
    %dma_wait3A_19 = tpu.memref_slice %arg2[%mul3A_4] : memref<1600000xi32, #tpu.memory_space<hbm>> -> memref<128xi32, #tpu.memory_space<hbm>>
    tpu.wait_dma2 semaphore(%arg33 : memref<!tpu.dma_semaphore, #tpu.memory_space<semaphore_mem>>) src(%dma_wait3A_19 : memref<128xi32, #tpu.memory_space<hbm>>) dst(%arg8 : memref<128xi32, #tpu.memory_space<vmem>>)
    %dma_wait3A_20 = tpu.memref_slice %arg3[%mul3A_4] : memref<1600000xi32, #tpu.memory_space<hbm>> -> memref<128xi32, #tpu.memory_space<hbm>>
    %dma_wait3A_21 = tpu.memref_slice %arg3[%mul3A_4] : memref<1600000xi32, #tpu.memory_space<hbm>> -> memref<128xi32, #tpu.memory_space<hbm>>
    tpu.wait_dma2 semaphore(%arg33 : memref<!tpu.dma_semaphore, #tpu.memory_space<semaphore_mem>>) src(%dma_wait3A_21 : memref<128xi32, #tpu.memory_space<hbm>>) dst(%arg9 : memref<128xi32, #tpu.memory_space<vmem>>)
    %dma_wait3A_22 = tpu.memref_slice %arg4[%mul3A_4] : memref<1600000xf32, #tpu.memory_space<hbm>> -> memref<128xf32, #tpu.memory_space<hbm>>
    %dma_wait3A_23 = tpu.memref_slice %arg4[%mul3A_4] : memref<1600000xf32, #tpu.memory_space<hbm>> -> memref<128xf32, #tpu.memory_space<hbm>>
    tpu.wait_dma2 semaphore(%arg33 : memref<!tpu.dma_semaphore, #tpu.memory_space<semaphore_mem>>) src(%dma_wait3A_23 : memref<128xf32, #tpu.memory_space<hbm>>) dst(%arg10 : memref<128xf32, #tpu.memory_space<vmem>>)
    %get3A = arith.constant 0 : index
    %get3A_24 = tpu.vector_load %arg8[%get3A] {strides = array<i32>} : memref<128xi32, #tpu.memory_space<vmem>>, vector<16xi32>,
    %get3A_25 = vector.shape_cast %get3A_24 : vector<16xi32> to vector<16xi32>
    %get3A_26 = arith.constant 0 : index
    %get3A_27 = tpu.vector_load %arg9[%get3A_26] {strides = array<i32>} : memref<128xi32, #tpu.memory_space<vmem>>, vector<16xi32>,
    %get3A_28 = vector.shape_cast %get3A_27 : vector<16xi32> to vector<16xi32>
    %add3A_29 = vector.broadcast %mul3A_0 : i32 to vector<16xi32>
    %add3A_30 = arith.addi %get3A_25, %add3A_29 : vector<16xi32>
    %swap3A = arith.constant 0 : index
    %swap3A_31 = tpu.vector_load %arg11[%swap3A] {strides = array<i32>} : memref<128xi32, #tpu.memory_space<vmem>>, vector<16xi32>,
    %swap3A_32 = vector.shape_cast %swap3A_31 : vector<16xi32> to vector<16xi32>
    %swap3A_33 = vector.shape_cast %add3A_30 : vector<16xi32> to vector<16xi32>
    tpu.vector_store %arg11[%swap3A], %swap3A_33 {strides = array<i32>} : memref<128xi32, #tpu.memory_space<vmem>>, vector<16xi32>,
    %add3A_34 = vector.broadcast %mul3A_0 : i32 to vector<16xi32>
    %add3A_35 = arith.addi %get3A_28, %add3A_34 : vector<16xi32>
    %swap3A_36 = arith.constant 0 : index
    %swap3A_37 = tpu.vector_load %arg12[%swap3A_36] {strides = array<i32>} : memref<128xi32, #tpu.memory_space<vmem>>, vector<16xi32>,
    %swap3A_38 = vector.shape_cast %swap3A_37 : vector<16xi32> to vector<16xi32>
    %swap3A_39 = vector.shape_cast %add3A_35 : vector<16xi32> to vector<16xi32>
    tpu.vector_store %arg12[%swap3A_36], %swap3A_39 {strides = array<i32>} : memref<128xi32, #tpu.memory_space<vmem>>, vector<16xi32>,
    %swap3A_40 = arith.constant 0 : index
    %swap3A_41 = tpu.vector_load %arg13[%swap3A_40] {strides = array<i32>} : memref<128xi32, #tpu.memory_space<vmem>>, vector<16xi32>,
    %swap3A_42 = vector.shape_cast %swap3A_41 : vector<16xi32> to vector<16xi32>
    %swap3A_43 = vector.shape_cast %get3A_25 : vector<16xi32> to vector<16xi32>
    tpu.vector_store %arg13[%swap3A_40], %swap3A_43 {strides = array<i32>} : memref<128xi32, #tpu.memory_space<vmem>>, vector<16xi32>,
    %swap3A_44 = arith.constant 0 : index
    %swap3A_45 = tpu.vector_load %arg14[%swap3A_44] {strides = array<i32>} : memref<128xi32, #tpu.memory_space<vmem>>, vector<16xi32>,
    %swap3A_46 = vector.shape_cast %swap3A_45 : vector<16xi32> to vector<16xi32>
    %swap3A_47 = vector.shape_cast %get3A_28 : vector<16xi32> to vector<16xi32>
    tpu.vector_store %arg14[%swap3A_44], %swap3A_47 {strides = array<i32>} : memref<128xi32, #tpu.memory_space<vmem>>, vector<16xi32>,
    %get3A_48 = arith.constant 0 : index
    %get3A_49 = tpu.vector_load %arg10[%get3A_48] {strides = array<i32>} : memref<128xf32, #tpu.memory_space<vmem>>, vector<16xf32>,
    %get3A_50 = vector.shape_cast %get3A_49 : vector<16xf32> to vector<16xf32>
    %swap3A_51 = arith.constant 0 : index
    %swap3A_52 = tpu.vector_load %arg15[%swap3A_51] {strides = array<i32>} : memref<128xf32, #tpu.memory_space<vmem>>, vector<16xf32>,
    %swap3A_53 = vector.shape_cast %swap3A_52 : vector<16xf32> to vector<16xf32>
    %swap3A_54 = vector.shape_cast %get3A_50 : vector<16xf32> to vector<16xf32>
    tpu.vector_store %arg15[%swap3A_51], %swap3A_54 {strides = array<i32>} : memref<128xf32, #tpu.memory_space<vmem>>, vector<16xf32>,
    %get3A_55 = arith.constant 16 : index
    %get3A_56 = tpu.vector_load %arg8[%get3A_55] {strides = array<i32>} : memref<128xi32, #tpu.memory_space<vmem>>, vector<16xi32>,
    %get3A_57 = vector.shape_cast %get3A_56 : vector<16xi32> to vector<16xi32>
    %get3A_58 = arith.constant 16 : index
    %get3A_59 = tpu.vector_load %arg9[%get3A_58] {strides = array<i32>} : memref<128xi32, #tpu.memory_space<vmem>>, vector<16xi32>,
    %get3A_60 = vector.shape_cast %get3A_59 : vector<16xi32> to vector<16xi32>
    %add3A_61 = vector.broadcast %mul3A_0 : i32 to vector<16xi32>
    %add3A_62 = arith.addi %get3A_57, %add3A_61 : vector<16xi32>
    %swap3A_63 = arith.constant 16 : index
    %swap3A_64 = tpu.vector_load %arg11[%swap3A_63] {strides = array<i32>} : memref<128xi32, #tpu.memory_space<vmem>>, vector<16xi32>,
    %swap3A_65 = vector.shape_cast %swap3A_64 : vector<16xi32> to vector<16xi32>
    %swap3A_66 = vector.shape_cast %add3A_62 : vector<16xi32> to vector<16xi32>
    tpu.vector_store %arg11[%swap3A_63], %swap3A_66 {strides = array<i32>} : memref<128xi32, #tpu.memory_space<vmem>>, vector<16xi32>,
    %add3A_67 = vector.broadcast %mul3A_0 : i32 to vector<16xi32>
    %add3A_68 = arith.addi %get3A_60, %add3A_67 : vector<16xi32>
    %swap3A_69 = arith.constant 16 : index
    %swap3A_70 = tpu.vector_load %arg12[%swap3A_69] {strides = array<i32>} : memref<128xi32, #tpu.memory_space<vmem>>, vector<16xi32>,
    %swap3A_71 = vector.shape_cast %swap3A_70 : vector<16xi32> to vector<16xi32>
    %swap3A_72 = vector.shape_cast %add3A_68 : vector<16xi32> to vector<16xi32>
    tpu.vector_store %arg12[%swap3A_69], %swap3A_72 {strides = array<i32>} : memref<128xi32, #tpu.memory_space<vmem>>, vector<16xi32>,
    %swap3A_73 = arith.constant 16 : index
    %swap3A_74 = tpu.vector_load %arg13[%swap3A_73] {strides = array<i32>} : memref<128xi32, #tpu.memory_space<vmem>>, vector<16xi32>,
    %swap3A_75 = vector.shape_cast %swap3A_74 : vector<16xi32> to vector<16xi32>
    %swap3A_76 = vector.shape_cast %get3A_57 : vector<16xi32> to vector<16xi32>
    tpu.vector_store %arg13[%swap3A_73], %swap3A_76 {strides = array<i32>} : memref<128xi32, #tpu.memory_space<vmem>>, vector<16xi32>,
    %swap3A_77 = arith.constant 16 : index
    %swap3A_78 = tpu.vector_load %arg14[%swap3A_77] {strides = array<i32>} : memref<128xi32, #tpu.memory_space<vmem>>, vector<16xi32>,
    %swap3A_79 = vector.shape_cast %swap3A_78 : vector<16xi32> to vector<16xi32>
    %swap3A_80 = vector.shape_cast %get3A_60 : vector<16xi32> to vector<16xi32>
    tpu.vector_store %arg14[%swap3A_77], %swap3A_80 {strides = array<i32>} : memref<128xi32, #tpu.memory_space<vmem>>, vector<16xi32>,
    %get3A_81 = arith.constant 16 : index
    %get3A_82 = tpu.vector_load %arg10[%get3A_81] {strides = array<i32>} : memref<128xf32, #tpu.memory_space<vmem>>, vector<16xf32>,
    %get3A_83 = vector.shape_cast %get3A_82 : vector<16xf32> to vector<16xf32>
    %swap3A_84 = arith.constant 16 : index
    %swap3A_85 = tpu.vector_load %arg15[%swap3A_84] {strides = array<i32>} : memref<128xf32, #tpu.memory_space<vmem>>, vector<16xf32>,
    %swap3A_86 = vector.shape_cast %swap3A_85 : vector<16xf32> to vector<16xf32>
    %swap3A_87 = vector.shape_cast %get3A_83 : vector<16xf32> to vector<16xf32>
    tpu.vector_store %arg15[%swap3A_84], %swap3A_87 {strides = array<i32>} : memref<128xf32, #tpu.memory_space<vmem>>, vector<16xf32>,
    %get3A_88 = arith.constant 32 : index
    %get3A_89 = tpu.vector_load %arg8[%get3A_88] {strides = array<i32>} : memref<128xi32, #tpu.memory_space<vmem>>, vector<16xi32>,
    %get3A_90 = vector.shape_cast %get3A_89 : vector<16xi32> to vector<16xi32>
    %get3A_91 = arith.constant 32 : index
    %get3A_92 = tpu.vector_load %arg9[%get3A_91] {strides = array<i32>} : memref<128xi32, #tpu.memory_space<vmem>>, vector<16xi32>,
    %get3A_93 = vector.shape_cast %get3A_92 : vector<16xi32> to vector<16xi32>
    %add3A_94 = vector.broadcast %mul3A_0 : i32 to vector<16xi32>
    %add3A_95 = arith.addi %get3A_90, %add3A_94 : vector<16xi32>
    %swap3A_96 = arith.constant 32 : index
    %swap3A_97 = tpu.vector_load %arg11[%swap3A_96] {strides = array<i32>} : memref<128xi32, #tpu.memory_space<vmem>>, vector<16xi32>,
    %swap3A_98 = vector.shape_cast %swap3A_97 : vector<16xi32> to vector<16xi32>
    %swap3A_99 = vector.shape_cast %add3A_95 : vector<16xi32> to vector<16xi32>
    tpu.vector_store %arg11[%swap3A_96], %swap3A_99 {strides = array<i32>} : memref<128xi32, #tpu.memory_space<vmem>>, vector<16xi32>,
    %add3A_100 = vector.broadcast %mul3A_0 : i32 to vector<16xi32>
    %add3A_101 = arith.addi %get3A_93, %add3A_100 : vector<16xi32>
    %swap3A_102 = arith.constant 32 : index
    %swap3A_103 = tpu.vector_load %arg12[%swap3A_102] {strides = array<i32>} : memref<128xi32, #tpu.memory_space<vmem>>, vector<16xi32>,
    %swap3A_104 = vector.shape_cast %swap3A_103 : vector<16xi32> to vector<16xi32>
    %swap3A_105 = vector.shape_cast %add3A_101 : vector<16xi32> to vector<16xi32>
    tpu.vector_store %arg12[%swap3A_102], %swap3A_105 {strides = array<i32>} : memref<128xi32, #tpu.memory_space<vmem>>, vector<16xi32>,
    %swap3A_106 = arith.constant 32 : index
    %swap3A_107 = tpu.vector_load %arg13[%swap3A_106] {strides = array<i32>} : memref<128xi32, #tpu.memory_space<vmem>>, vector<16xi32>,
    %swap3A_108 = vector.shape_cast %swap3A_107 : vector<16xi32> to vector<16xi32>
    %swap3A_109 = vector.shape_cast %get3A_90 : vector<16xi32> to vector<16xi32>
    tpu.vector_store %arg13[%swap3A_106], %swap3A_109 {strides = array<i32>} : memref<128xi32, #tpu.memory_space<vmem>>, vector<16xi32>,
    %swap3A_110 = arith.constant 32 : index
    %swap3A_111 = tpu.vector_load %arg14[%swap3A_110] {strides = array<i32>} : memref<128xi32, #tpu.memory_space<vmem>>, vector<16xi32>,
    %swap3A_112 = vector.shape_cast %swap3A_111 : vector<16xi32> to vector<16xi32>
    %swap3A_113 = vector.shape_cast %get3A_93 : vector<16xi32> to vector<16xi32>
    tpu.vector_store %arg14[%swap3A_110], %swap3A_113 {strides = array<i32>} : memref<128xi32, #tpu.memory_space<vmem>>, vector<16xi32>,
    %get3A_114 = arith.constant 32 : index
    %get3A_115 = tpu.vector_load %arg10[%get3A_114] {strides = array<i32>} : memref<128xf32, #tpu.memory_space<vmem>>, vector<16xf32>,
    %get3A_116 = vector.shape_cast %get3A_115 : vector<16xf32> to vector<16xf32>
    %swap3A_117 = arith.constant 32 : index
    %swap3A_118 = tpu.vector_load %arg15[%swap3A_117] {strides = array<i32>} : memref<128xf32, #tpu.memory_space<vmem>>, vector<16xf32>,
    %swap3A_119 = vector.shape_cast %swap3A_118 : vector<16xf32> to vector<16xf32>
    %swap3A_120 = vector.shape_cast %get3A_116 : vector<16xf32> to vector<16xf32>
    tpu.vector_store %arg15[%swap3A_117], %swap3A_120 {strides = array<i32>} : memref<128xf32, #tpu.memory_space<vmem>>, vector<16xf32>,
    %get3A_121 = arith.constant 48 : index
    %get3A_122 = tpu.vector_load %arg8[%get3A_121] {strides = array<i32>} : memref<128xi32, #tpu.memory_space<vmem>>, vector<16xi32>,
    %get3A_123 = vector.shape_cast %get3A_122 : vector<16xi32> to vector<16xi32>
    %get3A_124 = arith.constant 48 : index
    %get3A_125 = tpu.vector_load %arg9[%get3A_124] {strides = array<i32>} : memref<128xi32, #tpu.memory_space<vmem>>, vector<16xi32>,
    %get3A_126 = vector.shape_cast %get3A_125 : vector<16xi32> to vector<16xi32>
    %add3A_127 = vector.broadcast %mul3A_0 : i32 to vector<16xi32>
    %add3A_128 = arith.addi %get3A_123, %add3A_127 : vector<16xi32>
    %swap3A_129 = arith.constant 48 : index
    %swap3A_130 = tpu.vector_load %arg11[%swap3A_129] {strides = array<i32>} : memref<128xi32, #tpu.memory_space<vmem>>, vector<16xi32>,
    %swap3A_131 = vector.shape_cast %swap3A_130 : vector<16xi32> to vector<16xi32>
    %swap3A_132 = vector.shape_cast %add3A_128 : vector<16xi32> to vector<16xi32>
    tpu.vector_store %arg11[%swap3A_129], %swap3A_132 {strides = array<i32>} : memref<128xi32, #tpu.memory_space<vmem>>, vector<16xi32>,
    %add3A_133 = vector.broadcast %mul3A_0 : i32 to vector<16xi32>
    %add3A_134 = arith.addi %get3A_126, %add3A_133 : vector<16xi32>
    %swap3A_135 = arith.constant 48 : index
    %swap3A_136 = tpu.vector_load %arg12[%swap3A_135] {strides = array<i32>} : memref<128xi32, #tpu.memory_space<vmem>>, vector<16xi32>,
    %swap3A_137 = vector.shape_cast %swap3A_136 : vector<16xi32> to vector<16xi32>
    %swap3A_138 = vector.shape_cast %add3A_134 : vector<16xi32> to vector<16xi32>
    tpu.vector_store %arg12[%swap3A_135], %swap3A_138 {strides = array<i32>} : memref<128xi32, #tpu.memory_space<vmem>>, vector<16xi32>,
    %swap3A_139 = arith.constant 48 : index
    %swap3A_140 = tpu.vector_load %arg13[%swap3A_139] {strides = array<i32>} : memref<128xi32, #tpu.memory_space<vmem>>, vector<16xi32>,
    %swap3A_141 = vector.shape_cast %swap3A_140 : vector<16xi32> to vector<16xi32>
    %swap3A_142 = vector.shape_cast %get3A_123 : vector<16xi32> to vector<16xi32>
    tpu.vector_store %arg13[%swap3A_139], %swap3A_142 {strides = array<i32>} : memref<128xi32, #tpu.memory_space<vmem>>, vector<16xi32>,
    %swap3A_143 = arith.constant 48 : index
    %swap3A_144 = tpu.vector_load %arg14[%swap3A_143] {strides = array<i32>} : memref<128xi32, #tpu.memory_space<vmem>>, vector<16xi32>,
    %swap3A_145 = vector.shape_cast %swap3A_144 : vector<16xi32> to vector<16xi32>
    %swap3A_146 = vector.shape_cast %get3A_126 : vector<16xi32> to vector<16xi32>
    tpu.vector_store %arg14[%swap3A_143], %swap3A_146 {strides = array<i32>} : memref<128xi32, #tpu.memory_space<vmem>>, vector<16xi32>,
    %get3A_147 = arith.constant 48 : index
    %get3A_148 = tpu.vector_load %arg10[%get3A_147] {strides = array<i32>} : memref<128xf32, #tpu.memory_space<vmem>>, vector<16xf32>,
    %get3A_149 = vector.shape_cast %get3A_148 : vector<16xf32> to vector<16xf32>
    %swap3A_150 = arith.constant 48 : index
    %swap3A_151 = tpu.vector_load %arg15[%swap3A_150] {strides = array<i32>} : memref<128xf32, #tpu.memory_space<vmem>>, vector<16xf32>,
    %swap3A_152 = vector.shape_cast %swap3A_151 : vector<16xf32> to vector<16xf32>
    %swap3A_153 = vector.shape_cast %get3A_149 : vector<16xf32> to vector<16xf32>
    tpu.vector_store %arg15[%swap3A_150], %swap3A_153 {strides = array<i32>} : memref<128xf32, #tpu.memory_space<vmem>>, vector<16xf32>,
    %get3A_154 = arith.constant 64 : index
    %get3A_155 = tpu.vector_load %arg8[%get3A_154] {strides = array<i32>} : memref<128xi32, #tpu.memory_space<vmem>>, vector<16xi32>,
    %get3A_156 = vector.shape_cast %get3A_155 : vector<16xi32> to vector<16xi32>
    %get3A_157 = arith.constant 64 : index
    %get3A_158 = tpu.vector_load %arg9[%get3A_157] {strides = array<i32>} : memref<128xi32, #tpu.memory_space<vmem>>, vector<16xi32>,
    %get3A_159 = vector.shape_cast %get3A_158 : vector<16xi32> to vector<16xi32>
    %add3A_160 = vector.broadcast %mul3A_0 : i32 to vector<16xi32>
    %add3A_161 = arith.addi %get3A_156, %add3A_160 : vector<16xi32>
    %swap3A_162 = arith.constant 64 : index
    %swap3A_163 = tpu.vector_load %arg11[%swap3A_162] {strides = array<i32>} : memref<128xi32, #tpu.memory_space<vmem>>, vector<16xi32>,
    %swap3A_164 = vector.shape_cast %swap3A_163 : vector<16xi32> to vector<16xi32>
    %swap3A_165 = vector.shape_cast %add3A_161 : vector<16xi32> to vector<16xi32>
    tpu.vector_store %arg11[%swap3A_162], %swap3A_165 {strides = array<i32>} : memref<128xi32, #tpu.memory_space<vmem>>, vector<16xi32>,
    %add3A_166 = vector.broadcast %mul3A_0 : i32 to vector<16xi32>
    %add3A_167 = arith.addi %get3A_159, %add3A_166 : vector<16xi32>
    %swap3A_168 = arith.constant 64 : index
    %swap3A_169 = tpu.vector_load %arg12[%swap3A_168] {strides = array<i32>} : memref<128xi32, #tpu.memory_space<vmem>>, vector<16xi32>,
    %swap3A_170 = vector.shape_cast %swap3A_169 : vector<16xi32> to vector<16xi32>
    %swap3A_171 = vector.shape_cast %add3A_167 : vector<16xi32> to vector<16xi32>
    tpu.vector_store %arg12[%swap3A_168], %swap3A_171 {strides = array<i32>} : memref<128xi32, #tpu.memory_space<vmem>>, vector<16xi32>,
    %swap3A_172 = arith.constant 64 : index
    %swap3A_173 = tpu.vector_load %arg13[%swap3A_172] {strides = array<i32>} : memref<128xi32, #tpu.memory_space<vmem>>, vector<16xi32>,
    %swap3A_174 = vector.shape_cast %swap3A_173 : vector<16xi32> to vector<16xi32>
    %swap3A_175 = vector.shape_cast %get3A_156 : vector<16xi32> to vector<16xi32>
    tpu.vector_store %arg13[%swap3A_172], %swap3A_175 {strides = array<i32>} : memref<128xi32, #tpu.memory_space<vmem>>, vector<16xi32>,
    %swap3A_176 = arith.constant 64 : index
    %swap3A_177 = tpu.vector_load %arg14[%swap3A_176] {strides = array<i32>} : memref<128xi32, #tpu.memory_space<vmem>>, vector<16xi32>,
    %swap3A_178 = vector.shape_cast %swap3A_177 : vector<16xi32> to vector<16xi32>
    %swap3A_179 = vector.shape_cast %get3A_159 : vector<16xi32> to vector<16xi32>
    tpu.vector_store %arg14[%swap3A_176], %swap3A_179 {strides = array<i32>} : memref<128xi32, #tpu.memory_space<vmem>>, vector<16xi32>,
    %get3A_180 = arith.constant 64 : index
    %get3A_181 = tpu.vector_load %arg10[%get3A_180] {strides = array<i32>} : memref<128xf32, #tpu.memory_space<vmem>>, vector<16xf32>,
    %get3A_182 = vector.shape_cast %get3A_181 : vector<16xf32> to vector<16xf32>
    %swap3A_183 = arith.constant 64 : index
    %swap3A_184 = tpu.vector_load %arg15[%swap3A_183] {strides = array<i32>} : memref<128xf32, #tpu.memory_space<vmem>>, vector<16xf32>,
    %swap3A_185 = vector.shape_cast %swap3A_184 : vector<16xf32> to vector<16xf32>
    %swap3A_186 = vector.shape_cast %get3A_182 : vector<16xf32> to vector<16xf32>
    tpu.vector_store %arg15[%swap3A_183], %swap3A_186 {strides = array<i32>} : memref<128xf32, #tpu.memory_space<vmem>>, vector<16xf32>,
    %get3A_187 = arith.constant 80 : index
    %get3A_188 = tpu.vector_load %arg8[%get3A_187] {strides = array<i32>} : memref<128xi32, #tpu.memory_space<vmem>>, vector<16xi32>,
    %get3A_189 = vector.shape_cast %get3A_188 : vector<16xi32> to vector<16xi32>
    %get3A_190 = arith.constant 80 : index
    %get3A_191 = tpu.vector_load %arg9[%get3A_190] {strides = array<i32>} : memref<128xi32, #tpu.memory_space<vmem>>, vector<16xi32>,
    %get3A_192 = vector.shape_cast %get3A_191 : vector<16xi32> to vector<16xi32>
    %add3A_193 = vector.broadcast %mul3A_0 : i32 to vector<16xi32>
    %add3A_194 = arith.addi %get3A_189, %add3A_193 : vector<16xi32>
    %swap3A_195 = arith.constant 80 : index
    %swap3A_196 = tpu.vector_load %arg11[%swap3A_195] {strides = array<i32>} : memref<128xi32, #tpu.memory_space<vmem>>, vector<16xi32>,
    %swap3A_197 = vector.shape_cast %swap3A_196 : vector<16xi32> to vector<16xi32>
    %swap3A_198 = vector.shape_cast %add3A_194 : vector<16xi32> to vector<16xi32>
    tpu.vector_store %arg11[%swap3A_195], %swap3A_198 {strides = array<i32>} : memref<128xi32, #tpu.memory_space<vmem>>, vector<16xi32>,
    %add3A_199 = vector.broadcast %mul3A_0 : i32 to vector<16xi32>
    %add3A_200 = arith.addi %get3A_192, %add3A_199 : vector<16xi32>
    %swap3A_201 = arith.constant 80 : index
    %swap3A_202 = tpu.vector_load %arg12[%swap3A_201] {strides = array<i32>} : memref<128xi32, #tpu.memory_space<vmem>>, vector<16xi32>,
    %swap3A_203 = vector.shape_cast %swap3A_202 : vector<16xi32> to vector<16xi32>
    %swap3A_204 = vector.shape_cast %add3A_200 : vector<16xi32> to vector<16xi32>
    tpu.vector_store %arg12[%swap3A_201], %swap3A_204 {strides = array<i32>} : memref<128xi32, #tpu.memory_space<vmem>>, vector<16xi32>,
    %swap3A_205 = arith.constant 80 : index
    %swap3A_206 = tpu.vector_load %arg13[%swap3A_205] {strides = array<i32>} : memref<128xi32, #tpu.memory_space<vmem>>, vector<16xi32>,
    %swap3A_207 = vector.shape_cast %swap3A_206 : vector<16xi32> to vector<16xi32>
    %swap3A_208 = vector.shape_cast %get3A_189 : vector<16xi32> to vector<16xi32>
    tpu.vector_store %arg13[%swap3A_205], %swap3A_208 {strides = array<i32>} : memref<128xi32, #tpu.memory_space<vmem>>, vector<16xi32>,
    %swap3A_209 = arith.constant 80 : index
    %swap3A_210 = tpu.vector_load %arg14[%swap3A_209] {strides = array<i32>} : memref<128xi32, #tpu.memory_space<vmem>>, vector<16xi32>,
    %swap3A_211 = vector.shape_cast %swap3A_210 : vector<16xi32> to vector<16xi32>
    %swap3A_212 = vector.shape_cast %get3A_192 : vector<16xi32> to vector<16xi32>
    tpu.vector_store %arg14[%swap3A_209], %swap3A_212 {strides = array<i32>} : memref<128xi32, #tpu.memory_space<vmem>>, vector<16xi32>,
    %get3A_213 = arith.constant 80 : index
    %get3A_214 = tpu.vector_load %arg10[%get3A_213] {strides = array<i32>} : memref<128xf32, #tpu.memory_space<vmem>>, vector<16xf32>,
    %get3A_215 = vector.shape_cast %get3A_214 : vector<16xf32> to vector<16xf32>
    %swap3A_216 = arith.constant 80 : index
    %swap3A_217 = tpu.vector_load %arg15[%swap3A_216] {strides = array<i32>} : memref<128xf32, #tpu.memory_space<vmem>>, vector<16xf32>,
    %swap3A_218 = vector.shape_cast %swap3A_217 : vector<16xf32> to vector<16xf32>
    %swap3A_219 = vector.shape_cast %get3A_215 : vector<16xf32> to vector<16xf32>
    tpu.vector_store %arg15[%swap3A_216], %swap3A_219 {strides = array<i32>} : memref<128xf32, #tpu.memory_space<vmem>>, vector<16xf32>,
    %get3A_220 = arith.constant 96 : index
    %get3A_221 = tpu.vector_load %arg8[%get3A_220] {strides = array<i32>} : memref<128xi32, #tpu.memory_space<vmem>>, vector<16xi32>,
    %get3A_222 = vector.shape_cast %get3A_221 : vector<16xi32> to vector<16xi32>
    %get3A_223 = arith.constant 96 : index
    %get3A_224 = tpu.vector_load %arg9[%get3A_223] {strides = array<i32>} : memref<128xi32, #tpu.memory_space<vmem>>, vector<16xi32>,
    %get3A_225 = vector.shape_cast %get3A_224 : vector<16xi32> to vector<16xi32>
    %add3A_226 = vector.broadcast %mul3A_0 : i32 to vector<16xi32>
    %add3A_227 = arith.addi %get3A_222, %add3A_226 : vector<16xi32>
    %swap3A_228 = arith.constant 96 : index
    %swap3A_229 = tpu.vector_load %arg11[%swap3A_228] {strides = array<i32>} : memref<128xi32, #tpu.memory_space<vmem>>, vector<16xi32>,
    %swap3A_230 = vector.shape_cast %swap3A_229 : vector<16xi32> to vector<16xi32>
    %swap3A_231 = vector.shape_cast %add3A_227 : vector<16xi32> to vector<16xi32>
    tpu.vector_store %arg11[%swap3A_228], %swap3A_231 {strides = array<i32>} : memref<128xi32, #tpu.memory_space<vmem>>, vector<16xi32>,
    %add3A_232 = vector.broadcast %mul3A_0 : i32 to vector<16xi32>
    %add3A_233 = arith.addi %get3A_225, %add3A_232 : vector<16xi32>
    %swap3A_234 = arith.constant 96 : index
    %swap3A_235 = tpu.vector_load %arg12[%swap3A_234] {strides = array<i32>} : memref<128xi32, #tpu.memory_space<vmem>>, vector<16xi32>,
    %swap3A_236 = vector.shape_cast %swap3A_235 : vector<16xi32> to vector<16xi32>
    %swap3A_237 = vector.shape_cast %add3A_233 : vector<16xi32> to vector<16xi32>
    tpu.vector_store %arg12[%swap3A_234], %swap3A_237 {strides = array<i32>} : memref<128xi32, #tpu.memory_space<vmem>>, vector<16xi32>,
    %swap3A_238 = arith.constant 96 : index
    %swap3A_239 = tpu.vector_load %arg13[%swap3A_238] {strides = array<i32>} : memref<128xi32, #tpu.memory_space<vmem>>, vector<16xi32>,
    %swap3A_240 = vector.shape_cast %swap3A_239 : vector<16xi32> to vector<16xi32>
    %swap3A_241 = vector.shape_cast %get3A_222 : vector<16xi32> to vector<16xi32>
    tpu.vector_store %arg13[%swap3A_238], %swap3A_241 {strides = array<i32>} : memref<128xi32, #tpu.memory_space<vmem>>, vector<16xi32>,
    %swap3A_242 = arith.constant 96 : index
    %swap3A_243 = tpu.vector_load %arg14[%swap3A_242] {strides = array<i32>} : memref<128xi32, #tpu.memory_space<vmem>>, vector<16xi32>,
    %swap3A_244 = vector.shape_cast %swap3A_243 : vector<16xi32> to vector<16xi32>
    %swap3A_245 = vector.shape_cast %get3A_225 : vector<16xi32> to vector<16xi32>
    tpu.vector_store %arg14[%swap3A_242], %swap3A_245 {strides = array<i32>} : memref<128xi32, #tpu.memory_space<vmem>>, vector<16xi32>,
    %get3A_246 = arith.constant 96 : index
    %get3A_247 = tpu.vector_load %arg10[%get3A_246] {strides = array<i32>} : memref<128xf32, #tpu.memory_space<vmem>>, vector<16xf32>,
    %get3A_248 = vector.shape_cast %get3A_247 : vector<16xf32> to vector<16xf32>
    %swap3A_249 = arith.constant 96 : index
    %swap3A_250 = tpu.vector_load %arg15[%swap3A_249] {strides = array<i32>} : memref<128xf32, #tpu.memory_space<vmem>>, vector<16xf32>,
    %swap3A_251 = vector.shape_cast %swap3A_250 : vector<16xf32> to vector<16xf32>
    %swap3A_252 = vector.shape_cast %get3A_248 : vector<16xf32> to vector<16xf32>
    tpu.vector_store %arg15[%swap3A_249], %swap3A_252 {strides = array<i32>} : memref<128xf32, #tpu.memory_space<vmem>>, vector<16xf32>,
    %get3A_253 = arith.constant 112 : index
    %get3A_254 = tpu.vector_load %arg8[%get3A_253] {strides = array<i32>} : memref<128xi32, #tpu.memory_space<vmem>>, vector<16xi32>,
    %get3A_255 = vector.shape_cast %get3A_254 : vector<16xi32> to vector<16xi32>
    %get3A_256 = arith.constant 112 : index
    %get3A_257 = tpu.vector_load %arg9[%get3A_256] {strides = array<i32>} : memref<128xi32, #tpu.memory_space<vmem>>, vector<16xi32>,
    %get3A_258 = vector.shape_cast %get3A_257 : vector<16xi32> to vector<16xi32>
    %add3A_259 = vector.broadcast %mul3A_0 : i32 to vector<16xi32>
    %add3A_260 = arith.addi %get3A_255, %add3A_259 : vector<16xi32>
    %swap3A_261 = arith.constant 112 : index
    %swap3A_262 = tpu.vector_load %arg11[%swap3A_261] {strides = array<i32>} : memref<128xi32, #tpu.memory_space<vmem>>, vector<16xi32>,
    %swap3A_263 = vector.shape_cast %swap3A_262 : vector<16xi32> to vector<16xi32>
    %swap3A_264 = vector.shape_cast %add3A_260 : vector<16xi32> to vector<16xi32>
    tpu.vector_store %arg11[%swap3A_261], %swap3A_264 {strides = array<i32>} : memref<128xi32, #tpu.memory_space<vmem>>, vector<16xi32>,
    %add3A_265 = vector.broadcast %mul3A_0 : i32 to vector<16xi32>
    %add3A_266 = arith.addi %get3A_258, %add3A_265 : vector<16xi32>
    %swap3A_267 = arith.constant 112 : index
    %swap3A_268 = tpu.vector_load %arg12[%swap3A_267] {strides = array<i32>} : memref<128xi32, #tpu.memory_space<vmem>>, vector<16xi32>,
    %swap3A_269 = vector.shape_cast %swap3A_268 : vector<16xi32> to vector<16xi32>
    %swap3A_270 = vector.shape_cast %add3A_266 : vector<16xi32> to vector<16xi32>
    tpu.vector_store %arg12[%swap3A_267], %swap3A_270 {strides = array<i32>} : memref<128xi32, #tpu.memory_space<vmem>>, vector<16xi32>,
    %swap3A_271 = arith.constant 112 : index
    %swap3A_272 = tpu.vector_load %arg13[%swap3A_271] {strides = array<i32>} : memref<128xi32, #tpu.memory_space<vmem>>, vector<16xi32>,
    %swap3A_273 = vector.shape_cast %swap3A_272 : vector<16xi32> to vector<16xi32>
    %swap3A_274 = vector.shape_cast %get3A_255 : vector<16xi32> to vector<16xi32>
    tpu.vector_store %arg13[%swap3A_271], %swap3A_274 {strides = array<i32>} : memref<128xi32, #tpu.memory_space<vmem>>, vector<16xi32>,
    %swap3A_275 = arith.constant 112 : index
    %swap3A_276 = tpu.vector_load %arg14[%swap3A_275] {strides = array<i32>} : memref<128xi32, #tpu.memory_space<vmem>>, vector<16xi32>,
    %swap3A_277 = vector.shape_cast %swap3A_276 : vector<16xi32> to vector<16xi32>
    %swap3A_278 = vector.shape_cast %get3A_258 : vector<16xi32> to vector<16xi32>
    tpu.vector_store %arg14[%swap3A_275], %swap3A_278 {strides = array<i32>} : memref<128xi32, #tpu.memory_space<vmem>>, vector<16xi32>,
    %get3A_279 = arith.constant 112 : index
    %get3A_280 = tpu.vector_load %arg10[%get3A_279] {strides = array<i32>} : memref<128xf32, #tpu.memory_space<vmem>>, vector<16xf32>,
    %get3A_281 = vector.shape_cast %get3A_280 : vector<16xf32> to vector<16xf32>
    %swap3A_282 = arith.constant 112 : index
    %swap3A_283 = tpu.vector_load %arg15[%swap3A_282] {strides = array<i32>} : memref<128xf32, #tpu.memory_space<vmem>>, vector<16xf32>,
    %swap3A_284 = vector.shape_cast %swap3A_283 : vector<16xf32> to vector<16xf32>
    %swap3A_285 = vector.shape_cast %get3A_281 : vector<16xf32> to vector<16xf32>
    tpu.vector_store %arg15[%swap3A_282], %swap3A_285 {strides = array<i32>} : memref<128xf32, #tpu.memory_space<vmem>>, vector<16xf32>,
    %dma_start3A_286 = arith.constant 0 : i32
    %dma_start3A_287 = arith.constant 0 : i32
    %dma_start3A_288 = tpu.memref_slice %arg5[%dma_start3A_286, %dma_start3A_287] : memref<200192x16xf32, #tpu.memory_space<hbm>> -> memref<200192x16xf32, #tpu.memory_space<hbm>>
    tpu.enqueue_indirect_dma source(%dma_start3A_288 : memref<200192x16xf32, #tpu.memory_space<hbm>>) target(%arg16 : memref<128x16xf32, #tpu.memory_space<vmem>>) offsets(%arg11 : memref<128xi32, #tpu.memory_space<vmem>>) semaphore(%arg35 : memref<!tpu.dma_semaphore, #tpu.memory_space<semaphore_mem>>)
    %dma_start3A_289 = arith.constant 0 : i32
    %dma_start3A_290 = arith.constant 0 : i32
    %dma_start3A_291 = tpu.memref_slice %arg5[%dma_start3A_289, %dma_start3A_290] : memref<200192x16xf32, #tpu.memory_space<hbm>> -> memref<200192x16xf32, #tpu.memory_space<hbm>>
    tpu.enqueue_indirect_dma source(%dma_start3A_291 : memref<200192x16xf32, #tpu.memory_space<hbm>>) target(%arg17 : memref<128x16xf32, #tpu.memory_space<vmem>>) offsets(%arg12 : memref<128xi32, #tpu.memory_space<vmem>>) semaphore(%arg35 : memref<!tpu.dma_semaphore, #tpu.memory_space<semaphore_mem>>)
    %scan3A = arith.constant 0 : i32
    %scan3A_292 = arith.constant 0 : i32
    %scan3A_293 = arith.constant 390 : i32
    %scan3A_294 = arith.addi %scan3A_292, %scan3A_293 : i32
    %scan3A_295 = arith.constant 1 : i32
    scf.for %scan3A_624 = %scan3A_292 to %scan3A_294 step %scan3A_295  : i32 {
      %mul3A_625 = arith.constant 2 : i32
      %mul3A_626 = arith.muli %mul3A_625, %scan3A_624 : i32
      %add3A_627 = arith.constant 1 : i32
      %add3A_628 = arith.addi %mul3A_626, %add3A_627 : i32
      %mul3A_629 = arith.constant 128 : i32
      %mul3A_630 = arith.muli %add3A_628, %mul3A_629 : i32
      %add3A_631 = arith.addi %mul3A_4, %mul3A_630 : i32
      %dma_wait3A_632 = tpu.memref_slice %arg2[%add3A_631] : memref<1600000xi32, #tpu.memory_space<hbm>> -> memref<128xi32, #tpu.memory_space<hbm>>
      %dma_wait3A_633 = tpu.memref_slice %arg2[%add3A_631] : memref<1600000xi32, #tpu.memory_space<hbm>> -> memref<128xi32, #tpu.memory_space<hbm>>
      tpu.wait_dma2 semaphore(%arg34 : memref<!tpu.dma_semaphore, #tpu.memory_space<semaphore_mem>>) src(%dma_wait3A_633 : memref<128xi32, #tpu.memory_space<hbm>>) dst(%arg20 : memref<128xi32, #tpu.memory_space<vmem>>)
      %dma_wait3A_634 = tpu.memref_slice %arg3[%add3A_631] : memref<1600000xi32, #tpu.memory_space<hbm>> -> memref<128xi32, #tpu.memory_space<hbm>>
      %dma_wait3A_635 = tpu.memref_slice %arg3[%add3A_631] : memref<1600000xi32, #tpu.memory_space<hbm>> -> memref<128xi32, #tpu.memory_space<hbm>>
      tpu.wait_dma2 semaphore(%arg34 : memref<!tpu.dma_semaphore, #tpu.memory_space<semaphore_mem>>) src(%dma_wait3A_635 : memref<128xi32, #tpu.memory_space<hbm>>) dst(%arg21 : memref<128xi32, #tpu.memory_space<vmem>>)
      %dma_wait3A_636 = tpu.memref_slice %arg4[%add3A_631] : memref<1600000xf32, #tpu.memory_space<hbm>> -> memref<128xf32, #tpu.memory_space<hbm>>
      %dma_wait3A_637 = tpu.memref_slice %arg4[%add3A_631] : memref<1600000xf32, #tpu.memory_space<hbm>> -> memref<128xf32, #tpu.memory_space<hbm>>
      tpu.wait_dma2 semaphore(%arg34 : memref<!tpu.dma_semaphore, #tpu.memory_space<semaphore_mem>>) src(%dma_wait3A_637 : memref<128xf32, #tpu.memory_space<hbm>>) dst(%arg22 : memref<128xf32, #tpu.memory_space<vmem>>)
      %ge3A = arith.constant 1 : i32
      %ge3A_638 = arith.cmpi sge, %scan3A_624, %ge3A : i32
      %convert_element_type3A_639 = arith.extui %ge3A_638 : i1 to i32
      %cond3A_640 = arith.constant 0 : i32
      %cond3A_641 = arith.cmpi ne, %convert_element_type3A_639, %cond3A_640 : i32
      scf.if %cond3A_641 {
        %dma_wait3A_959 = arith.constant 0 : i32
        %dma_wait3A_960 = arith.constant 0 : i32
        %dma_wait3A_961 = tpu.memref_slice %arg32[%dma_wait3A_959, %dma_wait3A_960] : memref<100096x16xf32, #tpu.memory_space<vmem_shared>> -> memref<100096x16xf32, #tpu.memory_space<vmem_shared>>
        tpu.wait_indirect_dma semaphore(%arg38 : memref<!tpu.dma_semaphore, #tpu.memory_space<semaphore_mem>>) src(%arg30 : memref<128x16xf32, #tpu.memory_space<vmem>>) dst(%dma_wait3A_961 : memref<100096x16xf32, #tpu.memory_space<vmem_shared>>)
        %dma_wait3A_962 = arith.constant 0 : i32
        %dma_wait3A_963 = arith.constant 0 : i32
        %dma_wait3A_964 = tpu.memref_slice %arg32[%dma_wait3A_962, %dma_wait3A_963] : memref<100096x16xf32, #tpu.memory_space<vmem_shared>> -> memref<100096x16xf32, #tpu.memory_space<vmem_shared>>
        tpu.wait_indirect_dma semaphore(%arg38 : memref<!tpu.dma_semaphore, #tpu.memory_space<semaphore_mem>>) src(%arg31 : memref<128x16xf32, #tpu.memory_space<vmem>>) dst(%dma_wait3A_964 : memref<100096x16xf32, #tpu.memory_space<vmem_shared>>)
      } else {
      }
      %get3A_642 = arith.constant 0 : index
      %get3A_643 = tpu.vector_load %arg20[%get3A_642] {strides = array<i32>} : memref<128xi32, #tpu.memory_space<vmem>>, vector<16xi32>,
      %get3A_644 = vector.shape_cast %get3A_643 : vector<16xi32> to vector<16xi32>
      %get3A_645 = arith.constant 0 : index
      %get3A_646 = tpu.vector_load %arg21[%get3A_645] {strides = array<i32>} : memref<128xi32, #tpu.memory_space<vmem>>, vector<16xi32>,
      %get3A_647 = vector.shape_cast %get3A_646 : vector<16xi32> to vector<16xi32>
      %add3A_648 = vector.broadcast %mul3A_0 : i32 to vector<16xi32>
      %add3A_649 = arith.addi %get3A_644, %add3A_648 : vector<16xi32>
      %swap3A_650 = arith.constant 0 : index
      %swap3A_651 = tpu.vector_load %arg23[%swap3A_650] {strides = array<i32>} : memref<128xi32, #tpu.memory_space<vmem>>, vector<16xi32>,
      %swap3A_652 = vector.shape_cast %swap3A_651 : vector<16xi32> to vector<16xi32>
      %swap3A_653 = vector.shape_cast %add3A_649 : vector<16xi32> to vector<16xi32>
      tpu.vector_store %arg23[%swap3A_650], %swap3A_653 {strides = array<i32>} : memref<128xi32, #tpu.memory_space<vmem>>, vector<16xi32>,
      %add3A_654 = vector.broadcast %mul3A_0 : i32 to vector<16xi32>
      %add3A_655 = arith.addi %get3A_647, %add3A_654 : vector<16xi32>
      %swap3A_656 = arith.constant 0 : index
      %swap3A_657 = tpu.vector_load %arg24[%swap3A_656] {strides = array<i32>} : memref<128xi32, #tpu.memory_space<vmem>>, vector<16xi32>,
      %swap3A_658 = vector.shape_cast %swap3A_657 : vector<16xi32> to vector<16xi32>
      %swap3A_659 = vector.shape_cast %add3A_655 : vector<16xi32> to vector<16xi32>
      tpu.vector_store %arg24[%swap3A_656], %swap3A_659 {strides = array<i32>} : memref<128xi32, #tpu.memory_space<vmem>>, vector<16xi32>,
      %swap3A_660 = arith.constant 0 : index
      %swap3A_661 = tpu.vector_load %arg25[%swap3A_660] {strides = array<i32>} : memref<128xi32, #tpu.memory_space<vmem>>, vector<16xi32>,
      %swap3A_662 = vector.shape_cast %swap3A_661 : vector<16xi32> to vector<16xi32>
      %swap3A_663 = vector.shape_cast %get3A_644 : vector<16xi32> to vector<16xi32>
      tpu.vector_store %arg25[%swap3A_660], %swap3A_663 {strides = array<i32>} : memref<128xi32, #tpu.memory_space<vmem>>, vector<16xi32>,
      %swap3A_664 = arith.constant 0 : index
      %swap3A_665 = tpu.vector_load %arg26[%swap3A_664] {strides = array<i32>} : memref<128xi32, #tpu.memory_space<vmem>>, vector<16xi32>,
      %swap3A_666 = vector.shape_cast %swap3A_665 : vector<16xi32> to vector<16xi32>
      %swap3A_667 = vector.shape_cast %get3A_647 : vector<16xi32> to vector<16xi32>
      tpu.vector_store %arg26[%swap3A_664], %swap3A_667 {strides = array<i32>} : memref<128xi32, #tpu.memory_space<vmem>>, vector<16xi32>,
      %get3A_668 = arith.constant 0 : index
      %get3A_669 = tpu.vector_load %arg22[%get3A_668] {strides = array<i32>} : memref<128xf32, #tpu.memory_space<vmem>>, vector<16xf32>,
      %get3A_670 = vector.shape_cast %get3A_669 : vector<16xf32> to vector<16xf32>
      %swap3A_671 = arith.constant 0 : index
      %swap3A_672 = tpu.vector_load %arg27[%swap3A_671] {strides = array<i32>} : memref<128xf32, #tpu.memory_space<vmem>>, vector<16xf32>,
      %swap3A_673 = vector.shape_cast %swap3A_672 : vector<16xf32> to vector<16xf32>
      %swap3A_674 = vector.shape_cast %get3A_670 : vector<16xf32> to vector<16xf32>
      tpu.vector_store %arg27[%swap3A_671], %swap3A_674 {strides = array<i32>} : memref<128xf32, #tpu.memory_space<vmem>>, vector<16xf32>,
      %get3A_675 = arith.constant 16 : index
      %get3A_676 = tpu.vector_load %arg20[%get3A_675] {strides = array<i32>} : memref<128xi32, #tpu.memory_space<vmem>>, vector<16xi32>,
      %get3A_677 = vector.shape_cast %get3A_676 : vector<16xi32> to vector<16xi32>
      %get3A_678 = arith.constant 16 : index
      %get3A_679 = tpu.vector_load %arg21[%get3A_678] {strides = array<i32>} : memref<128xi32, #tpu.memory_space<vmem>>, vector<16xi32>,
      %get3A_680 = vector.shape_cast %get3A_679 : vector<16xi32> to vector<16xi32>
      %add3A_681 = vector.broadcast %mul3A_0 : i32 to vector<16xi32>
      %add3A_682 = arith.addi %get3A_677, %add3A_681 : vector<16xi32>
      %swap3A_683 = arith.constant 16 : index
      %swap3A_684 = tpu.vector_load %arg23[%swap3A_683] {strides = array<i32>} : memref<128xi32, #tpu.memory_space<vmem>>, vector<16xi32>,
      %swap3A_685 = vector.shape_cast %swap3A_684 : vector<16xi32> to vector<16xi32>
      %swap3A_686 = vector.shape_cast %add3A_682 : vector<16xi32> to vector<16xi32>
      tpu.vector_store %arg23[%swap3A_683], %swap3A_686 {strides = array<i32>} : memref<128xi32, #tpu.memory_space<vmem>>, vector<16xi32>,
      %add3A_687 = vector.broadcast %mul3A_0 : i32 to vector<16xi32>
      %add3A_688 = arith.addi %get3A_680, %add3A_687 : vector<16xi32>
      %swap3A_689 = arith.constant 16 : index
      %swap3A_690 = tpu.vector_load %arg24[%swap3A_689] {strides = array<i32>} : memref<128xi32, #tpu.memory_space<vmem>>, vector<16xi32>,
      %swap3A_691 = vector.shape_cast %swap3A_690 : vector<16xi32> to vector<16xi32>
      %swap3A_692 = vector.shape_cast %add3A_688 : vector<16xi32> to vector<16xi32>
      tpu.vector_store %arg24[%swap3A_689], %swap3A_692 {strides = array<i32>} : memref<128xi32, #tpu.memory_space<vmem>>, vector<16xi32>,
      %swap3A_693 = arith.constant 16 : index
      %swap3A_694 = tpu.vector_load %arg25[%swap3A_693] {strides = array<i32>} : memref<128xi32, #tpu.memory_space<vmem>>, vector<16xi32>,
      %swap3A_695 = vector.shape_cast %swap3A_694 : vector<16xi32> to vector<16xi32>
      %swap3A_696 = vector.shape_cast %get3A_677 : vector<16xi32> to vector<16xi32>
      tpu.vector_store %arg25[%swap3A_693], %swap3A_696 {strides = array<i32>} : memref<128xi32, #tpu.memory_space<vmem>>, vector<16xi32>,
      %swap3A_697 = arith.constant 16 : index
      %swap3A_698 = tpu.vector_load %arg26[%swap3A_697] {strides = array<i32>} : memref<128xi32, #tpu.memory_space<vmem>>, vector<16xi32>,
      %swap3A_699 = vector.shape_cast %swap3A_698 : vector<16xi32> to vector<16xi32>
      %swap3A_700 = vector.shape_cast %get3A_680 : vector<16xi32> to vector<16xi32>
      tpu.vector_store %arg26[%swap3A_697], %swap3A_700 {strides = array<i32>} : memref<128xi32, #tpu.memory_space<vmem>>, vector<16xi32>,
      %get3A_701 = arith.constant 16 : index
      %get3A_702 = tpu.vector_load %arg22[%get3A_701] {strides = array<i32>} : memref<128xf32, #tpu.memory_space<vmem>>, vector<16xf32>,
      %get3A_703 = vector.shape_cast %get3A_702 : vector<16xf32> to vector<16xf32>
      %swap3A_704 = arith.constant 16 : index
      %swap3A_705 = tpu.vector_load %arg27[%swap3A_704] {strides = array<i32>} : memref<128xf32, #tpu.memory_space<vmem>>, vector<16xf32>,
      %swap3A_706 = vector.shape_cast %swap3A_705 : vector<16xf32> to vector<16xf32>
      %swap3A_707 = vector.shape_cast %get3A_703 : vector<16xf32> to vector<16xf32>
      tpu.vector_store %arg27[%swap3A_704], %swap3A_707 {strides = array<i32>} : memref<128xf32, #tpu.memory_space<vmem>>, vector<16xf32>,
      %get3A_708 = arith.constant 32 : index
      %get3A_709 = tpu.vector_load %arg20[%get3A_708] {strides = array<i32>} : memref<128xi32, #tpu.memory_space<vmem>>, vector<16xi32>,
      %get3A_710 = vector.shape_cast %get3A_709 : vector<16xi32> to vector<16xi32>
      %get3A_711 = arith.constant 32 : index
      %get3A_712 = tpu.vector_load %arg21[%get3A_711] {strides = array<i32>} : memref<128xi32, #tpu.memory_space<vmem>>, vector<16xi32>,
      %get3A_713 = vector.shape_cast %get3A_712 : vector<16xi32> to vector<16xi32>
      %add3A_714 = vector.broadcast %mul3A_0 : i32 to vector<16xi32>
      %add3A_715 = arith.addi %get3A_710, %add3A_714 : vector<16xi32>
      %swap3A_716 = arith.constant 32 : index
      %swap3A_717 = tpu.vector_load %arg23[%swap3A_716] {strides = array<i32>} : memref<128xi32, #tpu.memory_space<vmem>>, vector<16xi32>,
      %swap3A_718 = vector.shape_cast %swap3A_717 : vector<16xi32> to vector<16xi32>
      %swap3A_719 = vector.shape_cast %add3A_715 : vector<16xi32> to vector<16xi32>
      tpu.vector_store %arg23[%swap3A_716], %swap3A_719 {strides = array<i32>} : memref<128xi32, #tpu.memory_space<vmem>>, vector<16xi32>,
      %add3A_720 = vector.broadcast %mul3A_0 : i32 to vector<16xi32>
      %add3A_721 = arith.addi %get3A_713, %add3A_720 : vector<16xi32>
      %swap3A_722 = arith.constant 32 : index
      %swap3A_723 = tpu.vector_load %arg24[%swap3A_722] {strides = array<i32>} : memref<128xi32, #tpu.memory_space<vmem>>, vector<16xi32>,
      %swap3A_724 = vector.shape_cast %swap3A_723 : vector<16xi32> to vector<16xi32>
      %swap3A_725 = vector.shape_cast %add3A_721 : vector<16xi32> to vector<16xi32>
      tpu.vector_store %arg24[%swap3A_722], %swap3A_725 {strides = array<i32>} : memref<128xi32, #tpu.memory_space<vmem>>, vector<16xi32>,
      %swap3A_726 = arith.constant 32 : index
      %swap3A_727 = tpu.vector_load %arg25[%swap3A_726] {strides = array<i32>} : memref<128xi32, #tpu.memory_space<vmem>>, vector<16xi32>,
      %swap3A_728 = vector.shape_cast %swap3A_727 : vector<16xi32> to vector<16xi32>
      %swap3A_729 = vector.shape_cast %get3A_710 : vector<16xi32> to vector<16xi32>
      tpu.vector_store %arg25[%swap3A_726], %swap3A_729 {strides = array<i32>} : memref<128xi32, #tpu.memory_space<vmem>>, vector<16xi32>,
      %swap3A_730 = arith.constant 32 : index
      %swap3A_731 = tpu.vector_load %arg26[%swap3A_730] {strides = array<i32>} : memref<128xi32, #tpu.memory_space<vmem>>, vector<16xi32>,
      %swap3A_732 = vector.shape_cast %swap3A_731 : vector<16xi32> to vector<16xi32>
      %swap3A_733 = vector.shape_cast %get3A_713 : vector<16xi32> to vector<16xi32>
      tpu.vector_store %arg26[%swap3A_730], %swap3A_733 {strides = array<i32>} : memref<128xi32, #tpu.memory_space<vmem>>, vector<16xi32>,
      %get3A_734 = arith.constant 32 : index
      %get3A_735 = tpu.vector_load %arg22[%get3A_734] {strides = array<i32>} : memref<128xf32, #tpu.memory_space<vmem>>, vector<16xf32>,
      %get3A_736 = vector.shape_cast %get3A_735 : vector<16xf32> to vector<16xf32>
      %swap3A_737 = arith.constant 32 : index
      %swap3A_738 = tpu.vector_load %arg27[%swap3A_737] {strides = array<i32>} : memref<128xf32, #tpu.memory_space<vmem>>, vector<16xf32>,
      %swap3A_739 = vector.shape_cast %swap3A_738 : vector<16xf32> to vector<16xf32>
      %swap3A_740 = vector.shape_cast %get3A_736 : vector<16xf32> to vector<16xf32>
      tpu.vector_store %arg27[%swap3A_737], %swap3A_740 {strides = array<i32>} : memref<128xf32, #tpu.memory_space<vmem>>, vector<16xf32>,
      %get3A_741 = arith.constant 48 : index
      %get3A_742 = tpu.vector_load %arg20[%get3A_741] {strides = array<i32>} : memref<128xi32, #tpu.memory_space<vmem>>, vector<16xi32>,
      %get3A_743 = vector.shape_cast %get3A_742 : vector<16xi32> to vector<16xi32>
      %get3A_744 = arith.constant 48 : index
      %get3A_745 = tpu.vector_load %arg21[%get3A_744] {strides = array<i32>} : memref<128xi32, #tpu.memory_space<vmem>>, vector<16xi32>,
      %get3A_746 = vector.shape_cast %get3A_745 : vector<16xi32> to vector<16xi32>
      %add3A_747 = vector.broadcast %mul3A_0 : i32 to vector<16xi32>
      %add3A_748 = arith.addi %get3A_743, %add3A_747 : vector<16xi32>
      %swap3A_749 = arith.constant 48 : index
      %swap3A_750 = tpu.vector_load %arg23[%swap3A_749] {strides = array<i32>} : memref<128xi32, #tpu.memory_space<vmem>>, vector<16xi32>,
      %swap3A_751 = vector.shape_cast %swap3A_750 : vector<16xi32> to vector<16xi32>
      %swap3A_752 = vector.shape_cast %add3A_748 : vector<16xi32> to vector<16xi32>
      tpu.vector_store %arg23[%swap3A_749], %swap3A_752 {strides = array<i32>} : memref<128xi32, #tpu.memory_space<vmem>>, vector<16xi32>,
      %add3A_753 = vector.broadcast %mul3A_0 : i32 to vector<16xi32>
      %add3A_754 = arith.addi %get3A_746, %add3A_753 : vector<16xi32>
      %swap3A_755 = arith.constant 48 : index
      %swap3A_756 = tpu.vector_load %arg24[%swap3A_755] {strides = array<i32>} : memref<128xi32, #tpu.memory_space<vmem>>, vector<16xi32>,
      %swap3A_757 = vector.shape_cast %swap3A_756 : vector<16xi32> to vector<16xi32>
      %swap3A_758 = vector.shape_cast %add3A_754 : vector<16xi32> to vector<16xi32>
      tpu.vector_store %arg24[%swap3A_755], %swap3A_758 {strides = array<i32>} : memref<128xi32, #tpu.memory_space<vmem>>, vector<16xi32>,
      %swap3A_759 = arith.constant 48 : index
      %swap3A_760 = tpu.vector_load %arg25[%swap3A_759] {strides = array<i32>} : memref<128xi32, #tpu.memory_space<vmem>>, vector<16xi32>,
      %swap3A_761 = vector.shape_cast %swap3A_760 : vector<16xi32> to vector<16xi32>
      %swap3A_762 = vector.shape_cast %get3A_743 : vector<16xi32> to vector<16xi32>
      tpu.vector_store %arg25[%swap3A_759], %swap3A_762 {strides = array<i32>} : memref<128xi32, #tpu.memory_space<vmem>>, vector<16xi32>,
      %swap3A_763 = arith.constant 48 : index
      %swap3A_764 = tpu.vector_load %arg26[%swap3A_763] {strides = array<i32>} : memref<128xi32, #tpu.memory_space<vmem>>, vector<16xi32>,
      %swap3A_765 = vector.shape_cast %swap3A_764 : vector<16xi32> to vector<16xi32>
      %swap3A_766 = vector.shape_cast %get3A_746 : vector<16xi32> to vector<16xi32>
      tpu.vector_store %arg26[%swap3A_763], %swap3A_766 {strides = array<i32>} : memref<128xi32, #tpu.memory_space<vmem>>, vector<16xi32>,
      %get3A_767 = arith.constant 48 : index
      %get3A_768 = tpu.vector_load %arg22[%get3A_767] {strides = array<i32>} : memref<128xf32, #tpu.memory_space<vmem>>, vector<16xf32>,
      %get3A_769 = vector.shape_cast %get3A_768 : vector<16xf32> to vector<16xf32>
      %swap3A_770 = arith.constant 48 : index
      %swap3A_771 = tpu.vector_load %arg27[%swap3A_770] {strides = array<i32>} : memref<128xf32, #tpu.memory_space<vmem>>, vector<16xf32>,
      %swap3A_772 = vector.shape_cast %swap3A_771 : vector<16xf32> to vector<16xf32>
      %swap3A_773 = vector.shape_cast %get3A_769 : vector<16xf32> to vector<16xf32>
      tpu.vector_store %arg27[%swap3A_770], %swap3A_773 {strides = array<i32>} : memref<128xf32, #tpu.memory_space<vmem>>, vector<16xf32>,
      %get3A_774 = arith.constant 64 : index
      %get3A_775 = tpu.vector_load %arg20[%get3A_774] {strides = array<i32>} : memref<128xi32, #tpu.memory_space<vmem>>, vector<16xi32>,
      %get3A_776 = vector.shape_cast %get3A_775 : vector<16xi32> to vector<16xi32>
      %get3A_777 = arith.constant 64 : index
      %get3A_778 = tpu.vector_load %arg21[%get3A_777] {strides = array<i32>} : memref<128xi32, #tpu.memory_space<vmem>>, vector<16xi32>,
      %get3A_779 = vector.shape_cast %get3A_778 : vector<16xi32> to vector<16xi32>
      %add3A_780 = vector.broadcast %mul3A_0 : i32 to vector<16xi32>
      %add3A_781 = arith.addi %get3A_776, %add3A_780 : vector<16xi32>
      %swap3A_782 = arith.constant 64 : index
      %swap3A_783 = tpu.vector_load %arg23[%swap3A_782] {strides = array<i32>} : memref<128xi32, #tpu.memory_space<vmem>>, vector<16xi32>,
      %swap3A_784 = vector.shape_cast %swap3A_783 : vector<16xi32> to vector<16xi32>
      %swap3A_785 = vector.shape_cast %add3A_781 : vector<16xi32> to vector<16xi32>
      tpu.vector_store %arg23[%swap3A_782], %swap3A_785 {strides = array<i32>} : memref<128xi32, #tpu.memory_space<vmem>>, vector<16xi32>,
      %add3A_786 = vector.broadcast %mul3A_0 : i32 to vector<16xi32>
      %add3A_787 = arith.addi %get3A_779, %add3A_786 : vector<16xi32>
      %swap3A_788 = arith.constant 64 : index
      %swap3A_789 = tpu.vector_load %arg24[%swap3A_788] {strides = array<i32>} : memref<128xi32, #tpu.memory_space<vmem>>, vector<16xi32>,
      %swap3A_790 = vector.shape_cast %swap3A_789 : vector<16xi32> to vector<16xi32>
      %swap3A_791 = vector.shape_cast %add3A_787 : vector<16xi32> to vector<16xi32>
      tpu.vector_store %arg24[%swap3A_788], %swap3A_791 {strides = array<i32>} : memref<128xi32, #tpu.memory_space<vmem>>, vector<16xi32>,
      %swap3A_792 = arith.constant 64 : index
      %swap3A_793 = tpu.vector_load %arg25[%swap3A_792] {strides = array<i32>} : memref<128xi32, #tpu.memory_space<vmem>>, vector<16xi32>,
      %swap3A_794 = vector.shape_cast %swap3A_793 : vector<16xi32> to vector<16xi32>
      %swap3A_795 = vector.shape_cast %get3A_776 : vector<16xi32> to vector<16xi32>
      tpu.vector_store %arg25[%swap3A_792], %swap3A_795 {strides = array<i32>} : memref<128xi32, #tpu.memory_space<vmem>>, vector<16xi32>,
      %swap3A_796 = arith.constant 64 : index
      %swap3A_797 = tpu.vector_load %arg26[%swap3A_796] {strides = array<i32>} : memref<128xi32, #tpu.memory_space<vmem>>, vector<16xi32>,
      %swap3A_798 = vector.shape_cast %swap3A_797 : vector<16xi32> to vector<16xi32>
      %swap3A_799 = vector.shape_cast %get3A_779 : vector<16xi32> to vector<16xi32>
      tpu.vector_store %arg26[%swap3A_796], %swap3A_799 {strides = array<i32>} : memref<128xi32, #tpu.memory_space<vmem>>, vector<16xi32>,
      %get3A_800 = arith.constant 64 : index
      %get3A_801 = tpu.vector_load %arg22[%get3A_800] {strides = array<i32>} : memref<128xf32, #tpu.memory_space<vmem>>, vector<16xf32>,
      %get3A_802 = vector.shape_cast %get3A_801 : vector<16xf32> to vector<16xf32>
      %swap3A_803 = arith.constant 64 : index
      %swap3A_804 = tpu.vector_load %arg27[%swap3A_803] {strides = array<i32>} : memref<128xf32, #tpu.memory_space<vmem>>, vector<16xf32>,
      %swap3A_805 = vector.shape_cast %swap3A_804 : vector<16xf32> to vector<16xf32>
      %swap3A_806 = vector.shape_cast %get3A_802 : vector<16xf32> to vector<16xf32>
      tpu.vector_store %arg27[%swap3A_803], %swap3A_806 {strides = array<i32>} : memref<128xf32, #tpu.memory_space<vmem>>, vector<16xf32>,
      %get3A_807 = arith.constant 80 : index
      %get3A_808 = tpu.vector_load %arg20[%get3A_807] {strides = array<i32>} : memref<128xi32, #tpu.memory_space<vmem>>, vector<16xi32>,
      %get3A_809 = vector.shape_cast %get3A_808 : vector<16xi32> to vector<16xi32>
      %get3A_810 = arith.constant 80 : index
      %get3A_811 = tpu.vector_load %arg21[%get3A_810] {strides = array<i32>} : memref<128xi32, #tpu.memory_space<vmem>>, vector<16xi32>,
      %get3A_812 = vector.shape_cast %get3A_811 : vector<16xi32> to vector<16xi32>
      %add3A_813 = vector.broadcast %mul3A_0 : i32 to vector<16xi32>
      %add3A_814 = arith.addi %get3A_809, %add3A_813 : vector<16xi32>
      %swap3A_815 = arith.constant 80 : index
      %swap3A_816 = tpu.vector_load %arg23[%swap3A_815] {strides = array<i32>} : memref<128xi32, #tpu.memory_space<vmem>>, vector<16xi32>,
      %swap3A_817 = vector.shape_cast %swap3A_816 : vector<16xi32> to vector<16xi32>
      %swap3A_818 = vector.shape_cast %add3A_814 : vector<16xi32> to vector<16xi32>
      tpu.vector_store %arg23[%swap3A_815], %swap3A_818 {strides = array<i32>} : memref<128xi32, #tpu.memory_space<vmem>>, vector<16xi32>,
      %add3A_819 = vector.broadcast %mul3A_0 : i32 to vector<16xi32>
      %add3A_820 = arith.addi %get3A_812, %add3A_819 : vector<16xi32>
      %swap3A_821 = arith.constant 80 : index
      %swap3A_822 = tpu.vector_load %arg24[%swap3A_821] {strides = array<i32>} : memref<128xi32, #tpu.memory_space<vmem>>, vector<16xi32>,
      %swap3A_823 = vector.shape_cast %swap3A_822 : vector<16xi32> to vector<16xi32>
      %swap3A_824 = vector.shape_cast %add3A_820 : vector<16xi32> to vector<16xi32>
      tpu.vector_store %arg24[%swap3A_821], %swap3A_824 {strides = array<i32>} : memref<128xi32, #tpu.memory_space<vmem>>, vector<16xi32>,
      %swap3A_825 = arith.constant 80 : index
      %swap3A_826 = tpu.vector_load %arg25[%swap3A_825] {strides = array<i32>} : memref<128xi32, #tpu.memory_space<vmem>>, vector<16xi32>,
      %swap3A_827 = vector.shape_cast %swap3A_826 : vector<16xi32> to vector<16xi32>
      %swap3A_828 = vector.shape_cast %get3A_809 : vector<16xi32> to vector<16xi32>
      tpu.vector_store %arg25[%swap3A_825], %swap3A_828 {strides = array<i32>} : memref<128xi32, #tpu.memory_space<vmem>>, vector<16xi32>,
      %swap3A_829 = arith.constant 80 : index
      %swap3A_830 = tpu.vector_load %arg26[%swap3A_829] {strides = array<i32>} : memref<128xi32, #tpu.memory_space<vmem>>, vector<16xi32>,
      %swap3A_831 = vector.shape_cast %swap3A_830 : vector<16xi32> to vector<16xi32>
      %swap3A_832 = vector.shape_cast %get3A_812 : vector<16xi32> to vector<16xi32>
      tpu.vector_store %arg26[%swap3A_829], %swap3A_832 {strides = array<i32>} : memref<128xi32, #tpu.memory_space<vmem>>, vector<16xi32>,
      %get3A_833 = arith.constant 80 : index
      %get3A_834 = tpu.vector_load %arg22[%get3A_833] {strides = array<i32>} : memref<128xf32, #tpu.memory_space<vmem>>, vector<16xf32>,
      %get3A_835 = vector.shape_cast %get3A_834 : vector<16xf32> to vector<16xf32>
      %swap3A_836 = arith.constant 80 : index
      %swap3A_837 = tpu.vector_load %arg27[%swap3A_836] {strides = array<i32>} : memref<128xf32, #tpu.memory_space<vmem>>, vector<16xf32>,
      %swap3A_838 = vector.shape_cast %swap3A_837 : vector<16xf32> to vector<16xf32>
      %swap3A_839 = vector.shape_cast %get3A_835 : vector<16xf32> to vector<16xf32>
      tpu.vector_store %arg27[%swap3A_836], %swap3A_839 {strides = array<i32>} : memref<128xf32, #tpu.memory_space<vmem>>, vector<16xf32>,
      %get3A_840 = arith.constant 96 : index
      %get3A_841 = tpu.vector_load %arg20[%get3A_840] {strides = array<i32>} : memref<128xi32, #tpu.memory_space<vmem>>, vector<16xi32>,
      %get3A_842 = vector.shape_cast %get3A_841 : vector<16xi32> to vector<16xi32>
      %get3A_843 = arith.constant 96 : index
      %get3A_844 = tpu.vector_load %arg21[%get3A_843] {strides = array<i32>} : memref<128xi32, #tpu.memory_space<vmem>>, vector<16xi32>,
      %get3A_845 = vector.shape_cast %get3A_844 : vector<16xi32> to vector<16xi32>
      %add3A_846 = vector.broadcast %mul3A_0 : i32 to vector<16xi32>
      %add3A_847 = arith.addi %get3A_842, %add3A_846 : vector<16xi32>
      %swap3A_848 = arith.constant 96 : index
      %swap3A_849 = tpu.vector_load %arg23[%swap3A_848] {strides = array<i32>} : memref<128xi32, #tpu.memory_space<vmem>>, vector<16xi32>,
      %swap3A_850 = vector.shape_cast %swap3A_849 : vector<16xi32> to vector<16xi32>
      %swap3A_851 = vector.shape_cast %add3A_847 : vector<16xi32> to vector<16xi32>
      tpu.vector_store %arg23[%swap3A_848], %swap3A_851 {strides = array<i32>} : memref<128xi32, #tpu.memory_space<vmem>>, vector<16xi32>,
      %add3A_852 = vector.broadcast %mul3A_0 : i32 to vector<16xi32>
      %add3A_853 = arith.addi %get3A_845, %add3A_852 : vector<16xi32>
      %swap3A_854 = arith.constant 96 : index
      %swap3A_855 = tpu.vector_load %arg24[%swap3A_854] {strides = array<i32>} : memref<128xi32, #tpu.memory_space<vmem>>, vector<16xi32>,
      %swap3A_856 = vector.shape_cast %swap3A_855 : vector<16xi32> to vector<16xi32>
      %swap3A_857 = vector.shape_cast %add3A_853 : vector<16xi32> to vector<16xi32>
      tpu.vector_store %arg24[%swap3A_854], %swap3A_857 {strides = array<i32>} : memref<128xi32, #tpu.memory_space<vmem>>, vector<16xi32>,
      %swap3A_858 = arith.constant 96 : index
      %swap3A_859 = tpu.vector_load %arg25[%swap3A_858] {strides = array<i32>} : memref<128xi32, #tpu.memory_space<vmem>>, vector<16xi32>,
      %swap3A_860 = vector.shape_cast %swap3A_859 : vector<16xi32> to vector<16xi32>
      %swap3A_861 = vector.shape_cast %get3A_842 : vector<16xi32> to vector<16xi32>
      tpu.vector_store %arg25[%swap3A_858], %swap3A_861 {strides = array<i32>} : memref<128xi32, #tpu.memory_space<vmem>>, vector<16xi32>,
      %swap3A_862 = arith.constant 96 : index
      %swap3A_863 = tpu.vector_load %arg26[%swap3A_862] {strides = array<i32>} : memref<128xi32, #tpu.memory_space<vmem>>, vector<16xi32>,
      %swap3A_864 = vector.shape_cast %swap3A_863 : vector<16xi32> to vector<16xi32>
      %swap3A_865 = vector.shape_cast %get3A_845 : vector<16xi32> to vector<16xi32>
      tpu.vector_store %arg26[%swap3A_862], %swap3A_865 {strides = array<i32>} : memref<128xi32, #tpu.memory_space<vmem>>, vector<16xi32>,
      %get3A_866 = arith.constant 96 : index
      %get3A_867 = tpu.vector_load %arg22[%get3A_866] {strides = array<i32>} : memref<128xf32, #tpu.memory_space<vmem>>, vector<16xf32>,
      %get3A_868 = vector.shape_cast %get3A_867 : vector<16xf32> to vector<16xf32>
      %swap3A_869 = arith.constant 96 : index
      %swap3A_870 = tpu.vector_load %arg27[%swap3A_869] {strides = array<i32>} : memref<128xf32, #tpu.memory_space<vmem>>, vector<16xf32>,
      %swap3A_871 = vector.shape_cast %swap3A_870 : vector<16xf32> to vector<16xf32>
      %swap3A_872 = vector.shape_cast %get3A_868 : vector<16xf32> to vector<16xf32>
      tpu.vector_store %arg27[%swap3A_869], %swap3A_872 {strides = array<i32>} : memref<128xf32, #tpu.memory_space<vmem>>, vector<16xf32>,
      %get3A_873 = arith.constant 112 : index
      %get3A_874 = tpu.vector_load %arg20[%get3A_873] {strides = array<i32>} : memref<128xi32, #tpu.memory_space<vmem>>, vector<16xi32>,
      %get3A_875 = vector.shape_cast %get3A_874 : vector<16xi32> to vector<16xi32>
      %get3A_876 = arith.constant 112 : index
      %get3A_877 = tpu.vector_load %arg21[%get3A_876] {strides = array<i32>} : memref<128xi32, #tpu.memory_space<vmem>>, vector<16xi32>,
      %get3A_878 = vector.shape_cast %get3A_877 : vector<16xi32> to vector<16xi32>
      %add3A_879 = vector.broadcast %mul3A_0 : i32 to vector<16xi32>
      %add3A_880 = arith.addi %get3A_875, %add3A_879 : vector<16xi32>
      %swap3A_881 = arith.constant 112 : index
      %swap3A_882 = tpu.vector_load %arg23[%swap3A_881] {strides = array<i32>} : memref<128xi32, #tpu.memory_space<vmem>>, vector<16xi32>,
      %swap3A_883 = vector.shape_cast %swap3A_882 : vector<16xi32> to vector<16xi32>
      %swap3A_884 = vector.shape_cast %add3A_880 : vector<16xi32> to vector<16xi32>
      tpu.vector_store %arg23[%swap3A_881], %swap3A_884 {strides = array<i32>} : memref<128xi32, #tpu.memory_space<vmem>>, vector<16xi32>,
      %add3A_885 = vector.broadcast %mul3A_0 : i32 to vector<16xi32>
      %add3A_886 = arith.addi %get3A_878, %add3A_885 : vector<16xi32>
      %swap3A_887 = arith.constant 112 : index
      %swap3A_888 = tpu.vector_load %arg24[%swap3A_887] {strides = array<i32>} : memref<128xi32, #tpu.memory_space<vmem>>, vector<16xi32>,
      %swap3A_889 = vector.shape_cast %swap3A_888 : vector<16xi32> to vector<16xi32>
      %swap3A_890 = vector.shape_cast %add3A_886 : vector<16xi32> to vector<16xi32>
      tpu.vector_store %arg24[%swap3A_887], %swap3A_890 {strides = array<i32>} : memref<128xi32, #tpu.memory_space<vmem>>, vector<16xi32>,
      %swap3A_891 = arith.constant 112 : index
      %swap3A_892 = tpu.vector_load %arg25[%swap3A_891] {strides = array<i32>} : memref<128xi32, #tpu.memory_space<vmem>>, vector<16xi32>,
      %swap3A_893 = vector.shape_cast %swap3A_892 : vector<16xi32> to vector<16xi32>
      %swap3A_894 = vector.shape_cast %get3A_875 : vector<16xi32> to vector<16xi32>
      tpu.vector_store %arg25[%swap3A_891], %swap3A_894 {strides = array<i32>} : memref<128xi32, #tpu.memory_space<vmem>>, vector<16xi32>,
      %swap3A_895 = arith.constant 112 : index
      %swap3A_896 = tpu.vector_load %arg26[%swap3A_895] {strides = array<i32>} : memref<128xi32, #tpu.memory_space<vmem>>, vector<16xi32>,
      %swap3A_897 = vector.shape_cast %swap3A_896 : vector<16xi32> to vector<16xi32>
      %swap3A_898 = vector.shape_cast %get3A_878 : vector<16xi32> to vector<16xi32>
      tpu.vector_store %arg26[%swap3A_895], %swap3A_898 {strides = array<i32>} : memref<128xi32, #tpu.memory_space<vmem>>, vector<16xi32>,
      %get3A_899 = arith.constant 112 : index
      %get3A_900 = tpu.vector_load %arg22[%get3A_899] {strides = array<i32>} : memref<128xf32, #tpu.memory_space<vmem>>, vector<16xf32>,
      %get3A_901 = vector.shape_cast %get3A_900 : vector<16xf32> to vector<16xf32>
      %swap3A_902 = arith.constant 112 : index
      %swap3A_903 = tpu.vector_load %arg27[%swap3A_902] {strides = array<i32>} : memref<128xf32, #tpu.memory_space<vmem>>, vector<16xf32>,
      %swap3A_904 = vector.shape_cast %swap3A_903 : vector<16xf32> to vector<16xf32>
      %swap3A_905 = vector.shape_cast %get3A_901 : vector<16xf32> to vector<16xf32>
      tpu.vector_store %arg27[%swap3A_902], %swap3A_905 {strides = array<i32>} : memref<128xf32, #tpu.memory_space<vmem>>, vector<16xf32>,
      %dma_start3A_906 = arith.constant 0 : i32
      %dma_start3A_907 = arith.constant 0 : i32
      %dma_start3A_908 = tpu.memref_slice %arg5[%dma_start3A_906, %dma_start3A_907] : memref<200192x16xf32, #tpu.memory_space<hbm>> -> memref<200192x16xf32, #tpu.memory_space<hbm>>
      tpu.enqueue_indirect_dma source(%dma_start3A_908 : memref<200192x16xf32, #tpu.memory_space<hbm>>) target(%arg28 : memref<128x16xf32, #tpu.memory_space<vmem>>) offsets(%arg23 : memref<128xi32, #tpu.memory_space<vmem>>) semaphore(%arg36 : memref<!tpu.dma_semaphore, #tpu.memory_space<semaphore_mem>>)
      %dma_start3A_909 = arith.constant 0 : i32
      %dma_start3A_910 = arith.constant 0 : i32
      %dma_start3A_911 = tpu.memref_slice %arg5[%dma_start3A_909, %dma_start3A_910] : memref<200192x16xf32, #tpu.memory_space<hbm>> -> memref<200192x16xf32, #tpu.memory_space<hbm>>
      tpu.enqueue_indirect_dma source(%dma_start3A_911 : memref<200192x16xf32, #tpu.memory_space<hbm>>) target(%arg29 : memref<128x16xf32, #tpu.memory_space<vmem>>) offsets(%arg24 : memref<128xi32, #tpu.memory_space<vmem>>) semaphore(%arg36 : memref<!tpu.dma_semaphore, #tpu.memory_space<semaphore_mem>>)
      %le3A = arith.constant 388 : i32
      %le3A_912 = arith.cmpi sle, %scan3A_624, %le3A : i32
      %convert_element_type3A_913 = arith.extui %le3A_912 : i1 to i32
      %cond3A_914 = arith.constant 0 : i32
      %cond3A_915 = arith.cmpi ne, %convert_element_type3A_913, %cond3A_914 : i32
      scf.if %cond3A_915 {
        %mul3A_959 = arith.constant 2 : i32
        %mul3A_960 = arith.muli %mul3A_959, %scan3A_624 : i32
        %add3A_961 = arith.constant 2 : i32
        %add3A_962 = arith.addi %mul3A_960, %add3A_961 : i32
        %mul3A_963 = arith.constant 128 : i32
        %mul3A_964 = arith.muli %add3A_962, %mul3A_963 : i32
        %add3A_965 = arith.addi %mul3A_4, %mul3A_964 : i32
        %dma_start3A_966 = tpu.memref_slice %arg2[%add3A_965] : memref<1600000xi32, #tpu.memory_space<hbm>> -> memref<128xi32, #tpu.memory_space<hbm>>
        %dma_start3A_967 = tpu.memref_slice %arg2[%add3A_965] : memref<1600000xi32, #tpu.memory_space<hbm>> -> memref<128xi32, #tpu.memory_space<hbm>>
        tpu.enqueue_dma source(%dma_start3A_967 : memref<128xi32, #tpu.memory_space<hbm>>) target(%arg8 : memref<128xi32, #tpu.memory_space<vmem>>) target_semaphore(%arg33 : memref<!tpu.dma_semaphore, #tpu.memory_space<semaphore_mem>>)
        %dma_start3A_968 = tpu.memref_slice %arg3[%add3A_965] : memref<1600000xi32, #tpu.memory_space<hbm>> -> memref<128xi32, #tpu.memory_space<hbm>>
        %dma_start3A_969 = tpu.memref_slice %arg3[%add3A_965] : memref<1600000xi32, #tpu.memory_space<hbm>> -> memref<128xi32, #tpu.memory_space<hbm>>
        tpu.enqueue_dma source(%dma_start3A_969 : memref<128xi32, #tpu.memory_space<hbm>>) target(%arg9 : memref<128xi32, #tpu.memory_space<vmem>>) target_semaphore(%arg33 : memref<!tpu.dma_semaphore, #tpu.memory_space<semaphore_mem>>)
        %dma_start3A_970 = tpu.memref_slice %arg4[%add3A_965] : memref<1600000xf32, #tpu.memory_space<hbm>> -> memref<128xf32, #tpu.memory_space<hbm>>
        %dma_start3A_971 = tpu.memref_slice %arg4[%add3A_965] : memref<1600000xf32, #tpu.memory_space<hbm>> -> memref<128xf32, #tpu.memory_space<hbm>>
        tpu.enqueue_dma source(%dma_start3A_971 : memref<128xf32, #tpu.memory_space<hbm>>) target(%arg10 : memref<128xf32, #tpu.memory_space<vmem>>) target_semaphore(%arg33 : memref<!tpu.dma_semaphore, #tpu.memory_space<semaphore_mem>>)
      } else {
      }
      %dma_wait3A_916 = arith.constant 0 : i32
      %dma_wait3A_917 = arith.constant 0 : i32
      %dma_wait3A_918 = tpu.memref_slice %arg5[%dma_wait3A_916, %dma_wait3A_917] : memref<200192x16xf32, #tpu.memory_space<hbm>> -> memref<200192x16xf32, #tpu.memory_space<hbm>>
      tpu.wait_indirect_dma semaphore(%arg35 : memref<!tpu.dma_semaphore, #tpu.memory_space<semaphore_mem>>) src(%dma_wait3A_918 : memref<200192x16xf32, #tpu.memory_space<hbm>>) dst(%arg16 : memref<128x16xf32, #tpu.memory_space<vmem>>)
      %dma_wait3A_919 = arith.constant 0 : i32
      %dma_wait3A_920 = arith.constant 0 : i32
      %dma_wait3A_921 = tpu.memref_slice %arg5[%dma_wait3A_919, %dma_wait3A_920] : memref<200192x16xf32, #tpu.memory_space<hbm>> -> memref<200192x16xf32, #tpu.memory_space<hbm>>
      tpu.wait_indirect_dma semaphore(%arg35 : memref<!tpu.dma_semaphore, #tpu.memory_space<semaphore_mem>>) src(%dma_wait3A_921 : memref<200192x16xf32, #tpu.memory_space<hbm>>) dst(%arg17 : memref<128x16xf32, #tpu.memory_space<vmem>>)
      %scan3A_922 = arith.constant 0 : i32
      %scan3A_923 = arith.constant 0 : i32
      %scan3A_924 = arith.constant 8 : i32
      %scan3A_925 = arith.addi %scan3A_923, %scan3A_924 : i32
      %scan3A_926 = arith.constant 1 : i32
      %scan3A_927 = scf.for %scan3A_959 = %scan3A_923 to %scan3A_925 step %scan3A_926 iter_args(%scan3A_960 = %scan3A_922) -> (i32)  : i32 {
        %mul3A_961 = arith.constant 16 : i32
        %mul3A_962 = arith.muli %scan3A_959, %mul3A_961 : i32
        %get3A_963 = arith.index_cast %mul3A_962 : i32 to index
        %get3A_964 = tpu.vector_load %arg15[%get3A_963] {strides = array<i32>} : memref<128xf32, #tpu.memory_space<vmem>>, vector<16xf32>,
        %get3A_965 = vector.shape_cast %get3A_964 : vector<16xf32> to vector<16xf32>
        %add3A_966 = arith.constant 0 : i32
        %add3A_967 = arith.addi %mul3A_962, %add3A_966 : i32
        %get3A_968 = arith.index_cast %add3A_967 : i32 to index
        %get3A_969 = arith.constant 0 : index
        %get3A_970 = tpu.vector_load %arg16[%get3A_968, %get3A_969] {strides = array<i32>} : memref<128x16xf32, #tpu.memory_space<vmem>>, vector<1x16xf32>,
        %get3A_971 = vector.shape_cast %get3A_970 : vector<1x16xf32> to vector<16xf32>
        %get3A_972 = arith.index_cast %add3A_967 : i32 to index
        %get3A_973 = arith.constant 0 : index
        %get3A_974 = tpu.vector_load %arg17[%get3A_972, %get3A_973] {strides = array<i32>} : memref<128x16xf32, #tpu.memory_space<vmem>>, vector<1x16xf32>,
        %get3A_975 = vector.shape_cast %get3A_974 : vector<1x16xf32> to vector<16xf32>
        %sub3A = arith.subf %get3A_971, %get3A_975 : vector<16xf32>
        %slice3A = vector.extract_strided_slice %get3A_965 {offsets = [0], sizes = [1], strides = [1]} : vector<16xf32> to vector<1xf32>
        %squeeze3A = vector.extract %slice3A[0] : f32 from vector<1xf32>
        %mul3A_976 = vector.broadcast %squeeze3A : f32 to vector<16xf32>
        %mul3A_977 = arith.mulf %sub3A, %mul3A_976 : vector<16xf32>
        %swap3A_978 = arith.index_cast %add3A_967 : i32 to index
        %swap3A_979 = arith.constant 0 : index
        %swap3A_980 = tpu.vector_load %arg19[%swap3A_978, %swap3A_979] {strides = array<i32>} : memref<128x16xf32, #tpu.memory_space<vmem>>, vector<1x16xf32>,
        %swap3A_981 = vector.shape_cast %swap3A_980 : vector<1x16xf32> to vector<16xf32>
        %swap3A_982 = vector.shape_cast %mul3A_977 : vector<16xf32> to vector<1x16xf32>
        tpu.vector_store %arg19[%swap3A_978, %swap3A_979], %swap3A_982 {strides = array<i32>} : memref<128x16xf32, #tpu.memory_space<vmem>>, vector<1x16xf32>,
        %neg3A = arith.constant 0.000000e+00 : f32
        %neg3A_983 = vector.broadcast %neg3A : f32 to vector<16xf32>
        %neg3A_984 = arith.subf %neg3A_983, %mul3A_977 : vector<16xf32>
        %swap3A_985 = arith.index_cast %add3A_967 : i32 to index
        %swap3A_986 = arith.constant 0 : index
        %swap3A_987 = tpu.vector_load %arg18[%swap3A_985, %swap3A_986] {strides = array<i32>} : memref<128x16xf32, #tpu.memory_space<vmem>>, vector<1x16xf32>,
        %swap3A_988 = vector.shape_cast %swap3A_987 : vector<1x16xf32> to vector<16xf32>
        %swap3A_989 = vector.shape_cast %neg3A_984 : vector<16xf32> to vector<1x16xf32>
        tpu.vector_store %arg18[%swap3A_985, %swap3A_986], %swap3A_989 {strides = array<i32>} : memref<128x16xf32, #tpu.memory_space<vmem>>, vector<1x16xf32>,
        %add3A_990 = arith.constant 1 : i32
        %add3A_991 = arith.addi %mul3A_962, %add3A_990 : i32
        %get3A_992 = arith.index_cast %add3A_991 : i32 to index
        %get3A_993 = arith.constant 0 : index
        %get3A_994 = tpu.vector_load %arg16[%get3A_992, %get3A_993] {strides = array<i32>} : memref<128x16xf32, #tpu.memory_space<vmem>>, vector<1x16xf32>,
        %get3A_995 = vector.shape_cast %get3A_994 : vector<1x16xf32> to vector<16xf32>
        %get3A_996 = arith.index_cast %add3A_991 : i32 to index
        %get3A_997 = arith.constant 0 : index
        %get3A_998 = tpu.vector_load %arg17[%get3A_996, %get3A_997] {strides = array<i32>} : memref<128x16xf32, #tpu.memory_space<vmem>>, vector<1x16xf32>,
        %get3A_999 = vector.shape_cast %get3A_998 : vector<1x16xf32> to vector<16xf32>
        %sub3A_1000 = arith.subf %get3A_995, %get3A_999 : vector<16xf32>
        %slice3A_1001 = vector.extract_strided_slice %get3A_965 {offsets = [1], sizes = [1], strides = [1]} : vector<16xf32> to vector<1xf32>
        %squeeze3A_1002 = vector.extract %slice3A_1001[0] : f32 from vector<1xf32>
        %mul3A_1003 = vector.broadcast %squeeze3A_1002 : f32 to vector<16xf32>
        %mul3A_1004 = arith.mulf %sub3A_1000, %mul3A_1003 : vector<16xf32>
        %swap3A_1005 = arith.index_cast %add3A_991 : i32 to index
        %swap3A_1006 = arith.constant 0 : index
        %swap3A_1007 = tpu.vector_load %arg19[%swap3A_1005, %swap3A_1006] {strides = array<i32>} : memref<128x16xf32, #tpu.memory_space<vmem>>, vector<1x16xf32>,
        %swap3A_1008 = vector.shape_cast %swap3A_1007 : vector<1x16xf32> to vector<16xf32>
        %swap3A_1009 = vector.shape_cast %mul3A_1004 : vector<16xf32> to vector<1x16xf32>
        tpu.vector_store %arg19[%swap3A_1005, %swap3A_1006], %swap3A_1009 {strides = array<i32>} : memref<128x16xf32, #tpu.memory_space<vmem>>, vector<1x16xf32>,
        %neg3A_1010 = arith.constant 0.000000e+00 : f32
        %neg3A_1011 = vector.broadcast %neg3A_1010 : f32 to vector<16xf32>
        %neg3A_1012 = arith.subf %neg3A_1011, %mul3A_1004 : vector<16xf32>
        %swap3A_1013 = arith.index_cast %add3A_991 : i32 to index
        %swap3A_1014 = arith.constant 0 : index
        %swap3A_1015 = tpu.vector_load %arg18[%swap3A_1013, %swap3A_1014] {strides = array<i32>} : memref<128x16xf32, #tpu.memory_space<vmem>>, vector<1x16xf32>,
        %swap3A_1016 = vector.shape_cast %swap3A_1015 : vector<1x16xf32> to vector<16xf32>
        %swap3A_1017 = vector.shape_cast %neg3A_1012 : vector<16xf32> to vector<1x16xf32>
        tpu.vector_store %arg18[%swap3A_1013, %swap3A_1014], %swap3A_1017 {strides = array<i32>} : memref<128x16xf32, #tpu.memory_space<vmem>>, vector<1x16xf32>,
        %add3A_1018 = arith.constant 2 : i32
        %add3A_1019 = arith.addi %mul3A_962, %add3A_1018 : i32
        %get3A_1020 = arith.index_cast %add3A_1019 : i32 to index
        %get3A_1021 = arith.constant 0 : index
        %get3A_1022 = tpu.vector_load %arg16[%get3A_1020, %get3A_1021] {strides = array<i32>} : memref<128x16xf32, #tpu.memory_space<vmem>>, vector<1x16xf32>,
        %get3A_1023 = vector.shape_cast %get3A_1022 : vector<1x16xf32> to vector<16xf32>
        %get3A_1024 = arith.index_cast %add3A_1019 : i32 to index
        %get3A_1025 = arith.constant 0 : index
        %get3A_1026 = tpu.vector_load %arg17[%get3A_1024, %get3A_1025] {strides = array<i32>} : memref<128x16xf32, #tpu.memory_space<vmem>>, vector<1x16xf32>,
        %get3A_1027 = vector.shape_cast %get3A_1026 : vector<1x16xf32> to vector<16xf32>
        %sub3A_1028 = arith.subf %get3A_1023, %get3A_1027 : vector<16xf32>
        %slice3A_1029 = vector.extract_strided_slice %get3A_965 {offsets = [2], sizes = [1], strides = [1]} : vector<16xf32> to vector<1xf32>
        %squeeze3A_1030 = vector.extract %slice3A_1029[0] : f32 from vector<1xf32>
        %mul3A_1031 = vector.broadcast %squeeze3A_1030 : f32 to vector<16xf32>
        %mul3A_1032 = arith.mulf %sub3A_1028, %mul3A_1031 : vector<16xf32>
        %swap3A_1033 = arith.index_cast %add3A_1019 : i32 to index
        %swap3A_1034 = arith.constant 0 : index
        %swap3A_1035 = tpu.vector_load %arg19[%swap3A_1033, %swap3A_1034] {strides = array<i32>} : memref<128x16xf32, #tpu.memory_space<vmem>>, vector<1x16xf32>,
        %swap3A_1036 = vector.shape_cast %swap3A_1035 : vector<1x16xf32> to vector<16xf32>
        %swap3A_1037 = vector.shape_cast %mul3A_1032 : vector<16xf32> to vector<1x16xf32>
        tpu.vector_store %arg19[%swap3A_1033, %swap3A_1034], %swap3A_1037 {strides = array<i32>} : memref<128x16xf32, #tpu.memory_space<vmem>>, vector<1x16xf32>,
        %neg3A_1038 = arith.constant 0.000000e+00 : f32
        %neg3A_1039 = vector.broadcast %neg3A_1038 : f32 to vector<16xf32>
        %neg3A_1040 = arith.subf %neg3A_1039, %mul3A_1032 : vector<16xf32>
        %swap3A_1041 = arith.index_cast %add3A_1019 : i32 to index
        %swap3A_1042 = arith.constant 0 : index
        %swap3A_1043 = tpu.vector_load %arg18[%swap3A_1041, %swap3A_1042] {strides = array<i32>} : memref<128x16xf32, #tpu.memory_space<vmem>>, vector<1x16xf32>,
        %swap3A_1044 = vector.shape_cast %swap3A_1043 : vector<1x16xf32> to vector<16xf32>
        %swap3A_1045 = vector.shape_cast %neg3A_1040 : vector<16xf32> to vector<1x16xf32>
        tpu.vector_store %arg18[%swap3A_1041, %swap3A_1042], %swap3A_1045 {strides = array<i32>} : memref<128x16xf32, #tpu.memory_space<vmem>>, vector<1x16xf32>,
        %add3A_1046 = arith.constant 3 : i32
        %add3A_1047 = arith.addi %mul3A_962, %add3A_1046 : i32
        %get3A_1048 = arith.index_cast %add3A_1047 : i32 to index
        %get3A_1049 = arith.constant 0 : index
        %get3A_1050 = tpu.vector_load %arg16[%get3A_1048, %get3A_1049] {strides = array<i32>} : memref<128x16xf32, #tpu.memory_space<vmem>>, vector<1x16xf32>,
        %get3A_1051 = vector.shape_cast %get3A_1050 : vector<1x16xf32> to vector<16xf32>
        %get3A_1052 = arith.index_cast %add3A_1047 : i32 to index
        %get3A_1053 = arith.constant 0 : index
        %get3A_1054 = tpu.vector_load %arg17[%get3A_1052, %get3A_1053] {strides = array<i32>} : memref<128x16xf32, #tpu.memory_space<vmem>>, vector<1x16xf32>,
        %get3A_1055 = vector.shape_cast %get3A_1054 : vector<1x16xf32> to vector<16xf32>
        %sub3A_1056 = arith.subf %get3A_1051, %get3A_1055 : vector<16xf32>
        %slice3A_1057 = vector.extract_strided_slice %get3A_965 {offsets = [3], sizes = [1], strides = [1]} : vector<16xf32> to vector<1xf32>
        %squeeze3A_1058 = vector.extract %slice3A_1057[0] : f32 from vector<1xf32>
        %mul3A_1059 = vector.broadcast %squeeze3A_1058 : f32 to vector<16xf32>
        %mul3A_1060 = arith.mulf %sub3A_1056, %mul3A_1059 : vector<16xf32>
        %swap3A_1061 = arith.index_cast %add3A_1047 : i32 to index
        %swap3A_1062 = arith.constant 0 : index
        %swap3A_1063 = tpu.vector_load %arg19[%swap3A_1061, %swap3A_1062] {strides = array<i32>} : memref<128x16xf32, #tpu.memory_space<vmem>>, vector<1x16xf32>,
        %swap3A_1064 = vector.shape_cast %swap3A_1063 : vector<1x16xf32> to vector<16xf32>
        %swap3A_1065 = vector.shape_cast %mul3A_1060 : vector<16xf32> to vector<1x16xf32>
        tpu.vector_store %arg19[%swap3A_1061, %swap3A_1062], %swap3A_1065 {strides = array<i32>} : memref<128x16xf32, #tpu.memory_space<vmem>>, vector<1x16xf32>,
        %neg3A_1066 = arith.constant 0.000000e+00 : f32
        %neg3A_1067 = vector.broadcast %neg3A_1066 : f32 to vector<16xf32>
        %neg3A_1068 = arith.subf %neg3A_1067, %mul3A_1060 : vector<16xf32>
        %swap3A_1069 = arith.index_cast %add3A_1047 : i32 to index
        %swap3A_1070 = arith.constant 0 : index
        %swap3A_1071 = tpu.vector_load %arg18[%swap3A_1069, %swap3A_1070] {strides = array<i32>} : memref<128x16xf32, #tpu.memory_space<vmem>>, vector<1x16xf32>,
        %swap3A_1072 = vector.shape_cast %swap3A_1071 : vector<1x16xf32> to vector<16xf32>
        %swap3A_1073 = vector.shape_cast %neg3A_1068 : vector<16xf32> to vector<1x16xf32>
        tpu.vector_store %arg18[%swap3A_1069, %swap3A_1070], %swap3A_1073 {strides = array<i32>} : memref<128x16xf32, #tpu.memory_space<vmem>>, vector<1x16xf32>,
        %add3A_1074 = arith.constant 4 : i32
        %add3A_1075 = arith.addi %mul3A_962, %add3A_1074 : i32
        %get3A_1076 = arith.index_cast %add3A_1075 : i32 to index
        %get3A_1077 = arith.constant 0 : index
        %get3A_1078 = tpu.vector_load %arg16[%get3A_1076, %get3A_1077] {strides = array<i32>} : memref<128x16xf32, #tpu.memory_space<vmem>>, vector<1x16xf32>,
        %get3A_1079 = vector.shape_cast %get3A_1078 : vector<1x16xf32> to vector<16xf32>
        %get3A_1080 = arith.index_cast %add3A_1075 : i32 to index
        %get3A_1081 = arith.constant 0 : index
        %get3A_1082 = tpu.vector_load %arg17[%get3A_1080, %get3A_1081] {strides = array<i32>} : memref<128x16xf32, #tpu.memory_space<vmem>>, vector<1x16xf32>,
        %get3A_1083 = vector.shape_cast %get3A_1082 : vector<1x16xf32> to vector<16xf32>
        %sub3A_1084 = arith.subf %get3A_1079, %get3A_1083 : vector<16xf32>
        %slice3A_1085 = vector.extract_strided_slice %get3A_965 {offsets = [4], sizes = [1], strides = [1]} : vector<16xf32> to vector<1xf32>
        %squeeze3A_1086 = vector.extract %slice3A_1085[0] : f32 from vector<1xf32>
        %mul3A_1087 = vector.broadcast %squeeze3A_1086 : f32 to vector<16xf32>
        %mul3A_1088 = arith.mulf %sub3A_1084, %mul3A_1087 : vector<16xf32>
        %swap3A_1089 = arith.index_cast %add3A_1075 : i32 to index
        %swap3A_1090 = arith.constant 0 : index
        %swap3A_1091 = tpu.vector_load %arg19[%swap3A_1089, %swap3A_1090] {strides = array<i32>} : memref<128x16xf32, #tpu.memory_space<vmem>>, vector<1x16xf32>,
        %swap3A_1092 = vector.shape_cast %swap3A_1091 : vector<1x16xf32> to vector<16xf32>
        %swap3A_1093 = vector.shape_cast %mul3A_1088 : vector<16xf32> to vector<1x16xf32>
        tpu.vector_store %arg19[%swap3A_1089, %swap3A_1090], %swap3A_1093 {strides = array<i32>} : memref<128x16xf32, #tpu.memory_space<vmem>>, vector<1x16xf32>,
        %neg3A_1094 = arith.constant 0.000000e+00 : f32
        %neg3A_1095 = vector.broadcast %neg3A_1094 : f32 to vector<16xf32>
        %neg3A_1096 = arith.subf %neg3A_1095, %mul3A_1088 : vector<16xf32>
        %swap3A_1097 = arith.index_cast %add3A_1075 : i32 to index
        %swap3A_1098 = arith.constant 0 : index
        %swap3A_1099 = tpu.vector_load %arg18[%swap3A_1097, %swap3A_1098] {strides = array<i32>} : memref<128x16xf32, #tpu.memory_space<vmem>>, vector<1x16xf32>,
        %swap3A_1100 = vector.shape_cast %swap3A_1099 : vector<1x16xf32> to vector<16xf32>
        %swap3A_1101 = vector.shape_cast %neg3A_1096 : vector<16xf32> to vector<1x16xf32>
        tpu.vector_store %arg18[%swap3A_1097, %swap3A_1098], %swap3A_1101 {strides = array<i32>} : memref<128x16xf32, #tpu.memory_space<vmem>>, vector<1x16xf32>,
        %add3A_1102 = arith.constant 5 : i32
        %add3A_1103 = arith.addi %mul3A_962, %add3A_1102 : i32
        %get3A_1104 = arith.index_cast %add3A_1103 : i32 to index
        %get3A_1105 = arith.constant 0 : index
        %get3A_1106 = tpu.vector_load %arg16[%get3A_1104, %get3A_1105] {strides = array<i32>} : memref<128x16xf32, #tpu.memory_space<vmem>>, vector<1x16xf32>,
        %get3A_1107 = vector.shape_cast %get3A_1106 : vector<1x16xf32> to vector<16xf32>
        %get3A_1108 = arith.index_cast %add3A_1103 : i32 to index
        %get3A_1109 = arith.constant 0 : index
        %get3A_1110 = tpu.vector_load %arg17[%get3A_1108, %get3A_1109] {strides = array<i32>} : memref<128x16xf32, #tpu.memory_space<vmem>>, vector<1x16xf32>,
        %get3A_1111 = vector.shape_cast %get3A_1110 : vector<1x16xf32> to vector<16xf32>
        %sub3A_1112 = arith.subf %get3A_1107, %get3A_1111 : vector<16xf32>
        %slice3A_1113 = vector.extract_strided_slice %get3A_965 {offsets = [5], sizes = [1], strides = [1]} : vector<16xf32> to vector<1xf32>
        %squeeze3A_1114 = vector.extract %slice3A_1113[0] : f32 from vector<1xf32>
        %mul3A_1115 = vector.broadcast %squeeze3A_1114 : f32 to vector<16xf32>
        %mul3A_1116 = arith.mulf %sub3A_1112, %mul3A_1115 : vector<16xf32>
        %swap3A_1117 = arith.index_cast %add3A_1103 : i32 to index
        %swap3A_1118 = arith.constant 0 : index
        %swap3A_1119 = tpu.vector_load %arg19[%swap3A_1117, %swap3A_1118] {strides = array<i32>} : memref<128x16xf32, #tpu.memory_space<vmem>>, vector<1x16xf32>,
        %swap3A_1120 = vector.shape_cast %swap3A_1119 : vector<1x16xf32> to vector<16xf32>
        %swap3A_1121 = vector.shape_cast %mul3A_1116 : vector<16xf32> to vector<1x16xf32>
        tpu.vector_store %arg19[%swap3A_1117, %swap3A_1118], %swap3A_1121 {strides = array<i32>} : memref<128x16xf32, #tpu.memory_space<vmem>>, vector<1x16xf32>,
        %neg3A_1122 = arith.constant 0.000000e+00 : f32
        %neg3A_1123 = vector.broadcast %neg3A_1122 : f32 to vector<16xf32>
        %neg3A_1124 = arith.subf %neg3A_1123, %mul3A_1116 : vector<16xf32>
        %swap3A_1125 = arith.index_cast %add3A_1103 : i32 to index
        %swap3A_1126 = arith.constant 0 : index
        %swap3A_1127 = tpu.vector_load %arg18[%swap3A_1125, %swap3A_1126] {strides = array<i32>} : memref<128x16xf32, #tpu.memory_space<vmem>>, vector<1x16xf32>,
        %swap3A_1128 = vector.shape_cast %swap3A_1127 : vector<1x16xf32> to vector<16xf32>
        %swap3A_1129 = vector.shape_cast %neg3A_1124 : vector<16xf32> to vector<1x16xf32>
        tpu.vector_store %arg18[%swap3A_1125, %swap3A_1126], %swap3A_1129 {strides = array<i32>} : memref<128x16xf32, #tpu.memory_space<vmem>>, vector<1x16xf32>,
        %add3A_1130 = arith.constant 6 : i32
        %add3A_1131 = arith.addi %mul3A_962, %add3A_1130 : i32
        %get3A_1132 = arith.index_cast %add3A_1131 : i32 to index
        %get3A_1133 = arith.constant 0 : index
        %get3A_1134 = tpu.vector_load %arg16[%get3A_1132, %get3A_1133] {strides = array<i32>} : memref<128x16xf32, #tpu.memory_space<vmem>>, vector<1x16xf32>,
        %get3A_1135 = vector.shape_cast %get3A_1134 : vector<1x16xf32> to vector<16xf32>
        %get3A_1136 = arith.index_cast %add3A_1131 : i32 to index
        %get3A_1137 = arith.constant 0 : index
        %get3A_1138 = tpu.vector_load %arg17[%get3A_1136, %get3A_1137] {strides = array<i32>} : memref<128x16xf32, #tpu.memory_space<vmem>>, vector<1x16xf32>,
        %get3A_1139 = vector.shape_cast %get3A_1138 : vector<1x16xf32> to vector<16xf32>
        %sub3A_1140 = arith.subf %get3A_1135, %get3A_1139 : vector<16xf32>
        %slice3A_1141 = vector.extract_strided_slice %get3A_965 {offsets = [6], sizes = [1], strides = [1]} : vector<16xf32> to vector<1xf32>
        %squeeze3A_1142 = vector.extract %slice3A_1141[0] : f32 from vector<1xf32>
        %mul3A_1143 = vector.broadcast %squeeze3A_1142 : f32 to vector<16xf32>
        %mul3A_1144 = arith.mulf %sub3A_1140, %mul3A_1143 : vector<16xf32>
        %swap3A_1145 = arith.index_cast %add3A_1131 : i32 to index
        %swap3A_1146 = arith.constant 0 : index
        %swap3A_1147 = tpu.vector_load %arg19[%swap3A_1145, %swap3A_1146] {strides = array<i32>} : memref<128x16xf32, #tpu.memory_space<vmem>>, vector<1x16xf32>,
        %swap3A_1148 = vector.shape_cast %swap3A_1147 : vector<1x16xf32> to vector<16xf32>
        %swap3A_1149 = vector.shape_cast %mul3A_1144 : vector<16xf32> to vector<1x16xf32>
        tpu.vector_store %arg19[%swap3A_1145, %swap3A_1146], %swap3A_1149 {strides = array<i32>} : memref<128x16xf32, #tpu.memory_space<vmem>>, vector<1x16xf32>,
        %neg3A_1150 = arith.constant 0.000000e+00 : f32
        %neg3A_1151 = vector.broadcast %neg3A_1150 : f32 to vector<16xf32>
        %neg3A_1152 = arith.subf %neg3A_1151, %mul3A_1144 : vector<16xf32>
        %swap3A_1153 = arith.index_cast %add3A_1131 : i32 to index
        %swap3A_1154 = arith.constant 0 : index
        %swap3A_1155 = tpu.vector_load %arg18[%swap3A_1153, %swap3A_1154] {strides = array<i32>} : memref<128x16xf32, #tpu.memory_space<vmem>>, vector<1x16xf32>,
        %swap3A_1156 = vector.shape_cast %swap3A_1155 : vector<1x16xf32> to vector<16xf32>
        %swap3A_1157 = vector.shape_cast %neg3A_1152 : vector<16xf32> to vector<1x16xf32>
        tpu.vector_store %arg18[%swap3A_1153, %swap3A_1154], %swap3A_1157 {strides = array<i32>} : memref<128x16xf32, #tpu.memory_space<vmem>>, vector<1x16xf32>,
        %add3A_1158 = arith.constant 7 : i32
        %add3A_1159 = arith.addi %mul3A_962, %add3A_1158 : i32
        %get3A_1160 = arith.index_cast %add3A_1159 : i32 to index
        %get3A_1161 = arith.constant 0 : index
        %get3A_1162 = tpu.vector_load %arg16[%get3A_1160, %get3A_1161] {strides = array<i32>} : memref<128x16xf32, #tpu.memory_space<vmem>>, vector<1x16xf32>,
        %get3A_1163 = vector.shape_cast %get3A_1162 : vector<1x16xf32> to vector<16xf32>
        %get3A_1164 = arith.index_cast %add3A_1159 : i32 to index
        %get3A_1165 = arith.constant 0 : index
        %get3A_1166 = tpu.vector_load %arg17[%get3A_1164, %get3A_1165] {strides = array<i32>} : memref<128x16xf32, #tpu.memory_space<vmem>>, vector<1x16xf32>,
        %get3A_1167 = vector.shape_cast %get3A_1166 : vector<1x16xf32> to vector<16xf32>
        %sub3A_1168 = arith.subf %get3A_1163, %get3A_1167 : vector<16xf32>
        %slice3A_1169 = vector.extract_strided_slice %get3A_965 {offsets = [7], sizes = [1], strides = [1]} : vector<16xf32> to vector<1xf32>
        %squeeze3A_1170 = vector.extract %slice3A_1169[0] : f32 from vector<1xf32>
        %mul3A_1171 = vector.broadcast %squeeze3A_1170 : f32 to vector<16xf32>
        %mul3A_1172 = arith.mulf %sub3A_1168, %mul3A_1171 : vector<16xf32>
        %swap3A_1173 = arith.index_cast %add3A_1159 : i32 to index
        %swap3A_1174 = arith.constant 0 : index
        %swap3A_1175 = tpu.vector_load %arg19[%swap3A_1173, %swap3A_1174] {strides = array<i32>} : memref<128x16xf32, #tpu.memory_space<vmem>>, vector<1x16xf32>,
        %swap3A_1176 = vector.shape_cast %swap3A_1175 : vector<1x16xf32> to vector<16xf32>
        %swap3A_1177 = vector.shape_cast %mul3A_1172 : vector<16xf32> to vector<1x16xf32>
        tpu.vector_store %arg19[%swap3A_1173, %swap3A_1174], %swap3A_1177 {strides = array<i32>} : memref<128x16xf32, #tpu.memory_space<vmem>>, vector<1x16xf32>,
        %neg3A_1178 = arith.constant 0.000000e+00 : f32
        %neg3A_1179 = vector.broadcast %neg3A_1178 : f32 to vector<16xf32>
        %neg3A_1180 = arith.subf %neg3A_1179, %mul3A_1172 : vector<16xf32>
        %swap3A_1181 = arith.index_cast %add3A_1159 : i32 to index
        %swap3A_1182 = arith.constant 0 : index
        %swap3A_1183 = tpu.vector_load %arg18[%swap3A_1181, %swap3A_1182] {strides = array<i32>} : memref<128x16xf32, #tpu.memory_space<vmem>>, vector<1x16xf32>,
        %swap3A_1184 = vector.shape_cast %swap3A_1183 : vector<1x16xf32> to vector<16xf32>
        %swap3A_1185 = vector.shape_cast %neg3A_1180 : vector<16xf32> to vector<1x16xf32>
        tpu.vector_store %arg18[%swap3A_1181, %swap3A_1182], %swap3A_1185 {strides = array<i32>} : memref<128x16xf32, #tpu.memory_space<vmem>>, vector<1x16xf32>,
        %add3A_1186 = arith.constant 8 : i32
        %add3A_1187 = arith.addi %mul3A_962, %add3A_1186 : i32
        %get3A_1188 = arith.index_cast %add3A_1187 : i32 to index
        %get3A_1189 = arith.constant 0 : index
        %get3A_1190 = tpu.vector_load %arg16[%get3A_1188, %get3A_1189] {strides = array<i32>} : memref<128x16xf32, #tpu.memory_space<vmem>>, vector<1x16xf32>,
        %get3A_1191 = vector.shape_cast %get3A_1190 : vector<1x16xf32> to vector<16xf32>
        %get3A_1192 = arith.index_cast %add3A_1187 : i32 to index
        %get3A_1193 = arith.constant 0 : index
        %get3A_1194 = tpu.vector_load %arg17[%get3A_1192, %get3A_1193] {strides = array<i32>} : memref<128x16xf32, #tpu.memory_space<vmem>>, vector<1x16xf32>,
        %get3A_1195 = vector.shape_cast %get3A_1194 : vector<1x16xf32> to vector<16xf32>
        %sub3A_1196 = arith.subf %get3A_1191, %get3A_1195 : vector<16xf32>
        %slice3A_1197 = vector.extract_strided_slice %get3A_965 {offsets = [8], sizes = [1], strides = [1]} : vector<16xf32> to vector<1xf32>
        %squeeze3A_1198 = vector.extract %slice3A_1197[0] : f32 from vector<1xf32>
        %mul3A_1199 = vector.broadcast %squeeze3A_1198 : f32 to vector<16xf32>
        %mul3A_1200 = arith.mulf %sub3A_1196, %mul3A_1199 : vector<16xf32>
        %swap3A_1201 = arith.index_cast %add3A_1187 : i32 to index
        %swap3A_1202 = arith.constant 0 : index
        %swap3A_1203 = tpu.vector_load %arg19[%swap3A_1201, %swap3A_1202] {strides = array<i32>} : memref<128x16xf32, #tpu.memory_space<vmem>>, vector<1x16xf32>,
        %swap3A_1204 = vector.shape_cast %swap3A_1203 : vector<1x16xf32> to vector<16xf32>
        %swap3A_1205 = vector.shape_cast %mul3A_1200 : vector<16xf32> to vector<1x16xf32>
        tpu.vector_store %arg19[%swap3A_1201, %swap3A_1202], %swap3A_1205 {strides = array<i32>} : memref<128x16xf32, #tpu.memory_space<vmem>>, vector<1x16xf32>,
        %neg3A_1206 = arith.constant 0.000000e+00 : f32
        %neg3A_1207 = vector.broadcast %neg3A_1206 : f32 to vector<16xf32>
        %neg3A_1208 = arith.subf %neg3A_1207, %mul3A_1200 : vector<16xf32>
        %swap3A_1209 = arith.index_cast %add3A_1187 : i32 to index
        %swap3A_1210 = arith.constant 0 : index
        %swap3A_1211 = tpu.vector_load %arg18[%swap3A_1209, %swap3A_1210] {strides = array<i32>} : memref<128x16xf32, #tpu.memory_space<vmem>>, vector<1x16xf32>,
        %swap3A_1212 = vector.shape_cast %swap3A_1211 : vector<1x16xf32> to vector<16xf32>
        %swap3A_1213 = vector.shape_cast %neg3A_1208 : vector<16xf32> to vector<1x16xf32>
        tpu.vector_store %arg18[%swap3A_1209, %swap3A_1210], %swap3A_1213 {strides = array<i32>} : memref<128x16xf32, #tpu.memory_space<vmem>>, vector<1x16xf32>,
        %add3A_1214 = arith.constant 9 : i32
        %add3A_1215 = arith.addi %mul3A_962, %add3A_1214 : i32
        %get3A_1216 = arith.index_cast %add3A_1215 : i32 to index
        %get3A_1217 = arith.constant 0 : index
        %get3A_1218 = tpu.vector_load %arg16[%get3A_1216, %get3A_1217] {strides = array<i32>} : memref<128x16xf32, #tpu.memory_space<vmem>>, vector<1x16xf32>,
        %get3A_1219 = vector.shape_cast %get3A_1218 : vector<1x16xf32> to vector<16xf32>
        %get3A_1220 = arith.index_cast %add3A_1215 : i32 to index
        %get3A_1221 = arith.constant 0 : index
        %get3A_1222 = tpu.vector_load %arg17[%get3A_1220, %get3A_1221] {strides = array<i32>} : memref<128x16xf32, #tpu.memory_space<vmem>>, vector<1x16xf32>,
        %get3A_1223 = vector.shape_cast %get3A_1222 : vector<1x16xf32> to vector<16xf32>
        %sub3A_1224 = arith.subf %get3A_1219, %get3A_1223 : vector<16xf32>
        %slice3A_1225 = vector.extract_strided_slice %get3A_965 {offsets = [9], sizes = [1], strides = [1]} : vector<16xf32> to vector<1xf32>
        %squeeze3A_1226 = vector.extract %slice3A_1225[0] : f32 from vector<1xf32>
        %mul3A_1227 = vector.broadcast %squeeze3A_1226 : f32 to vector<16xf32>
        %mul3A_1228 = arith.mulf %sub3A_1224, %mul3A_1227 : vector<16xf32>
        %swap3A_1229 = arith.index_cast %add3A_1215 : i32 to index
        %swap3A_1230 = arith.constant 0 : index
        %swap3A_1231 = tpu.vector_load %arg19[%swap3A_1229, %swap3A_1230] {strides = array<i32>} : memref<128x16xf32, #tpu.memory_space<vmem>>, vector<1x16xf32>,
        %swap3A_1232 = vector.shape_cast %swap3A_1231 : vector<1x16xf32> to vector<16xf32>
        %swap3A_1233 = vector.shape_cast %mul3A_1228 : vector<16xf32> to vector<1x16xf32>
        tpu.vector_store %arg19[%swap3A_1229, %swap3A_1230], %swap3A_1233 {strides = array<i32>} : memref<128x16xf32, #tpu.memory_space<vmem>>, vector<1x16xf32>,
        %neg3A_1234 = arith.constant 0.000000e+00 : f32
        %neg3A_1235 = vector.broadcast %neg3A_1234 : f32 to vector<16xf32>
        %neg3A_1236 = arith.subf %neg3A_1235, %mul3A_1228 : vector<16xf32>
        %swap3A_1237 = arith.index_cast %add3A_1215 : i32 to index
        %swap3A_1238 = arith.constant 0 : index
        %swap3A_1239 = tpu.vector_load %arg18[%swap3A_1237, %swap3A_1238] {strides = array<i32>} : memref<128x16xf32, #tpu.memory_space<vmem>>, vector<1x16xf32>,
        %swap3A_1240 = vector.shape_cast %swap3A_1239 : vector<1x16xf32> to vector<16xf32>
        %swap3A_1241 = vector.shape_cast %neg3A_1236 : vector<16xf32> to vector<1x16xf32>
        tpu.vector_store %arg18[%swap3A_1237, %swap3A_1238], %swap3A_1241 {strides = array<i32>} : memref<128x16xf32, #tpu.memory_space<vmem>>, vector<1x16xf32>,
        %add3A_1242 = arith.constant 10 : i32
        %add3A_1243 = arith.addi %mul3A_962, %add3A_1242 : i32
        %get3A_1244 = arith.index_cast %add3A_1243 : i32 to index
        %get3A_1245 = arith.constant 0 : index
        %get3A_1246 = tpu.vector_load %arg16[%get3A_1244, %get3A_1245] {strides = array<i32>} : memref<128x16xf32, #tpu.memory_space<vmem>>, vector<1x16xf32>,
        %get3A_1247 = vector.shape_cast %get3A_1246 : vector<1x16xf32> to vector<16xf32>
        %get3A_1248 = arith.index_cast %add3A_1243 : i32 to index
        %get3A_1249 = arith.constant 0 : index
        %get3A_1250 = tpu.vector_load %arg17[%get3A_1248, %get3A_1249] {strides = array<i32>} : memref<128x16xf32, #tpu.memory_space<vmem>>, vector<1x16xf32>,
        %get3A_1251 = vector.shape_cast %get3A_1250 : vector<1x16xf32> to vector<16xf32>
        %sub3A_1252 = arith.subf %get3A_1247, %get3A_1251 : vector<16xf32>
        %slice3A_1253 = vector.extract_strided_slice %get3A_965 {offsets = [10], sizes = [1], strides = [1]} : vector<16xf32> to vector<1xf32>
        %squeeze3A_1254 = vector.extract %slice3A_1253[0] : f32 from vector<1xf32>
        %mul3A_1255 = vector.broadcast %squeeze3A_1254 : f32 to vector<16xf32>
        %mul3A_1256 = arith.mulf %sub3A_1252, %mul3A_1255 : vector<16xf32>
        %swap3A_1257 = arith.index_cast %add3A_1243 : i32 to index
        %swap3A_1258 = arith.constant 0 : index
        %swap3A_1259 = tpu.vector_load %arg19[%swap3A_1257, %swap3A_1258] {strides = array<i32>} : memref<128x16xf32, #tpu.memory_space<vmem>>, vector<1x16xf32>,
        %swap3A_1260 = vector.shape_cast %swap3A_1259 : vector<1x16xf32> to vector<16xf32>
        %swap3A_1261 = vector.shape_cast %mul3A_1256 : vector<16xf32> to vector<1x16xf32>
        tpu.vector_store %arg19[%swap3A_1257, %swap3A_1258], %swap3A_1261 {strides = array<i32>} : memref<128x16xf32, #tpu.memory_space<vmem>>, vector<1x16xf32>,
        %neg3A_1262 = arith.constant 0.000000e+00 : f32
        %neg3A_1263 = vector.broadcast %neg3A_1262 : f32 to vector<16xf32>
        %neg3A_1264 = arith.subf %neg3A_1263, %mul3A_1256 : vector<16xf32>
        %swap3A_1265 = arith.index_cast %add3A_1243 : i32 to index
        %swap3A_1266 = arith.constant 0 : index
        %swap3A_1267 = tpu.vector_load %arg18[%swap3A_1265, %swap3A_1266] {strides = array<i32>} : memref<128x16xf32, #tpu.memory_space<vmem>>, vector<1x16xf32>,
        %swap3A_1268 = vector.shape_cast %swap3A_1267 : vector<1x16xf32> to vector<16xf32>
        %swap3A_1269 = vector.shape_cast %neg3A_1264 : vector<16xf32> to vector<1x16xf32>
        tpu.vector_store %arg18[%swap3A_1265, %swap3A_1266], %swap3A_1269 {strides = array<i32>} : memref<128x16xf32, #tpu.memory_space<vmem>>, vector<1x16xf32>,
        %add3A_1270 = arith.constant 11 : i32
        %add3A_1271 = arith.addi %mul3A_962, %add3A_1270 : i32
        %get3A_1272 = arith.index_cast %add3A_1271 : i32 to index
        %get3A_1273 = arith.constant 0 : index
        %get3A_1274 = tpu.vector_load %arg16[%get3A_1272, %get3A_1273] {strides = array<i32>} : memref<128x16xf32, #tpu.memory_space<vmem>>, vector<1x16xf32>,
        %get3A_1275 = vector.shape_cast %get3A_1274 : vector<1x16xf32> to vector<16xf32>
        %get3A_1276 = arith.index_cast %add3A_1271 : i32 to index
        %get3A_1277 = arith.constant 0 : index
        %get3A_1278 = tpu.vector_load %arg17[%get3A_1276, %get3A_1277] {strides = array<i32>} : memref<128x16xf32, #tpu.memory_space<vmem>>, vector<1x16xf32>,
        %get3A_1279 = vector.shape_cast %get3A_1278 : vector<1x16xf32> to vector<16xf32>
        %sub3A_1280 = arith.subf %get3A_1275, %get3A_1279 : vector<16xf32>
        %slice3A_1281 = vector.extract_strided_slice %get3A_965 {offsets = [11], sizes = [1], strides = [1]} : vector<16xf32> to vector<1xf32>
        %squeeze3A_1282 = vector.extract %slice3A_1281[0] : f32 from vector<1xf32>
        %mul3A_1283 = vector.broadcast %squeeze3A_1282 : f32 to vector<16xf32>
        %mul3A_1284 = arith.mulf %sub3A_1280, %mul3A_1283 : vector<16xf32>
        %swap3A_1285 = arith.index_cast %add3A_1271 : i32 to index
        %swap3A_1286 = arith.constant 0 : index
        %swap3A_1287 = tpu.vector_load %arg19[%swap3A_1285, %swap3A_1286] {strides = array<i32>} : memref<128x16xf32, #tpu.memory_space<vmem>>, vector<1x16xf32>,
        %swap3A_1288 = vector.shape_cast %swap3A_1287 : vector<1x16xf32> to vector<16xf32>
        %swap3A_1289 = vector.shape_cast %mul3A_1284 : vector<16xf32> to vector<1x16xf32>
        tpu.vector_store %arg19[%swap3A_1285, %swap3A_1286], %swap3A_1289 {strides = array<i32>} : memref<128x16xf32, #tpu.memory_space<vmem>>, vector<1x16xf32>,
        %neg3A_1290 = arith.constant 0.000000e+00 : f32
        %neg3A_1291 = vector.broadcast %neg3A_1290 : f32 to vector<16xf32>
        %neg3A_1292 = arith.subf %neg3A_1291, %mul3A_1284 : vector<16xf32>
        %swap3A_1293 = arith.index_cast %add3A_1271 : i32 to index
        %swap3A_1294 = arith.constant 0 : index
        %swap3A_1295 = tpu.vector_load %arg18[%swap3A_1293, %swap3A_1294] {strides = array<i32>} : memref<128x16xf32, #tpu.memory_space<vmem>>, vector<1x16xf32>,
        %swap3A_1296 = vector.shape_cast %swap3A_1295 : vector<1x16xf32> to vector<16xf32>
        %swap3A_1297 = vector.shape_cast %neg3A_1292 : vector<16xf32> to vector<1x16xf32>
        tpu.vector_store %arg18[%swap3A_1293, %swap3A_1294], %swap3A_1297 {strides = array<i32>} : memref<128x16xf32, #tpu.memory_space<vmem>>, vector<1x16xf32>,
        %add3A_1298 = arith.constant 12 : i32
        %add3A_1299 = arith.addi %mul3A_962, %add3A_1298 : i32
        %get3A_1300 = arith.index_cast %add3A_1299 : i32 to index
        %get3A_1301 = arith.constant 0 : index
        %get3A_1302 = tpu.vector_load %arg16[%get3A_1300, %get3A_1301] {strides = array<i32>} : memref<128x16xf32, #tpu.memory_space<vmem>>, vector<1x16xf32>,
        %get3A_1303 = vector.shape_cast %get3A_1302 : vector<1x16xf32> to vector<16xf32>
        %get3A_1304 = arith.index_cast %add3A_1299 : i32 to index
        %get3A_1305 = arith.constant 0 : index
        %get3A_1306 = tpu.vector_load %arg17[%get3A_1304, %get3A_1305] {strides = array<i32>} : memref<128x16xf32, #tpu.memory_space<vmem>>, vector<1x16xf32>,
        %get3A_1307 = vector.shape_cast %get3A_1306 : vector<1x16xf32> to vector<16xf32>
        %sub3A_1308 = arith.subf %get3A_1303, %get3A_1307 : vector<16xf32>
        %slice3A_1309 = vector.extract_strided_slice %get3A_965 {offsets = [12], sizes = [1], strides = [1]} : vector<16xf32> to vector<1xf32>
        %squeeze3A_1310 = vector.extract %slice3A_1309[0] : f32 from vector<1xf32>
        %mul3A_1311 = vector.broadcast %squeeze3A_1310 : f32 to vector<16xf32>
        %mul3A_1312 = arith.mulf %sub3A_1308, %mul3A_1311 : vector<16xf32>
        %swap3A_1313 = arith.index_cast %add3A_1299 : i32 to index
        %swap3A_1314 = arith.constant 0 : index
        %swap3A_1315 = tpu.vector_load %arg19[%swap3A_1313, %swap3A_1314] {strides = array<i32>} : memref<128x16xf32, #tpu.memory_space<vmem>>, vector<1x16xf32>,
        %swap3A_1316 = vector.shape_cast %swap3A_1315 : vector<1x16xf32> to vector<16xf32>
        %swap3A_1317 = vector.shape_cast %mul3A_1312 : vector<16xf32> to vector<1x16xf32>
        tpu.vector_store %arg19[%swap3A_1313, %swap3A_1314], %swap3A_1317 {strides = array<i32>} : memref<128x16xf32, #tpu.memory_space<vmem>>, vector<1x16xf32>,
        %neg3A_1318 = arith.constant 0.000000e+00 : f32
        %neg3A_1319 = vector.broadcast %neg3A_1318 : f32 to vector<16xf32>
        %neg3A_1320 = arith.subf %neg3A_1319, %mul3A_1312 : vector<16xf32>
        %swap3A_1321 = arith.index_cast %add3A_1299 : i32 to index
        %swap3A_1322 = arith.constant 0 : index
        %swap3A_1323 = tpu.vector_load %arg18[%swap3A_1321, %swap3A_1322] {strides = array<i32>} : memref<128x16xf32, #tpu.memory_space<vmem>>, vector<1x16xf32>,
        %swap3A_1324 = vector.shape_cast %swap3A_1323 : vector<1x16xf32> to vector<16xf32>
        %swap3A_1325 = vector.shape_cast %neg3A_1320 : vector<16xf32> to vector<1x16xf32>
        tpu.vector_store %arg18[%swap3A_1321, %swap3A_1322], %swap3A_1325 {strides = array<i32>} : memref<128x16xf32, #tpu.memory_space<vmem>>, vector<1x16xf32>,
        %add3A_1326 = arith.constant 13 : i32
        %add3A_1327 = arith.addi %mul3A_962, %add3A_1326 : i32
        %get3A_1328 = arith.index_cast %add3A_1327 : i32 to index
        %get3A_1329 = arith.constant 0 : index
        %get3A_1330 = tpu.vector_load %arg16[%get3A_1328, %get3A_1329] {strides = array<i32>} : memref<128x16xf32, #tpu.memory_space<vmem>>, vector<1x16xf32>,
        %get3A_1331 = vector.shape_cast %get3A_1330 : vector<1x16xf32> to vector<16xf32>
        %get3A_1332 = arith.index_cast %add3A_1327 : i32 to index
        %get3A_1333 = arith.constant 0 : index
        %get3A_1334 = tpu.vector_load %arg17[%get3A_1332, %get3A_1333] {strides = array<i32>} : memref<128x16xf32, #tpu.memory_space<vmem>>, vector<1x16xf32>,
        %get3A_1335 = vector.shape_cast %get3A_1334 : vector<1x16xf32> to vector<16xf32>
        %sub3A_1336 = arith.subf %get3A_1331, %get3A_1335 : vector<16xf32>
        %slice3A_1337 = vector.extract_strided_slice %get3A_965 {offsets = [13], sizes = [1], strides = [1]} : vector<16xf32> to vector<1xf32>
        %squeeze3A_1338 = vector.extract %slice3A_1337[0] : f32 from vector<1xf32>
        %mul3A_1339 = vector.broadcast %squeeze3A_1338 : f32 to vector<16xf32>
        %mul3A_1340 = arith.mulf %sub3A_1336, %mul3A_1339 : vector<16xf32>
        %swap3A_1341 = arith.index_cast %add3A_1327 : i32 to index
        %swap3A_1342 = arith.constant 0 : index
        %swap3A_1343 = tpu.vector_load %arg19[%swap3A_1341, %swap3A_1342] {strides = array<i32>} : memref<128x16xf32, #tpu.memory_space<vmem>>, vector<1x16xf32>,
        %swap3A_1344 = vector.shape_cast %swap3A_1343 : vector<1x16xf32> to vector<16xf32>
        %swap3A_1345 = vector.shape_cast %mul3A_1340 : vector<16xf32> to vector<1x16xf32>
        tpu.vector_store %arg19[%swap3A_1341, %swap3A_1342], %swap3A_1345 {strides = array<i32>} : memref<128x16xf32, #tpu.memory_space<vmem>>, vector<1x16xf32>,
        %neg3A_1346 = arith.constant 0.000000e+00 : f32
        %neg3A_1347 = vector.broadcast %neg3A_1346 : f32 to vector<16xf32>
        %neg3A_1348 = arith.subf %neg3A_1347, %mul3A_1340 : vector<16xf32>
        %swap3A_1349 = arith.index_cast %add3A_1327 : i32 to index
        %swap3A_1350 = arith.constant 0 : index
        %swap3A_1351 = tpu.vector_load %arg18[%swap3A_1349, %swap3A_1350] {strides = array<i32>} : memref<128x16xf32, #tpu.memory_space<vmem>>, vector<1x16xf32>,
        %swap3A_1352 = vector.shape_cast %swap3A_1351 : vector<1x16xf32> to vector<16xf32>
        %swap3A_1353 = vector.shape_cast %neg3A_1348 : vector<16xf32> to vector<1x16xf32>
        tpu.vector_store %arg18[%swap3A_1349, %swap3A_1350], %swap3A_1353 {strides = array<i32>} : memref<128x16xf32, #tpu.memory_space<vmem>>, vector<1x16xf32>,
        %add3A_1354 = arith.constant 14 : i32
        %add3A_1355 = arith.addi %mul3A_962, %add3A_1354 : i32
        %get3A_1356 = arith.index_cast %add3A_1355 : i32 to index
        %get3A_1357 = arith.constant 0 : index
        %get3A_1358 = tpu.vector_load %arg16[%get3A_1356, %get3A_1357] {strides = array<i32>} : memref<128x16xf32, #tpu.memory_space<vmem>>, vector<1x16xf32>,
        %get3A_1359 = vector.shape_cast %get3A_1358 : vector<1x16xf32> to vector<16xf32>
        %get3A_1360 = arith.index_cast %add3A_1355 : i32 to index
        %get3A_1361 = arith.constant 0 : index
        %get3A_1362 = tpu.vector_load %arg17[%get3A_1360, %get3A_1361] {strides = array<i32>} : memref<128x16xf32, #tpu.memory_space<vmem>>, vector<1x16xf32>,
        %get3A_1363 = vector.shape_cast %get3A_1362 : vector<1x16xf32> to vector<16xf32>
        %sub3A_1364 = arith.subf %get3A_1359, %get3A_1363 : vector<16xf32>
        %slice3A_1365 = vector.extract_strided_slice %get3A_965 {offsets = [14], sizes = [1], strides = [1]} : vector<16xf32> to vector<1xf32>
        %squeeze3A_1366 = vector.extract %slice3A_1365[0] : f32 from vector<1xf32>
        %mul3A_1367 = vector.broadcast %squeeze3A_1366 : f32 to vector<16xf32>
        %mul3A_1368 = arith.mulf %sub3A_1364, %mul3A_1367 : vector<16xf32>
        %swap3A_1369 = arith.index_cast %add3A_1355 : i32 to index
        %swap3A_1370 = arith.constant 0 : index
        %swap3A_1371 = tpu.vector_load %arg19[%swap3A_1369, %swap3A_1370] {strides = array<i32>} : memref<128x16xf32, #tpu.memory_space<vmem>>, vector<1x16xf32>,
        %swap3A_1372 = vector.shape_cast %swap3A_1371 : vector<1x16xf32> to vector<16xf32>
        %swap3A_1373 = vector.shape_cast %mul3A_1368 : vector<16xf32> to vector<1x16xf32>
        tpu.vector_store %arg19[%swap3A_1369, %swap3A_1370], %swap3A_1373 {strides = array<i32>} : memref<128x16xf32, #tpu.memory_space<vmem>>, vector<1x16xf32>,
        %neg3A_1374 = arith.constant 0.000000e+00 : f32
        %neg3A_1375 = vector.broadcast %neg3A_1374 : f32 to vector<16xf32>
        %neg3A_1376 = arith.subf %neg3A_1375, %mul3A_1368 : vector<16xf32>
        %swap3A_1377 = arith.index_cast %add3A_1355 : i32 to index
        %swap3A_1378 = arith.constant 0 : index
        %swap3A_1379 = tpu.vector_load %arg18[%swap3A_1377, %swap3A_1378] {strides = array<i32>} : memref<128x16xf32, #tpu.memory_space<vmem>>, vector<1x16xf32>,
        %swap3A_1380 = vector.shape_cast %swap3A_1379 : vector<1x16xf32> to vector<16xf32>
        %swap3A_1381 = vector.shape_cast %neg3A_1376 : vector<16xf32> to vector<1x16xf32>
        tpu.vector_store %arg18[%swap3A_1377, %swap3A_1378], %swap3A_1381 {strides = array<i32>} : memref<128x16xf32, #tpu.memory_space<vmem>>, vector<1x16xf32>,
        %add3A_1382 = arith.constant 15 : i32
        %add3A_1383 = arith.addi %mul3A_962, %add3A_1382 : i32
        %get3A_1384 = arith.index_cast %add3A_1383 : i32 to index
        %get3A_1385 = arith.constant 0 : index
        %get3A_1386 = tpu.vector_load %arg16[%get3A_1384, %get3A_1385] {strides = array<i32>} : memref<128x16xf32, #tpu.memory_space<vmem>>, vector<1x16xf32>,
        %get3A_1387 = vector.shape_cast %get3A_1386 : vector<1x16xf32> to vector<16xf32>
        %get3A_1388 = arith.index_cast %add3A_1383 : i32 to index
        %get3A_1389 = arith.constant 0 : index
        %get3A_1390 = tpu.vector_load %arg17[%get3A_1388, %get3A_1389] {strides = array<i32>} : memref<128x16xf32, #tpu.memory_space<vmem>>, vector<1x16xf32>,
        %get3A_1391 = vector.shape_cast %get3A_1390 : vector<1x16xf32> to vector<16xf32>
        %sub3A_1392 = arith.subf %get3A_1387, %get3A_1391 : vector<16xf32>
        %slice3A_1393 = vector.extract_strided_slice %get3A_965 {offsets = [15], sizes = [1], strides = [1]} : vector<16xf32> to vector<1xf32>
        %squeeze3A_1394 = vector.extract %slice3A_1393[0] : f32 from vector<1xf32>
        %mul3A_1395 = vector.broadcast %squeeze3A_1394 : f32 to vector<16xf32>
        %mul3A_1396 = arith.mulf %sub3A_1392, %mul3A_1395 : vector<16xf32>
        %swap3A_1397 = arith.index_cast %add3A_1383 : i32 to index
        %swap3A_1398 = arith.constant 0 : index
        %swap3A_1399 = tpu.vector_load %arg19[%swap3A_1397, %swap3A_1398] {strides = array<i32>} : memref<128x16xf32, #tpu.memory_space<vmem>>, vector<1x16xf32>,
        %swap3A_1400 = vector.shape_cast %swap3A_1399 : vector<1x16xf32> to vector<16xf32>
        %swap3A_1401 = vector.shape_cast %mul3A_1396 : vector<16xf32> to vector<1x16xf32>
        tpu.vector_store %arg19[%swap3A_1397, %swap3A_1398], %swap3A_1401 {strides = array<i32>} : memref<128x16xf32, #tpu.memory_space<vmem>>, vector<1x16xf32>,
        %neg3A_1402 = arith.constant 0.000000e+00 : f32
        %neg3A_1403 = vector.broadcast %neg3A_1402 : f32 to vector<16xf32>
        %neg3A_1404 = arith.subf %neg3A_1403, %mul3A_1396 : vector<16xf32>
        %swap3A_1405 = arith.index_cast %add3A_1383 : i32 to index
        %swap3A_1406 = arith.constant 0 : index
        %swap3A_1407 = tpu.vector_load %arg18[%swap3A_1405, %swap3A_1406] {strides = array<i32>} : memref<128x16xf32, #tpu.memory_space<vmem>>, vector<1x16xf32>,
        %swap3A_1408 = vector.shape_cast %swap3A_1407 : vector<1x16xf32> to vector<16xf32>
        %swap3A_1409 = vector.shape_cast %neg3A_1404 : vector<16xf32> to vector<1x16xf32>
        tpu.vector_store %arg18[%swap3A_1405, %swap3A_1406], %swap3A_1409 {strides = array<i32>} : memref<128x16xf32, #tpu.memory_space<vmem>>, vector<1x16xf32>,
        %scan3A_1410 = arith.constant 0 : i32
        scf.yield %scan3A_1410 : i32
      }
      %scan3A_928 = arith.constant 8 : i32
      %dma_start3A_929 = arith.constant 0 : i32
      %dma_start3A_930 = arith.constant 0 : i32
      %dma_start3A_931 = tpu.memref_slice %arg32[%dma_start3A_929, %dma_start3A_930] : memref<100096x16xf32, #tpu.memory_space<vmem_shared>> -> memref<100096x16xf32, #tpu.memory_space<vmem_shared>>
      tpu.enqueue_indirect_dma source(%arg18 : memref<128x16xf32, #tpu.memory_space<vmem>>) target(%dma_start3A_931 : memref<100096x16xf32, #tpu.memory_space<vmem_shared>>) offsets(%arg13 : memref<128xi32, #tpu.memory_space<vmem>>) semaphore(%arg37 : memref<!tpu.dma_semaphore, #tpu.memory_space<semaphore_mem>>) {add = true}
      %dma_start3A_932 = arith.constant 0 : i32
      %dma_start3A_933 = arith.constant 0 : i32
      %dma_start3A_934 = tpu.memref_slice %arg32[%dma_start3A_932, %dma_start3A_933] : memref<100096x16xf32, #tpu.memory_space<vmem_shared>> -> memref<100096x16xf32, #tpu.memory_space<vmem_shared>>
      tpu.enqueue_indirect_dma source(%arg19 : memref<128x16xf32, #tpu.memory_space<vmem>>) target(%dma_start3A_934 : memref<100096x16xf32, #tpu.memory_space<vmem_shared>>) offsets(%arg14 : memref<128xi32, #tpu.memory_space<vmem>>) semaphore(%arg37 : memref<!tpu.dma_semaphore, #tpu.memory_space<semaphore_mem>>) {add = true}
      %le3A_935 = arith.constant 388 : i32
      %le3A_936 = arith.cmpi sle, %scan3A_624, %le3A_935 : i32
      %convert_element_type3A_937 = arith.extui %le3A_936 : i1 to i32
      %cond3A_938 = arith.constant 0 : i32
      %cond3A_939 = arith.cmpi ne, %convert_element_type3A_937, %cond3A_938 : i32
      scf.if %cond3A_939 {
        %mul3A_959 = arith.constant 2 : i32
        %mul3A_960 = arith.muli %mul3A_959, %scan3A_624 : i32
        %add3A_961 = arith.constant 2 : i32
        %add3A_962 = arith.addi %mul3A_960, %add3A_961 : i32
        %mul3A_963 = arith.constant 128 : i32
        %mul3A_964 = arith.muli %add3A_962, %mul3A_963 : i32
        %add3A_965 = arith.addi %mul3A_4, %mul3A_964 : i32
        %dma_wait3A_966 = tpu.memref_slice %arg2[%add3A_965] : memref<1600000xi32, #tpu.memory_space<hbm>> -> memref<128xi32, #tpu.memory_space<hbm>>
        %dma_wait3A_967 = tpu.memref_slice %arg2[%add3A_965] : memref<1600000xi32, #tpu.memory_space<hbm>> -> memref<128xi32, #tpu.memory_space<hbm>>
        tpu.wait_dma2 semaphore(%arg33 : memref<!tpu.dma_semaphore, #tpu.memory_space<semaphore_mem>>) src(%dma_wait3A_967 : memref<128xi32, #tpu.memory_space<hbm>>) dst(%arg8 : memref<128xi32, #tpu.memory_space<vmem>>)
        %dma_wait3A_968 = tpu.memref_slice %arg3[%add3A_965] : memref<1600000xi32, #tpu.memory_space<hbm>> -> memref<128xi32, #tpu.memory_space<hbm>>
        %dma_wait3A_969 = tpu.memref_slice %arg3[%add3A_965] : memref<1600000xi32, #tpu.memory_space<hbm>> -> memref<128xi32, #tpu.memory_space<hbm>>
        tpu.wait_dma2 semaphore(%arg33 : memref<!tpu.dma_semaphore, #tpu.memory_space<semaphore_mem>>) src(%dma_wait3A_969 : memref<128xi32, #tpu.memory_space<hbm>>) dst(%arg9 : memref<128xi32, #tpu.memory_space<vmem>>)
        %dma_wait3A_970 = tpu.memref_slice %arg4[%add3A_965] : memref<1600000xf32, #tpu.memory_space<hbm>> -> memref<128xf32, #tpu.memory_space<hbm>>
        %dma_wait3A_971 = tpu.memref_slice %arg4[%add3A_965] : memref<1600000xf32, #tpu.memory_space<hbm>> -> memref<128xf32, #tpu.memory_space<hbm>>
        tpu.wait_dma2 semaphore(%arg33 : memref<!tpu.dma_semaphore, #tpu.memory_space<semaphore_mem>>) src(%dma_wait3A_971 : memref<128xf32, #tpu.memory_space<hbm>>) dst(%arg10 : memref<128xf32, #tpu.memory_space<vmem>>)
        %dma_wait3A_972 = arith.constant 0 : i32
        %dma_wait3A_973 = arith.constant 0 : i32
        %dma_wait3A_974 = tpu.memref_slice %arg32[%dma_wait3A_972, %dma_wait3A_973] : memref<100096x16xf32, #tpu.memory_space<vmem_shared>> -> memref<100096x16xf32, #tpu.memory_space<vmem_shared>>
        tpu.wait_indirect_dma semaphore(%arg37 : memref<!tpu.dma_semaphore, #tpu.memory_space<semaphore_mem>>) src(%arg18 : memref<128x16xf32, #tpu.memory_space<vmem>>) dst(%dma_wait3A_974 : memref<100096x16xf32, #tpu.memory_space<vmem_shared>>)
        %dma_wait3A_975 = arith.constant 0 : i32
        %dma_wait3A_976 = arith.constant 0 : i32
        %dma_wait3A_977 = tpu.memref_slice %arg32[%dma_wait3A_975, %dma_wait3A_976] : memref<100096x16xf32, #tpu.memory_space<vmem_shared>> -> memref<100096x16xf32, #tpu.memory_space<vmem_shared>>
        tpu.wait_indirect_dma semaphore(%arg37 : memref<!tpu.dma_semaphore, #tpu.memory_space<semaphore_mem>>) src(%arg19 : memref<128x16xf32, #tpu.memory_space<vmem>>) dst(%dma_wait3A_977 : memref<100096x16xf32, #tpu.memory_space<vmem_shared>>)
        %get3A_978 = arith.constant 0 : index
        %get3A_979 = tpu.vector_load %arg8[%get3A_978] {strides = array<i32>} : memref<128xi32, #tpu.memory_space<vmem>>, vector<16xi32>,
        %get3A_980 = vector.shape_cast %get3A_979 : vector<16xi32> to vector<16xi32>
        %get3A_981 = arith.constant 0 : index
        %get3A_982 = tpu.vector_load %arg9[%get3A_981] {strides = array<i32>} : memref<128xi32, #tpu.memory_space<vmem>>, vector<16xi32>,
        %get3A_983 = vector.shape_cast %get3A_982 : vector<16xi32> to vector<16xi32>
        %add3A_984 = vector.broadcast %mul3A_0 : i32 to vector<16xi32>
        %add3A_985 = arith.addi %get3A_980, %add3A_984 : vector<16xi32>
        %swap3A_986 = arith.constant 0 : index
        %swap3A_987 = tpu.vector_load %arg11[%swap3A_986] {strides = array<i32>} : memref<128xi32, #tpu.memory_space<vmem>>, vector<16xi32>,
        %swap3A_988 = vector.shape_cast %swap3A_987 : vector<16xi32> to vector<16xi32>
        %swap3A_989 = vector.shape_cast %add3A_985 : vector<16xi32> to vector<16xi32>
        tpu.vector_store %arg11[%swap3A_986], %swap3A_989 {strides = array<i32>} : memref<128xi32, #tpu.memory_space<vmem>>, vector<16xi32>,
        %add3A_990 = vector.broadcast %mul3A_0 : i32 to vector<16xi32>
        %add3A_991 = arith.addi %get3A_983, %add3A_990 : vector<16xi32>
        %swap3A_992 = arith.constant 0 : index
        %swap3A_993 = tpu.vector_load %arg12[%swap3A_992] {strides = array<i32>} : memref<128xi32, #tpu.memory_space<vmem>>, vector<16xi32>,
        %swap3A_994 = vector.shape_cast %swap3A_993 : vector<16xi32> to vector<16xi32>
        %swap3A_995 = vector.shape_cast %add3A_991 : vector<16xi32> to vector<16xi32>
        tpu.vector_store %arg12[%swap3A_992], %swap3A_995 {strides = array<i32>} : memref<128xi32, #tpu.memory_space<vmem>>, vector<16xi32>,
        %swap3A_996 = arith.constant 0 : index
        %swap3A_997 = tpu.vector_load %arg13[%swap3A_996] {strides = array<i32>} : memref<128xi32, #tpu.memory_space<vmem>>, vector<16xi32>,
        %swap3A_998 = vector.shape_cast %swap3A_997 : vector<16xi32> to vector<16xi32>
        %swap3A_999 = vector.shape_cast %get3A_980 : vector<16xi32> to vector<16xi32>
        tpu.vector_store %arg13[%swap3A_996], %swap3A_999 {strides = array<i32>} : memref<128xi32, #tpu.memory_space<vmem>>, vector<16xi32>,
        %swap3A_1000 = arith.constant 0 : index
        %swap3A_1001 = tpu.vector_load %arg14[%swap3A_1000] {strides = array<i32>} : memref<128xi32, #tpu.memory_space<vmem>>, vector<16xi32>,
        %swap3A_1002 = vector.shape_cast %swap3A_1001 : vector<16xi32> to vector<16xi32>
        %swap3A_1003 = vector.shape_cast %get3A_983 : vector<16xi32> to vector<16xi32>
        tpu.vector_store %arg14[%swap3A_1000], %swap3A_1003 {strides = array<i32>} : memref<128xi32, #tpu.memory_space<vmem>>, vector<16xi32>,
        %get3A_1004 = arith.constant 0 : index
        %get3A_1005 = tpu.vector_load %arg10[%get3A_1004] {strides = array<i32>} : memref<128xf32, #tpu.memory_space<vmem>>, vector<16xf32>,
        %get3A_1006 = vector.shape_cast %get3A_1005 : vector<16xf32> to vector<16xf32>
        %swap3A_1007 = arith.constant 0 : index
        %swap3A_1008 = tpu.vector_load %arg15[%swap3A_1007] {strides = array<i32>} : memref<128xf32, #tpu.memory_space<vmem>>, vector<16xf32>,
        %swap3A_1009 = vector.shape_cast %swap3A_1008 : vector<16xf32> to vector<16xf32>
        %swap3A_1010 = vector.shape_cast %get3A_1006 : vector<16xf32> to vector<16xf32>
        tpu.vector_store %arg15[%swap3A_1007], %swap3A_1010 {strides = array<i32>} : memref<128xf32, #tpu.memory_space<vmem>>, vector<16xf32>,
        %get3A_1011 = arith.constant 16 : index
        %get3A_1012 = tpu.vector_load %arg8[%get3A_1011] {strides = array<i32>} : memref<128xi32, #tpu.memory_space<vmem>>, vector<16xi32>,
        %get3A_1013 = vector.shape_cast %get3A_1012 : vector<16xi32> to vector<16xi32>
        %get3A_1014 = arith.constant 16 : index
        %get3A_1015 = tpu.vector_load %arg9[%get3A_1014] {strides = array<i32>} : memref<128xi32, #tpu.memory_space<vmem>>, vector<16xi32>,
        %get3A_1016 = vector.shape_cast %get3A_1015 : vector<16xi32> to vector<16xi32>
        %add3A_1017 = vector.broadcast %mul3A_0 : i32 to vector<16xi32>
        %add3A_1018 = arith.addi %get3A_1013, %add3A_1017 : vector<16xi32>
        %swap3A_1019 = arith.constant 16 : index
        %swap3A_1020 = tpu.vector_load %arg11[%swap3A_1019] {strides = array<i32>} : memref<128xi32, #tpu.memory_space<vmem>>, vector<16xi32>,
        %swap3A_1021 = vector.shape_cast %swap3A_1020 : vector<16xi32> to vector<16xi32>
        %swap3A_1022 = vector.shape_cast %add3A_1018 : vector<16xi32> to vector<16xi32>
        tpu.vector_store %arg11[%swap3A_1019], %swap3A_1022 {strides = array<i32>} : memref<128xi32, #tpu.memory_space<vmem>>, vector<16xi32>,
        %add3A_1023 = vector.broadcast %mul3A_0 : i32 to vector<16xi32>
        %add3A_1024 = arith.addi %get3A_1016, %add3A_1023 : vector<16xi32>
        %swap3A_1025 = arith.constant 16 : index
        %swap3A_1026 = tpu.vector_load %arg12[%swap3A_1025] {strides = array<i32>} : memref<128xi32, #tpu.memory_space<vmem>>, vector<16xi32>,
        %swap3A_1027 = vector.shape_cast %swap3A_1026 : vector<16xi32> to vector<16xi32>
        %swap3A_1028 = vector.shape_cast %add3A_1024 : vector<16xi32> to vector<16xi32>
        tpu.vector_store %arg12[%swap3A_1025], %swap3A_1028 {strides = array<i32>} : memref<128xi32, #tpu.memory_space<vmem>>, vector<16xi32>,
        %swap3A_1029 = arith.constant 16 : index
        %swap3A_1030 = tpu.vector_load %arg13[%swap3A_1029] {strides = array<i32>} : memref<128xi32, #tpu.memory_space<vmem>>, vector<16xi32>,
        %swap3A_1031 = vector.shape_cast %swap3A_1030 : vector<16xi32> to vector<16xi32>
        %swap3A_1032 = vector.shape_cast %get3A_1013 : vector<16xi32> to vector<16xi32>
        tpu.vector_store %arg13[%swap3A_1029], %swap3A_1032 {strides = array<i32>} : memref<128xi32, #tpu.memory_space<vmem>>, vector<16xi32>,
        %swap3A_1033 = arith.constant 16 : index
        %swap3A_1034 = tpu.vector_load %arg14[%swap3A_1033] {strides = array<i32>} : memref<128xi32, #tpu.memory_space<vmem>>, vector<16xi32>,
        %swap3A_1035 = vector.shape_cast %swap3A_1034 : vector<16xi32> to vector<16xi32>
        %swap3A_1036 = vector.shape_cast %get3A_1016 : vector<16xi32> to vector<16xi32>
        tpu.vector_store %arg14[%swap3A_1033], %swap3A_1036 {strides = array<i32>} : memref<128xi32, #tpu.memory_space<vmem>>, vector<16xi32>,
        %get3A_1037 = arith.constant 16 : index
        %get3A_1038 = tpu.vector_load %arg10[%get3A_1037] {strides = array<i32>} : memref<128xf32, #tpu.memory_space<vmem>>, vector<16xf32>,
        %get3A_1039 = vector.shape_cast %get3A_1038 : vector<16xf32> to vector<16xf32>
        %swap3A_1040 = arith.constant 16 : index
        %swap3A_1041 = tpu.vector_load %arg15[%swap3A_1040] {strides = array<i32>} : memref<128xf32, #tpu.memory_space<vmem>>, vector<16xf32>,
        %swap3A_1042 = vector.shape_cast %swap3A_1041 : vector<16xf32> to vector<16xf32>
        %swap3A_1043 = vector.shape_cast %get3A_1039 : vector<16xf32> to vector<16xf32>
        tpu.vector_store %arg15[%swap3A_1040], %swap3A_1043 {strides = array<i32>} : memref<128xf32, #tpu.memory_space<vmem>>, vector<16xf32>,
        %get3A_1044 = arith.constant 32 : index
        %get3A_1045 = tpu.vector_load %arg8[%get3A_1044] {strides = array<i32>} : memref<128xi32, #tpu.memory_space<vmem>>, vector<16xi32>,
        %get3A_1046 = vector.shape_cast %get3A_1045 : vector<16xi32> to vector<16xi32>
        %get3A_1047 = arith.constant 32 : index
        %get3A_1048 = tpu.vector_load %arg9[%get3A_1047] {strides = array<i32>} : memref<128xi32, #tpu.memory_space<vmem>>, vector<16xi32>,
        %get3A_1049 = vector.shape_cast %get3A_1048 : vector<16xi32> to vector<16xi32>
        %add3A_1050 = vector.broadcast %mul3A_0 : i32 to vector<16xi32>
        %add3A_1051 = arith.addi %get3A_1046, %add3A_1050 : vector<16xi32>
        %swap3A_1052 = arith.constant 32 : index
        %swap3A_1053 = tpu.vector_load %arg11[%swap3A_1052] {strides = array<i32>} : memref<128xi32, #tpu.memory_space<vmem>>, vector<16xi32>,
        %swap3A_1054 = vector.shape_cast %swap3A_1053 : vector<16xi32> to vector<16xi32>
        %swap3A_1055 = vector.shape_cast %add3A_1051 : vector<16xi32> to vector<16xi32>
        tpu.vector_store %arg11[%swap3A_1052], %swap3A_1055 {strides = array<i32>} : memref<128xi32, #tpu.memory_space<vmem>>, vector<16xi32>,
        %add3A_1056 = vector.broadcast %mul3A_0 : i32 to vector<16xi32>
        %add3A_1057 = arith.addi %get3A_1049, %add3A_1056 : vector<16xi32>
        %swap3A_1058 = arith.constant 32 : index
        %swap3A_1059 = tpu.vector_load %arg12[%swap3A_1058] {strides = array<i32>} : memref<128xi32, #tpu.memory_space<vmem>>, vector<16xi32>,
        %swap3A_1060 = vector.shape_cast %swap3A_1059 : vector<16xi32> to vector<16xi32>
        %swap3A_1061 = vector.shape_cast %add3A_1057 : vector<16xi32> to vector<16xi32>
        tpu.vector_store %arg12[%swap3A_1058], %swap3A_1061 {strides = array<i32>} : memref<128xi32, #tpu.memory_space<vmem>>, vector<16xi32>,
        %swap3A_1062 = arith.constant 32 : index
        %swap3A_1063 = tpu.vector_load %arg13[%swap3A_1062] {strides = array<i32>} : memref<128xi32, #tpu.memory_space<vmem>>, vector<16xi32>,
        %swap3A_1064 = vector.shape_cast %swap3A_1063 : vector<16xi32> to vector<16xi32>
        %swap3A_1065 = vector.shape_cast %get3A_1046 : vector<16xi32> to vector<16xi32>
        tpu.vector_store %arg13[%swap3A_1062], %swap3A_1065 {strides = array<i32>} : memref<128xi32, #tpu.memory_space<vmem>>, vector<16xi32>,
        %swap3A_1066 = arith.constant 32 : index
        %swap3A_1067 = tpu.vector_load %arg14[%swap3A_1066] {strides = array<i32>} : memref<128xi32, #tpu.memory_space<vmem>>, vector<16xi32>,
        %swap3A_1068 = vector.shape_cast %swap3A_1067 : vector<16xi32> to vector<16xi32>
        %swap3A_1069 = vector.shape_cast %get3A_1049 : vector<16xi32> to vector<16xi32>
        tpu.vector_store %arg14[%swap3A_1066], %swap3A_1069 {strides = array<i32>} : memref<128xi32, #tpu.memory_space<vmem>>, vector<16xi32>,
        %get3A_1070 = arith.constant 32 : index
        %get3A_1071 = tpu.vector_load %arg10[%get3A_1070] {strides = array<i32>} : memref<128xf32, #tpu.memory_space<vmem>>, vector<16xf32>,
        %get3A_1072 = vector.shape_cast %get3A_1071 : vector<16xf32> to vector<16xf32>
        %swap3A_1073 = arith.constant 32 : index
        %swap3A_1074 = tpu.vector_load %arg15[%swap3A_1073] {strides = array<i32>} : memref<128xf32, #tpu.memory_space<vmem>>, vector<16xf32>,
        %swap3A_1075 = vector.shape_cast %swap3A_1074 : vector<16xf32> to vector<16xf32>
        %swap3A_1076 = vector.shape_cast %get3A_1072 : vector<16xf32> to vector<16xf32>
        tpu.vector_store %arg15[%swap3A_1073], %swap3A_1076 {strides = array<i32>} : memref<128xf32, #tpu.memory_space<vmem>>, vector<16xf32>,
        %get3A_1077 = arith.constant 48 : index
        %get3A_1078 = tpu.vector_load %arg8[%get3A_1077] {strides = array<i32>} : memref<128xi32, #tpu.memory_space<vmem>>, vector<16xi32>,
        %get3A_1079 = vector.shape_cast %get3A_1078 : vector<16xi32> to vector<16xi32>
        %get3A_1080 = arith.constant 48 : index
        %get3A_1081 = tpu.vector_load %arg9[%get3A_1080] {strides = array<i32>} : memref<128xi32, #tpu.memory_space<vmem>>, vector<16xi32>,
        %get3A_1082 = vector.shape_cast %get3A_1081 : vector<16xi32> to vector<16xi32>
        %add3A_1083 = vector.broadcast %mul3A_0 : i32 to vector<16xi32>
        %add3A_1084 = arith.addi %get3A_1079, %add3A_1083 : vector<16xi32>
        %swap3A_1085 = arith.constant 48 : index
        %swap3A_1086 = tpu.vector_load %arg11[%swap3A_1085] {strides = array<i32>} : memref<128xi32, #tpu.memory_space<vmem>>, vector<16xi32>,
        %swap3A_1087 = vector.shape_cast %swap3A_1086 : vector<16xi32> to vector<16xi32>
        %swap3A_1088 = vector.shape_cast %add3A_1084 : vector<16xi32> to vector<16xi32>
        tpu.vector_store %arg11[%swap3A_1085], %swap3A_1088 {strides = array<i32>} : memref<128xi32, #tpu.memory_space<vmem>>, vector<16xi32>,
        %add3A_1089 = vector.broadcast %mul3A_0 : i32 to vector<16xi32>
        %add3A_1090 = arith.addi %get3A_1082, %add3A_1089 : vector<16xi32>
        %swap3A_1091 = arith.constant 48 : index
        %swap3A_1092 = tpu.vector_load %arg12[%swap3A_1091] {strides = array<i32>} : memref<128xi32, #tpu.memory_space<vmem>>, vector<16xi32>,
        %swap3A_1093 = vector.shape_cast %swap3A_1092 : vector<16xi32> to vector<16xi32>
        %swap3A_1094 = vector.shape_cast %add3A_1090 : vector<16xi32> to vector<16xi32>
        tpu.vector_store %arg12[%swap3A_1091], %swap3A_1094 {strides = array<i32>} : memref<128xi32, #tpu.memory_space<vmem>>, vector<16xi32>,
        %swap3A_1095 = arith.constant 48 : index
        %swap3A_1096 = tpu.vector_load %arg13[%swap3A_1095] {strides = array<i32>} : memref<128xi32, #tpu.memory_space<vmem>>, vector<16xi32>,
        %swap3A_1097 = vector.shape_cast %swap3A_1096 : vector<16xi32> to vector<16xi32>
        %swap3A_1098 = vector.shape_cast %get3A_1079 : vector<16xi32> to vector<16xi32>
        tpu.vector_store %arg13[%swap3A_1095], %swap3A_1098 {strides = array<i32>} : memref<128xi32, #tpu.memory_space<vmem>>, vector<16xi32>,
        %swap3A_1099 = arith.constant 48 : index
        %swap3A_1100 = tpu.vector_load %arg14[%swap3A_1099] {strides = array<i32>} : memref<128xi32, #tpu.memory_space<vmem>>, vector<16xi32>,
        %swap3A_1101 = vector.shape_cast %swap3A_1100 : vector<16xi32> to vector<16xi32>
        %swap3A_1102 = vector.shape_cast %get3A_1082 : vector<16xi32> to vector<16xi32>
        tpu.vector_store %arg14[%swap3A_1099], %swap3A_1102 {strides = array<i32>} : memref<128xi32, #tpu.memory_space<vmem>>, vector<16xi32>,
        %get3A_1103 = arith.constant 48 : index
        %get3A_1104 = tpu.vector_load %arg10[%get3A_1103] {strides = array<i32>} : memref<128xf32, #tpu.memory_space<vmem>>, vector<16xf32>,
        %get3A_1105 = vector.shape_cast %get3A_1104 : vector<16xf32> to vector<16xf32>
        %swap3A_1106 = arith.constant 48 : index
        %swap3A_1107 = tpu.vector_load %arg15[%swap3A_1106] {strides = array<i32>} : memref<128xf32, #tpu.memory_space<vmem>>, vector<16xf32>,
        %swap3A_1108 = vector.shape_cast %swap3A_1107 : vector<16xf32> to vector<16xf32>
        %swap3A_1109 = vector.shape_cast %get3A_1105 : vector<16xf32> to vector<16xf32>
        tpu.vector_store %arg15[%swap3A_1106], %swap3A_1109 {strides = array<i32>} : memref<128xf32, #tpu.memory_space<vmem>>, vector<16xf32>,
        %get3A_1110 = arith.constant 64 : index
        %get3A_1111 = tpu.vector_load %arg8[%get3A_1110] {strides = array<i32>} : memref<128xi32, #tpu.memory_space<vmem>>, vector<16xi32>,
        %get3A_1112 = vector.shape_cast %get3A_1111 : vector<16xi32> to vector<16xi32>
        %get3A_1113 = arith.constant 64 : index
        %get3A_1114 = tpu.vector_load %arg9[%get3A_1113] {strides = array<i32>} : memref<128xi32, #tpu.memory_space<vmem>>, vector<16xi32>,
        %get3A_1115 = vector.shape_cast %get3A_1114 : vector<16xi32> to vector<16xi32>
        %add3A_1116 = vector.broadcast %mul3A_0 : i32 to vector<16xi32>
        %add3A_1117 = arith.addi %get3A_1112, %add3A_1116 : vector<16xi32>
        %swap3A_1118 = arith.constant 64 : index
        %swap3A_1119 = tpu.vector_load %arg11[%swap3A_1118] {strides = array<i32>} : memref<128xi32, #tpu.memory_space<vmem>>, vector<16xi32>,
        %swap3A_1120 = vector.shape_cast %swap3A_1119 : vector<16xi32> to vector<16xi32>
        %swap3A_1121 = vector.shape_cast %add3A_1117 : vector<16xi32> to vector<16xi32>
        tpu.vector_store %arg11[%swap3A_1118], %swap3A_1121 {strides = array<i32>} : memref<128xi32, #tpu.memory_space<vmem>>, vector<16xi32>,
        %add3A_1122 = vector.broadcast %mul3A_0 : i32 to vector<16xi32>
        %add3A_1123 = arith.addi %get3A_1115, %add3A_1122 : vector<16xi32>
        %swap3A_1124 = arith.constant 64 : index
        %swap3A_1125 = tpu.vector_load %arg12[%swap3A_1124] {strides = array<i32>} : memref<128xi32, #tpu.memory_space<vmem>>, vector<16xi32>,
        %swap3A_1126 = vector.shape_cast %swap3A_1125 : vector<16xi32> to vector<16xi32>
        %swap3A_1127 = vector.shape_cast %add3A_1123 : vector<16xi32> to vector<16xi32>
        tpu.vector_store %arg12[%swap3A_1124], %swap3A_1127 {strides = array<i32>} : memref<128xi32, #tpu.memory_space<vmem>>, vector<16xi32>,
        %swap3A_1128 = arith.constant 64 : index
        %swap3A_1129 = tpu.vector_load %arg13[%swap3A_1128] {strides = array<i32>} : memref<128xi32, #tpu.memory_space<vmem>>, vector<16xi32>,
        %swap3A_1130 = vector.shape_cast %swap3A_1129 : vector<16xi32> to vector<16xi32>
        %swap3A_1131 = vector.shape_cast %get3A_1112 : vector<16xi32> to vector<16xi32>
        tpu.vector_store %arg13[%swap3A_1128], %swap3A_1131 {strides = array<i32>} : memref<128xi32, #tpu.memory_space<vmem>>, vector<16xi32>,
        %swap3A_1132 = arith.constant 64 : index
        %swap3A_1133 = tpu.vector_load %arg14[%swap3A_1132] {strides = array<i32>} : memref<128xi32, #tpu.memory_space<vmem>>, vector<16xi32>,
        %swap3A_1134 = vector.shape_cast %swap3A_1133 : vector<16xi32> to vector<16xi32>
        %swap3A_1135 = vector.shape_cast %get3A_1115 : vector<16xi32> to vector<16xi32>
        tpu.vector_store %arg14[%swap3A_1132], %swap3A_1135 {strides = array<i32>} : memref<128xi32, #tpu.memory_space<vmem>>, vector<16xi32>,
        %get3A_1136 = arith.constant 64 : index
        %get3A_1137 = tpu.vector_load %arg10[%get3A_1136] {strides = array<i32>} : memref<128xf32, #tpu.memory_space<vmem>>, vector<16xf32>,
        %get3A_1138 = vector.shape_cast %get3A_1137 : vector<16xf32> to vector<16xf32>
        %swap3A_1139 = arith.constant 64 : index
        %swap3A_1140 = tpu.vector_load %arg15[%swap3A_1139] {strides = array<i32>} : memref<128xf32, #tpu.memory_space<vmem>>, vector<16xf32>,
        %swap3A_1141 = vector.shape_cast %swap3A_1140 : vector<16xf32> to vector<16xf32>
        %swap3A_1142 = vector.shape_cast %get3A_1138 : vector<16xf32> to vector<16xf32>
        tpu.vector_store %arg15[%swap3A_1139], %swap3A_1142 {strides = array<i32>} : memref<128xf32, #tpu.memory_space<vmem>>, vector<16xf32>,
        %get3A_1143 = arith.constant 80 : index
        %get3A_1144 = tpu.vector_load %arg8[%get3A_1143] {strides = array<i32>} : memref<128xi32, #tpu.memory_space<vmem>>, vector<16xi32>,
        %get3A_1145 = vector.shape_cast %get3A_1144 : vector<16xi32> to vector<16xi32>
        %get3A_1146 = arith.constant 80 : index
        %get3A_1147 = tpu.vector_load %arg9[%get3A_1146] {strides = array<i32>} : memref<128xi32, #tpu.memory_space<vmem>>, vector<16xi32>,
        %get3A_1148 = vector.shape_cast %get3A_1147 : vector<16xi32> to vector<16xi32>
        %add3A_1149 = vector.broadcast %mul3A_0 : i32 to vector<16xi32>
        %add3A_1150 = arith.addi %get3A_1145, %add3A_1149 : vector<16xi32>
        %swap3A_1151 = arith.constant 80 : index
        %swap3A_1152 = tpu.vector_load %arg11[%swap3A_1151] {strides = array<i32>} : memref<128xi32, #tpu.memory_space<vmem>>, vector<16xi32>,
        %swap3A_1153 = vector.shape_cast %swap3A_1152 : vector<16xi32> to vector<16xi32>
        %swap3A_1154 = vector.shape_cast %add3A_1150 : vector<16xi32> to vector<16xi32>
        tpu.vector_store %arg11[%swap3A_1151], %swap3A_1154 {strides = array<i32>} : memref<128xi32, #tpu.memory_space<vmem>>, vector<16xi32>,
        %add3A_1155 = vector.broadcast %mul3A_0 : i32 to vector<16xi32>
        %add3A_1156 = arith.addi %get3A_1148, %add3A_1155 : vector<16xi32>
        %swap3A_1157 = arith.constant 80 : index
        %swap3A_1158 = tpu.vector_load %arg12[%swap3A_1157] {strides = array<i32>} : memref<128xi32, #tpu.memory_space<vmem>>, vector<16xi32>,
        %swap3A_1159 = vector.shape_cast %swap3A_1158 : vector<16xi32> to vector<16xi32>
        %swap3A_1160 = vector.shape_cast %add3A_1156 : vector<16xi32> to vector<16xi32>
        tpu.vector_store %arg12[%swap3A_1157], %swap3A_1160 {strides = array<i32>} : memref<128xi32, #tpu.memory_space<vmem>>, vector<16xi32>,
        %swap3A_1161 = arith.constant 80 : index
        %swap3A_1162 = tpu.vector_load %arg13[%swap3A_1161] {strides = array<i32>} : memref<128xi32, #tpu.memory_space<vmem>>, vector<16xi32>,
        %swap3A_1163 = vector.shape_cast %swap3A_1162 : vector<16xi32> to vector<16xi32>
        %swap3A_1164 = vector.shape_cast %get3A_1145 : vector<16xi32> to vector<16xi32>
        tpu.vector_store %arg13[%swap3A_1161], %swap3A_1164 {strides = array<i32>} : memref<128xi32, #tpu.memory_space<vmem>>, vector<16xi32>,
        %swap3A_1165 = arith.constant 80 : index
        %swap3A_1166 = tpu.vector_load %arg14[%swap3A_1165] {strides = array<i32>} : memref<128xi32, #tpu.memory_space<vmem>>, vector<16xi32>,
        %swap3A_1167 = vector.shape_cast %swap3A_1166 : vector<16xi32> to vector<16xi32>
        %swap3A_1168 = vector.shape_cast %get3A_1148 : vector<16xi32> to vector<16xi32>
        tpu.vector_store %arg14[%swap3A_1165], %swap3A_1168 {strides = array<i32>} : memref<128xi32, #tpu.memory_space<vmem>>, vector<16xi32>,
        %get3A_1169 = arith.constant 80 : index
        %get3A_1170 = tpu.vector_load %arg10[%get3A_1169] {strides = array<i32>} : memref<128xf32, #tpu.memory_space<vmem>>, vector<16xf32>,
        %get3A_1171 = vector.shape_cast %get3A_1170 : vector<16xf32> to vector<16xf32>
        %swap3A_1172 = arith.constant 80 : index
        %swap3A_1173 = tpu.vector_load %arg15[%swap3A_1172] {strides = array<i32>} : memref<128xf32, #tpu.memory_space<vmem>>, vector<16xf32>,
        %swap3A_1174 = vector.shape_cast %swap3A_1173 : vector<16xf32> to vector<16xf32>
        %swap3A_1175 = vector.shape_cast %get3A_1171 : vector<16xf32> to vector<16xf32>
        tpu.vector_store %arg15[%swap3A_1172], %swap3A_1175 {strides = array<i32>} : memref<128xf32, #tpu.memory_space<vmem>>, vector<16xf32>,
        %get3A_1176 = arith.constant 96 : index
        %get3A_1177 = tpu.vector_load %arg8[%get3A_1176] {strides = array<i32>} : memref<128xi32, #tpu.memory_space<vmem>>, vector<16xi32>,
        %get3A_1178 = vector.shape_cast %get3A_1177 : vector<16xi32> to vector<16xi32>
        %get3A_1179 = arith.constant 96 : index
        %get3A_1180 = tpu.vector_load %arg9[%get3A_1179] {strides = array<i32>} : memref<128xi32, #tpu.memory_space<vmem>>, vector<16xi32>,
        %get3A_1181 = vector.shape_cast %get3A_1180 : vector<16xi32> to vector<16xi32>
        %add3A_1182 = vector.broadcast %mul3A_0 : i32 to vector<16xi32>
        %add3A_1183 = arith.addi %get3A_1178, %add3A_1182 : vector<16xi32>
        %swap3A_1184 = arith.constant 96 : index
        %swap3A_1185 = tpu.vector_load %arg11[%swap3A_1184] {strides = array<i32>} : memref<128xi32, #tpu.memory_space<vmem>>, vector<16xi32>,
        %swap3A_1186 = vector.shape_cast %swap3A_1185 : vector<16xi32> to vector<16xi32>
        %swap3A_1187 = vector.shape_cast %add3A_1183 : vector<16xi32> to vector<16xi32>
        tpu.vector_store %arg11[%swap3A_1184], %swap3A_1187 {strides = array<i32>} : memref<128xi32, #tpu.memory_space<vmem>>, vector<16xi32>,
        %add3A_1188 = vector.broadcast %mul3A_0 : i32 to vector<16xi32>
        %add3A_1189 = arith.addi %get3A_1181, %add3A_1188 : vector<16xi32>
        %swap3A_1190 = arith.constant 96 : index
        %swap3A_1191 = tpu.vector_load %arg12[%swap3A_1190] {strides = array<i32>} : memref<128xi32, #tpu.memory_space<vmem>>, vector<16xi32>,
        %swap3A_1192 = vector.shape_cast %swap3A_1191 : vector<16xi32> to vector<16xi32>
        %swap3A_1193 = vector.shape_cast %add3A_1189 : vector<16xi32> to vector<16xi32>
        tpu.vector_store %arg12[%swap3A_1190], %swap3A_1193 {strides = array<i32>} : memref<128xi32, #tpu.memory_space<vmem>>, vector<16xi32>,
        %swap3A_1194 = arith.constant 96 : index
        %swap3A_1195 = tpu.vector_load %arg13[%swap3A_1194] {strides = array<i32>} : memref<128xi32, #tpu.memory_space<vmem>>, vector<16xi32>,
        %swap3A_1196 = vector.shape_cast %swap3A_1195 : vector<16xi32> to vector<16xi32>
        %swap3A_1197 = vector.shape_cast %get3A_1178 : vector<16xi32> to vector<16xi32>
        tpu.vector_store %arg13[%swap3A_1194], %swap3A_1197 {strides = array<i32>} : memref<128xi32, #tpu.memory_space<vmem>>, vector<16xi32>,
        %swap3A_1198 = arith.constant 96 : index
        %swap3A_1199 = tpu.vector_load %arg14[%swap3A_1198] {strides = array<i32>} : memref<128xi32, #tpu.memory_space<vmem>>, vector<16xi32>,
        %swap3A_1200 = vector.shape_cast %swap3A_1199 : vector<16xi32> to vector<16xi32>
        %swap3A_1201 = vector.shape_cast %get3A_1181 : vector<16xi32> to vector<16xi32>
        tpu.vector_store %arg14[%swap3A_1198], %swap3A_1201 {strides = array<i32>} : memref<128xi32, #tpu.memory_space<vmem>>, vector<16xi32>,
        %get3A_1202 = arith.constant 96 : index
        %get3A_1203 = tpu.vector_load %arg10[%get3A_1202] {strides = array<i32>} : memref<128xf32, #tpu.memory_space<vmem>>, vector<16xf32>,
        %get3A_1204 = vector.shape_cast %get3A_1203 : vector<16xf32> to vector<16xf32>
        %swap3A_1205 = arith.constant 96 : index
        %swap3A_1206 = tpu.vector_load %arg15[%swap3A_1205] {strides = array<i32>} : memref<128xf32, #tpu.memory_space<vmem>>, vector<16xf32>,
        %swap3A_1207 = vector.shape_cast %swap3A_1206 : vector<16xf32> to vector<16xf32>
        %swap3A_1208 = vector.shape_cast %get3A_1204 : vector<16xf32> to vector<16xf32>
        tpu.vector_store %arg15[%swap3A_1205], %swap3A_1208 {strides = array<i32>} : memref<128xf32, #tpu.memory_space<vmem>>, vector<16xf32>,
        %get3A_1209 = arith.constant 112 : index
        %get3A_1210 = tpu.vector_load %arg8[%get3A_1209] {strides = array<i32>} : memref<128xi32, #tpu.memory_space<vmem>>, vector<16xi32>,
        %get3A_1211 = vector.shape_cast %get3A_1210 : vector<16xi32> to vector<16xi32>
        %get3A_1212 = arith.constant 112 : index
        %get3A_1213 = tpu.vector_load %arg9[%get3A_1212] {strides = array<i32>} : memref<128xi32, #tpu.memory_space<vmem>>, vector<16xi32>,
        %get3A_1214 = vector.shape_cast %get3A_1213 : vector<16xi32> to vector<16xi32>
        %add3A_1215 = vector.broadcast %mul3A_0 : i32 to vector<16xi32>
        %add3A_1216 = arith.addi %get3A_1211, %add3A_1215 : vector<16xi32>
        %swap3A_1217 = arith.constant 112 : index
        %swap3A_1218 = tpu.vector_load %arg11[%swap3A_1217] {strides = array<i32>} : memref<128xi32, #tpu.memory_space<vmem>>, vector<16xi32>,
        %swap3A_1219 = vector.shape_cast %swap3A_1218 : vector<16xi32> to vector<16xi32>
        %swap3A_1220 = vector.shape_cast %add3A_1216 : vector<16xi32> to vector<16xi32>
        tpu.vector_store %arg11[%swap3A_1217], %swap3A_1220 {strides = array<i32>} : memref<128xi32, #tpu.memory_space<vmem>>, vector<16xi32>,
        %add3A_1221 = vector.broadcast %mul3A_0 : i32 to vector<16xi32>
        %add3A_1222 = arith.addi %get3A_1214, %add3A_1221 : vector<16xi32>
        %swap3A_1223 = arith.constant 112 : index
        %swap3A_1224 = tpu.vector_load %arg12[%swap3A_1223] {strides = array<i32>} : memref<128xi32, #tpu.memory_space<vmem>>, vector<16xi32>,
        %swap3A_1225 = vector.shape_cast %swap3A_1224 : vector<16xi32> to vector<16xi32>
        %swap3A_1226 = vector.shape_cast %add3A_1222 : vector<16xi32> to vector<16xi32>
        tpu.vector_store %arg12[%swap3A_1223], %swap3A_1226 {strides = array<i32>} : memref<128xi32, #tpu.memory_space<vmem>>, vector<16xi32>,
        %swap3A_1227 = arith.constant 112 : index
        %swap3A_1228 = tpu.vector_load %arg13[%swap3A_1227] {strides = array<i32>} : memref<128xi32, #tpu.memory_space<vmem>>, vector<16xi32>,
        %swap3A_1229 = vector.shape_cast %swap3A_1228 : vector<16xi32> to vector<16xi32>
        %swap3A_1230 = vector.shape_cast %get3A_1211 : vector<16xi32> to vector<16xi32>
        tpu.vector_store %arg13[%swap3A_1227], %swap3A_1230 {strides = array<i32>} : memref<128xi32, #tpu.memory_space<vmem>>, vector<16xi32>,
        %swap3A_1231 = arith.constant 112 : index
        %swap3A_1232 = tpu.vector_load %arg14[%swap3A_1231] {strides = array<i32>} : memref<128xi32, #tpu.memory_space<vmem>>, vector<16xi32>,
        %swap3A_1233 = vector.shape_cast %swap3A_1232 : vector<16xi32> to vector<16xi32>
        %swap3A_1234 = vector.shape_cast %get3A_1214 : vector<16xi32> to vector<16xi32>
        tpu.vector_store %arg14[%swap3A_1231], %swap3A_1234 {strides = array<i32>} : memref<128xi32, #tpu.memory_space<vmem>>, vector<16xi32>,
        %get3A_1235 = arith.constant 112 : index
        %get3A_1236 = tpu.vector_load %arg10[%get3A_1235] {strides = array<i32>} : memref<128xf32, #tpu.memory_space<vmem>>, vector<16xf32>,
        %get3A_1237 = vector.shape_cast %get3A_1236 : vector<16xf32> to vector<16xf32>
        %swap3A_1238 = arith.constant 112 : index
        %swap3A_1239 = tpu.vector_load %arg15[%swap3A_1238] {strides = array<i32>} : memref<128xf32, #tpu.memory_space<vmem>>, vector<16xf32>,
        %swap3A_1240 = vector.shape_cast %swap3A_1239 : vector<16xf32> to vector<16xf32>
        %swap3A_1241 = vector.shape_cast %get3A_1237 : vector<16xf32> to vector<16xf32>
        tpu.vector_store %arg15[%swap3A_1238], %swap3A_1241 {strides = array<i32>} : memref<128xf32, #tpu.memory_space<vmem>>, vector<16xf32>,
        %dma_start3A_1242 = arith.constant 0 : i32
        %dma_start3A_1243 = arith.constant 0 : i32
        %dma_start3A_1244 = tpu.memref_slice %arg5[%dma_start3A_1242, %dma_start3A_1243] : memref<200192x16xf32, #tpu.memory_space<hbm>> -> memref<200192x16xf32, #tpu.memory_space<hbm>>
        tpu.enqueue_indirect_dma source(%dma_start3A_1244 : memref<200192x16xf32, #tpu.memory_space<hbm>>) target(%arg16 : memref<128x16xf32, #tpu.memory_space<vmem>>) offsets(%arg11 : memref<128xi32, #tpu.memory_space<vmem>>) semaphore(%arg35 : memref<!tpu.dma_semaphore, #tpu.memory_space<semaphore_mem>>)
        %dma_start3A_1245 = arith.constant 0 : i32
        %dma_start3A_1246 = arith.constant 0 : i32
        %dma_start3A_1247 = tpu.memref_slice %arg5[%dma_start3A_1245, %dma_start3A_1246] : memref<200192x16xf32, #tpu.memory_space<hbm>> -> memref<200192x16xf32, #tpu.memory_space<hbm>>
        tpu.enqueue_indirect_dma source(%dma_start3A_1247 : memref<200192x16xf32, #tpu.memory_space<hbm>>) target(%arg17 : memref<128x16xf32, #tpu.memory_space<vmem>>) offsets(%arg12 : memref<128xi32, #tpu.memory_space<vmem>>) semaphore(%arg35 : memref<!tpu.dma_semaphore, #tpu.memory_space<semaphore_mem>>)
        %mul3A_1248 = arith.constant 2 : i32
        %mul3A_1249 = arith.muli %mul3A_1248, %scan3A_624 : i32
        %add3A_1250 = arith.constant 3 : i32
        %add3A_1251 = arith.addi %mul3A_1249, %add3A_1250 : i32
        %mul3A_1252 = arith.constant 128 : i32
        %mul3A_1253 = arith.muli %add3A_1251, %mul3A_1252 : i32
        %add3A_1254 = arith.addi %mul3A_4, %mul3A_1253 : i32
        %dma_start3A_1255 = tpu.memref_slice %arg2[%add3A_1254] : memref<1600000xi32, #tpu.memory_space<hbm>> -> memref<128xi32, #tpu.memory_space<hbm>>
        %dma_start3A_1256 = tpu.memref_slice %arg2[%add3A_1254] : memref<1600000xi32, #tpu.memory_space<hbm>> -> memref<128xi32, #tpu.memory_space<hbm>>
        tpu.enqueue_dma source(%dma_start3A_1256 : memref<128xi32, #tpu.memory_space<hbm>>) target(%arg20 : memref<128xi32, #tpu.memory_space<vmem>>) target_semaphore(%arg34 : memref<!tpu.dma_semaphore, #tpu.memory_space<semaphore_mem>>)
        %dma_start3A_1257 = tpu.memref_slice %arg3[%add3A_1254] : memref<1600000xi32, #tpu.memory_space<hbm>> -> memref<128xi32, #tpu.memory_space<hbm>>
        %dma_start3A_1258 = tpu.memref_slice %arg3[%add3A_1254] : memref<1600000xi32, #tpu.memory_space<hbm>> -> memref<128xi32, #tpu.memory_space<hbm>>
        tpu.enqueue_dma source(%dma_start3A_1258 : memref<128xi32, #tpu.memory_space<hbm>>) target(%arg21 : memref<128xi32, #tpu.memory_space<vmem>>) target_semaphore(%arg34 : memref<!tpu.dma_semaphore, #tpu.memory_space<semaphore_mem>>)
        %dma_start3A_1259 = tpu.memref_slice %arg4[%add3A_1254] : memref<1600000xf32, #tpu.memory_space<hbm>> -> memref<128xf32, #tpu.memory_space<hbm>>
        %dma_start3A_1260 = tpu.memref_slice %arg4[%add3A_1254] : memref<1600000xf32, #tpu.memory_space<hbm>> -> memref<128xf32, #tpu.memory_space<hbm>>
        tpu.enqueue_dma source(%dma_start3A_1260 : memref<128xf32, #tpu.memory_space<hbm>>) target(%arg22 : memref<128xf32, #tpu.memory_space<vmem>>) target_semaphore(%arg34 : memref<!tpu.dma_semaphore, #tpu.memory_space<semaphore_mem>>)
      } else {
      }
      %dma_wait3A_940 = arith.constant 0 : i32
      %dma_wait3A_941 = arith.constant 0 : i32
      %dma_wait3A_942 = tpu.memref_slice %arg5[%dma_wait3A_940, %dma_wait3A_941] : memref<200192x16xf32, #tpu.memory_space<hbm>> -> memref<200192x16xf32, #tpu.memory_space<hbm>>
      tpu.wait_indirect_dma semaphore(%arg36 : memref<!tpu.dma_semaphore, #tpu.memory_space<semaphore_mem>>) src(%dma_wait3A_942 : memref<200192x16xf32, #tpu.memory_space<hbm>>) dst(%arg28 : memref<128x16xf32, #tpu.memory_space<vmem>>)
      %dma_wait3A_943 = arith.constant 0 : i32
      %dma_wait3A_944 = arith.constant 0 : i32
      %dma_wait3A_945 = tpu.memref_slice %arg5[%dma_wait3A_943, %dma_wait3A_944] : memref<200192x16xf32, #tpu.memory_space<hbm>> -> memref<200192x16xf32, #tpu.memory_space<hbm>>
      tpu.wait_indirect_dma semaphore(%arg36 : memref<!tpu.dma_semaphore, #tpu.memory_space<semaphore_mem>>) src(%dma_wait3A_945 : memref<200192x16xf32, #tpu.memory_space<hbm>>) dst(%arg29 : memref<128x16xf32, #tpu.memory_space<vmem>>)
      %scan3A_946 = arith.constant 0 : i32
      %scan3A_947 = arith.constant 0 : i32
      %scan3A_948 = arith.constant 8 : i32
      %scan3A_949 = arith.addi %scan3A_947, %scan3A_948 : i32
      %scan3A_950 = arith.constant 1 : i32
      %scan3A_951 = scf.for %scan3A_959 = %scan3A_947 to %scan3A_949 step %scan3A_950 iter_args(%scan3A_960 = %scan3A_946) -> (i32)  : i32 {
        %mul3A_961 = arith.constant 16 : i32
        %mul3A_962 = arith.muli %scan3A_959, %mul3A_961 : i32
        %get3A_963 = arith.index_cast %mul3A_962 : i32 to index
        %get3A_964 = tpu.vector_load %arg27[%get3A_963] {strides = array<i32>} : memref<128xf32, #tpu.memory_space<vmem>>, vector<16xf32>,
        %get3A_965 = vector.shape_cast %get3A_964 : vector<16xf32> to vector<16xf32>
        %add3A_966 = arith.constant 0 : i32
        %add3A_967 = arith.addi %mul3A_962, %add3A_966 : i32
        %get3A_968 = arith.index_cast %add3A_967 : i32 to index
        %get3A_969 = arith.constant 0 : index
        %get3A_970 = tpu.vector_load %arg28[%get3A_968, %get3A_969] {strides = array<i32>} : memref<128x16xf32, #tpu.memory_space<vmem>>, vector<1x16xf32>,
        %get3A_971 = vector.shape_cast %get3A_970 : vector<1x16xf32> to vector<16xf32>
        %get3A_972 = arith.index_cast %add3A_967 : i32 to index
        %get3A_973 = arith.constant 0 : index
        %get3A_974 = tpu.vector_load %arg29[%get3A_972, %get3A_973] {strides = array<i32>} : memref<128x16xf32, #tpu.memory_space<vmem>>, vector<1x16xf32>,
        %get3A_975 = vector.shape_cast %get3A_974 : vector<1x16xf32> to vector<16xf32>
        %sub3A = arith.subf %get3A_971, %get3A_975 : vector<16xf32>
        %slice3A = vector.extract_strided_slice %get3A_965 {offsets = [0], sizes = [1], strides = [1]} : vector<16xf32> to vector<1xf32>
        %squeeze3A = vector.extract %slice3A[0] : f32 from vector<1xf32>
        %mul3A_976 = vector.broadcast %squeeze3A : f32 to vector<16xf32>
        %mul3A_977 = arith.mulf %sub3A, %mul3A_976 : vector<16xf32>
        %swap3A_978 = arith.index_cast %add3A_967 : i32 to index
        %swap3A_979 = arith.constant 0 : index
        %swap3A_980 = tpu.vector_load %arg31[%swap3A_978, %swap3A_979] {strides = array<i32>} : memref<128x16xf32, #tpu.memory_space<vmem>>, vector<1x16xf32>,
        %swap3A_981 = vector.shape_cast %swap3A_980 : vector<1x16xf32> to vector<16xf32>
        %swap3A_982 = vector.shape_cast %mul3A_977 : vector<16xf32> to vector<1x16xf32>
        tpu.vector_store %arg31[%swap3A_978, %swap3A_979], %swap3A_982 {strides = array<i32>} : memref<128x16xf32, #tpu.memory_space<vmem>>, vector<1x16xf32>,
        %neg3A = arith.constant 0.000000e+00 : f32
        %neg3A_983 = vector.broadcast %neg3A : f32 to vector<16xf32>
        %neg3A_984 = arith.subf %neg3A_983, %mul3A_977 : vector<16xf32>
        %swap3A_985 = arith.index_cast %add3A_967 : i32 to index
        %swap3A_986 = arith.constant 0 : index
        %swap3A_987 = tpu.vector_load %arg30[%swap3A_985, %swap3A_986] {strides = array<i32>} : memref<128x16xf32, #tpu.memory_space<vmem>>, vector<1x16xf32>,
        %swap3A_988 = vector.shape_cast %swap3A_987 : vector<1x16xf32> to vector<16xf32>
        %swap3A_989 = vector.shape_cast %neg3A_984 : vector<16xf32> to vector<1x16xf32>
        tpu.vector_store %arg30[%swap3A_985, %swap3A_986], %swap3A_989 {strides = array<i32>} : memref<128x16xf32, #tpu.memory_space<vmem>>, vector<1x16xf32>,
        %add3A_990 = arith.constant 1 : i32
        %add3A_991 = arith.addi %mul3A_962, %add3A_990 : i32
        %get3A_992 = arith.index_cast %add3A_991 : i32 to index
        %get3A_993 = arith.constant 0 : index
        %get3A_994 = tpu.vector_load %arg28[%get3A_992, %get3A_993] {strides = array<i32>} : memref<128x16xf32, #tpu.memory_space<vmem>>, vector<1x16xf32>,
        %get3A_995 = vector.shape_cast %get3A_994 : vector<1x16xf32> to vector<16xf32>
        %get3A_996 = arith.index_cast %add3A_991 : i32 to index
        %get3A_997 = arith.constant 0 : index
        %get3A_998 = tpu.vector_load %arg29[%get3A_996, %get3A_997] {strides = array<i32>} : memref<128x16xf32, #tpu.memory_space<vmem>>, vector<1x16xf32>,
        %get3A_999 = vector.shape_cast %get3A_998 : vector<1x16xf32> to vector<16xf32>
        %sub3A_1000 = arith.subf %get3A_995, %get3A_999 : vector<16xf32>
        %slice3A_1001 = vector.extract_strided_slice %get3A_965 {offsets = [1], sizes = [1], strides = [1]} : vector<16xf32> to vector<1xf32>
        %squeeze3A_1002 = vector.extract %slice3A_1001[0] : f32 from vector<1xf32>
        %mul3A_1003 = vector.broadcast %squeeze3A_1002 : f32 to vector<16xf32>
        %mul3A_1004 = arith.mulf %sub3A_1000, %mul3A_1003 : vector<16xf32>
        %swap3A_1005 = arith.index_cast %add3A_991 : i32 to index
        %swap3A_1006 = arith.constant 0 : index
        %swap3A_1007 = tpu.vector_load %arg31[%swap3A_1005, %swap3A_1006] {strides = array<i32>} : memref<128x16xf32, #tpu.memory_space<vmem>>, vector<1x16xf32>,
        %swap3A_1008 = vector.shape_cast %swap3A_1007 : vector<1x16xf32> to vector<16xf32>
        %swap3A_1009 = vector.shape_cast %mul3A_1004 : vector<16xf32> to vector<1x16xf32>
        tpu.vector_store %arg31[%swap3A_1005, %swap3A_1006], %swap3A_1009 {strides = array<i32>} : memref<128x16xf32, #tpu.memory_space<vmem>>, vector<1x16xf32>,
        %neg3A_1010 = arith.constant 0.000000e+00 : f32
        %neg3A_1011 = vector.broadcast %neg3A_1010 : f32 to vector<16xf32>
        %neg3A_1012 = arith.subf %neg3A_1011, %mul3A_1004 : vector<16xf32>
        %swap3A_1013 = arith.index_cast %add3A_991 : i32 to index
        %swap3A_1014 = arith.constant 0 : index
        %swap3A_1015 = tpu.vector_load %arg30[%swap3A_1013, %swap3A_1014] {strides = array<i32>} : memref<128x16xf32, #tpu.memory_space<vmem>>, vector<1x16xf32>,
        %swap3A_1016 = vector.shape_cast %swap3A_1015 : vector<1x16xf32> to vector<16xf32>
        %swap3A_1017 = vector.shape_cast %neg3A_1012 : vector<16xf32> to vector<1x16xf32>
        tpu.vector_store %arg30[%swap3A_1013, %swap3A_1014], %swap3A_1017 {strides = array<i32>} : memref<128x16xf32, #tpu.memory_space<vmem>>, vector<1x16xf32>,
        %add3A_1018 = arith.constant 2 : i32
        %add3A_1019 = arith.addi %mul3A_962, %add3A_1018 : i32
        %get3A_1020 = arith.index_cast %add3A_1019 : i32 to index
        %get3A_1021 = arith.constant 0 : index
        %get3A_1022 = tpu.vector_load %arg28[%get3A_1020, %get3A_1021] {strides = array<i32>} : memref<128x16xf32, #tpu.memory_space<vmem>>, vector<1x16xf32>,
        %get3A_1023 = vector.shape_cast %get3A_1022 : vector<1x16xf32> to vector<16xf32>
        %get3A_1024 = arith.index_cast %add3A_1019 : i32 to index
        %get3A_1025 = arith.constant 0 : index
        %get3A_1026 = tpu.vector_load %arg29[%get3A_1024, %get3A_1025] {strides = array<i32>} : memref<128x16xf32, #tpu.memory_space<vmem>>, vector<1x16xf32>,
        %get3A_1027 = vector.shape_cast %get3A_1026 : vector<1x16xf32> to vector<16xf32>
        %sub3A_1028 = arith.subf %get3A_1023, %get3A_1027 : vector<16xf32>
        %slice3A_1029 = vector.extract_strided_slice %get3A_965 {offsets = [2], sizes = [1], strides = [1]} : vector<16xf32> to vector<1xf32>
        %squeeze3A_1030 = vector.extract %slice3A_1029[0] : f32 from vector<1xf32>
        %mul3A_1031 = vector.broadcast %squeeze3A_1030 : f32 to vector<16xf32>
        %mul3A_1032 = arith.mulf %sub3A_1028, %mul3A_1031 : vector<16xf32>
        %swap3A_1033 = arith.index_cast %add3A_1019 : i32 to index
        %swap3A_1034 = arith.constant 0 : index
        %swap3A_1035 = tpu.vector_load %arg31[%swap3A_1033, %swap3A_1034] {strides = array<i32>} : memref<128x16xf32, #tpu.memory_space<vmem>>, vector<1x16xf32>,
        %swap3A_1036 = vector.shape_cast %swap3A_1035 : vector<1x16xf32> to vector<16xf32>
        %swap3A_1037 = vector.shape_cast %mul3A_1032 : vector<16xf32> to vector<1x16xf32>
        tpu.vector_store %arg31[%swap3A_1033, %swap3A_1034], %swap3A_1037 {strides = array<i32>} : memref<128x16xf32, #tpu.memory_space<vmem>>, vector<1x16xf32>,
        %neg3A_1038 = arith.constant 0.000000e+00 : f32
        %neg3A_1039 = vector.broadcast %neg3A_1038 : f32 to vector<16xf32>
        %neg3A_1040 = arith.subf %neg3A_1039, %mul3A_1032 : vector<16xf32>
        %swap3A_1041 = arith.index_cast %add3A_1019 : i32 to index
        %swap3A_1042 = arith.constant 0 : index
        %swap3A_1043 = tpu.vector_load %arg30[%swap3A_1041, %swap3A_1042] {strides = array<i32>} : memref<128x16xf32, #tpu.memory_space<vmem>>, vector<1x16xf32>,
        %swap3A_1044 = vector.shape_cast %swap3A_1043 : vector<1x16xf32> to vector<16xf32>
        %swap3A_1045 = vector.shape_cast %neg3A_1040 : vector<16xf32> to vector<1x16xf32>
        tpu.vector_store %arg30[%swap3A_1041, %swap3A_1042], %swap3A_1045 {strides = array<i32>} : memref<128x16xf32, #tpu.memory_space<vmem>>, vector<1x16xf32>,
        %add3A_1046 = arith.constant 3 : i32
        %add3A_1047 = arith.addi %mul3A_962, %add3A_1046 : i32
        %get3A_1048 = arith.index_cast %add3A_1047 : i32 to index
        %get3A_1049 = arith.constant 0 : index
        %get3A_1050 = tpu.vector_load %arg28[%get3A_1048, %get3A_1049] {strides = array<i32>} : memref<128x16xf32, #tpu.memory_space<vmem>>, vector<1x16xf32>,
        %get3A_1051 = vector.shape_cast %get3A_1050 : vector<1x16xf32> to vector<16xf32>
        %get3A_1052 = arith.index_cast %add3A_1047 : i32 to index
        %get3A_1053 = arith.constant 0 : index
        %get3A_1054 = tpu.vector_load %arg29[%get3A_1052, %get3A_1053] {strides = array<i32>} : memref<128x16xf32, #tpu.memory_space<vmem>>, vector<1x16xf32>,
        %get3A_1055 = vector.shape_cast %get3A_1054 : vector<1x16xf32> to vector<16xf32>
        %sub3A_1056 = arith.subf %get3A_1051, %get3A_1055 : vector<16xf32>
        %slice3A_1057 = vector.extract_strided_slice %get3A_965 {offsets = [3], sizes = [1], strides = [1]} : vector<16xf32> to vector<1xf32>
        %squeeze3A_1058 = vector.extract %slice3A_1057[0] : f32 from vector<1xf32>
        %mul3A_1059 = vector.broadcast %squeeze3A_1058 : f32 to vector<16xf32>
        %mul3A_1060 = arith.mulf %sub3A_1056, %mul3A_1059 : vector<16xf32>
        %swap3A_1061 = arith.index_cast %add3A_1047 : i32 to index
        %swap3A_1062 = arith.constant 0 : index
        %swap3A_1063 = tpu.vector_load %arg31[%swap3A_1061, %swap3A_1062] {strides = array<i32>} : memref<128x16xf32, #tpu.memory_space<vmem>>, vector<1x16xf32>,
        %swap3A_1064 = vector.shape_cast %swap3A_1063 : vector<1x16xf32> to vector<16xf32>
        %swap3A_1065 = vector.shape_cast %mul3A_1060 : vector<16xf32> to vector<1x16xf32>
        tpu.vector_store %arg31[%swap3A_1061, %swap3A_1062], %swap3A_1065 {strides = array<i32>} : memref<128x16xf32, #tpu.memory_space<vmem>>, vector<1x16xf32>,
        %neg3A_1066 = arith.constant 0.000000e+00 : f32
        %neg3A_1067 = vector.broadcast %neg3A_1066 : f32 to vector<16xf32>
        %neg3A_1068 = arith.subf %neg3A_1067, %mul3A_1060 : vector<16xf32>
        %swap3A_1069 = arith.index_cast %add3A_1047 : i32 to index
        %swap3A_1070 = arith.constant 0 : index
        %swap3A_1071 = tpu.vector_load %arg30[%swap3A_1069, %swap3A_1070] {strides = array<i32>} : memref<128x16xf32, #tpu.memory_space<vmem>>, vector<1x16xf32>,
        %swap3A_1072 = vector.shape_cast %swap3A_1071 : vector<1x16xf32> to vector<16xf32>
        %swap3A_1073 = vector.shape_cast %neg3A_1068 : vector<16xf32> to vector<1x16xf32>
        tpu.vector_store %arg30[%swap3A_1069, %swap3A_1070], %swap3A_1073 {strides = array<i32>} : memref<128x16xf32, #tpu.memory_space<vmem>>, vector<1x16xf32>,
        %add3A_1074 = arith.constant 4 : i32
        %add3A_1075 = arith.addi %mul3A_962, %add3A_1074 : i32
        %get3A_1076 = arith.index_cast %add3A_1075 : i32 to index
        %get3A_1077 = arith.constant 0 : index
        %get3A_1078 = tpu.vector_load %arg28[%get3A_1076, %get3A_1077] {strides = array<i32>} : memref<128x16xf32, #tpu.memory_space<vmem>>, vector<1x16xf32>,
        %get3A_1079 = vector.shape_cast %get3A_1078 : vector<1x16xf32> to vector<16xf32>
        %get3A_1080 = arith.index_cast %add3A_1075 : i32 to index
        %get3A_1081 = arith.constant 0 : index
        %get3A_1082 = tpu.vector_load %arg29[%get3A_1080, %get3A_1081] {strides = array<i32>} : memref<128x16xf32, #tpu.memory_space<vmem>>, vector<1x16xf32>,
        %get3A_1083 = vector.shape_cast %get3A_1082 : vector<1x16xf32> to vector<16xf32>
        %sub3A_1084 = arith.subf %get3A_1079, %get3A_1083 : vector<16xf32>
        %slice3A_1085 = vector.extract_strided_slice %get3A_965 {offsets = [4], sizes = [1], strides = [1]} : vector<16xf32> to vector<1xf32>
        %squeeze3A_1086 = vector.extract %slice3A_1085[0] : f32 from vector<1xf32>
        %mul3A_1087 = vector.broadcast %squeeze3A_1086 : f32 to vector<16xf32>
        %mul3A_1088 = arith.mulf %sub3A_1084, %mul3A_1087 : vector<16xf32>
        %swap3A_1089 = arith.index_cast %add3A_1075 : i32 to index
        %swap3A_1090 = arith.constant 0 : index
        %swap3A_1091 = tpu.vector_load %arg31[%swap3A_1089, %swap3A_1090] {strides = array<i32>} : memref<128x16xf32, #tpu.memory_space<vmem>>, vector<1x16xf32>,
        %swap3A_1092 = vector.shape_cast %swap3A_1091 : vector<1x16xf32> to vector<16xf32>
        %swap3A_1093 = vector.shape_cast %mul3A_1088 : vector<16xf32> to vector<1x16xf32>
        tpu.vector_store %arg31[%swap3A_1089, %swap3A_1090], %swap3A_1093 {strides = array<i32>} : memref<128x16xf32, #tpu.memory_space<vmem>>, vector<1x16xf32>,
        %neg3A_1094 = arith.constant 0.000000e+00 : f32
        %neg3A_1095 = vector.broadcast %neg3A_1094 : f32 to vector<16xf32>
        %neg3A_1096 = arith.subf %neg3A_1095, %mul3A_1088 : vector<16xf32>
        %swap3A_1097 = arith.index_cast %add3A_1075 : i32 to index
        %swap3A_1098 = arith.constant 0 : index
        %swap3A_1099 = tpu.vector_load %arg30[%swap3A_1097, %swap3A_1098] {strides = array<i32>} : memref<128x16xf32, #tpu.memory_space<vmem>>, vector<1x16xf32>,
        %swap3A_1100 = vector.shape_cast %swap3A_1099 : vector<1x16xf32> to vector<16xf32>
        %swap3A_1101 = vector.shape_cast %neg3A_1096 : vector<16xf32> to vector<1x16xf32>
        tpu.vector_store %arg30[%swap3A_1097, %swap3A_1098], %swap3A_1101 {strides = array<i32>} : memref<128x16xf32, #tpu.memory_space<vmem>>, vector<1x16xf32>,
        %add3A_1102 = arith.constant 5 : i32
        %add3A_1103 = arith.addi %mul3A_962, %add3A_1102 : i32
        %get3A_1104 = arith.index_cast %add3A_1103 : i32 to index
        %get3A_1105 = arith.constant 0 : index
        %get3A_1106 = tpu.vector_load %arg28[%get3A_1104, %get3A_1105] {strides = array<i32>} : memref<128x16xf32, #tpu.memory_space<vmem>>, vector<1x16xf32>,
        %get3A_1107 = vector.shape_cast %get3A_1106 : vector<1x16xf32> to vector<16xf32>
        %get3A_1108 = arith.index_cast %add3A_1103 : i32 to index
        %get3A_1109 = arith.constant 0 : index
        %get3A_1110 = tpu.vector_load %arg29[%get3A_1108, %get3A_1109] {strides = array<i32>} : memref<128x16xf32, #tpu.memory_space<vmem>>, vector<1x16xf32>,
        %get3A_1111 = vector.shape_cast %get3A_1110 : vector<1x16xf32> to vector<16xf32>
        %sub3A_1112 = arith.subf %get3A_1107, %get3A_1111 : vector<16xf32>
        %slice3A_1113 = vector.extract_strided_slice %get3A_965 {offsets = [5], sizes = [1], strides = [1]} : vector<16xf32> to vector<1xf32>
        %squeeze3A_1114 = vector.extract %slice3A_1113[0] : f32 from vector<1xf32>
        %mul3A_1115 = vector.broadcast %squeeze3A_1114 : f32 to vector<16xf32>
        %mul3A_1116 = arith.mulf %sub3A_1112, %mul3A_1115 : vector<16xf32>
        %swap3A_1117 = arith.index_cast %add3A_1103 : i32 to index
        %swap3A_1118 = arith.constant 0 : index
        %swap3A_1119 = tpu.vector_load %arg31[%swap3A_1117, %swap3A_1118] {strides = array<i32>} : memref<128x16xf32, #tpu.memory_space<vmem>>, vector<1x16xf32>,
        %swap3A_1120 = vector.shape_cast %swap3A_1119 : vector<1x16xf32> to vector<16xf32>
        %swap3A_1121 = vector.shape_cast %mul3A_1116 : vector<16xf32> to vector<1x16xf32>
        tpu.vector_store %arg31[%swap3A_1117, %swap3A_1118], %swap3A_1121 {strides = array<i32>} : memref<128x16xf32, #tpu.memory_space<vmem>>, vector<1x16xf32>,
        %neg3A_1122 = arith.constant 0.000000e+00 : f32
        %neg3A_1123 = vector.broadcast %neg3A_1122 : f32 to vector<16xf32>
        %neg3A_1124 = arith.subf %neg3A_1123, %mul3A_1116 : vector<16xf32>
        %swap3A_1125 = arith.index_cast %add3A_1103 : i32 to index
        %swap3A_1126 = arith.constant 0 : index
        %swap3A_1127 = tpu.vector_load %arg30[%swap3A_1125, %swap3A_1126] {strides = array<i32>} : memref<128x16xf32, #tpu.memory_space<vmem>>, vector<1x16xf32>,
        %swap3A_1128 = vector.shape_cast %swap3A_1127 : vector<1x16xf32> to vector<16xf32>
        %swap3A_1129 = vector.shape_cast %neg3A_1124 : vector<16xf32> to vector<1x16xf32>
        tpu.vector_store %arg30[%swap3A_1125, %swap3A_1126], %swap3A_1129 {strides = array<i32>} : memref<128x16xf32, #tpu.memory_space<vmem>>, vector<1x16xf32>,
        %add3A_1130 = arith.constant 6 : i32
        %add3A_1131 = arith.addi %mul3A_962, %add3A_1130 : i32
        %get3A_1132 = arith.index_cast %add3A_1131 : i32 to index
        %get3A_1133 = arith.constant 0 : index
        %get3A_1134 = tpu.vector_load %arg28[%get3A_1132, %get3A_1133] {strides = array<i32>} : memref<128x16xf32, #tpu.memory_space<vmem>>, vector<1x16xf32>,
        %get3A_1135 = vector.shape_cast %get3A_1134 : vector<1x16xf32> to vector<16xf32>
        %get3A_1136 = arith.index_cast %add3A_1131 : i32 to index
        %get3A_1137 = arith.constant 0 : index
        %get3A_1138 = tpu.vector_load %arg29[%get3A_1136, %get3A_1137] {strides = array<i32>} : memref<128x16xf32, #tpu.memory_space<vmem>>, vector<1x16xf32>,
        %get3A_1139 = vector.shape_cast %get3A_1138 : vector<1x16xf32> to vector<16xf32>
        %sub3A_1140 = arith.subf %get3A_1135, %get3A_1139 : vector<16xf32>
        %slice3A_1141 = vector.extract_strided_slice %get3A_965 {offsets = [6], sizes = [1], strides = [1]} : vector<16xf32> to vector<1xf32>
        %squeeze3A_1142 = vector.extract %slice3A_1141[0] : f32 from vector<1xf32>
        %mul3A_1143 = vector.broadcast %squeeze3A_1142 : f32 to vector<16xf32>
        %mul3A_1144 = arith.mulf %sub3A_1140, %mul3A_1143 : vector<16xf32>
        %swap3A_1145 = arith.index_cast %add3A_1131 : i32 to index
        %swap3A_1146 = arith.constant 0 : index
        %swap3A_1147 = tpu.vector_load %arg31[%swap3A_1145, %swap3A_1146] {strides = array<i32>} : memref<128x16xf32, #tpu.memory_space<vmem>>, vector<1x16xf32>,
        %swap3A_1148 = vector.shape_cast %swap3A_1147 : vector<1x16xf32> to vector<16xf32>
        %swap3A_1149 = vector.shape_cast %mul3A_1144 : vector<16xf32> to vector<1x16xf32>
        tpu.vector_store %arg31[%swap3A_1145, %swap3A_1146], %swap3A_1149 {strides = array<i32>} : memref<128x16xf32, #tpu.memory_space<vmem>>, vector<1x16xf32>,
        %neg3A_1150 = arith.constant 0.000000e+00 : f32
        %neg3A_1151 = vector.broadcast %neg3A_1150 : f32 to vector<16xf32>
        %neg3A_1152 = arith.subf %neg3A_1151, %mul3A_1144 : vector<16xf32>
        %swap3A_1153 = arith.index_cast %add3A_1131 : i32 to index
        %swap3A_1154 = arith.constant 0 : index
        %swap3A_1155 = tpu.vector_load %arg30[%swap3A_1153, %swap3A_1154] {strides = array<i32>} : memref<128x16xf32, #tpu.memory_space<vmem>>, vector<1x16xf32>,
        %swap3A_1156 = vector.shape_cast %swap3A_1155 : vector<1x16xf32> to vector<16xf32>
        %swap3A_1157 = vector.shape_cast %neg3A_1152 : vector<16xf32> to vector<1x16xf32>
        tpu.vector_store %arg30[%swap3A_1153, %swap3A_1154], %swap3A_1157 {strides = array<i32>} : memref<128x16xf32, #tpu.memory_space<vmem>>, vector<1x16xf32>,
        %add3A_1158 = arith.constant 7 : i32
        %add3A_1159 = arith.addi %mul3A_962, %add3A_1158 : i32
        %get3A_1160 = arith.index_cast %add3A_1159 : i32 to index
        %get3A_1161 = arith.constant 0 : index
        %get3A_1162 = tpu.vector_load %arg28[%get3A_1160, %get3A_1161] {strides = array<i32>} : memref<128x16xf32, #tpu.memory_space<vmem>>, vector<1x16xf32>,
        %get3A_1163 = vector.shape_cast %get3A_1162 : vector<1x16xf32> to vector<16xf32>
        %get3A_1164 = arith.index_cast %add3A_1159 : i32 to index
        %get3A_1165 = arith.constant 0 : index
        %get3A_1166 = tpu.vector_load %arg29[%get3A_1164, %get3A_1165] {strides = array<i32>} : memref<128x16xf32, #tpu.memory_space<vmem>>, vector<1x16xf32>,
        %get3A_1167 = vector.shape_cast %get3A_1166 : vector<1x16xf32> to vector<16xf32>
        %sub3A_1168 = arith.subf %get3A_1163, %get3A_1167 : vector<16xf32>
        %slice3A_1169 = vector.extract_strided_slice %get3A_965 {offsets = [7], sizes = [1], strides = [1]} : vector<16xf32> to vector<1xf32>
        %squeeze3A_1170 = vector.extract %slice3A_1169[0] : f32 from vector<1xf32>
        %mul3A_1171 = vector.broadcast %squeeze3A_1170 : f32 to vector<16xf32>
        %mul3A_1172 = arith.mulf %sub3A_1168, %mul3A_1171 : vector<16xf32>
        %swap3A_1173 = arith.index_cast %add3A_1159 : i32 to index
        %swap3A_1174 = arith.constant 0 : index
        %swap3A_1175 = tpu.vector_load %arg31[%swap3A_1173, %swap3A_1174] {strides = array<i32>} : memref<128x16xf32, #tpu.memory_space<vmem>>, vector<1x16xf32>,
        %swap3A_1176 = vector.shape_cast %swap3A_1175 : vector<1x16xf32> to vector<16xf32>
        %swap3A_1177 = vector.shape_cast %mul3A_1172 : vector<16xf32> to vector<1x16xf32>
        tpu.vector_store %arg31[%swap3A_1173, %swap3A_1174], %swap3A_1177 {strides = array<i32>} : memref<128x16xf32, #tpu.memory_space<vmem>>, vector<1x16xf32>,
        %neg3A_1178 = arith.constant 0.000000e+00 : f32
        %neg3A_1179 = vector.broadcast %neg3A_1178 : f32 to vector<16xf32>
        %neg3A_1180 = arith.subf %neg3A_1179, %mul3A_1172 : vector<16xf32>
        %swap3A_1181 = arith.index_cast %add3A_1159 : i32 to index
        %swap3A_1182 = arith.constant 0 : index
        %swap3A_1183 = tpu.vector_load %arg30[%swap3A_1181, %swap3A_1182] {strides = array<i32>} : memref<128x16xf32, #tpu.memory_space<vmem>>, vector<1x16xf32>,
        %swap3A_1184 = vector.shape_cast %swap3A_1183 : vector<1x16xf32> to vector<16xf32>
        %swap3A_1185 = vector.shape_cast %neg3A_1180 : vector<16xf32> to vector<1x16xf32>
        tpu.vector_store %arg30[%swap3A_1181, %swap3A_1182], %swap3A_1185 {strides = array<i32>} : memref<128x16xf32, #tpu.memory_space<vmem>>, vector<1x16xf32>,
        %add3A_1186 = arith.constant 8 : i32
        %add3A_1187 = arith.addi %mul3A_962, %add3A_1186 : i32
        %get3A_1188 = arith.index_cast %add3A_1187 : i32 to index
        %get3A_1189 = arith.constant 0 : index
        %get3A_1190 = tpu.vector_load %arg28[%get3A_1188, %get3A_1189] {strides = array<i32>} : memref<128x16xf32, #tpu.memory_space<vmem>>, vector<1x16xf32>,
        %get3A_1191 = vector.shape_cast %get3A_1190 : vector<1x16xf32> to vector<16xf32>
        %get3A_1192 = arith.index_cast %add3A_1187 : i32 to index
        %get3A_1193 = arith.constant 0 : index
        %get3A_1194 = tpu.vector_load %arg29[%get3A_1192, %get3A_1193] {strides = array<i32>} : memref<128x16xf32, #tpu.memory_space<vmem>>, vector<1x16xf32>,
        %get3A_1195 = vector.shape_cast %get3A_1194 : vector<1x16xf32> to vector<16xf32>
        %sub3A_1196 = arith.subf %get3A_1191, %get3A_1195 : vector<16xf32>
        %slice3A_1197 = vector.extract_strided_slice %get3A_965 {offsets = [8], sizes = [1], strides = [1]} : vector<16xf32> to vector<1xf32>
        %squeeze3A_1198 = vector.extract %slice3A_1197[0] : f32 from vector<1xf32>
        %mul3A_1199 = vector.broadcast %squeeze3A_1198 : f32 to vector<16xf32>
        %mul3A_1200 = arith.mulf %sub3A_1196, %mul3A_1199 : vector<16xf32>
        %swap3A_1201 = arith.index_cast %add3A_1187 : i32 to index
        %swap3A_1202 = arith.constant 0 : index
        %swap3A_1203 = tpu.vector_load %arg31[%swap3A_1201, %swap3A_1202] {strides = array<i32>} : memref<128x16xf32, #tpu.memory_space<vmem>>, vector<1x16xf32>,
        %swap3A_1204 = vector.shape_cast %swap3A_1203 : vector<1x16xf32> to vector<16xf32>
        %swap3A_1205 = vector.shape_cast %mul3A_1200 : vector<16xf32> to vector<1x16xf32>
        tpu.vector_store %arg31[%swap3A_1201, %swap3A_1202], %swap3A_1205 {strides = array<i32>} : memref<128x16xf32, #tpu.memory_space<vmem>>, vector<1x16xf32>,
        %neg3A_1206 = arith.constant 0.000000e+00 : f32
        %neg3A_1207 = vector.broadcast %neg3A_1206 : f32 to vector<16xf32>
        %neg3A_1208 = arith.subf %neg3A_1207, %mul3A_1200 : vector<16xf32>
        %swap3A_1209 = arith.index_cast %add3A_1187 : i32 to index
        %swap3A_1210 = arith.constant 0 : index
        %swap3A_1211 = tpu.vector_load %arg30[%swap3A_1209, %swap3A_1210] {strides = array<i32>} : memref<128x16xf32, #tpu.memory_space<vmem>>, vector<1x16xf32>,
        %swap3A_1212 = vector.shape_cast %swap3A_1211 : vector<1x16xf32> to vector<16xf32>
        %swap3A_1213 = vector.shape_cast %neg3A_1208 : vector<16xf32> to vector<1x16xf32>
        tpu.vector_store %arg30[%swap3A_1209, %swap3A_1210], %swap3A_1213 {strides = array<i32>} : memref<128x16xf32, #tpu.memory_space<vmem>>, vector<1x16xf32>,
        %add3A_1214 = arith.constant 9 : i32
        %add3A_1215 = arith.addi %mul3A_962, %add3A_1214 : i32
        %get3A_1216 = arith.index_cast %add3A_1215 : i32 to index
        %get3A_1217 = arith.constant 0 : index
        %get3A_1218 = tpu.vector_load %arg28[%get3A_1216, %get3A_1217] {strides = array<i32>} : memref<128x16xf32, #tpu.memory_space<vmem>>, vector<1x16xf32>,
        %get3A_1219 = vector.shape_cast %get3A_1218 : vector<1x16xf32> to vector<16xf32>
        %get3A_1220 = arith.index_cast %add3A_1215 : i32 to index
        %get3A_1221 = arith.constant 0 : index
        %get3A_1222 = tpu.vector_load %arg29[%get3A_1220, %get3A_1221] {strides = array<i32>} : memref<128x16xf32, #tpu.memory_space<vmem>>, vector<1x16xf32>,
        %get3A_1223 = vector.shape_cast %get3A_1222 : vector<1x16xf32> to vector<16xf32>
        %sub3A_1224 = arith.subf %get3A_1219, %get3A_1223 : vector<16xf32>
        %slice3A_1225 = vector.extract_strided_slice %get3A_965 {offsets = [9], sizes = [1], strides = [1]} : vector<16xf32> to vector<1xf32>
        %squeeze3A_1226 = vector.extract %slice3A_1225[0] : f32 from vector<1xf32>
        %mul3A_1227 = vector.broadcast %squeeze3A_1226 : f32 to vector<16xf32>
        %mul3A_1228 = arith.mulf %sub3A_1224, %mul3A_1227 : vector<16xf32>
        %swap3A_1229 = arith.index_cast %add3A_1215 : i32 to index
        %swap3A_1230 = arith.constant 0 : index
        %swap3A_1231 = tpu.vector_load %arg31[%swap3A_1229, %swap3A_1230] {strides = array<i32>} : memref<128x16xf32, #tpu.memory_space<vmem>>, vector<1x16xf32>,
        %swap3A_1232 = vector.shape_cast %swap3A_1231 : vector<1x16xf32> to vector<16xf32>
        %swap3A_1233 = vector.shape_cast %mul3A_1228 : vector<16xf32> to vector<1x16xf32>
        tpu.vector_store %arg31[%swap3A_1229, %swap3A_1230], %swap3A_1233 {strides = array<i32>} : memref<128x16xf32, #tpu.memory_space<vmem>>, vector<1x16xf32>,
        %neg3A_1234 = arith.constant 0.000000e+00 : f32
        %neg3A_1235 = vector.broadcast %neg3A_1234 : f32 to vector<16xf32>
        %neg3A_1236 = arith.subf %neg3A_1235, %mul3A_1228 : vector<16xf32>
        %swap3A_1237 = arith.index_cast %add3A_1215 : i32 to index
        %swap3A_1238 = arith.constant 0 : index
        %swap3A_1239 = tpu.vector_load %arg30[%swap3A_1237, %swap3A_1238] {strides = array<i32>} : memref<128x16xf32, #tpu.memory_space<vmem>>, vector<1x16xf32>,
        %swap3A_1240 = vector.shape_cast %swap3A_1239 : vector<1x16xf32> to vector<16xf32>
        %swap3A_1241 = vector.shape_cast %neg3A_1236 : vector<16xf32> to vector<1x16xf32>
        tpu.vector_store %arg30[%swap3A_1237, %swap3A_1238], %swap3A_1241 {strides = array<i32>} : memref<128x16xf32, #tpu.memory_space<vmem>>, vector<1x16xf32>,
        %add3A_1242 = arith.constant 10 : i32
        %add3A_1243 = arith.addi %mul3A_962, %add3A_1242 : i32
        %get3A_1244 = arith.index_cast %add3A_1243 : i32 to index
        %get3A_1245 = arith.constant 0 : index
        %get3A_1246 = tpu.vector_load %arg28[%get3A_1244, %get3A_1245] {strides = array<i32>} : memref<128x16xf32, #tpu.memory_space<vmem>>, vector<1x16xf32>,
        %get3A_1247 = vector.shape_cast %get3A_1246 : vector<1x16xf32> to vector<16xf32>
        %get3A_1248 = arith.index_cast %add3A_1243 : i32 to index
        %get3A_1249 = arith.constant 0 : index
        %get3A_1250 = tpu.vector_load %arg29[%get3A_1248, %get3A_1249] {strides = array<i32>} : memref<128x16xf32, #tpu.memory_space<vmem>>, vector<1x16xf32>,
        %get3A_1251 = vector.shape_cast %get3A_1250 : vector<1x16xf32> to vector<16xf32>
        %sub3A_1252 = arith.subf %get3A_1247, %get3A_1251 : vector<16xf32>
        %slice3A_1253 = vector.extract_strided_slice %get3A_965 {offsets = [10], sizes = [1], strides = [1]} : vector<16xf32> to vector<1xf32>
        %squeeze3A_1254 = vector.extract %slice3A_1253[0] : f32 from vector<1xf32>
        %mul3A_1255 = vector.broadcast %squeeze3A_1254 : f32 to vector<16xf32>
        %mul3A_1256 = arith.mulf %sub3A_1252, %mul3A_1255 : vector<16xf32>
        %swap3A_1257 = arith.index_cast %add3A_1243 : i32 to index
        %swap3A_1258 = arith.constant 0 : index
        %swap3A_1259 = tpu.vector_load %arg31[%swap3A_1257, %swap3A_1258] {strides = array<i32>} : memref<128x16xf32, #tpu.memory_space<vmem>>, vector<1x16xf32>,
        %swap3A_1260 = vector.shape_cast %swap3A_1259 : vector<1x16xf32> to vector<16xf32>
        %swap3A_1261 = vector.shape_cast %mul3A_1256 : vector<16xf32> to vector<1x16xf32>
        tpu.vector_store %arg31[%swap3A_1257, %swap3A_1258], %swap3A_1261 {strides = array<i32>} : memref<128x16xf32, #tpu.memory_space<vmem>>, vector<1x16xf32>,
        %neg3A_1262 = arith.constant 0.000000e+00 : f32
        %neg3A_1263 = vector.broadcast %neg3A_1262 : f32 to vector<16xf32>
        %neg3A_1264 = arith.subf %neg3A_1263, %mul3A_1256 : vector<16xf32>
        %swap3A_1265 = arith.index_cast %add3A_1243 : i32 to index
        %swap3A_1266 = arith.constant 0 : index
        %swap3A_1267 = tpu.vector_load %arg30[%swap3A_1265, %swap3A_1266] {strides = array<i32>} : memref<128x16xf32, #tpu.memory_space<vmem>>, vector<1x16xf32>,
        %swap3A_1268 = vector.shape_cast %swap3A_1267 : vector<1x16xf32> to vector<16xf32>
        %swap3A_1269 = vector.shape_cast %neg3A_1264 : vector<16xf32> to vector<1x16xf32>
        tpu.vector_store %arg30[%swap3A_1265, %swap3A_1266], %swap3A_1269 {strides = array<i32>} : memref<128x16xf32, #tpu.memory_space<vmem>>, vector<1x16xf32>,
        %add3A_1270 = arith.constant 11 : i32
        %add3A_1271 = arith.addi %mul3A_962, %add3A_1270 : i32
        %get3A_1272 = arith.index_cast %add3A_1271 : i32 to index
        %get3A_1273 = arith.constant 0 : index
        %get3A_1274 = tpu.vector_load %arg28[%get3A_1272, %get3A_1273] {strides = array<i32>} : memref<128x16xf32, #tpu.memory_space<vmem>>, vector<1x16xf32>,
        %get3A_1275 = vector.shape_cast %get3A_1274 : vector<1x16xf32> to vector<16xf32>
        %get3A_1276 = arith.index_cast %add3A_1271 : i32 to index
        %get3A_1277 = arith.constant 0 : index
        %get3A_1278 = tpu.vector_load %arg29[%get3A_1276, %get3A_1277] {strides = array<i32>} : memref<128x16xf32, #tpu.memory_space<vmem>>, vector<1x16xf32>,
        %get3A_1279 = vector.shape_cast %get3A_1278 : vector<1x16xf32> to vector<16xf32>
        %sub3A_1280 = arith.subf %get3A_1275, %get3A_1279 : vector<16xf32>
        %slice3A_1281 = vector.extract_strided_slice %get3A_965 {offsets = [11], sizes = [1], strides = [1]} : vector<16xf32> to vector<1xf32>
        %squeeze3A_1282 = vector.extract %slice3A_1281[0] : f32 from vector<1xf32>
        %mul3A_1283 = vector.broadcast %squeeze3A_1282 : f32 to vector<16xf32>
        %mul3A_1284 = arith.mulf %sub3A_1280, %mul3A_1283 : vector<16xf32>
        %swap3A_1285 = arith.index_cast %add3A_1271 : i32 to index
        %swap3A_1286 = arith.constant 0 : index
        %swap3A_1287 = tpu.vector_load %arg31[%swap3A_1285, %swap3A_1286] {strides = array<i32>} : memref<128x16xf32, #tpu.memory_space<vmem>>, vector<1x16xf32>,
        %swap3A_1288 = vector.shape_cast %swap3A_1287 : vector<1x16xf32> to vector<16xf32>
        %swap3A_1289 = vector.shape_cast %mul3A_1284 : vector<16xf32> to vector<1x16xf32>
        tpu.vector_store %arg31[%swap3A_1285, %swap3A_1286], %swap3A_1289 {strides = array<i32>} : memref<128x16xf32, #tpu.memory_space<vmem>>, vector<1x16xf32>,
        %neg3A_1290 = arith.constant 0.000000e+00 : f32
        %neg3A_1291 = vector.broadcast %neg3A_1290 : f32 to vector<16xf32>
        %neg3A_1292 = arith.subf %neg3A_1291, %mul3A_1284 : vector<16xf32>
        %swap3A_1293 = arith.index_cast %add3A_1271 : i32 to index
        %swap3A_1294 = arith.constant 0 : index
        %swap3A_1295 = tpu.vector_load %arg30[%swap3A_1293, %swap3A_1294] {strides = array<i32>} : memref<128x16xf32, #tpu.memory_space<vmem>>, vector<1x16xf32>,
        %swap3A_1296 = vector.shape_cast %swap3A_1295 : vector<1x16xf32> to vector<16xf32>
        %swap3A_1297 = vector.shape_cast %neg3A_1292 : vector<16xf32> to vector<1x16xf32>
        tpu.vector_store %arg30[%swap3A_1293, %swap3A_1294], %swap3A_1297 {strides = array<i32>} : memref<128x16xf32, #tpu.memory_space<vmem>>, vector<1x16xf32>,
        %add3A_1298 = arith.constant 12 : i32
        %add3A_1299 = arith.addi %mul3A_962, %add3A_1298 : i32
        %get3A_1300 = arith.index_cast %add3A_1299 : i32 to index
        %get3A_1301 = arith.constant 0 : index
        %get3A_1302 = tpu.vector_load %arg28[%get3A_1300, %get3A_1301] {strides = array<i32>} : memref<128x16xf32, #tpu.memory_space<vmem>>, vector<1x16xf32>,
        %get3A_1303 = vector.shape_cast %get3A_1302 : vector<1x16xf32> to vector<16xf32>
        %get3A_1304 = arith.index_cast %add3A_1299 : i32 to index
        %get3A_1305 = arith.constant 0 : index
        %get3A_1306 = tpu.vector_load %arg29[%get3A_1304, %get3A_1305] {strides = array<i32>} : memref<128x16xf32, #tpu.memory_space<vmem>>, vector<1x16xf32>,
        %get3A_1307 = vector.shape_cast %get3A_1306 : vector<1x16xf32> to vector<16xf32>
        %sub3A_1308 = arith.subf %get3A_1303, %get3A_1307 : vector<16xf32>
        %slice3A_1309 = vector.extract_strided_slice %get3A_965 {offsets = [12], sizes = [1], strides = [1]} : vector<16xf32> to vector<1xf32>
        %squeeze3A_1310 = vector.extract %slice3A_1309[0] : f32 from vector<1xf32>
        %mul3A_1311 = vector.broadcast %squeeze3A_1310 : f32 to vector<16xf32>
        %mul3A_1312 = arith.mulf %sub3A_1308, %mul3A_1311 : vector<16xf32>
        %swap3A_1313 = arith.index_cast %add3A_1299 : i32 to index
        %swap3A_1314 = arith.constant 0 : index
        %swap3A_1315 = tpu.vector_load %arg31[%swap3A_1313, %swap3A_1314] {strides = array<i32>} : memref<128x16xf32, #tpu.memory_space<vmem>>, vector<1x16xf32>,
        %swap3A_1316 = vector.shape_cast %swap3A_1315 : vector<1x16xf32> to vector<16xf32>
        %swap3A_1317 = vector.shape_cast %mul3A_1312 : vector<16xf32> to vector<1x16xf32>
        tpu.vector_store %arg31[%swap3A_1313, %swap3A_1314], %swap3A_1317 {strides = array<i32>} : memref<128x16xf32, #tpu.memory_space<vmem>>, vector<1x16xf32>,
        %neg3A_1318 = arith.constant 0.000000e+00 : f32
        %neg3A_1319 = vector.broadcast %neg3A_1318 : f32 to vector<16xf32>
        %neg3A_1320 = arith.subf %neg3A_1319, %mul3A_1312 : vector<16xf32>
        %swap3A_1321 = arith.index_cast %add3A_1299 : i32 to index
        %swap3A_1322 = arith.constant 0 : index
        %swap3A_1323 = tpu.vector_load %arg30[%swap3A_1321, %swap3A_1322] {strides = array<i32>} : memref<128x16xf32, #tpu.memory_space<vmem>>, vector<1x16xf32>,
        %swap3A_1324 = vector.shape_cast %swap3A_1323 : vector<1x16xf32> to vector<16xf32>
        %swap3A_1325 = vector.shape_cast %neg3A_1320 : vector<16xf32> to vector<1x16xf32>
        tpu.vector_store %arg30[%swap3A_1321, %swap3A_1322], %swap3A_1325 {strides = array<i32>} : memref<128x16xf32, #tpu.memory_space<vmem>>, vector<1x16xf32>,
        %add3A_1326 = arith.constant 13 : i32
        %add3A_1327 = arith.addi %mul3A_962, %add3A_1326 : i32
        %get3A_1328 = arith.index_cast %add3A_1327 : i32 to index
        %get3A_1329 = arith.constant 0 : index
        %get3A_1330 = tpu.vector_load %arg28[%get3A_1328, %get3A_1329] {strides = array<i32>} : memref<128x16xf32, #tpu.memory_space<vmem>>, vector<1x16xf32>,
        %get3A_1331 = vector.shape_cast %get3A_1330 : vector<1x16xf32> to vector<16xf32>
        %get3A_1332 = arith.index_cast %add3A_1327 : i32 to index
        %get3A_1333 = arith.constant 0 : index
        %get3A_1334 = tpu.vector_load %arg29[%get3A_1332, %get3A_1333] {strides = array<i32>} : memref<128x16xf32, #tpu.memory_space<vmem>>, vector<1x16xf32>,
        %get3A_1335 = vector.shape_cast %get3A_1334 : vector<1x16xf32> to vector<16xf32>
        %sub3A_1336 = arith.subf %get3A_1331, %get3A_1335 : vector<16xf32>
        %slice3A_1337 = vector.extract_strided_slice %get3A_965 {offsets = [13], sizes = [1], strides = [1]} : vector<16xf32> to vector<1xf32>
        %squeeze3A_1338 = vector.extract %slice3A_1337[0] : f32 from vector<1xf32>
        %mul3A_1339 = vector.broadcast %squeeze3A_1338 : f32 to vector<16xf32>
        %mul3A_1340 = arith.mulf %sub3A_1336, %mul3A_1339 : vector<16xf32>
        %swap3A_1341 = arith.index_cast %add3A_1327 : i32 to index
        %swap3A_1342 = arith.constant 0 : index
        %swap3A_1343 = tpu.vector_load %arg31[%swap3A_1341, %swap3A_1342] {strides = array<i32>} : memref<128x16xf32, #tpu.memory_space<vmem>>, vector<1x16xf32>,
        %swap3A_1344 = vector.shape_cast %swap3A_1343 : vector<1x16xf32> to vector<16xf32>
        %swap3A_1345 = vector.shape_cast %mul3A_1340 : vector<16xf32> to vector<1x16xf32>
        tpu.vector_store %arg31[%swap3A_1341, %swap3A_1342], %swap3A_1345 {strides = array<i32>} : memref<128x16xf32, #tpu.memory_space<vmem>>, vector<1x16xf32>,
        %neg3A_1346 = arith.constant 0.000000e+00 : f32
        %neg3A_1347 = vector.broadcast %neg3A_1346 : f32 to vector<16xf32>
        %neg3A_1348 = arith.subf %neg3A_1347, %mul3A_1340 : vector<16xf32>
        %swap3A_1349 = arith.index_cast %add3A_1327 : i32 to index
        %swap3A_1350 = arith.constant 0 : index
        %swap3A_1351 = tpu.vector_load %arg30[%swap3A_1349, %swap3A_1350] {strides = array<i32>} : memref<128x16xf32, #tpu.memory_space<vmem>>, vector<1x16xf32>,
        %swap3A_1352 = vector.shape_cast %swap3A_1351 : vector<1x16xf32> to vector<16xf32>
        %swap3A_1353 = vector.shape_cast %neg3A_1348 : vector<16xf32> to vector<1x16xf32>
        tpu.vector_store %arg30[%swap3A_1349, %swap3A_1350], %swap3A_1353 {strides = array<i32>} : memref<128x16xf32, #tpu.memory_space<vmem>>, vector<1x16xf32>,
        %add3A_1354 = arith.constant 14 : i32
        %add3A_1355 = arith.addi %mul3A_962, %add3A_1354 : i32
        %get3A_1356 = arith.index_cast %add3A_1355 : i32 to index
        %get3A_1357 = arith.constant 0 : index
        %get3A_1358 = tpu.vector_load %arg28[%get3A_1356, %get3A_1357] {strides = array<i32>} : memref<128x16xf32, #tpu.memory_space<vmem>>, vector<1x16xf32>,
        %get3A_1359 = vector.shape_cast %get3A_1358 : vector<1x16xf32> to vector<16xf32>
        %get3A_1360 = arith.index_cast %add3A_1355 : i32 to index
        %get3A_1361 = arith.constant 0 : index
        %get3A_1362 = tpu.vector_load %arg29[%get3A_1360, %get3A_1361] {strides = array<i32>} : memref<128x16xf32, #tpu.memory_space<vmem>>, vector<1x16xf32>,
        %get3A_1363 = vector.shape_cast %get3A_1362 : vector<1x16xf32> to vector<16xf32>
        %sub3A_1364 = arith.subf %get3A_1359, %get3A_1363 : vector<16xf32>
        %slice3A_1365 = vector.extract_strided_slice %get3A_965 {offsets = [14], sizes = [1], strides = [1]} : vector<16xf32> to vector<1xf32>
        %squeeze3A_1366 = vector.extract %slice3A_1365[0] : f32 from vector<1xf32>
        %mul3A_1367 = vector.broadcast %squeeze3A_1366 : f32 to vector<16xf32>
        %mul3A_1368 = arith.mulf %sub3A_1364, %mul3A_1367 : vector<16xf32>
        %swap3A_1369 = arith.index_cast %add3A_1355 : i32 to index
        %swap3A_1370 = arith.constant 0 : index
        %swap3A_1371 = tpu.vector_load %arg31[%swap3A_1369, %swap3A_1370] {strides = array<i32>} : memref<128x16xf32, #tpu.memory_space<vmem>>, vector<1x16xf32>,
        %swap3A_1372 = vector.shape_cast %swap3A_1371 : vector<1x16xf32> to vector<16xf32>
        %swap3A_1373 = vector.shape_cast %mul3A_1368 : vector<16xf32> to vector<1x16xf32>
        tpu.vector_store %arg31[%swap3A_1369, %swap3A_1370], %swap3A_1373 {strides = array<i32>} : memref<128x16xf32, #tpu.memory_space<vmem>>, vector<1x16xf32>,
        %neg3A_1374 = arith.constant 0.000000e+00 : f32
        %neg3A_1375 = vector.broadcast %neg3A_1374 : f32 to vector<16xf32>
        %neg3A_1376 = arith.subf %neg3A_1375, %mul3A_1368 : vector<16xf32>
        %swap3A_1377 = arith.index_cast %add3A_1355 : i32 to index
        %swap3A_1378 = arith.constant 0 : index
        %swap3A_1379 = tpu.vector_load %arg30[%swap3A_1377, %swap3A_1378] {strides = array<i32>} : memref<128x16xf32, #tpu.memory_space<vmem>>, vector<1x16xf32>,
        %swap3A_1380 = vector.shape_cast %swap3A_1379 : vector<1x16xf32> to vector<16xf32>
        %swap3A_1381 = vector.shape_cast %neg3A_1376 : vector<16xf32> to vector<1x16xf32>
        tpu.vector_store %arg30[%swap3A_1377, %swap3A_1378], %swap3A_1381 {strides = array<i32>} : memref<128x16xf32, #tpu.memory_space<vmem>>, vector<1x16xf32>,
        %add3A_1382 = arith.constant 15 : i32
        %add3A_1383 = arith.addi %mul3A_962, %add3A_1382 : i32
        %get3A_1384 = arith.index_cast %add3A_1383 : i32 to index
        %get3A_1385 = arith.constant 0 : index
        %get3A_1386 = tpu.vector_load %arg28[%get3A_1384, %get3A_1385] {strides = array<i32>} : memref<128x16xf32, #tpu.memory_space<vmem>>, vector<1x16xf32>,
        %get3A_1387 = vector.shape_cast %get3A_1386 : vector<1x16xf32> to vector<16xf32>
        %get3A_1388 = arith.index_cast %add3A_1383 : i32 to index
        %get3A_1389 = arith.constant 0 : index
        %get3A_1390 = tpu.vector_load %arg29[%get3A_1388, %get3A_1389] {strides = array<i32>} : memref<128x16xf32, #tpu.memory_space<vmem>>, vector<1x16xf32>,
        %get3A_1391 = vector.shape_cast %get3A_1390 : vector<1x16xf32> to vector<16xf32>
        %sub3A_1392 = arith.subf %get3A_1387, %get3A_1391 : vector<16xf32>
        %slice3A_1393 = vector.extract_strided_slice %get3A_965 {offsets = [15], sizes = [1], strides = [1]} : vector<16xf32> to vector<1xf32>
        %squeeze3A_1394 = vector.extract %slice3A_1393[0] : f32 from vector<1xf32>
        %mul3A_1395 = vector.broadcast %squeeze3A_1394 : f32 to vector<16xf32>
        %mul3A_1396 = arith.mulf %sub3A_1392, %mul3A_1395 : vector<16xf32>
        %swap3A_1397 = arith.index_cast %add3A_1383 : i32 to index
        %swap3A_1398 = arith.constant 0 : index
        %swap3A_1399 = tpu.vector_load %arg31[%swap3A_1397, %swap3A_1398] {strides = array<i32>} : memref<128x16xf32, #tpu.memory_space<vmem>>, vector<1x16xf32>,
        %swap3A_1400 = vector.shape_cast %swap3A_1399 : vector<1x16xf32> to vector<16xf32>
        %swap3A_1401 = vector.shape_cast %mul3A_1396 : vector<16xf32> to vector<1x16xf32>
        tpu.vector_store %arg31[%swap3A_1397, %swap3A_1398], %swap3A_1401 {strides = array<i32>} : memref<128x16xf32, #tpu.memory_space<vmem>>, vector<1x16xf32>,
        %neg3A_1402 = arith.constant 0.000000e+00 : f32
        %neg3A_1403 = vector.broadcast %neg3A_1402 : f32 to vector<16xf32>
        %neg3A_1404 = arith.subf %neg3A_1403, %mul3A_1396 : vector<16xf32>
        %swap3A_1405 = arith.index_cast %add3A_1383 : i32 to index
        %swap3A_1406 = arith.constant 0 : index
        %swap3A_1407 = tpu.vector_load %arg30[%swap3A_1405, %swap3A_1406] {strides = array<i32>} : memref<128x16xf32, #tpu.memory_space<vmem>>, vector<1x16xf32>,
        %swap3A_1408 = vector.shape_cast %swap3A_1407 : vector<1x16xf32> to vector<16xf32>
        %swap3A_1409 = vector.shape_cast %neg3A_1404 : vector<16xf32> to vector<1x16xf32>
        tpu.vector_store %arg30[%swap3A_1405, %swap3A_1406], %swap3A_1409 {strides = array<i32>} : memref<128x16xf32, #tpu.memory_space<vmem>>, vector<1x16xf32>,
        %scan3A_1410 = arith.constant 0 : i32
        scf.yield %scan3A_1410 : i32
      }
      %scan3A_952 = arith.constant 8 : i32
      %dma_start3A_953 = arith.constant 0 : i32
      %dma_start3A_954 = arith.constant 0 : i32
      %dma_start3A_955 = tpu.memref_slice %arg32[%dma_start3A_953, %dma_start3A_954] : memref<100096x16xf32, #tpu.memory_space<vmem_shared>> -> memref<100096x16xf32, #tpu.memory_space<vmem_shared>>
      tpu.enqueue_indirect_dma source(%arg30 : memref<128x16xf32, #tpu.memory_space<vmem>>) target(%dma_start3A_955 : memref<100096x16xf32, #tpu.memory_space<vmem_shared>>) offsets(%arg25 : memref<128xi32, #tpu.memory_space<vmem>>) semaphore(%arg38 : memref<!tpu.dma_semaphore, #tpu.memory_space<semaphore_mem>>) {add = true}
      %dma_start3A_956 = arith.constant 0 : i32
      %dma_start3A_957 = arith.constant 0 : i32
      %dma_start3A_958 = tpu.memref_slice %arg32[%dma_start3A_956, %dma_start3A_957] : memref<100096x16xf32, #tpu.memory_space<vmem_shared>> -> memref<100096x16xf32, #tpu.memory_space<vmem_shared>>
      tpu.enqueue_indirect_dma source(%arg31 : memref<128x16xf32, #tpu.memory_space<vmem>>) target(%dma_start3A_958 : memref<100096x16xf32, #tpu.memory_space<vmem_shared>>) offsets(%arg26 : memref<128xi32, #tpu.memory_space<vmem>>) semaphore(%arg38 : memref<!tpu.dma_semaphore, #tpu.memory_space<semaphore_mem>>) {add = true}
    }
    %scan3A_296 = arith.constant 390 : i32
    %dma_wait3A_297 = arith.constant 0 : i32
    %dma_wait3A_298 = arith.constant 0 : i32
    %dma_wait3A_299 = tpu.memref_slice %arg32[%dma_wait3A_297, %dma_wait3A_298] : memref<100096x16xf32, #tpu.memory_space<vmem_shared>> -> memref<100096x16xf32, #tpu.memory_space<vmem_shared>>
    tpu.wait_indirect_dma semaphore(%arg37 : memref<!tpu.dma_semaphore, #tpu.memory_space<semaphore_mem>>) src(%arg18 : memref<128x16xf32, #tpu.memory_space<vmem>>) dst(%dma_wait3A_299 : memref<100096x16xf32, #tpu.memory_space<vmem_shared>>)
    %dma_wait3A_300 = arith.constant 0 : i32
    %dma_wait3A_301 = arith.constant 0 : i32
    %dma_wait3A_302 = tpu.memref_slice %arg32[%dma_wait3A_300, %dma_wait3A_301] : memref<100096x16xf32, #tpu.memory_space<vmem_shared>> -> memref<100096x16xf32, #tpu.memory_space<vmem_shared>>
    tpu.wait_indirect_dma semaphore(%arg37 : memref<!tpu.dma_semaphore, #tpu.memory_space<semaphore_mem>>) src(%arg19 : memref<128x16xf32, #tpu.memory_space<vmem>>) dst(%dma_wait3A_302 : memref<100096x16xf32, #tpu.memory_space<vmem_shared>>)
    %dma_wait3A_303 = arith.constant 0 : i32
    %dma_wait3A_304 = arith.constant 0 : i32
    %dma_wait3A_305 = tpu.memref_slice %arg32[%dma_wait3A_303, %dma_wait3A_304] : memref<100096x16xf32, #tpu.memory_space<vmem_shared>> -> memref<100096x16xf32, #tpu.memory_space<vmem_shared>>
    tpu.wait_indirect_dma semaphore(%arg38 : memref<!tpu.dma_semaphore, #tpu.memory_space<semaphore_mem>>) src(%arg30 : memref<128x16xf32, #tpu.memory_space<vmem>>) dst(%dma_wait3A_305 : memref<100096x16xf32, #tpu.memory_space<vmem_shared>>)
    %dma_wait3A_306 = arith.constant 0 : i32
    %dma_wait3A_307 = arith.constant 0 : i32
    %dma_wait3A_308 = tpu.memref_slice %arg32[%dma_wait3A_306, %dma_wait3A_307] : memref<100096x16xf32, #tpu.memory_space<vmem_shared>> -> memref<100096x16xf32, #tpu.memory_space<vmem_shared>>
    tpu.wait_indirect_dma semaphore(%arg38 : memref<!tpu.dma_semaphore, #tpu.memory_space<semaphore_mem>>) src(%arg31 : memref<128x16xf32, #tpu.memory_space<vmem>>) dst(%dma_wait3A_308 : memref<100096x16xf32, #tpu.memory_space<vmem_shared>>)
    %add3A_309 = arith.constant 99840 : i32
    %add3A_310 = arith.addi %mul3A_4, %add3A_309 : i32
    %dma_start3A_311 = tpu.memref_slice %arg2[%add3A_310] : memref<1600000xi32, #tpu.memory_space<hbm>> -> memref<128xi32, #tpu.memory_space<hbm>>
    %dma_start3A_312 = tpu.memref_slice %arg2[%add3A_310] : memref<1600000xi32, #tpu.memory_space<hbm>> -> memref<128xi32, #tpu.memory_space<hbm>>
    tpu.enqueue_dma source(%dma_start3A_312 : memref<128xi32, #tpu.memory_space<hbm>>) target(%arg8 : memref<128xi32, #tpu.memory_space<vmem>>) target_semaphore(%arg33 : memref<!tpu.dma_semaphore, #tpu.memory_space<semaphore_mem>>)
    %dma_start3A_313 = tpu.memref_slice %arg3[%add3A_310] : memref<1600000xi32, #tpu.memory_space<hbm>> -> memref<128xi32, #tpu.memory_space<hbm>>
    %dma_start3A_314 = tpu.memref_slice %arg3[%add3A_310] : memref<1600000xi32, #tpu.memory_space<hbm>> -> memref<128xi32, #tpu.memory_space<hbm>>
    tpu.enqueue_dma source(%dma_start3A_314 : memref<128xi32, #tpu.memory_space<hbm>>) target(%arg9 : memref<128xi32, #tpu.memory_space<vmem>>) target_semaphore(%arg33 : memref<!tpu.dma_semaphore, #tpu.memory_space<semaphore_mem>>)
    %dma_start3A_315 = tpu.memref_slice %arg4[%add3A_310] : memref<1600000xf32, #tpu.memory_space<hbm>> -> memref<128xf32, #tpu.memory_space<hbm>>
    %dma_start3A_316 = tpu.memref_slice %arg4[%add3A_310] : memref<1600000xf32, #tpu.memory_space<hbm>> -> memref<128xf32, #tpu.memory_space<hbm>>
    tpu.enqueue_dma source(%dma_start3A_316 : memref<128xf32, #tpu.memory_space<hbm>>) target(%arg10 : memref<128xf32, #tpu.memory_space<vmem>>) target_semaphore(%arg33 : memref<!tpu.dma_semaphore, #tpu.memory_space<semaphore_mem>>)
    %dma_wait3A_317 = tpu.memref_slice %arg2[%add3A_310] : memref<1600000xi32, #tpu.memory_space<hbm>> -> memref<128xi32, #tpu.memory_space<hbm>>
    %dma_wait3A_318 = tpu.memref_slice %arg2[%add3A_310] : memref<1600000xi32, #tpu.memory_space<hbm>> -> memref<128xi32, #tpu.memory_space<hbm>>
    tpu.wait_dma2 semaphore(%arg33 : memref<!tpu.dma_semaphore, #tpu.memory_space<semaphore_mem>>) src(%dma_wait3A_318 : memref<128xi32, #tpu.memory_space<hbm>>) dst(%arg8 : memref<128xi32, #tpu.memory_space<vmem>>)
    %dma_wait3A_319 = tpu.memref_slice %arg3[%add3A_310] : memref<1600000xi32, #tpu.memory_space<hbm>> -> memref<128xi32, #tpu.memory_space<hbm>>
    %dma_wait3A_320 = tpu.memref_slice %arg3[%add3A_310] : memref<1600000xi32, #tpu.memory_space<hbm>> -> memref<128xi32, #tpu.memory_space<hbm>>
    tpu.wait_dma2 semaphore(%arg33 : memref<!tpu.dma_semaphore, #tpu.memory_space<semaphore_mem>>) src(%dma_wait3A_320 : memref<128xi32, #tpu.memory_space<hbm>>) dst(%arg9 : memref<128xi32, #tpu.memory_space<vmem>>)
    %dma_wait3A_321 = tpu.memref_slice %arg4[%add3A_310] : memref<1600000xf32, #tpu.memory_space<hbm>> -> memref<128xf32, #tpu.memory_space<hbm>>
    %dma_wait3A_322 = tpu.memref_slice %arg4[%add3A_310] : memref<1600000xf32, #tpu.memory_space<hbm>> -> memref<128xf32, #tpu.memory_space<hbm>>
    tpu.wait_dma2 semaphore(%arg33 : memref<!tpu.dma_semaphore, #tpu.memory_space<semaphore_mem>>) src(%dma_wait3A_322 : memref<128xf32, #tpu.memory_space<hbm>>) dst(%arg10 : memref<128xf32, #tpu.memory_space<vmem>>)
    %get3A_323 = arith.constant 0 : index
    %get3A_324 = tpu.vector_load %arg8[%get3A_323] {strides = array<i32>} : memref<128xi32, #tpu.memory_space<vmem>>, vector<16xi32>,
    %get3A_325 = vector.shape_cast %get3A_324 : vector<16xi32> to vector<16xi32>
    %get3A_326 = arith.constant 0 : index
    %get3A_327 = tpu.vector_load %arg9[%get3A_326] {strides = array<i32>} : memref<128xi32, #tpu.memory_space<vmem>>, vector<16xi32>,
    %get3A_328 = vector.shape_cast %get3A_327 : vector<16xi32> to vector<16xi32>
    %add3A_329 = vector.broadcast %mul3A_0 : i32 to vector<16xi32>
    %add3A_330 = arith.addi %get3A_325, %add3A_329 : vector<16xi32>
    %swap3A_331 = arith.constant 0 : index
    %swap3A_332 = tpu.vector_load %arg11[%swap3A_331] {strides = array<i32>} : memref<128xi32, #tpu.memory_space<vmem>>, vector<16xi32>,
    %swap3A_333 = vector.shape_cast %swap3A_332 : vector<16xi32> to vector<16xi32>
    %swap3A_334 = vector.shape_cast %add3A_330 : vector<16xi32> to vector<16xi32>
    tpu.vector_store %arg11[%swap3A_331], %swap3A_334 {strides = array<i32>} : memref<128xi32, #tpu.memory_space<vmem>>, vector<16xi32>,
    %add3A_335 = vector.broadcast %mul3A_0 : i32 to vector<16xi32>
    %add3A_336 = arith.addi %get3A_328, %add3A_335 : vector<16xi32>
    %swap3A_337 = arith.constant 0 : index
    %swap3A_338 = tpu.vector_load %arg12[%swap3A_337] {strides = array<i32>} : memref<128xi32, #tpu.memory_space<vmem>>, vector<16xi32>,
    %swap3A_339 = vector.shape_cast %swap3A_338 : vector<16xi32> to vector<16xi32>
    %swap3A_340 = vector.shape_cast %add3A_336 : vector<16xi32> to vector<16xi32>
    tpu.vector_store %arg12[%swap3A_337], %swap3A_340 {strides = array<i32>} : memref<128xi32, #tpu.memory_space<vmem>>, vector<16xi32>,
    %swap3A_341 = arith.constant 0 : index
    %swap3A_342 = tpu.vector_load %arg13[%swap3A_341] {strides = array<i32>} : memref<128xi32, #tpu.memory_space<vmem>>, vector<16xi32>,
    %swap3A_343 = vector.shape_cast %swap3A_342 : vector<16xi32> to vector<16xi32>
    %swap3A_344 = vector.shape_cast %get3A_325 : vector<16xi32> to vector<16xi32>
    tpu.vector_store %arg13[%swap3A_341], %swap3A_344 {strides = array<i32>} : memref<128xi32, #tpu.memory_space<vmem>>, vector<16xi32>,
    %swap3A_345 = arith.constant 0 : index
    %swap3A_346 = tpu.vector_load %arg14[%swap3A_345] {strides = array<i32>} : memref<128xi32, #tpu.memory_space<vmem>>, vector<16xi32>,
    %swap3A_347 = vector.shape_cast %swap3A_346 : vector<16xi32> to vector<16xi32>
    %swap3A_348 = vector.shape_cast %get3A_328 : vector<16xi32> to vector<16xi32>
    tpu.vector_store %arg14[%swap3A_345], %swap3A_348 {strides = array<i32>} : memref<128xi32, #tpu.memory_space<vmem>>, vector<16xi32>,
    %get3A_349 = arith.constant 0 : index
    %get3A_350 = tpu.vector_load %arg10[%get3A_349] {strides = array<i32>} : memref<128xf32, #tpu.memory_space<vmem>>, vector<16xf32>,
    %get3A_351 = vector.shape_cast %get3A_350 : vector<16xf32> to vector<16xf32>
    %swap3A_352 = arith.constant 0 : index
    %swap3A_353 = tpu.vector_load %arg15[%swap3A_352] {strides = array<i32>} : memref<128xf32, #tpu.memory_space<vmem>>, vector<16xf32>,
    %swap3A_354 = vector.shape_cast %swap3A_353 : vector<16xf32> to vector<16xf32>
    %swap3A_355 = vector.shape_cast %get3A_351 : vector<16xf32> to vector<16xf32>
    tpu.vector_store %arg15[%swap3A_352], %swap3A_355 {strides = array<i32>} : memref<128xf32, #tpu.memory_space<vmem>>, vector<16xf32>,
    %get3A_356 = arith.constant 16 : index
    %get3A_357 = tpu.vector_load %arg8[%get3A_356] {strides = array<i32>} : memref<128xi32, #tpu.memory_space<vmem>>, vector<16xi32>,
    %get3A_358 = vector.shape_cast %get3A_357 : vector<16xi32> to vector<16xi32>
    %get3A_359 = arith.constant 16 : index
    %get3A_360 = tpu.vector_load %arg9[%get3A_359] {strides = array<i32>} : memref<128xi32, #tpu.memory_space<vmem>>, vector<16xi32>,
    %get3A_361 = vector.shape_cast %get3A_360 : vector<16xi32> to vector<16xi32>
    %add3A_362 = vector.broadcast %mul3A_0 : i32 to vector<16xi32>
    %add3A_363 = arith.addi %get3A_358, %add3A_362 : vector<16xi32>
    %swap3A_364 = arith.constant 16 : index
    %swap3A_365 = tpu.vector_load %arg11[%swap3A_364] {strides = array<i32>} : memref<128xi32, #tpu.memory_space<vmem>>, vector<16xi32>,
    %swap3A_366 = vector.shape_cast %swap3A_365 : vector<16xi32> to vector<16xi32>
    %swap3A_367 = vector.shape_cast %add3A_363 : vector<16xi32> to vector<16xi32>
    tpu.vector_store %arg11[%swap3A_364], %swap3A_367 {strides = array<i32>} : memref<128xi32, #tpu.memory_space<vmem>>, vector<16xi32>,
    %add3A_368 = vector.broadcast %mul3A_0 : i32 to vector<16xi32>
    %add3A_369 = arith.addi %get3A_361, %add3A_368 : vector<16xi32>
    %swap3A_370 = arith.constant 16 : index
    %swap3A_371 = tpu.vector_load %arg12[%swap3A_370] {strides = array<i32>} : memref<128xi32, #tpu.memory_space<vmem>>, vector<16xi32>,
    %swap3A_372 = vector.shape_cast %swap3A_371 : vector<16xi32> to vector<16xi32>
    %swap3A_373 = vector.shape_cast %add3A_369 : vector<16xi32> to vector<16xi32>
    tpu.vector_store %arg12[%swap3A_370], %swap3A_373 {strides = array<i32>} : memref<128xi32, #tpu.memory_space<vmem>>, vector<16xi32>,
    %swap3A_374 = arith.constant 16 : index
    %swap3A_375 = tpu.vector_load %arg13[%swap3A_374] {strides = array<i32>} : memref<128xi32, #tpu.memory_space<vmem>>, vector<16xi32>,
    %swap3A_376 = vector.shape_cast %swap3A_375 : vector<16xi32> to vector<16xi32>
    %swap3A_377 = vector.shape_cast %get3A_358 : vector<16xi32> to vector<16xi32>
    tpu.vector_store %arg13[%swap3A_374], %swap3A_377 {strides = array<i32>} : memref<128xi32, #tpu.memory_space<vmem>>, vector<16xi32>,
    %swap3A_378 = arith.constant 16 : index
    %swap3A_379 = tpu.vector_load %arg14[%swap3A_378] {strides = array<i32>} : memref<128xi32, #tpu.memory_space<vmem>>, vector<16xi32>,
    %swap3A_380 = vector.shape_cast %swap3A_379 : vector<16xi32> to vector<16xi32>
    %swap3A_381 = vector.shape_cast %get3A_361 : vector<16xi32> to vector<16xi32>
    tpu.vector_store %arg14[%swap3A_378], %swap3A_381 {strides = array<i32>} : memref<128xi32, #tpu.memory_space<vmem>>, vector<16xi32>,
    %get3A_382 = arith.constant 16 : index
    %get3A_383 = tpu.vector_load %arg10[%get3A_382] {strides = array<i32>} : memref<128xf32, #tpu.memory_space<vmem>>, vector<16xf32>,
    %get3A_384 = vector.shape_cast %get3A_383 : vector<16xf32> to vector<16xf32>
    %swap3A_385 = arith.constant 16 : index
    %swap3A_386 = tpu.vector_load %arg15[%swap3A_385] {strides = array<i32>} : memref<128xf32, #tpu.memory_space<vmem>>, vector<16xf32>,
    %swap3A_387 = vector.shape_cast %swap3A_386 : vector<16xf32> to vector<16xf32>
    %swap3A_388 = vector.shape_cast %get3A_384 : vector<16xf32> to vector<16xf32>
    tpu.vector_store %arg15[%swap3A_385], %swap3A_388 {strides = array<i32>} : memref<128xf32, #tpu.memory_space<vmem>>, vector<16xf32>,
    %get3A_389 = arith.constant 32 : index
    %get3A_390 = tpu.vector_load %arg8[%get3A_389] {strides = array<i32>} : memref<128xi32, #tpu.memory_space<vmem>>, vector<16xi32>,
    %get3A_391 = vector.shape_cast %get3A_390 : vector<16xi32> to vector<16xi32>
    %get3A_392 = arith.constant 32 : index
    %get3A_393 = tpu.vector_load %arg9[%get3A_392] {strides = array<i32>} : memref<128xi32, #tpu.memory_space<vmem>>, vector<16xi32>,
    %get3A_394 = vector.shape_cast %get3A_393 : vector<16xi32> to vector<16xi32>
    %add3A_395 = vector.broadcast %mul3A_0 : i32 to vector<16xi32>
    %add3A_396 = arith.addi %get3A_391, %add3A_395 : vector<16xi32>
    %swap3A_397 = arith.constant 32 : index
    %swap3A_398 = tpu.vector_load %arg11[%swap3A_397] {strides = array<i32>} : memref<128xi32, #tpu.memory_space<vmem>>, vector<16xi32>,
    %swap3A_399 = vector.shape_cast %swap3A_398 : vector<16xi32> to vector<16xi32>
    %swap3A_400 = vector.shape_cast %add3A_396 : vector<16xi32> to vector<16xi32>
    tpu.vector_store %arg11[%swap3A_397], %swap3A_400 {strides = array<i32>} : memref<128xi32, #tpu.memory_space<vmem>>, vector<16xi32>,
    %add3A_401 = vector.broadcast %mul3A_0 : i32 to vector<16xi32>
    %add3A_402 = arith.addi %get3A_394, %add3A_401 : vector<16xi32>
    %swap3A_403 = arith.constant 32 : index
    %swap3A_404 = tpu.vector_load %arg12[%swap3A_403] {strides = array<i32>} : memref<128xi32, #tpu.memory_space<vmem>>, vector<16xi32>,
    %swap3A_405 = vector.shape_cast %swap3A_404 : vector<16xi32> to vector<16xi32>
    %swap3A_406 = vector.shape_cast %add3A_402 : vector<16xi32> to vector<16xi32>
    tpu.vector_store %arg12[%swap3A_403], %swap3A_406 {strides = array<i32>} : memref<128xi32, #tpu.memory_space<vmem>>, vector<16xi32>,
    %swap3A_407 = arith.constant 32 : index
    %swap3A_408 = tpu.vector_load %arg13[%swap3A_407] {strides = array<i32>} : memref<128xi32, #tpu.memory_space<vmem>>, vector<16xi32>,
    %swap3A_409 = vector.shape_cast %swap3A_408 : vector<16xi32> to vector<16xi32>
    %swap3A_410 = vector.shape_cast %get3A_391 : vector<16xi32> to vector<16xi32>
    tpu.vector_store %arg13[%swap3A_407], %swap3A_410 {strides = array<i32>} : memref<128xi32, #tpu.memory_space<vmem>>, vector<16xi32>,
    %swap3A_411 = arith.constant 32 : index
    %swap3A_412 = tpu.vector_load %arg14[%swap3A_411] {strides = array<i32>} : memref<128xi32, #tpu.memory_space<vmem>>, vector<16xi32>,
    %swap3A_413 = vector.shape_cast %swap3A_412 : vector<16xi32> to vector<16xi32>
    %swap3A_414 = vector.shape_cast %get3A_394 : vector<16xi32> to vector<16xi32>
    tpu.vector_store %arg14[%swap3A_411], %swap3A_414 {strides = array<i32>} : memref<128xi32, #tpu.memory_space<vmem>>, vector<16xi32>,
    %get3A_415 = arith.constant 32 : index
    %get3A_416 = tpu.vector_load %arg10[%get3A_415] {strides = array<i32>} : memref<128xf32, #tpu.memory_space<vmem>>, vector<16xf32>,
    %get3A_417 = vector.shape_cast %get3A_416 : vector<16xf32> to vector<16xf32>
    %swap3A_418 = arith.constant 32 : index
    %swap3A_419 = tpu.vector_load %arg15[%swap3A_418] {strides = array<i32>} : memref<128xf32, #tpu.memory_space<vmem>>, vector<16xf32>,
    %swap3A_420 = vector.shape_cast %swap3A_419 : vector<16xf32> to vector<16xf32>
    %swap3A_421 = vector.shape_cast %get3A_417 : vector<16xf32> to vector<16xf32>
    tpu.vector_store %arg15[%swap3A_418], %swap3A_421 {strides = array<i32>} : memref<128xf32, #tpu.memory_space<vmem>>, vector<16xf32>,
    %get3A_422 = arith.constant 48 : index
    %get3A_423 = tpu.vector_load %arg8[%get3A_422] {strides = array<i32>} : memref<128xi32, #tpu.memory_space<vmem>>, vector<16xi32>,
    %get3A_424 = vector.shape_cast %get3A_423 : vector<16xi32> to vector<16xi32>
    %get3A_425 = arith.constant 48 : index
    %get3A_426 = tpu.vector_load %arg9[%get3A_425] {strides = array<i32>} : memref<128xi32, #tpu.memory_space<vmem>>, vector<16xi32>,
    %get3A_427 = vector.shape_cast %get3A_426 : vector<16xi32> to vector<16xi32>
    %add3A_428 = vector.broadcast %mul3A_0 : i32 to vector<16xi32>
    %add3A_429 = arith.addi %get3A_424, %add3A_428 : vector<16xi32>
    %swap3A_430 = arith.constant 48 : index
    %swap3A_431 = tpu.vector_load %arg11[%swap3A_430] {strides = array<i32>} : memref<128xi32, #tpu.memory_space<vmem>>, vector<16xi32>,
    %swap3A_432 = vector.shape_cast %swap3A_431 : vector<16xi32> to vector<16xi32>
    %swap3A_433 = vector.shape_cast %add3A_429 : vector<16xi32> to vector<16xi32>
    tpu.vector_store %arg11[%swap3A_430], %swap3A_433 {strides = array<i32>} : memref<128xi32, #tpu.memory_space<vmem>>, vector<16xi32>,
    %add3A_434 = vector.broadcast %mul3A_0 : i32 to vector<16xi32>
    %add3A_435 = arith.addi %get3A_427, %add3A_434 : vector<16xi32>
    %swap3A_436 = arith.constant 48 : index
    %swap3A_437 = tpu.vector_load %arg12[%swap3A_436] {strides = array<i32>} : memref<128xi32, #tpu.memory_space<vmem>>, vector<16xi32>,
    %swap3A_438 = vector.shape_cast %swap3A_437 : vector<16xi32> to vector<16xi32>
    %swap3A_439 = vector.shape_cast %add3A_435 : vector<16xi32> to vector<16xi32>
    tpu.vector_store %arg12[%swap3A_436], %swap3A_439 {strides = array<i32>} : memref<128xi32, #tpu.memory_space<vmem>>, vector<16xi32>,
    %swap3A_440 = arith.constant 48 : index
    %swap3A_441 = tpu.vector_load %arg13[%swap3A_440] {strides = array<i32>} : memref<128xi32, #tpu.memory_space<vmem>>, vector<16xi32>,
    %swap3A_442 = vector.shape_cast %swap3A_441 : vector<16xi32> to vector<16xi32>
    %swap3A_443 = vector.shape_cast %get3A_424 : vector<16xi32> to vector<16xi32>
    tpu.vector_store %arg13[%swap3A_440], %swap3A_443 {strides = array<i32>} : memref<128xi32, #tpu.memory_space<vmem>>, vector<16xi32>,
    %swap3A_444 = arith.constant 48 : index
    %swap3A_445 = tpu.vector_load %arg14[%swap3A_444] {strides = array<i32>} : memref<128xi32, #tpu.memory_space<vmem>>, vector<16xi32>,
    %swap3A_446 = vector.shape_cast %swap3A_445 : vector<16xi32> to vector<16xi32>
    %swap3A_447 = vector.shape_cast %get3A_427 : vector<16xi32> to vector<16xi32>
    tpu.vector_store %arg14[%swap3A_444], %swap3A_447 {strides = array<i32>} : memref<128xi32, #tpu.memory_space<vmem>>, vector<16xi32>,
    %get3A_448 = arith.constant 48 : index
    %get3A_449 = tpu.vector_load %arg10[%get3A_448] {strides = array<i32>} : memref<128xf32, #tpu.memory_space<vmem>>, vector<16xf32>,
    %get3A_450 = vector.shape_cast %get3A_449 : vector<16xf32> to vector<16xf32>
    %swap3A_451 = arith.constant 48 : index
    %swap3A_452 = tpu.vector_load %arg15[%swap3A_451] {strides = array<i32>} : memref<128xf32, #tpu.memory_space<vmem>>, vector<16xf32>,
    %swap3A_453 = vector.shape_cast %swap3A_452 : vector<16xf32> to vector<16xf32>
    %swap3A_454 = vector.shape_cast %get3A_450 : vector<16xf32> to vector<16xf32>
    tpu.vector_store %arg15[%swap3A_451], %swap3A_454 {strides = array<i32>} : memref<128xf32, #tpu.memory_space<vmem>>, vector<16xf32>,
    %get3A_455 = arith.constant 64 : index
    %get3A_456 = tpu.vector_load %arg8[%get3A_455] {strides = array<i32>} : memref<128xi32, #tpu.memory_space<vmem>>, vector<16xi32>,
    %get3A_457 = vector.shape_cast %get3A_456 : vector<16xi32> to vector<16xi32>
    %get3A_458 = arith.constant 64 : index
    %get3A_459 = tpu.vector_load %arg9[%get3A_458] {strides = array<i32>} : memref<128xi32, #tpu.memory_space<vmem>>, vector<16xi32>,
    %get3A_460 = vector.shape_cast %get3A_459 : vector<16xi32> to vector<16xi32>
    %add3A_461 = vector.broadcast %mul3A_0 : i32 to vector<16xi32>
    %add3A_462 = arith.addi %get3A_457, %add3A_461 : vector<16xi32>
    %swap3A_463 = arith.constant 64 : index
    %swap3A_464 = tpu.vector_load %arg11[%swap3A_463] {strides = array<i32>} : memref<128xi32, #tpu.memory_space<vmem>>, vector<16xi32>,
    %swap3A_465 = vector.shape_cast %swap3A_464 : vector<16xi32> to vector<16xi32>
    %swap3A_466 = vector.shape_cast %add3A_462 : vector<16xi32> to vector<16xi32>
    tpu.vector_store %arg11[%swap3A_463], %swap3A_466 {strides = array<i32>} : memref<128xi32, #tpu.memory_space<vmem>>, vector<16xi32>,
    %add3A_467 = vector.broadcast %mul3A_0 : i32 to vector<16xi32>
    %add3A_468 = arith.addi %get3A_460, %add3A_467 : vector<16xi32>
    %swap3A_469 = arith.constant 64 : index
    %swap3A_470 = tpu.vector_load %arg12[%swap3A_469] {strides = array<i32>} : memref<128xi32, #tpu.memory_space<vmem>>, vector<16xi32>,
    %swap3A_471 = vector.shape_cast %swap3A_470 : vector<16xi32> to vector<16xi32>
    %swap3A_472 = vector.shape_cast %add3A_468 : vector<16xi32> to vector<16xi32>
    tpu.vector_store %arg12[%swap3A_469], %swap3A_472 {strides = array<i32>} : memref<128xi32, #tpu.memory_space<vmem>>, vector<16xi32>,
    %swap3A_473 = arith.constant 64 : index
    %swap3A_474 = tpu.vector_load %arg13[%swap3A_473] {strides = array<i32>} : memref<128xi32, #tpu.memory_space<vmem>>, vector<16xi32>,
    %swap3A_475 = vector.shape_cast %swap3A_474 : vector<16xi32> to vector<16xi32>
    %swap3A_476 = vector.shape_cast %get3A_457 : vector<16xi32> to vector<16xi32>
    tpu.vector_store %arg13[%swap3A_473], %swap3A_476 {strides = array<i32>} : memref<128xi32, #tpu.memory_space<vmem>>, vector<16xi32>,
    %swap3A_477 = arith.constant 64 : index
    %swap3A_478 = tpu.vector_load %arg14[%swap3A_477] {strides = array<i32>} : memref<128xi32, #tpu.memory_space<vmem>>, vector<16xi32>,
    %swap3A_479 = vector.shape_cast %swap3A_478 : vector<16xi32> to vector<16xi32>
    %swap3A_480 = vector.shape_cast %get3A_460 : vector<16xi32> to vector<16xi32>
    tpu.vector_store %arg14[%swap3A_477], %swap3A_480 {strides = array<i32>} : memref<128xi32, #tpu.memory_space<vmem>>, vector<16xi32>,
    %get3A_481 = arith.constant 64 : index
    %get3A_482 = tpu.vector_load %arg10[%get3A_481] {strides = array<i32>} : memref<128xf32, #tpu.memory_space<vmem>>, vector<16xf32>,
    %get3A_483 = vector.shape_cast %get3A_482 : vector<16xf32> to vector<16xf32>
    %swap3A_484 = arith.constant 64 : index
    %swap3A_485 = tpu.vector_load %arg15[%swap3A_484] {strides = array<i32>} : memref<128xf32, #tpu.memory_space<vmem>>, vector<16xf32>,
    %swap3A_486 = vector.shape_cast %swap3A_485 : vector<16xf32> to vector<16xf32>
    %swap3A_487 = vector.shape_cast %get3A_483 : vector<16xf32> to vector<16xf32>
    tpu.vector_store %arg15[%swap3A_484], %swap3A_487 {strides = array<i32>} : memref<128xf32, #tpu.memory_space<vmem>>, vector<16xf32>,
    %get3A_488 = arith.constant 80 : index
    %get3A_489 = tpu.vector_load %arg8[%get3A_488] {strides = array<i32>} : memref<128xi32, #tpu.memory_space<vmem>>, vector<16xi32>,
    %get3A_490 = vector.shape_cast %get3A_489 : vector<16xi32> to vector<16xi32>
    %get3A_491 = arith.constant 80 : index
    %get3A_492 = tpu.vector_load %arg9[%get3A_491] {strides = array<i32>} : memref<128xi32, #tpu.memory_space<vmem>>, vector<16xi32>,
    %get3A_493 = vector.shape_cast %get3A_492 : vector<16xi32> to vector<16xi32>
    %add3A_494 = vector.broadcast %mul3A_0 : i32 to vector<16xi32>
    %add3A_495 = arith.addi %get3A_490, %add3A_494 : vector<16xi32>
    %swap3A_496 = arith.constant 80 : index
    %swap3A_497 = tpu.vector_load %arg11[%swap3A_496] {strides = array<i32>} : memref<128xi32, #tpu.memory_space<vmem>>, vector<16xi32>,
    %swap3A_498 = vector.shape_cast %swap3A_497 : vector<16xi32> to vector<16xi32>
    %swap3A_499 = vector.shape_cast %add3A_495 : vector<16xi32> to vector<16xi32>
    tpu.vector_store %arg11[%swap3A_496], %swap3A_499 {strides = array<i32>} : memref<128xi32, #tpu.memory_space<vmem>>, vector<16xi32>,
    %add3A_500 = vector.broadcast %mul3A_0 : i32 to vector<16xi32>
    %add3A_501 = arith.addi %get3A_493, %add3A_500 : vector<16xi32>
    %swap3A_502 = arith.constant 80 : index
    %swap3A_503 = tpu.vector_load %arg12[%swap3A_502] {strides = array<i32>} : memref<128xi32, #tpu.memory_space<vmem>>, vector<16xi32>,
    %swap3A_504 = vector.shape_cast %swap3A_503 : vector<16xi32> to vector<16xi32>
    %swap3A_505 = vector.shape_cast %add3A_501 : vector<16xi32> to vector<16xi32>
    tpu.vector_store %arg12[%swap3A_502], %swap3A_505 {strides = array<i32>} : memref<128xi32, #tpu.memory_space<vmem>>, vector<16xi32>,
    %swap3A_506 = arith.constant 80 : index
    %swap3A_507 = tpu.vector_load %arg13[%swap3A_506] {strides = array<i32>} : memref<128xi32, #tpu.memory_space<vmem>>, vector<16xi32>,
    %swap3A_508 = vector.shape_cast %swap3A_507 : vector<16xi32> to vector<16xi32>
    %swap3A_509 = vector.shape_cast %get3A_490 : vector<16xi32> to vector<16xi32>
    tpu.vector_store %arg13[%swap3A_506], %swap3A_509 {strides = array<i32>} : memref<128xi32, #tpu.memory_space<vmem>>, vector<16xi32>,
    %swap3A_510 = arith.constant 80 : index
    %swap3A_511 = tpu.vector_load %arg14[%swap3A_510] {strides = array<i32>} : memref<128xi32, #tpu.memory_space<vmem>>, vector<16xi32>,
    %swap3A_512 = vector.shape_cast %swap3A_511 : vector<16xi32> to vector<16xi32>
    %swap3A_513 = vector.shape_cast %get3A_493 : vector<16xi32> to vector<16xi32>
    tpu.vector_store %arg14[%swap3A_510], %swap3A_513 {strides = array<i32>} : memref<128xi32, #tpu.memory_space<vmem>>, vector<16xi32>,
    %get3A_514 = arith.constant 80 : index
    %get3A_515 = tpu.vector_load %arg10[%get3A_514] {strides = array<i32>} : memref<128xf32, #tpu.memory_space<vmem>>, vector<16xf32>,
    %get3A_516 = vector.shape_cast %get3A_515 : vector<16xf32> to vector<16xf32>
    %swap3A_517 = arith.constant 80 : index
    %swap3A_518 = tpu.vector_load %arg15[%swap3A_517] {strides = array<i32>} : memref<128xf32, #tpu.memory_space<vmem>>, vector<16xf32>,
    %swap3A_519 = vector.shape_cast %swap3A_518 : vector<16xf32> to vector<16xf32>
    %swap3A_520 = vector.shape_cast %get3A_516 : vector<16xf32> to vector<16xf32>
    tpu.vector_store %arg15[%swap3A_517], %swap3A_520 {strides = array<i32>} : memref<128xf32, #tpu.memory_space<vmem>>, vector<16xf32>,
    %get3A_521 = arith.constant 96 : index
    %get3A_522 = tpu.vector_load %arg8[%get3A_521] {strides = array<i32>} : memref<128xi32, #tpu.memory_space<vmem>>, vector<16xi32>,
    %get3A_523 = vector.shape_cast %get3A_522 : vector<16xi32> to vector<16xi32>
    %get3A_524 = arith.constant 96 : index
    %get3A_525 = tpu.vector_load %arg9[%get3A_524] {strides = array<i32>} : memref<128xi32, #tpu.memory_space<vmem>>, vector<16xi32>,
    %get3A_526 = vector.shape_cast %get3A_525 : vector<16xi32> to vector<16xi32>
    %add3A_527 = vector.broadcast %mul3A_0 : i32 to vector<16xi32>
    %add3A_528 = arith.addi %get3A_523, %add3A_527 : vector<16xi32>
    %swap3A_529 = arith.constant 96 : index
    %swap3A_530 = tpu.vector_load %arg11[%swap3A_529] {strides = array<i32>} : memref<128xi32, #tpu.memory_space<vmem>>, vector<16xi32>,
    %swap3A_531 = vector.shape_cast %swap3A_530 : vector<16xi32> to vector<16xi32>
    %swap3A_532 = vector.shape_cast %add3A_528 : vector<16xi32> to vector<16xi32>
    tpu.vector_store %arg11[%swap3A_529], %swap3A_532 {strides = array<i32>} : memref<128xi32, #tpu.memory_space<vmem>>, vector<16xi32>,
    %add3A_533 = vector.broadcast %mul3A_0 : i32 to vector<16xi32>
    %add3A_534 = arith.addi %get3A_526, %add3A_533 : vector<16xi32>
    %swap3A_535 = arith.constant 96 : index
    %swap3A_536 = tpu.vector_load %arg12[%swap3A_535] {strides = array<i32>} : memref<128xi32, #tpu.memory_space<vmem>>, vector<16xi32>,
    %swap3A_537 = vector.shape_cast %swap3A_536 : vector<16xi32> to vector<16xi32>
    %swap3A_538 = vector.shape_cast %add3A_534 : vector<16xi32> to vector<16xi32>
    tpu.vector_store %arg12[%swap3A_535], %swap3A_538 {strides = array<i32>} : memref<128xi32, #tpu.memory_space<vmem>>, vector<16xi32>,
    %swap3A_539 = arith.constant 96 : index
    %swap3A_540 = tpu.vector_load %arg13[%swap3A_539] {strides = array<i32>} : memref<128xi32, #tpu.memory_space<vmem>>, vector<16xi32>,
    %swap3A_541 = vector.shape_cast %swap3A_540 : vector<16xi32> to vector<16xi32>
    %swap3A_542 = vector.shape_cast %get3A_523 : vector<16xi32> to vector<16xi32>
    tpu.vector_store %arg13[%swap3A_539], %swap3A_542 {strides = array<i32>} : memref<128xi32, #tpu.memory_space<vmem>>, vector<16xi32>,
    %swap3A_543 = arith.constant 96 : index
    %swap3A_544 = tpu.vector_load %arg14[%swap3A_543] {strides = array<i32>} : memref<128xi32, #tpu.memory_space<vmem>>, vector<16xi32>,
    %swap3A_545 = vector.shape_cast %swap3A_544 : vector<16xi32> to vector<16xi32>
    %swap3A_546 = vector.shape_cast %get3A_526 : vector<16xi32> to vector<16xi32>
    tpu.vector_store %arg14[%swap3A_543], %swap3A_546 {strides = array<i32>} : memref<128xi32, #tpu.memory_space<vmem>>, vector<16xi32>,
    %get3A_547 = arith.constant 96 : index
    %get3A_548 = tpu.vector_load %arg10[%get3A_547] {strides = array<i32>} : memref<128xf32, #tpu.memory_space<vmem>>, vector<16xf32>,
    %get3A_549 = vector.shape_cast %get3A_548 : vector<16xf32> to vector<16xf32>
    %swap3A_550 = arith.constant 96 : index
    %swap3A_551 = tpu.vector_load %arg15[%swap3A_550] {strides = array<i32>} : memref<128xf32, #tpu.memory_space<vmem>>, vector<16xf32>,
    %swap3A_552 = vector.shape_cast %swap3A_551 : vector<16xf32> to vector<16xf32>
    %swap3A_553 = vector.shape_cast %get3A_549 : vector<16xf32> to vector<16xf32>
    tpu.vector_store %arg15[%swap3A_550], %swap3A_553 {strides = array<i32>} : memref<128xf32, #tpu.memory_space<vmem>>, vector<16xf32>,
    %get3A_554 = arith.constant 112 : index
    %get3A_555 = tpu.vector_load %arg8[%get3A_554] {strides = array<i32>} : memref<128xi32, #tpu.memory_space<vmem>>, vector<16xi32>,
    %get3A_556 = vector.shape_cast %get3A_555 : vector<16xi32> to vector<16xi32>
    %get3A_557 = arith.constant 112 : index
    %get3A_558 = tpu.vector_load %arg9[%get3A_557] {strides = array<i32>} : memref<128xi32, #tpu.memory_space<vmem>>, vector<16xi32>,
    %get3A_559 = vector.shape_cast %get3A_558 : vector<16xi32> to vector<16xi32>
    %add3A_560 = vector.broadcast %mul3A_0 : i32 to vector<16xi32>
    %add3A_561 = arith.addi %get3A_556, %add3A_560 : vector<16xi32>
    %swap3A_562 = arith.constant 112 : index
    %swap3A_563 = tpu.vector_load %arg11[%swap3A_562] {strides = array<i32>} : memref<128xi32, #tpu.memory_space<vmem>>, vector<16xi32>,
    %swap3A_564 = vector.shape_cast %swap3A_563 : vector<16xi32> to vector<16xi32>
    %swap3A_565 = vector.shape_cast %add3A_561 : vector<16xi32> to vector<16xi32>
    tpu.vector_store %arg11[%swap3A_562], %swap3A_565 {strides = array<i32>} : memref<128xi32, #tpu.memory_space<vmem>>, vector<16xi32>,
    %add3A_566 = vector.broadcast %mul3A_0 : i32 to vector<16xi32>
    %add3A_567 = arith.addi %get3A_559, %add3A_566 : vector<16xi32>
    %swap3A_568 = arith.constant 112 : index
    %swap3A_569 = tpu.vector_load %arg12[%swap3A_568] {strides = array<i32>} : memref<128xi32, #tpu.memory_space<vmem>>, vector<16xi32>,
    %swap3A_570 = vector.shape_cast %swap3A_569 : vector<16xi32> to vector<16xi32>
    %swap3A_571 = vector.shape_cast %add3A_567 : vector<16xi32> to vector<16xi32>
    tpu.vector_store %arg12[%swap3A_568], %swap3A_571 {strides = array<i32>} : memref<128xi32, #tpu.memory_space<vmem>>, vector<16xi32>,
    %swap3A_572 = arith.constant 112 : index
    %swap3A_573 = tpu.vector_load %arg13[%swap3A_572] {strides = array<i32>} : memref<128xi32, #tpu.memory_space<vmem>>, vector<16xi32>,
    %swap3A_574 = vector.shape_cast %swap3A_573 : vector<16xi32> to vector<16xi32>
    %swap3A_575 = vector.shape_cast %get3A_556 : vector<16xi32> to vector<16xi32>
    tpu.vector_store %arg13[%swap3A_572], %swap3A_575 {strides = array<i32>} : memref<128xi32, #tpu.memory_space<vmem>>, vector<16xi32>,
    %swap3A_576 = arith.constant 112 : index
    %swap3A_577 = tpu.vector_load %arg14[%swap3A_576] {strides = array<i32>} : memref<128xi32, #tpu.memory_space<vmem>>, vector<16xi32>,
    %swap3A_578 = vector.shape_cast %swap3A_577 : vector<16xi32> to vector<16xi32>
    %swap3A_579 = vector.shape_cast %get3A_559 : vector<16xi32> to vector<16xi32>
    tpu.vector_store %arg14[%swap3A_576], %swap3A_579 {strides = array<i32>} : memref<128xi32, #tpu.memory_space<vmem>>, vector<16xi32>,
    %get3A_580 = arith.constant 112 : index
    %get3A_581 = tpu.vector_load %arg10[%get3A_580] {strides = array<i32>} : memref<128xf32, #tpu.memory_space<vmem>>, vector<16xf32>,
    %get3A_582 = vector.shape_cast %get3A_581 : vector<16xf32> to vector<16xf32>
    %swap3A_583 = arith.constant 112 : index
    %swap3A_584 = tpu.vector_load %arg15[%swap3A_583] {strides = array<i32>} : memref<128xf32, #tpu.memory_space<vmem>>, vector<16xf32>,
    %swap3A_585 = vector.shape_cast %swap3A_584 : vector<16xf32> to vector<16xf32>
    %swap3A_586 = vector.shape_cast %get3A_582 : vector<16xf32> to vector<16xf32>
    tpu.vector_store %arg15[%swap3A_583], %swap3A_586 {strides = array<i32>} : memref<128xf32, #tpu.memory_space<vmem>>, vector<16xf32>,
    %dma_start3A_587 = arith.constant 0 : i32
    %dma_start3A_588 = arith.constant 0 : i32
    %dma_start3A_589 = tpu.memref_slice %arg5[%dma_start3A_587, %dma_start3A_588] : memref<200192x16xf32, #tpu.memory_space<hbm>> -> memref<200192x16xf32, #tpu.memory_space<hbm>>
    tpu.enqueue_indirect_dma source(%dma_start3A_589 : memref<200192x16xf32, #tpu.memory_space<hbm>>) target(%arg16 : memref<128x16xf32, #tpu.memory_space<vmem>>) offsets(%arg11 : memref<128xi32, #tpu.memory_space<vmem>>) semaphore(%arg35 : memref<!tpu.dma_semaphore, #tpu.memory_space<semaphore_mem>>)
    %dma_start3A_590 = arith.constant 0 : i32
    %dma_start3A_591 = arith.constant 0 : i32
    %dma_start3A_592 = tpu.memref_slice %arg5[%dma_start3A_590, %dma_start3A_591] : memref<200192x16xf32, #tpu.memory_space<hbm>> -> memref<200192x16xf32, #tpu.memory_space<hbm>>
    tpu.enqueue_indirect_dma source(%dma_start3A_592 : memref<200192x16xf32, #tpu.memory_space<hbm>>) target(%arg17 : memref<128x16xf32, #tpu.memory_space<vmem>>) offsets(%arg12 : memref<128xi32, #tpu.memory_space<vmem>>) semaphore(%arg35 : memref<!tpu.dma_semaphore, #tpu.memory_space<semaphore_mem>>)
    %dma_wait3A_593 = arith.constant 0 : i32
    %dma_wait3A_594 = arith.constant 0 : i32
    %dma_wait3A_595 = tpu.memref_slice %arg5[%dma_wait3A_593, %dma_wait3A_594] : memref<200192x16xf32, #tpu.memory_space<hbm>> -> memref<200192x16xf32, #tpu.memory_space<hbm>>
    tpu.wait_indirect_dma semaphore(%arg35 : memref<!tpu.dma_semaphore, #tpu.memory_space<semaphore_mem>>) src(%dma_wait3A_595 : memref<200192x16xf32, #tpu.memory_space<hbm>>) dst(%arg16 : memref<128x16xf32, #tpu.memory_space<vmem>>)
    %dma_wait3A_596 = arith.constant 0 : i32
    %dma_wait3A_597 = arith.constant 0 : i32
    %dma_wait3A_598 = tpu.memref_slice %arg5[%dma_wait3A_596, %dma_wait3A_597] : memref<200192x16xf32, #tpu.memory_space<hbm>> -> memref<200192x16xf32, #tpu.memory_space<hbm>>
    tpu.wait_indirect_dma semaphore(%arg35 : memref<!tpu.dma_semaphore, #tpu.memory_space<semaphore_mem>>) src(%dma_wait3A_598 : memref<200192x16xf32, #tpu.memory_space<hbm>>) dst(%arg17 : memref<128x16xf32, #tpu.memory_space<vmem>>)
    %scan3A_599 = arith.constant 0 : i32
    %scan3A_600 = arith.constant 0 : i32
    %scan3A_601 = arith.constant 8 : i32
    %scan3A_602 = arith.addi %scan3A_600, %scan3A_601 : i32
    %scan3A_603 = arith.constant 1 : i32
    %scan3A_604 = scf.for %scan3A_624 = %scan3A_600 to %scan3A_602 step %scan3A_603 iter_args(%scan3A_625 = %scan3A_599) -> (i32)  : i32 {
      %mul3A_626 = arith.constant 16 : i32
      %mul3A_627 = arith.muli %scan3A_624, %mul3A_626 : i32
      %get3A_628 = arith.index_cast %mul3A_627 : i32 to index
      %get3A_629 = tpu.vector_load %arg15[%get3A_628] {strides = array<i32>} : memref<128xf32, #tpu.memory_space<vmem>>, vector<16xf32>,
      %get3A_630 = vector.shape_cast %get3A_629 : vector<16xf32> to vector<16xf32>
      %add3A_631 = arith.constant 0 : i32
      %add3A_632 = arith.addi %mul3A_627, %add3A_631 : i32
      %get3A_633 = arith.index_cast %add3A_632 : i32 to index
      %get3A_634 = arith.constant 0 : index
      %get3A_635 = tpu.vector_load %arg16[%get3A_633, %get3A_634] {strides = array<i32>} : memref<128x16xf32, #tpu.memory_space<vmem>>, vector<1x16xf32>,
      %get3A_636 = vector.shape_cast %get3A_635 : vector<1x16xf32> to vector<16xf32>
      %get3A_637 = arith.index_cast %add3A_632 : i32 to index
      %get3A_638 = arith.constant 0 : index
      %get3A_639 = tpu.vector_load %arg17[%get3A_637, %get3A_638] {strides = array<i32>} : memref<128x16xf32, #tpu.memory_space<vmem>>, vector<1x16xf32>,
      %get3A_640 = vector.shape_cast %get3A_639 : vector<1x16xf32> to vector<16xf32>
      %sub3A = arith.subf %get3A_636, %get3A_640 : vector<16xf32>
      %slice3A = vector.extract_strided_slice %get3A_630 {offsets = [0], sizes = [1], strides = [1]} : vector<16xf32> to vector<1xf32>
      %squeeze3A = vector.extract %slice3A[0] : f32 from vector<1xf32>
      %mul3A_641 = vector.broadcast %squeeze3A : f32 to vector<16xf32>
      %mul3A_642 = arith.mulf %sub3A, %mul3A_641 : vector<16xf32>
      %swap3A_643 = arith.index_cast %add3A_632 : i32 to index
      %swap3A_644 = arith.constant 0 : index
      %swap3A_645 = tpu.vector_load %arg19[%swap3A_643, %swap3A_644] {strides = array<i32>} : memref<128x16xf32, #tpu.memory_space<vmem>>, vector<1x16xf32>,
      %swap3A_646 = vector.shape_cast %swap3A_645 : vector<1x16xf32> to vector<16xf32>
      %swap3A_647 = vector.shape_cast %mul3A_642 : vector<16xf32> to vector<1x16xf32>
      tpu.vector_store %arg19[%swap3A_643, %swap3A_644], %swap3A_647 {strides = array<i32>} : memref<128x16xf32, #tpu.memory_space<vmem>>, vector<1x16xf32>,
      %neg3A = arith.constant 0.000000e+00 : f32
      %neg3A_648 = vector.broadcast %neg3A : f32 to vector<16xf32>
      %neg3A_649 = arith.subf %neg3A_648, %mul3A_642 : vector<16xf32>
      %swap3A_650 = arith.index_cast %add3A_632 : i32 to index
      %swap3A_651 = arith.constant 0 : index
      %swap3A_652 = tpu.vector_load %arg18[%swap3A_650, %swap3A_651] {strides = array<i32>} : memref<128x16xf32, #tpu.memory_space<vmem>>, vector<1x16xf32>,
      %swap3A_653 = vector.shape_cast %swap3A_652 : vector<1x16xf32> to vector<16xf32>
      %swap3A_654 = vector.shape_cast %neg3A_649 : vector<16xf32> to vector<1x16xf32>
      tpu.vector_store %arg18[%swap3A_650, %swap3A_651], %swap3A_654 {strides = array<i32>} : memref<128x16xf32, #tpu.memory_space<vmem>>, vector<1x16xf32>,
      %add3A_655 = arith.constant 1 : i32
      %add3A_656 = arith.addi %mul3A_627, %add3A_655 : i32
      %get3A_657 = arith.index_cast %add3A_656 : i32 to index
      %get3A_658 = arith.constant 0 : index
      %get3A_659 = tpu.vector_load %arg16[%get3A_657, %get3A_658] {strides = array<i32>} : memref<128x16xf32, #tpu.memory_space<vmem>>, vector<1x16xf32>,
      %get3A_660 = vector.shape_cast %get3A_659 : vector<1x16xf32> to vector<16xf32>
      %get3A_661 = arith.index_cast %add3A_656 : i32 to index
      %get3A_662 = arith.constant 0 : index
      %get3A_663 = tpu.vector_load %arg17[%get3A_661, %get3A_662] {strides = array<i32>} : memref<128x16xf32, #tpu.memory_space<vmem>>, vector<1x16xf32>,
      %get3A_664 = vector.shape_cast %get3A_663 : vector<1x16xf32> to vector<16xf32>
      %sub3A_665 = arith.subf %get3A_660, %get3A_664 : vector<16xf32>
      %slice3A_666 = vector.extract_strided_slice %get3A_630 {offsets = [1], sizes = [1], strides = [1]} : vector<16xf32> to vector<1xf32>
      %squeeze3A_667 = vector.extract %slice3A_666[0] : f32 from vector<1xf32>
      %mul3A_668 = vector.broadcast %squeeze3A_667 : f32 to vector<16xf32>
      %mul3A_669 = arith.mulf %sub3A_665, %mul3A_668 : vector<16xf32>
      %swap3A_670 = arith.index_cast %add3A_656 : i32 to index
      %swap3A_671 = arith.constant 0 : index
      %swap3A_672 = tpu.vector_load %arg19[%swap3A_670, %swap3A_671] {strides = array<i32>} : memref<128x16xf32, #tpu.memory_space<vmem>>, vector<1x16xf32>,
      %swap3A_673 = vector.shape_cast %swap3A_672 : vector<1x16xf32> to vector<16xf32>
      %swap3A_674 = vector.shape_cast %mul3A_669 : vector<16xf32> to vector<1x16xf32>
      tpu.vector_store %arg19[%swap3A_670, %swap3A_671], %swap3A_674 {strides = array<i32>} : memref<128x16xf32, #tpu.memory_space<vmem>>, vector<1x16xf32>,
      %neg3A_675 = arith.constant 0.000000e+00 : f32
      %neg3A_676 = vector.broadcast %neg3A_675 : f32 to vector<16xf32>
      %neg3A_677 = arith.subf %neg3A_676, %mul3A_669 : vector<16xf32>
      %swap3A_678 = arith.index_cast %add3A_656 : i32 to index
      %swap3A_679 = arith.constant 0 : index
      %swap3A_680 = tpu.vector_load %arg18[%swap3A_678, %swap3A_679] {strides = array<i32>} : memref<128x16xf32, #tpu.memory_space<vmem>>, vector<1x16xf32>,
      %swap3A_681 = vector.shape_cast %swap3A_680 : vector<1x16xf32> to vector<16xf32>
      %swap3A_682 = vector.shape_cast %neg3A_677 : vector<16xf32> to vector<1x16xf32>
      tpu.vector_store %arg18[%swap3A_678, %swap3A_679], %swap3A_682 {strides = array<i32>} : memref<128x16xf32, #tpu.memory_space<vmem>>, vector<1x16xf32>,
      %add3A_683 = arith.constant 2 : i32
      %add3A_684 = arith.addi %mul3A_627, %add3A_683 : i32
      %get3A_685 = arith.index_cast %add3A_684 : i32 to index
      %get3A_686 = arith.constant 0 : index
      %get3A_687 = tpu.vector_load %arg16[%get3A_685, %get3A_686] {strides = array<i32>} : memref<128x16xf32, #tpu.memory_space<vmem>>, vector<1x16xf32>,
      %get3A_688 = vector.shape_cast %get3A_687 : vector<1x16xf32> to vector<16xf32>
      %get3A_689 = arith.index_cast %add3A_684 : i32 to index
      %get3A_690 = arith.constant 0 : index
      %get3A_691 = tpu.vector_load %arg17[%get3A_689, %get3A_690] {strides = array<i32>} : memref<128x16xf32, #tpu.memory_space<vmem>>, vector<1x16xf32>,
      %get3A_692 = vector.shape_cast %get3A_691 : vector<1x16xf32> to vector<16xf32>
      %sub3A_693 = arith.subf %get3A_688, %get3A_692 : vector<16xf32>
      %slice3A_694 = vector.extract_strided_slice %get3A_630 {offsets = [2], sizes = [1], strides = [1]} : vector<16xf32> to vector<1xf32>
      %squeeze3A_695 = vector.extract %slice3A_694[0] : f32 from vector<1xf32>
      %mul3A_696 = vector.broadcast %squeeze3A_695 : f32 to vector<16xf32>
      %mul3A_697 = arith.mulf %sub3A_693, %mul3A_696 : vector<16xf32>
      %swap3A_698 = arith.index_cast %add3A_684 : i32 to index
      %swap3A_699 = arith.constant 0 : index
      %swap3A_700 = tpu.vector_load %arg19[%swap3A_698, %swap3A_699] {strides = array<i32>} : memref<128x16xf32, #tpu.memory_space<vmem>>, vector<1x16xf32>,
      %swap3A_701 = vector.shape_cast %swap3A_700 : vector<1x16xf32> to vector<16xf32>
      %swap3A_702 = vector.shape_cast %mul3A_697 : vector<16xf32> to vector<1x16xf32>
      tpu.vector_store %arg19[%swap3A_698, %swap3A_699], %swap3A_702 {strides = array<i32>} : memref<128x16xf32, #tpu.memory_space<vmem>>, vector<1x16xf32>,
      %neg3A_703 = arith.constant 0.000000e+00 : f32
      %neg3A_704 = vector.broadcast %neg3A_703 : f32 to vector<16xf32>
      %neg3A_705 = arith.subf %neg3A_704, %mul3A_697 : vector<16xf32>
      %swap3A_706 = arith.index_cast %add3A_684 : i32 to index
      %swap3A_707 = arith.constant 0 : index
      %swap3A_708 = tpu.vector_load %arg18[%swap3A_706, %swap3A_707] {strides = array<i32>} : memref<128x16xf32, #tpu.memory_space<vmem>>, vector<1x16xf32>,
      %swap3A_709 = vector.shape_cast %swap3A_708 : vector<1x16xf32> to vector<16xf32>
      %swap3A_710 = vector.shape_cast %neg3A_705 : vector<16xf32> to vector<1x16xf32>
      tpu.vector_store %arg18[%swap3A_706, %swap3A_707], %swap3A_710 {strides = array<i32>} : memref<128x16xf32, #tpu.memory_space<vmem>>, vector<1x16xf32>,
      %add3A_711 = arith.constant 3 : i32
      %add3A_712 = arith.addi %mul3A_627, %add3A_711 : i32
      %get3A_713 = arith.index_cast %add3A_712 : i32 to index
      %get3A_714 = arith.constant 0 : index
      %get3A_715 = tpu.vector_load %arg16[%get3A_713, %get3A_714] {strides = array<i32>} : memref<128x16xf32, #tpu.memory_space<vmem>>, vector<1x16xf32>,
      %get3A_716 = vector.shape_cast %get3A_715 : vector<1x16xf32> to vector<16xf32>
      %get3A_717 = arith.index_cast %add3A_712 : i32 to index
      %get3A_718 = arith.constant 0 : index
      %get3A_719 = tpu.vector_load %arg17[%get3A_717, %get3A_718] {strides = array<i32>} : memref<128x16xf32, #tpu.memory_space<vmem>>, vector<1x16xf32>,
      %get3A_720 = vector.shape_cast %get3A_719 : vector<1x16xf32> to vector<16xf32>
      %sub3A_721 = arith.subf %get3A_716, %get3A_720 : vector<16xf32>
      %slice3A_722 = vector.extract_strided_slice %get3A_630 {offsets = [3], sizes = [1], strides = [1]} : vector<16xf32> to vector<1xf32>
      %squeeze3A_723 = vector.extract %slice3A_722[0] : f32 from vector<1xf32>
      %mul3A_724 = vector.broadcast %squeeze3A_723 : f32 to vector<16xf32>
      %mul3A_725 = arith.mulf %sub3A_721, %mul3A_724 : vector<16xf32>
      %swap3A_726 = arith.index_cast %add3A_712 : i32 to index
      %swap3A_727 = arith.constant 0 : index
      %swap3A_728 = tpu.vector_load %arg19[%swap3A_726, %swap3A_727] {strides = array<i32>} : memref<128x16xf32, #tpu.memory_space<vmem>>, vector<1x16xf32>,
      %swap3A_729 = vector.shape_cast %swap3A_728 : vector<1x16xf32> to vector<16xf32>
      %swap3A_730 = vector.shape_cast %mul3A_725 : vector<16xf32> to vector<1x16xf32>
      tpu.vector_store %arg19[%swap3A_726, %swap3A_727], %swap3A_730 {strides = array<i32>} : memref<128x16xf32, #tpu.memory_space<vmem>>, vector<1x16xf32>,
      %neg3A_731 = arith.constant 0.000000e+00 : f32
      %neg3A_732 = vector.broadcast %neg3A_731 : f32 to vector<16xf32>
      %neg3A_733 = arith.subf %neg3A_732, %mul3A_725 : vector<16xf32>
      %swap3A_734 = arith.index_cast %add3A_712 : i32 to index
      %swap3A_735 = arith.constant 0 : index
      %swap3A_736 = tpu.vector_load %arg18[%swap3A_734, %swap3A_735] {strides = array<i32>} : memref<128x16xf32, #tpu.memory_space<vmem>>, vector<1x16xf32>,
      %swap3A_737 = vector.shape_cast %swap3A_736 : vector<1x16xf32> to vector<16xf32>
      %swap3A_738 = vector.shape_cast %neg3A_733 : vector<16xf32> to vector<1x16xf32>
      tpu.vector_store %arg18[%swap3A_734, %swap3A_735], %swap3A_738 {strides = array<i32>} : memref<128x16xf32, #tpu.memory_space<vmem>>, vector<1x16xf32>,
      %add3A_739 = arith.constant 4 : i32
      %add3A_740 = arith.addi %mul3A_627, %add3A_739 : i32
      %get3A_741 = arith.index_cast %add3A_740 : i32 to index
      %get3A_742 = arith.constant 0 : index
      %get3A_743 = tpu.vector_load %arg16[%get3A_741, %get3A_742] {strides = array<i32>} : memref<128x16xf32, #tpu.memory_space<vmem>>, vector<1x16xf32>,
      %get3A_744 = vector.shape_cast %get3A_743 : vector<1x16xf32> to vector<16xf32>
      %get3A_745 = arith.index_cast %add3A_740 : i32 to index
      %get3A_746 = arith.constant 0 : index
      %get3A_747 = tpu.vector_load %arg17[%get3A_745, %get3A_746] {strides = array<i32>} : memref<128x16xf32, #tpu.memory_space<vmem>>, vector<1x16xf32>,
      %get3A_748 = vector.shape_cast %get3A_747 : vector<1x16xf32> to vector<16xf32>
      %sub3A_749 = arith.subf %get3A_744, %get3A_748 : vector<16xf32>
      %slice3A_750 = vector.extract_strided_slice %get3A_630 {offsets = [4], sizes = [1], strides = [1]} : vector<16xf32> to vector<1xf32>
      %squeeze3A_751 = vector.extract %slice3A_750[0] : f32 from vector<1xf32>
      %mul3A_752 = vector.broadcast %squeeze3A_751 : f32 to vector<16xf32>
      %mul3A_753 = arith.mulf %sub3A_749, %mul3A_752 : vector<16xf32>
      %swap3A_754 = arith.index_cast %add3A_740 : i32 to index
      %swap3A_755 = arith.constant 0 : index
      %swap3A_756 = tpu.vector_load %arg19[%swap3A_754, %swap3A_755] {strides = array<i32>} : memref<128x16xf32, #tpu.memory_space<vmem>>, vector<1x16xf32>,
      %swap3A_757 = vector.shape_cast %swap3A_756 : vector<1x16xf32> to vector<16xf32>
      %swap3A_758 = vector.shape_cast %mul3A_753 : vector<16xf32> to vector<1x16xf32>
      tpu.vector_store %arg19[%swap3A_754, %swap3A_755], %swap3A_758 {strides = array<i32>} : memref<128x16xf32, #tpu.memory_space<vmem>>, vector<1x16xf32>,
      %neg3A_759 = arith.constant 0.000000e+00 : f32
      %neg3A_760 = vector.broadcast %neg3A_759 : f32 to vector<16xf32>
      %neg3A_761 = arith.subf %neg3A_760, %mul3A_753 : vector<16xf32>
      %swap3A_762 = arith.index_cast %add3A_740 : i32 to index
      %swap3A_763 = arith.constant 0 : index
      %swap3A_764 = tpu.vector_load %arg18[%swap3A_762, %swap3A_763] {strides = array<i32>} : memref<128x16xf32, #tpu.memory_space<vmem>>, vector<1x16xf32>,
      %swap3A_765 = vector.shape_cast %swap3A_764 : vector<1x16xf32> to vector<16xf32>
      %swap3A_766 = vector.shape_cast %neg3A_761 : vector<16xf32> to vector<1x16xf32>
      tpu.vector_store %arg18[%swap3A_762, %swap3A_763], %swap3A_766 {strides = array<i32>} : memref<128x16xf32, #tpu.memory_space<vmem>>, vector<1x16xf32>,
      %add3A_767 = arith.constant 5 : i32
      %add3A_768 = arith.addi %mul3A_627, %add3A_767 : i32
      %get3A_769 = arith.index_cast %add3A_768 : i32 to index
      %get3A_770 = arith.constant 0 : index
      %get3A_771 = tpu.vector_load %arg16[%get3A_769, %get3A_770] {strides = array<i32>} : memref<128x16xf32, #tpu.memory_space<vmem>>, vector<1x16xf32>,
      %get3A_772 = vector.shape_cast %get3A_771 : vector<1x16xf32> to vector<16xf32>
      %get3A_773 = arith.index_cast %add3A_768 : i32 to index
      %get3A_774 = arith.constant 0 : index
      %get3A_775 = tpu.vector_load %arg17[%get3A_773, %get3A_774] {strides = array<i32>} : memref<128x16xf32, #tpu.memory_space<vmem>>, vector<1x16xf32>,
      %get3A_776 = vector.shape_cast %get3A_775 : vector<1x16xf32> to vector<16xf32>
      %sub3A_777 = arith.subf %get3A_772, %get3A_776 : vector<16xf32>
      %slice3A_778 = vector.extract_strided_slice %get3A_630 {offsets = [5], sizes = [1], strides = [1]} : vector<16xf32> to vector<1xf32>
      %squeeze3A_779 = vector.extract %slice3A_778[0] : f32 from vector<1xf32>
      %mul3A_780 = vector.broadcast %squeeze3A_779 : f32 to vector<16xf32>
      %mul3A_781 = arith.mulf %sub3A_777, %mul3A_780 : vector<16xf32>
      %swap3A_782 = arith.index_cast %add3A_768 : i32 to index
      %swap3A_783 = arith.constant 0 : index
      %swap3A_784 = tpu.vector_load %arg19[%swap3A_782, %swap3A_783] {strides = array<i32>} : memref<128x16xf32, #tpu.memory_space<vmem>>, vector<1x16xf32>,
      %swap3A_785 = vector.shape_cast %swap3A_784 : vector<1x16xf32> to vector<16xf32>
      %swap3A_786 = vector.shape_cast %mul3A_781 : vector<16xf32> to vector<1x16xf32>
      tpu.vector_store %arg19[%swap3A_782, %swap3A_783], %swap3A_786 {strides = array<i32>} : memref<128x16xf32, #tpu.memory_space<vmem>>, vector<1x16xf32>,
      %neg3A_787 = arith.constant 0.000000e+00 : f32
      %neg3A_788 = vector.broadcast %neg3A_787 : f32 to vector<16xf32>
      %neg3A_789 = arith.subf %neg3A_788, %mul3A_781 : vector<16xf32>
      %swap3A_790 = arith.index_cast %add3A_768 : i32 to index
      %swap3A_791 = arith.constant 0 : index
      %swap3A_792 = tpu.vector_load %arg18[%swap3A_790, %swap3A_791] {strides = array<i32>} : memref<128x16xf32, #tpu.memory_space<vmem>>, vector<1x16xf32>,
      %swap3A_793 = vector.shape_cast %swap3A_792 : vector<1x16xf32> to vector<16xf32>
      %swap3A_794 = vector.shape_cast %neg3A_789 : vector<16xf32> to vector<1x16xf32>
      tpu.vector_store %arg18[%swap3A_790, %swap3A_791], %swap3A_794 {strides = array<i32>} : memref<128x16xf32, #tpu.memory_space<vmem>>, vector<1x16xf32>,
      %add3A_795 = arith.constant 6 : i32
      %add3A_796 = arith.addi %mul3A_627, %add3A_795 : i32
      %get3A_797 = arith.index_cast %add3A_796 : i32 to index
      %get3A_798 = arith.constant 0 : index
      %get3A_799 = tpu.vector_load %arg16[%get3A_797, %get3A_798] {strides = array<i32>} : memref<128x16xf32, #tpu.memory_space<vmem>>, vector<1x16xf32>,
      %get3A_800 = vector.shape_cast %get3A_799 : vector<1x16xf32> to vector<16xf32>
      %get3A_801 = arith.index_cast %add3A_796 : i32 to index
      %get3A_802 = arith.constant 0 : index
      %get3A_803 = tpu.vector_load %arg17[%get3A_801, %get3A_802] {strides = array<i32>} : memref<128x16xf32, #tpu.memory_space<vmem>>, vector<1x16xf32>,
      %get3A_804 = vector.shape_cast %get3A_803 : vector<1x16xf32> to vector<16xf32>
      %sub3A_805 = arith.subf %get3A_800, %get3A_804 : vector<16xf32>
      %slice3A_806 = vector.extract_strided_slice %get3A_630 {offsets = [6], sizes = [1], strides = [1]} : vector<16xf32> to vector<1xf32>
      %squeeze3A_807 = vector.extract %slice3A_806[0] : f32 from vector<1xf32>
      %mul3A_808 = vector.broadcast %squeeze3A_807 : f32 to vector<16xf32>
      %mul3A_809 = arith.mulf %sub3A_805, %mul3A_808 : vector<16xf32>
      %swap3A_810 = arith.index_cast %add3A_796 : i32 to index
      %swap3A_811 = arith.constant 0 : index
      %swap3A_812 = tpu.vector_load %arg19[%swap3A_810, %swap3A_811] {strides = array<i32>} : memref<128x16xf32, #tpu.memory_space<vmem>>, vector<1x16xf32>,
      %swap3A_813 = vector.shape_cast %swap3A_812 : vector<1x16xf32> to vector<16xf32>
      %swap3A_814 = vector.shape_cast %mul3A_809 : vector<16xf32> to vector<1x16xf32>
      tpu.vector_store %arg19[%swap3A_810, %swap3A_811], %swap3A_814 {strides = array<i32>} : memref<128x16xf32, #tpu.memory_space<vmem>>, vector<1x16xf32>,
      %neg3A_815 = arith.constant 0.000000e+00 : f32
      %neg3A_816 = vector.broadcast %neg3A_815 : f32 to vector<16xf32>
      %neg3A_817 = arith.subf %neg3A_816, %mul3A_809 : vector<16xf32>
      %swap3A_818 = arith.index_cast %add3A_796 : i32 to index
      %swap3A_819 = arith.constant 0 : index
      %swap3A_820 = tpu.vector_load %arg18[%swap3A_818, %swap3A_819] {strides = array<i32>} : memref<128x16xf32, #tpu.memory_space<vmem>>, vector<1x16xf32>,
      %swap3A_821 = vector.shape_cast %swap3A_820 : vector<1x16xf32> to vector<16xf32>
      %swap3A_822 = vector.shape_cast %neg3A_817 : vector<16xf32> to vector<1x16xf32>
      tpu.vector_store %arg18[%swap3A_818, %swap3A_819], %swap3A_822 {strides = array<i32>} : memref<128x16xf32, #tpu.memory_space<vmem>>, vector<1x16xf32>,
      %add3A_823 = arith.constant 7 : i32
      %add3A_824 = arith.addi %mul3A_627, %add3A_823 : i32
      %get3A_825 = arith.index_cast %add3A_824 : i32 to index
      %get3A_826 = arith.constant 0 : index
      %get3A_827 = tpu.vector_load %arg16[%get3A_825, %get3A_826] {strides = array<i32>} : memref<128x16xf32, #tpu.memory_space<vmem>>, vector<1x16xf32>,
      %get3A_828 = vector.shape_cast %get3A_827 : vector<1x16xf32> to vector<16xf32>
      %get3A_829 = arith.index_cast %add3A_824 : i32 to index
      %get3A_830 = arith.constant 0 : index
      %get3A_831 = tpu.vector_load %arg17[%get3A_829, %get3A_830] {strides = array<i32>} : memref<128x16xf32, #tpu.memory_space<vmem>>, vector<1x16xf32>,
      %get3A_832 = vector.shape_cast %get3A_831 : vector<1x16xf32> to vector<16xf32>
      %sub3A_833 = arith.subf %get3A_828, %get3A_832 : vector<16xf32>
      %slice3A_834 = vector.extract_strided_slice %get3A_630 {offsets = [7], sizes = [1], strides = [1]} : vector<16xf32> to vector<1xf32>
      %squeeze3A_835 = vector.extract %slice3A_834[0] : f32 from vector<1xf32>
      %mul3A_836 = vector.broadcast %squeeze3A_835 : f32 to vector<16xf32>
      %mul3A_837 = arith.mulf %sub3A_833, %mul3A_836 : vector<16xf32>
      %swap3A_838 = arith.index_cast %add3A_824 : i32 to index
      %swap3A_839 = arith.constant 0 : index
      %swap3A_840 = tpu.vector_load %arg19[%swap3A_838, %swap3A_839] {strides = array<i32>} : memref<128x16xf32, #tpu.memory_space<vmem>>, vector<1x16xf32>,
      %swap3A_841 = vector.shape_cast %swap3A_840 : vector<1x16xf32> to vector<16xf32>
      %swap3A_842 = vector.shape_cast %mul3A_837 : vector<16xf32> to vector<1x16xf32>
      tpu.vector_store %arg19[%swap3A_838, %swap3A_839], %swap3A_842 {strides = array<i32>} : memref<128x16xf32, #tpu.memory_space<vmem>>, vector<1x16xf32>,
      %neg3A_843 = arith.constant 0.000000e+00 : f32
      %neg3A_844 = vector.broadcast %neg3A_843 : f32 to vector<16xf32>
      %neg3A_845 = arith.subf %neg3A_844, %mul3A_837 : vector<16xf32>
      %swap3A_846 = arith.index_cast %add3A_824 : i32 to index
      %swap3A_847 = arith.constant 0 : index
      %swap3A_848 = tpu.vector_load %arg18[%swap3A_846, %swap3A_847] {strides = array<i32>} : memref<128x16xf32, #tpu.memory_space<vmem>>, vector<1x16xf32>,
      %swap3A_849 = vector.shape_cast %swap3A_848 : vector<1x16xf32> to vector<16xf32>
      %swap3A_850 = vector.shape_cast %neg3A_845 : vector<16xf32> to vector<1x16xf32>
      tpu.vector_store %arg18[%swap3A_846, %swap3A_847], %swap3A_850 {strides = array<i32>} : memref<128x16xf32, #tpu.memory_space<vmem>>, vector<1x16xf32>,
      %add3A_851 = arith.constant 8 : i32
      %add3A_852 = arith.addi %mul3A_627, %add3A_851 : i32
      %get3A_853 = arith.index_cast %add3A_852 : i32 to index
      %get3A_854 = arith.constant 0 : index
      %get3A_855 = tpu.vector_load %arg16[%get3A_853, %get3A_854] {strides = array<i32>} : memref<128x16xf32, #tpu.memory_space<vmem>>, vector<1x16xf32>,
      %get3A_856 = vector.shape_cast %get3A_855 : vector<1x16xf32> to vector<16xf32>
      %get3A_857 = arith.index_cast %add3A_852 : i32 to index
      %get3A_858 = arith.constant 0 : index
      %get3A_859 = tpu.vector_load %arg17[%get3A_857, %get3A_858] {strides = array<i32>} : memref<128x16xf32, #tpu.memory_space<vmem>>, vector<1x16xf32>,
      %get3A_860 = vector.shape_cast %get3A_859 : vector<1x16xf32> to vector<16xf32>
      %sub3A_861 = arith.subf %get3A_856, %get3A_860 : vector<16xf32>
      %slice3A_862 = vector.extract_strided_slice %get3A_630 {offsets = [8], sizes = [1], strides = [1]} : vector<16xf32> to vector<1xf32>
      %squeeze3A_863 = vector.extract %slice3A_862[0] : f32 from vector<1xf32>
      %mul3A_864 = vector.broadcast %squeeze3A_863 : f32 to vector<16xf32>
      %mul3A_865 = arith.mulf %sub3A_861, %mul3A_864 : vector<16xf32>
      %swap3A_866 = arith.index_cast %add3A_852 : i32 to index
      %swap3A_867 = arith.constant 0 : index
      %swap3A_868 = tpu.vector_load %arg19[%swap3A_866, %swap3A_867] {strides = array<i32>} : memref<128x16xf32, #tpu.memory_space<vmem>>, vector<1x16xf32>,
      %swap3A_869 = vector.shape_cast %swap3A_868 : vector<1x16xf32> to vector<16xf32>
      %swap3A_870 = vector.shape_cast %mul3A_865 : vector<16xf32> to vector<1x16xf32>
      tpu.vector_store %arg19[%swap3A_866, %swap3A_867], %swap3A_870 {strides = array<i32>} : memref<128x16xf32, #tpu.memory_space<vmem>>, vector<1x16xf32>,
      %neg3A_871 = arith.constant 0.000000e+00 : f32
      %neg3A_872 = vector.broadcast %neg3A_871 : f32 to vector<16xf32>
      %neg3A_873 = arith.subf %neg3A_872, %mul3A_865 : vector<16xf32>
      %swap3A_874 = arith.index_cast %add3A_852 : i32 to index
      %swap3A_875 = arith.constant 0 : index
      %swap3A_876 = tpu.vector_load %arg18[%swap3A_874, %swap3A_875] {strides = array<i32>} : memref<128x16xf32, #tpu.memory_space<vmem>>, vector<1x16xf32>,
      %swap3A_877 = vector.shape_cast %swap3A_876 : vector<1x16xf32> to vector<16xf32>
      %swap3A_878 = vector.shape_cast %neg3A_873 : vector<16xf32> to vector<1x16xf32>
      tpu.vector_store %arg18[%swap3A_874, %swap3A_875], %swap3A_878 {strides = array<i32>} : memref<128x16xf32, #tpu.memory_space<vmem>>, vector<1x16xf32>,
      %add3A_879 = arith.constant 9 : i32
      %add3A_880 = arith.addi %mul3A_627, %add3A_879 : i32
      %get3A_881 = arith.index_cast %add3A_880 : i32 to index
      %get3A_882 = arith.constant 0 : index
      %get3A_883 = tpu.vector_load %arg16[%get3A_881, %get3A_882] {strides = array<i32>} : memref<128x16xf32, #tpu.memory_space<vmem>>, vector<1x16xf32>,
      %get3A_884 = vector.shape_cast %get3A_883 : vector<1x16xf32> to vector<16xf32>
      %get3A_885 = arith.index_cast %add3A_880 : i32 to index
      %get3A_886 = arith.constant 0 : index
      %get3A_887 = tpu.vector_load %arg17[%get3A_885, %get3A_886] {strides = array<i32>} : memref<128x16xf32, #tpu.memory_space<vmem>>, vector<1x16xf32>,
      %get3A_888 = vector.shape_cast %get3A_887 : vector<1x16xf32> to vector<16xf32>
      %sub3A_889 = arith.subf %get3A_884, %get3A_888 : vector<16xf32>
      %slice3A_890 = vector.extract_strided_slice %get3A_630 {offsets = [9], sizes = [1], strides = [1]} : vector<16xf32> to vector<1xf32>
      %squeeze3A_891 = vector.extract %slice3A_890[0] : f32 from vector<1xf32>
      %mul3A_892 = vector.broadcast %squeeze3A_891 : f32 to vector<16xf32>
      %mul3A_893 = arith.mulf %sub3A_889, %mul3A_892 : vector<16xf32>
      %swap3A_894 = arith.index_cast %add3A_880 : i32 to index
      %swap3A_895 = arith.constant 0 : index
      %swap3A_896 = tpu.vector_load %arg19[%swap3A_894, %swap3A_895] {strides = array<i32>} : memref<128x16xf32, #tpu.memory_space<vmem>>, vector<1x16xf32>,
      %swap3A_897 = vector.shape_cast %swap3A_896 : vector<1x16xf32> to vector<16xf32>
      %swap3A_898 = vector.shape_cast %mul3A_893 : vector<16xf32> to vector<1x16xf32>
      tpu.vector_store %arg19[%swap3A_894, %swap3A_895], %swap3A_898 {strides = array<i32>} : memref<128x16xf32, #tpu.memory_space<vmem>>, vector<1x16xf32>,
      %neg3A_899 = arith.constant 0.000000e+00 : f32
      %neg3A_900 = vector.broadcast %neg3A_899 : f32 to vector<16xf32>
      %neg3A_901 = arith.subf %neg3A_900, %mul3A_893 : vector<16xf32>
      %swap3A_902 = arith.index_cast %add3A_880 : i32 to index
      %swap3A_903 = arith.constant 0 : index
      %swap3A_904 = tpu.vector_load %arg18[%swap3A_902, %swap3A_903] {strides = array<i32>} : memref<128x16xf32, #tpu.memory_space<vmem>>, vector<1x16xf32>,
      %swap3A_905 = vector.shape_cast %swap3A_904 : vector<1x16xf32> to vector<16xf32>
      %swap3A_906 = vector.shape_cast %neg3A_901 : vector<16xf32> to vector<1x16xf32>
      tpu.vector_store %arg18[%swap3A_902, %swap3A_903], %swap3A_906 {strides = array<i32>} : memref<128x16xf32, #tpu.memory_space<vmem>>, vector<1x16xf32>,
      %add3A_907 = arith.constant 10 : i32
      %add3A_908 = arith.addi %mul3A_627, %add3A_907 : i32
      %get3A_909 = arith.index_cast %add3A_908 : i32 to index
      %get3A_910 = arith.constant 0 : index
      %get3A_911 = tpu.vector_load %arg16[%get3A_909, %get3A_910] {strides = array<i32>} : memref<128x16xf32, #tpu.memory_space<vmem>>, vector<1x16xf32>,
      %get3A_912 = vector.shape_cast %get3A_911 : vector<1x16xf32> to vector<16xf32>
      %get3A_913 = arith.index_cast %add3A_908 : i32 to index
      %get3A_914 = arith.constant 0 : index
      %get3A_915 = tpu.vector_load %arg17[%get3A_913, %get3A_914] {strides = array<i32>} : memref<128x16xf32, #tpu.memory_space<vmem>>, vector<1x16xf32>,
      %get3A_916 = vector.shape_cast %get3A_915 : vector<1x16xf32> to vector<16xf32>
      %sub3A_917 = arith.subf %get3A_912, %get3A_916 : vector<16xf32>
      %slice3A_918 = vector.extract_strided_slice %get3A_630 {offsets = [10], sizes = [1], strides = [1]} : vector<16xf32> to vector<1xf32>
      %squeeze3A_919 = vector.extract %slice3A_918[0] : f32 from vector<1xf32>
      %mul3A_920 = vector.broadcast %squeeze3A_919 : f32 to vector<16xf32>
      %mul3A_921 = arith.mulf %sub3A_917, %mul3A_920 : vector<16xf32>
      %swap3A_922 = arith.index_cast %add3A_908 : i32 to index
      %swap3A_923 = arith.constant 0 : index
      %swap3A_924 = tpu.vector_load %arg19[%swap3A_922, %swap3A_923] {strides = array<i32>} : memref<128x16xf32, #tpu.memory_space<vmem>>, vector<1x16xf32>,
      %swap3A_925 = vector.shape_cast %swap3A_924 : vector<1x16xf32> to vector<16xf32>
      %swap3A_926 = vector.shape_cast %mul3A_921 : vector<16xf32> to vector<1x16xf32>
      tpu.vector_store %arg19[%swap3A_922, %swap3A_923], %swap3A_926 {strides = array<i32>} : memref<128x16xf32, #tpu.memory_space<vmem>>, vector<1x16xf32>,
      %neg3A_927 = arith.constant 0.000000e+00 : f32
      %neg3A_928 = vector.broadcast %neg3A_927 : f32 to vector<16xf32>
      %neg3A_929 = arith.subf %neg3A_928, %mul3A_921 : vector<16xf32>
      %swap3A_930 = arith.index_cast %add3A_908 : i32 to index
      %swap3A_931 = arith.constant 0 : index
      %swap3A_932 = tpu.vector_load %arg18[%swap3A_930, %swap3A_931] {strides = array<i32>} : memref<128x16xf32, #tpu.memory_space<vmem>>, vector<1x16xf32>,
      %swap3A_933 = vector.shape_cast %swap3A_932 : vector<1x16xf32> to vector<16xf32>
      %swap3A_934 = vector.shape_cast %neg3A_929 : vector<16xf32> to vector<1x16xf32>
      tpu.vector_store %arg18[%swap3A_930, %swap3A_931], %swap3A_934 {strides = array<i32>} : memref<128x16xf32, #tpu.memory_space<vmem>>, vector<1x16xf32>,
      %add3A_935 = arith.constant 11 : i32
      %add3A_936 = arith.addi %mul3A_627, %add3A_935 : i32
      %get3A_937 = arith.index_cast %add3A_936 : i32 to index
      %get3A_938 = arith.constant 0 : index
      %get3A_939 = tpu.vector_load %arg16[%get3A_937, %get3A_938] {strides = array<i32>} : memref<128x16xf32, #tpu.memory_space<vmem>>, vector<1x16xf32>,
      %get3A_940 = vector.shape_cast %get3A_939 : vector<1x16xf32> to vector<16xf32>
      %get3A_941 = arith.index_cast %add3A_936 : i32 to index
      %get3A_942 = arith.constant 0 : index
      %get3A_943 = tpu.vector_load %arg17[%get3A_941, %get3A_942] {strides = array<i32>} : memref<128x16xf32, #tpu.memory_space<vmem>>, vector<1x16xf32>,
      %get3A_944 = vector.shape_cast %get3A_943 : vector<1x16xf32> to vector<16xf32>
      %sub3A_945 = arith.subf %get3A_940, %get3A_944 : vector<16xf32>
      %slice3A_946 = vector.extract_strided_slice %get3A_630 {offsets = [11], sizes = [1], strides = [1]} : vector<16xf32> to vector<1xf32>
      %squeeze3A_947 = vector.extract %slice3A_946[0] : f32 from vector<1xf32>
      %mul3A_948 = vector.broadcast %squeeze3A_947 : f32 to vector<16xf32>
      %mul3A_949 = arith.mulf %sub3A_945, %mul3A_948 : vector<16xf32>
      %swap3A_950 = arith.index_cast %add3A_936 : i32 to index
      %swap3A_951 = arith.constant 0 : index
      %swap3A_952 = tpu.vector_load %arg19[%swap3A_950, %swap3A_951] {strides = array<i32>} : memref<128x16xf32, #tpu.memory_space<vmem>>, vector<1x16xf32>,
      %swap3A_953 = vector.shape_cast %swap3A_952 : vector<1x16xf32> to vector<16xf32>
      %swap3A_954 = vector.shape_cast %mul3A_949 : vector<16xf32> to vector<1x16xf32>
      tpu.vector_store %arg19[%swap3A_950, %swap3A_951], %swap3A_954 {strides = array<i32>} : memref<128x16xf32, #tpu.memory_space<vmem>>, vector<1x16xf32>,
      %neg3A_955 = arith.constant 0.000000e+00 : f32
      %neg3A_956 = vector.broadcast %neg3A_955 : f32 to vector<16xf32>
      %neg3A_957 = arith.subf %neg3A_956, %mul3A_949 : vector<16xf32>
      %swap3A_958 = arith.index_cast %add3A_936 : i32 to index
      %swap3A_959 = arith.constant 0 : index
      %swap3A_960 = tpu.vector_load %arg18[%swap3A_958, %swap3A_959] {strides = array<i32>} : memref<128x16xf32, #tpu.memory_space<vmem>>, vector<1x16xf32>,
      %swap3A_961 = vector.shape_cast %swap3A_960 : vector<1x16xf32> to vector<16xf32>
      %swap3A_962 = vector.shape_cast %neg3A_957 : vector<16xf32> to vector<1x16xf32>
      tpu.vector_store %arg18[%swap3A_958, %swap3A_959], %swap3A_962 {strides = array<i32>} : memref<128x16xf32, #tpu.memory_space<vmem>>, vector<1x16xf32>,
      %add3A_963 = arith.constant 12 : i32
      %add3A_964 = arith.addi %mul3A_627, %add3A_963 : i32
      %get3A_965 = arith.index_cast %add3A_964 : i32 to index
      %get3A_966 = arith.constant 0 : index
      %get3A_967 = tpu.vector_load %arg16[%get3A_965, %get3A_966] {strides = array<i32>} : memref<128x16xf32, #tpu.memory_space<vmem>>, vector<1x16xf32>,
      %get3A_968 = vector.shape_cast %get3A_967 : vector<1x16xf32> to vector<16xf32>
      %get3A_969 = arith.index_cast %add3A_964 : i32 to index
      %get3A_970 = arith.constant 0 : index
      %get3A_971 = tpu.vector_load %arg17[%get3A_969, %get3A_970] {strides = array<i32>} : memref<128x16xf32, #tpu.memory_space<vmem>>, vector<1x16xf32>,
      %get3A_972 = vector.shape_cast %get3A_971 : vector<1x16xf32> to vector<16xf32>
      %sub3A_973 = arith.subf %get3A_968, %get3A_972 : vector<16xf32>
      %slice3A_974 = vector.extract_strided_slice %get3A_630 {offsets = [12], sizes = [1], strides = [1]} : vector<16xf32> to vector<1xf32>
      %squeeze3A_975 = vector.extract %slice3A_974[0] : f32 from vector<1xf32>
      %mul3A_976 = vector.broadcast %squeeze3A_975 : f32 to vector<16xf32>
      %mul3A_977 = arith.mulf %sub3A_973, %mul3A_976 : vector<16xf32>
      %swap3A_978 = arith.index_cast %add3A_964 : i32 to index
      %swap3A_979 = arith.constant 0 : index
      %swap3A_980 = tpu.vector_load %arg19[%swap3A_978, %swap3A_979] {strides = array<i32>} : memref<128x16xf32, #tpu.memory_space<vmem>>, vector<1x16xf32>,
      %swap3A_981 = vector.shape_cast %swap3A_980 : vector<1x16xf32> to vector<16xf32>
      %swap3A_982 = vector.shape_cast %mul3A_977 : vector<16xf32> to vector<1x16xf32>
      tpu.vector_store %arg19[%swap3A_978, %swap3A_979], %swap3A_982 {strides = array<i32>} : memref<128x16xf32, #tpu.memory_space<vmem>>, vector<1x16xf32>,
      %neg3A_983 = arith.constant 0.000000e+00 : f32
      %neg3A_984 = vector.broadcast %neg3A_983 : f32 to vector<16xf32>
      %neg3A_985 = arith.subf %neg3A_984, %mul3A_977 : vector<16xf32>
      %swap3A_986 = arith.index_cast %add3A_964 : i32 to index
      %swap3A_987 = arith.constant 0 : index
      %swap3A_988 = tpu.vector_load %arg18[%swap3A_986, %swap3A_987] {strides = array<i32>} : memref<128x16xf32, #tpu.memory_space<vmem>>, vector<1x16xf32>,
      %swap3A_989 = vector.shape_cast %swap3A_988 : vector<1x16xf32> to vector<16xf32>
      %swap3A_990 = vector.shape_cast %neg3A_985 : vector<16xf32> to vector<1x16xf32>
      tpu.vector_store %arg18[%swap3A_986, %swap3A_987], %swap3A_990 {strides = array<i32>} : memref<128x16xf32, #tpu.memory_space<vmem>>, vector<1x16xf32>,
      %add3A_991 = arith.constant 13 : i32
      %add3A_992 = arith.addi %mul3A_627, %add3A_991 : i32
      %get3A_993 = arith.index_cast %add3A_992 : i32 to index
      %get3A_994 = arith.constant 0 : index
      %get3A_995 = tpu.vector_load %arg16[%get3A_993, %get3A_994] {strides = array<i32>} : memref<128x16xf32, #tpu.memory_space<vmem>>, vector<1x16xf32>,
      %get3A_996 = vector.shape_cast %get3A_995 : vector<1x16xf32> to vector<16xf32>
      %get3A_997 = arith.index_cast %add3A_992 : i32 to index
      %get3A_998 = arith.constant 0 : index
      %get3A_999 = tpu.vector_load %arg17[%get3A_997, %get3A_998] {strides = array<i32>} : memref<128x16xf32, #tpu.memory_space<vmem>>, vector<1x16xf32>,
      %get3A_1000 = vector.shape_cast %get3A_999 : vector<1x16xf32> to vector<16xf32>
      %sub3A_1001 = arith.subf %get3A_996, %get3A_1000 : vector<16xf32>
      %slice3A_1002 = vector.extract_strided_slice %get3A_630 {offsets = [13], sizes = [1], strides = [1]} : vector<16xf32> to vector<1xf32>
      %squeeze3A_1003 = vector.extract %slice3A_1002[0] : f32 from vector<1xf32>
      %mul3A_1004 = vector.broadcast %squeeze3A_1003 : f32 to vector<16xf32>
      %mul3A_1005 = arith.mulf %sub3A_1001, %mul3A_1004 : vector<16xf32>
      %swap3A_1006 = arith.index_cast %add3A_992 : i32 to index
      %swap3A_1007 = arith.constant 0 : index
      %swap3A_1008 = tpu.vector_load %arg19[%swap3A_1006, %swap3A_1007] {strides = array<i32>} : memref<128x16xf32, #tpu.memory_space<vmem>>, vector<1x16xf32>,
      %swap3A_1009 = vector.shape_cast %swap3A_1008 : vector<1x16xf32> to vector<16xf32>
      %swap3A_1010 = vector.shape_cast %mul3A_1005 : vector<16xf32> to vector<1x16xf32>
      tpu.vector_store %arg19[%swap3A_1006, %swap3A_1007], %swap3A_1010 {strides = array<i32>} : memref<128x16xf32, #tpu.memory_space<vmem>>, vector<1x16xf32>,
      %neg3A_1011 = arith.constant 0.000000e+00 : f32
      %neg3A_1012 = vector.broadcast %neg3A_1011 : f32 to vector<16xf32>
      %neg3A_1013 = arith.subf %neg3A_1012, %mul3A_1005 : vector<16xf32>
      %swap3A_1014 = arith.index_cast %add3A_992 : i32 to index
      %swap3A_1015 = arith.constant 0 : index
      %swap3A_1016 = tpu.vector_load %arg18[%swap3A_1014, %swap3A_1015] {strides = array<i32>} : memref<128x16xf32, #tpu.memory_space<vmem>>, vector<1x16xf32>,
      %swap3A_1017 = vector.shape_cast %swap3A_1016 : vector<1x16xf32> to vector<16xf32>
      %swap3A_1018 = vector.shape_cast %neg3A_1013 : vector<16xf32> to vector<1x16xf32>
      tpu.vector_store %arg18[%swap3A_1014, %swap3A_1015], %swap3A_1018 {strides = array<i32>} : memref<128x16xf32, #tpu.memory_space<vmem>>, vector<1x16xf32>,
      %add3A_1019 = arith.constant 14 : i32
      %add3A_1020 = arith.addi %mul3A_627, %add3A_1019 : i32
      %get3A_1021 = arith.index_cast %add3A_1020 : i32 to index
      %get3A_1022 = arith.constant 0 : index
      %get3A_1023 = tpu.vector_load %arg16[%get3A_1021, %get3A_1022] {strides = array<i32>} : memref<128x16xf32, #tpu.memory_space<vmem>>, vector<1x16xf32>,
      %get3A_1024 = vector.shape_cast %get3A_1023 : vector<1x16xf32> to vector<16xf32>
      %get3A_1025 = arith.index_cast %add3A_1020 : i32 to index
      %get3A_1026 = arith.constant 0 : index
      %get3A_1027 = tpu.vector_load %arg17[%get3A_1025, %get3A_1026] {strides = array<i32>} : memref<128x16xf32, #tpu.memory_space<vmem>>, vector<1x16xf32>,
      %get3A_1028 = vector.shape_cast %get3A_1027 : vector<1x16xf32> to vector<16xf32>
      %sub3A_1029 = arith.subf %get3A_1024, %get3A_1028 : vector<16xf32>
      %slice3A_1030 = vector.extract_strided_slice %get3A_630 {offsets = [14], sizes = [1], strides = [1]} : vector<16xf32> to vector<1xf32>
      %squeeze3A_1031 = vector.extract %slice3A_1030[0] : f32 from vector<1xf32>
      %mul3A_1032 = vector.broadcast %squeeze3A_1031 : f32 to vector<16xf32>
      %mul3A_1033 = arith.mulf %sub3A_1029, %mul3A_1032 : vector<16xf32>
      %swap3A_1034 = arith.index_cast %add3A_1020 : i32 to index
      %swap3A_1035 = arith.constant 0 : index
      %swap3A_1036 = tpu.vector_load %arg19[%swap3A_1034, %swap3A_1035] {strides = array<i32>} : memref<128x16xf32, #tpu.memory_space<vmem>>, vector<1x16xf32>,
      %swap3A_1037 = vector.shape_cast %swap3A_1036 : vector<1x16xf32> to vector<16xf32>
      %swap3A_1038 = vector.shape_cast %mul3A_1033 : vector<16xf32> to vector<1x16xf32>
      tpu.vector_store %arg19[%swap3A_1034, %swap3A_1035], %swap3A_1038 {strides = array<i32>} : memref<128x16xf32, #tpu.memory_space<vmem>>, vector<1x16xf32>,
      %neg3A_1039 = arith.constant 0.000000e+00 : f32
      %neg3A_1040 = vector.broadcast %neg3A_1039 : f32 to vector<16xf32>
      %neg3A_1041 = arith.subf %neg3A_1040, %mul3A_1033 : vector<16xf32>
      %swap3A_1042 = arith.index_cast %add3A_1020 : i32 to index
      %swap3A_1043 = arith.constant 0 : index
      %swap3A_1044 = tpu.vector_load %arg18[%swap3A_1042, %swap3A_1043] {strides = array<i32>} : memref<128x16xf32, #tpu.memory_space<vmem>>, vector<1x16xf32>,
      %swap3A_1045 = vector.shape_cast %swap3A_1044 : vector<1x16xf32> to vector<16xf32>
      %swap3A_1046 = vector.shape_cast %neg3A_1041 : vector<16xf32> to vector<1x16xf32>
      tpu.vector_store %arg18[%swap3A_1042, %swap3A_1043], %swap3A_1046 {strides = array<i32>} : memref<128x16xf32, #tpu.memory_space<vmem>>, vector<1x16xf32>,
      %add3A_1047 = arith.constant 15 : i32
      %add3A_1048 = arith.addi %mul3A_627, %add3A_1047 : i32
      %get3A_1049 = arith.index_cast %add3A_1048 : i32 to index
      %get3A_1050 = arith.constant 0 : index
      %get3A_1051 = tpu.vector_load %arg16[%get3A_1049, %get3A_1050] {strides = array<i32>} : memref<128x16xf32, #tpu.memory_space<vmem>>, vector<1x16xf32>,
      %get3A_1052 = vector.shape_cast %get3A_1051 : vector<1x16xf32> to vector<16xf32>
      %get3A_1053 = arith.index_cast %add3A_1048 : i32 to index
      %get3A_1054 = arith.constant 0 : index
      %get3A_1055 = tpu.vector_load %arg17[%get3A_1053, %get3A_1054] {strides = array<i32>} : memref<128x16xf32, #tpu.memory_space<vmem>>, vector<1x16xf32>,
      %get3A_1056 = vector.shape_cast %get3A_1055 : vector<1x16xf32> to vector<16xf32>
      %sub3A_1057 = arith.subf %get3A_1052, %get3A_1056 : vector<16xf32>
      %slice3A_1058 = vector.extract_strided_slice %get3A_630 {offsets = [15], sizes = [1], strides = [1]} : vector<16xf32> to vector<1xf32>
      %squeeze3A_1059 = vector.extract %slice3A_1058[0] : f32 from vector<1xf32>
      %mul3A_1060 = vector.broadcast %squeeze3A_1059 : f32 to vector<16xf32>
      %mul3A_1061 = arith.mulf %sub3A_1057, %mul3A_1060 : vector<16xf32>
      %swap3A_1062 = arith.index_cast %add3A_1048 : i32 to index
      %swap3A_1063 = arith.constant 0 : index
      %swap3A_1064 = tpu.vector_load %arg19[%swap3A_1062, %swap3A_1063] {strides = array<i32>} : memref<128x16xf32, #tpu.memory_space<vmem>>, vector<1x16xf32>,
      %swap3A_1065 = vector.shape_cast %swap3A_1064 : vector<1x16xf32> to vector<16xf32>
      %swap3A_1066 = vector.shape_cast %mul3A_1061 : vector<16xf32> to vector<1x16xf32>
      tpu.vector_store %arg19[%swap3A_1062, %swap3A_1063], %swap3A_1066 {strides = array<i32>} : memref<128x16xf32, #tpu.memory_space<vmem>>, vector<1x16xf32>,
      %neg3A_1067 = arith.constant 0.000000e+00 : f32
      %neg3A_1068 = vector.broadcast %neg3A_1067 : f32 to vector<16xf32>
      %neg3A_1069 = arith.subf %neg3A_1068, %mul3A_1061 : vector<16xf32>
      %swap3A_1070 = arith.index_cast %add3A_1048 : i32 to index
      %swap3A_1071 = arith.constant 0 : index
      %swap3A_1072 = tpu.vector_load %arg18[%swap3A_1070, %swap3A_1071] {strides = array<i32>} : memref<128x16xf32, #tpu.memory_space<vmem>>, vector<1x16xf32>,
      %swap3A_1073 = vector.shape_cast %swap3A_1072 : vector<1x16xf32> to vector<16xf32>
      %swap3A_1074 = vector.shape_cast %neg3A_1069 : vector<16xf32> to vector<1x16xf32>
      tpu.vector_store %arg18[%swap3A_1070, %swap3A_1071], %swap3A_1074 {strides = array<i32>} : memref<128x16xf32, #tpu.memory_space<vmem>>, vector<1x16xf32>,
      %scan3A_1075 = arith.constant 0 : i32
      scf.yield %scan3A_1075 : i32
    }
    %scan3A_605 = arith.constant 8 : i32
    %dma_start3A_606 = arith.constant 0 : i32
    %dma_start3A_607 = arith.constant 0 : i32
    %dma_start3A_608 = tpu.memref_slice %arg32[%dma_start3A_606, %dma_start3A_607] : memref<100096x16xf32, #tpu.memory_space<vmem_shared>> -> memref<100096x16xf32, #tpu.memory_space<vmem_shared>>
    tpu.enqueue_indirect_dma source(%arg18 : memref<128x16xf32, #tpu.memory_space<vmem>>) target(%dma_start3A_608 : memref<100096x16xf32, #tpu.memory_space<vmem_shared>>) offsets(%arg13 : memref<128xi32, #tpu.memory_space<vmem>>) semaphore(%arg37 : memref<!tpu.dma_semaphore, #tpu.memory_space<semaphore_mem>>) {add = true}
    %dma_start3A_609 = arith.constant 0 : i32
    %dma_start3A_610 = arith.constant 0 : i32
    %dma_start3A_611 = tpu.memref_slice %arg32[%dma_start3A_609, %dma_start3A_610] : memref<100096x16xf32, #tpu.memory_space<vmem_shared>> -> memref<100096x16xf32, #tpu.memory_space<vmem_shared>>
    tpu.enqueue_indirect_dma source(%arg19 : memref<128x16xf32, #tpu.memory_space<vmem>>) target(%dma_start3A_611 : memref<100096x16xf32, #tpu.memory_space<vmem_shared>>) offsets(%arg14 : memref<128xi32, #tpu.memory_space<vmem>>) semaphore(%arg37 : memref<!tpu.dma_semaphore, #tpu.memory_space<semaphore_mem>>) {add = true}
    %dma_wait3A_612 = arith.constant 0 : i32
    %dma_wait3A_613 = arith.constant 0 : i32
    %dma_wait3A_614 = tpu.memref_slice %arg32[%dma_wait3A_612, %dma_wait3A_613] : memref<100096x16xf32, #tpu.memory_space<vmem_shared>> -> memref<100096x16xf32, #tpu.memory_space<vmem_shared>>
    tpu.wait_indirect_dma semaphore(%arg37 : memref<!tpu.dma_semaphore, #tpu.memory_space<semaphore_mem>>) src(%arg18 : memref<128x16xf32, #tpu.memory_space<vmem>>) dst(%dma_wait3A_614 : memref<100096x16xf32, #tpu.memory_space<vmem_shared>>)
    %dma_wait3A_615 = arith.constant 0 : i32
    %dma_wait3A_616 = arith.constant 0 : i32
    %dma_wait3A_617 = tpu.memref_slice %arg32[%dma_wait3A_615, %dma_wait3A_616] : memref<100096x16xf32, #tpu.memory_space<vmem_shared>> -> memref<100096x16xf32, #tpu.memory_space<vmem_shared>>
    tpu.wait_indirect_dma semaphore(%arg37 : memref<!tpu.dma_semaphore, #tpu.memory_space<semaphore_mem>>) src(%arg19 : memref<128x16xf32, #tpu.memory_space<vmem>>) dst(%dma_wait3A_617 : memref<100096x16xf32, #tpu.memory_space<vmem_shared>>)
    %lt3A = arith.constant 4 : i32
    %lt3A_618 = arith.cmpi slt, %arg1, %lt3A : i32
    %convert_element_type3A = arith.extui %lt3A_618 : i1 to i32
    %cond3A = arith.constant 0 : i32
    %cond3A_619 = arith.cmpi ne, %convert_element_type3A, %cond3A : i32
    scf.if %cond3A_619 {
      %add3A_624 = arith.constant 12496 : i32
      %add3A_625 = arith.addi %add3A_624, %arg1 : i32
      %mul3A_626 = arith.constant 128 : i32
      %mul3A_627 = arith.muli %add3A_625, %mul3A_626 : i32
      %dma_start3A_628 = tpu.memref_slice %arg2[%mul3A_627] : memref<1600000xi32, #tpu.memory_space<hbm>> -> memref<128xi32, #tpu.memory_space<hbm>>
      %dma_start3A_629 = tpu.memref_slice %arg2[%mul3A_627] : memref<1600000xi32, #tpu.memory_space<hbm>> -> memref<128xi32, #tpu.memory_space<hbm>>
      tpu.enqueue_dma source(%dma_start3A_629 : memref<128xi32, #tpu.memory_space<hbm>>) target(%arg20 : memref<128xi32, #tpu.memory_space<vmem>>) target_semaphore(%arg34 : memref<!tpu.dma_semaphore, #tpu.memory_space<semaphore_mem>>)
      %dma_start3A_630 = tpu.memref_slice %arg3[%mul3A_627] : memref<1600000xi32, #tpu.memory_space<hbm>> -> memref<128xi32, #tpu.memory_space<hbm>>
      %dma_start3A_631 = tpu.memref_slice %arg3[%mul3A_627] : memref<1600000xi32, #tpu.memory_space<hbm>> -> memref<128xi32, #tpu.memory_space<hbm>>
      tpu.enqueue_dma source(%dma_start3A_631 : memref<128xi32, #tpu.memory_space<hbm>>) target(%arg21 : memref<128xi32, #tpu.memory_space<vmem>>) target_semaphore(%arg34 : memref<!tpu.dma_semaphore, #tpu.memory_space<semaphore_mem>>)
      %dma_start3A_632 = tpu.memref_slice %arg4[%mul3A_627] : memref<1600000xf32, #tpu.memory_space<hbm>> -> memref<128xf32, #tpu.memory_space<hbm>>
      %dma_start3A_633 = tpu.memref_slice %arg4[%mul3A_627] : memref<1600000xf32, #tpu.memory_space<hbm>> -> memref<128xf32, #tpu.memory_space<hbm>>
      tpu.enqueue_dma source(%dma_start3A_633 : memref<128xf32, #tpu.memory_space<hbm>>) target(%arg22 : memref<128xf32, #tpu.memory_space<vmem>>) target_semaphore(%arg34 : memref<!tpu.dma_semaphore, #tpu.memory_space<semaphore_mem>>)
      %dma_wait3A_634 = tpu.memref_slice %arg2[%mul3A_627] : memref<1600000xi32, #tpu.memory_space<hbm>> -> memref<128xi32, #tpu.memory_space<hbm>>
      %dma_wait3A_635 = tpu.memref_slice %arg2[%mul3A_627] : memref<1600000xi32, #tpu.memory_space<hbm>> -> memref<128xi32, #tpu.memory_space<hbm>>
      tpu.wait_dma2 semaphore(%arg34 : memref<!tpu.dma_semaphore, #tpu.memory_space<semaphore_mem>>) src(%dma_wait3A_635 : memref<128xi32, #tpu.memory_space<hbm>>) dst(%arg20 : memref<128xi32, #tpu.memory_space<vmem>>)
      %dma_wait3A_636 = tpu.memref_slice %arg3[%mul3A_627] : memref<1600000xi32, #tpu.memory_space<hbm>> -> memref<128xi32, #tpu.memory_space<hbm>>
      %dma_wait3A_637 = tpu.memref_slice %arg3[%mul3A_627] : memref<1600000xi32, #tpu.memory_space<hbm>> -> memref<128xi32, #tpu.memory_space<hbm>>
      tpu.wait_dma2 semaphore(%arg34 : memref<!tpu.dma_semaphore, #tpu.memory_space<semaphore_mem>>) src(%dma_wait3A_637 : memref<128xi32, #tpu.memory_space<hbm>>) dst(%arg21 : memref<128xi32, #tpu.memory_space<vmem>>)
      %dma_wait3A_638 = tpu.memref_slice %arg4[%mul3A_627] : memref<1600000xf32, #tpu.memory_space<hbm>> -> memref<128xf32, #tpu.memory_space<hbm>>
      %dma_wait3A_639 = tpu.memref_slice %arg4[%mul3A_627] : memref<1600000xf32, #tpu.memory_space<hbm>> -> memref<128xf32, #tpu.memory_space<hbm>>
      tpu.wait_dma2 semaphore(%arg34 : memref<!tpu.dma_semaphore, #tpu.memory_space<semaphore_mem>>) src(%dma_wait3A_639 : memref<128xf32, #tpu.memory_space<hbm>>) dst(%arg22 : memref<128xf32, #tpu.memory_space<vmem>>)
      %get3A_640 = arith.constant 0 : index
      %get3A_641 = tpu.vector_load %arg20[%get3A_640] {strides = array<i32>} : memref<128xi32, #tpu.memory_space<vmem>>, vector<16xi32>,
      %get3A_642 = vector.shape_cast %get3A_641 : vector<16xi32> to vector<16xi32>
      %get3A_643 = arith.constant 0 : index
      %get3A_644 = tpu.vector_load %arg21[%get3A_643] {strides = array<i32>} : memref<128xi32, #tpu.memory_space<vmem>>, vector<16xi32>,
      %get3A_645 = vector.shape_cast %get3A_644 : vector<16xi32> to vector<16xi32>
      %add3A_646 = vector.broadcast %mul3A_0 : i32 to vector<16xi32>
      %add3A_647 = arith.addi %get3A_642, %add3A_646 : vector<16xi32>
      %swap3A_648 = arith.constant 0 : index
      %swap3A_649 = tpu.vector_load %arg23[%swap3A_648] {strides = array<i32>} : memref<128xi32, #tpu.memory_space<vmem>>, vector<16xi32>,
      %swap3A_650 = vector.shape_cast %swap3A_649 : vector<16xi32> to vector<16xi32>
      %swap3A_651 = vector.shape_cast %add3A_647 : vector<16xi32> to vector<16xi32>
      tpu.vector_store %arg23[%swap3A_648], %swap3A_651 {strides = array<i32>} : memref<128xi32, #tpu.memory_space<vmem>>, vector<16xi32>,
      %add3A_652 = vector.broadcast %mul3A_0 : i32 to vector<16xi32>
      %add3A_653 = arith.addi %get3A_645, %add3A_652 : vector<16xi32>
      %swap3A_654 = arith.constant 0 : index
      %swap3A_655 = tpu.vector_load %arg24[%swap3A_654] {strides = array<i32>} : memref<128xi32, #tpu.memory_space<vmem>>, vector<16xi32>,
      %swap3A_656 = vector.shape_cast %swap3A_655 : vector<16xi32> to vector<16xi32>
      %swap3A_657 = vector.shape_cast %add3A_653 : vector<16xi32> to vector<16xi32>
      tpu.vector_store %arg24[%swap3A_654], %swap3A_657 {strides = array<i32>} : memref<128xi32, #tpu.memory_space<vmem>>, vector<16xi32>,
      %swap3A_658 = arith.constant 0 : index
      %swap3A_659 = tpu.vector_load %arg25[%swap3A_658] {strides = array<i32>} : memref<128xi32, #tpu.memory_space<vmem>>, vector<16xi32>,
      %swap3A_660 = vector.shape_cast %swap3A_659 : vector<16xi32> to vector<16xi32>
      %swap3A_661 = vector.shape_cast %get3A_642 : vector<16xi32> to vector<16xi32>
      tpu.vector_store %arg25[%swap3A_658], %swap3A_661 {strides = array<i32>} : memref<128xi32, #tpu.memory_space<vmem>>, vector<16xi32>,
      %swap3A_662 = arith.constant 0 : index
      %swap3A_663 = tpu.vector_load %arg26[%swap3A_662] {strides = array<i32>} : memref<128xi32, #tpu.memory_space<vmem>>, vector<16xi32>,
      %swap3A_664 = vector.shape_cast %swap3A_663 : vector<16xi32> to vector<16xi32>
      %swap3A_665 = vector.shape_cast %get3A_645 : vector<16xi32> to vector<16xi32>
      tpu.vector_store %arg26[%swap3A_662], %swap3A_665 {strides = array<i32>} : memref<128xi32, #tpu.memory_space<vmem>>, vector<16xi32>,
      %get3A_666 = arith.constant 0 : index
      %get3A_667 = tpu.vector_load %arg22[%get3A_666] {strides = array<i32>} : memref<128xf32, #tpu.memory_space<vmem>>, vector<16xf32>,
      %get3A_668 = vector.shape_cast %get3A_667 : vector<16xf32> to vector<16xf32>
      %swap3A_669 = arith.constant 0 : index
      %swap3A_670 = tpu.vector_load %arg27[%swap3A_669] {strides = array<i32>} : memref<128xf32, #tpu.memory_space<vmem>>, vector<16xf32>,
      %swap3A_671 = vector.shape_cast %swap3A_670 : vector<16xf32> to vector<16xf32>
      %swap3A_672 = vector.shape_cast %get3A_668 : vector<16xf32> to vector<16xf32>
      tpu.vector_store %arg27[%swap3A_669], %swap3A_672 {strides = array<i32>} : memref<128xf32, #tpu.memory_space<vmem>>, vector<16xf32>,
      %get3A_673 = arith.constant 16 : index
      %get3A_674 = tpu.vector_load %arg20[%get3A_673] {strides = array<i32>} : memref<128xi32, #tpu.memory_space<vmem>>, vector<16xi32>,
      %get3A_675 = vector.shape_cast %get3A_674 : vector<16xi32> to vector<16xi32>
      %get3A_676 = arith.constant 16 : index
      %get3A_677 = tpu.vector_load %arg21[%get3A_676] {strides = array<i32>} : memref<128xi32, #tpu.memory_space<vmem>>, vector<16xi32>,
      %get3A_678 = vector.shape_cast %get3A_677 : vector<16xi32> to vector<16xi32>
      %add3A_679 = vector.broadcast %mul3A_0 : i32 to vector<16xi32>
      %add3A_680 = arith.addi %get3A_675, %add3A_679 : vector<16xi32>
      %swap3A_681 = arith.constant 16 : index
      %swap3A_682 = tpu.vector_load %arg23[%swap3A_681] {strides = array<i32>} : memref<128xi32, #tpu.memory_space<vmem>>, vector<16xi32>,
      %swap3A_683 = vector.shape_cast %swap3A_682 : vector<16xi32> to vector<16xi32>
      %swap3A_684 = vector.shape_cast %add3A_680 : vector<16xi32> to vector<16xi32>
      tpu.vector_store %arg23[%swap3A_681], %swap3A_684 {strides = array<i32>} : memref<128xi32, #tpu.memory_space<vmem>>, vector<16xi32>,
      %add3A_685 = vector.broadcast %mul3A_0 : i32 to vector<16xi32>
      %add3A_686 = arith.addi %get3A_678, %add3A_685 : vector<16xi32>
      %swap3A_687 = arith.constant 16 : index
      %swap3A_688 = tpu.vector_load %arg24[%swap3A_687] {strides = array<i32>} : memref<128xi32, #tpu.memory_space<vmem>>, vector<16xi32>,
      %swap3A_689 = vector.shape_cast %swap3A_688 : vector<16xi32> to vector<16xi32>
      %swap3A_690 = vector.shape_cast %add3A_686 : vector<16xi32> to vector<16xi32>
      tpu.vector_store %arg24[%swap3A_687], %swap3A_690 {strides = array<i32>} : memref<128xi32, #tpu.memory_space<vmem>>, vector<16xi32>,
      %swap3A_691 = arith.constant 16 : index
      %swap3A_692 = tpu.vector_load %arg25[%swap3A_691] {strides = array<i32>} : memref<128xi32, #tpu.memory_space<vmem>>, vector<16xi32>,
      %swap3A_693 = vector.shape_cast %swap3A_692 : vector<16xi32> to vector<16xi32>
      %swap3A_694 = vector.shape_cast %get3A_675 : vector<16xi32> to vector<16xi32>
      tpu.vector_store %arg25[%swap3A_691], %swap3A_694 {strides = array<i32>} : memref<128xi32, #tpu.memory_space<vmem>>, vector<16xi32>,
      %swap3A_695 = arith.constant 16 : index
      %swap3A_696 = tpu.vector_load %arg26[%swap3A_695] {strides = array<i32>} : memref<128xi32, #tpu.memory_space<vmem>>, vector<16xi32>,
      %swap3A_697 = vector.shape_cast %swap3A_696 : vector<16xi32> to vector<16xi32>
      %swap3A_698 = vector.shape_cast %get3A_678 : vector<16xi32> to vector<16xi32>
      tpu.vector_store %arg26[%swap3A_695], %swap3A_698 {strides = array<i32>} : memref<128xi32, #tpu.memory_space<vmem>>, vector<16xi32>,
      %get3A_699 = arith.constant 16 : index
      %get3A_700 = tpu.vector_load %arg22[%get3A_699] {strides = array<i32>} : memref<128xf32, #tpu.memory_space<vmem>>, vector<16xf32>,
      %get3A_701 = vector.shape_cast %get3A_700 : vector<16xf32> to vector<16xf32>
      %swap3A_702 = arith.constant 16 : index
      %swap3A_703 = tpu.vector_load %arg27[%swap3A_702] {strides = array<i32>} : memref<128xf32, #tpu.memory_space<vmem>>, vector<16xf32>,
      %swap3A_704 = vector.shape_cast %swap3A_703 : vector<16xf32> to vector<16xf32>
      %swap3A_705 = vector.shape_cast %get3A_701 : vector<16xf32> to vector<16xf32>
      tpu.vector_store %arg27[%swap3A_702], %swap3A_705 {strides = array<i32>} : memref<128xf32, #tpu.memory_space<vmem>>, vector<16xf32>,
      %get3A_706 = arith.constant 32 : index
      %get3A_707 = tpu.vector_load %arg20[%get3A_706] {strides = array<i32>} : memref<128xi32, #tpu.memory_space<vmem>>, vector<16xi32>,
      %get3A_708 = vector.shape_cast %get3A_707 : vector<16xi32> to vector<16xi32>
      %get3A_709 = arith.constant 32 : index
      %get3A_710 = tpu.vector_load %arg21[%get3A_709] {strides = array<i32>} : memref<128xi32, #tpu.memory_space<vmem>>, vector<16xi32>,
      %get3A_711 = vector.shape_cast %get3A_710 : vector<16xi32> to vector<16xi32>
      %add3A_712 = vector.broadcast %mul3A_0 : i32 to vector<16xi32>
      %add3A_713 = arith.addi %get3A_708, %add3A_712 : vector<16xi32>
      %swap3A_714 = arith.constant 32 : index
      %swap3A_715 = tpu.vector_load %arg23[%swap3A_714] {strides = array<i32>} : memref<128xi32, #tpu.memory_space<vmem>>, vector<16xi32>,
      %swap3A_716 = vector.shape_cast %swap3A_715 : vector<16xi32> to vector<16xi32>
      %swap3A_717 = vector.shape_cast %add3A_713 : vector<16xi32> to vector<16xi32>
      tpu.vector_store %arg23[%swap3A_714], %swap3A_717 {strides = array<i32>} : memref<128xi32, #tpu.memory_space<vmem>>, vector<16xi32>,
      %add3A_718 = vector.broadcast %mul3A_0 : i32 to vector<16xi32>
      %add3A_719 = arith.addi %get3A_711, %add3A_718 : vector<16xi32>
      %swap3A_720 = arith.constant 32 : index
      %swap3A_721 = tpu.vector_load %arg24[%swap3A_720] {strides = array<i32>} : memref<128xi32, #tpu.memory_space<vmem>>, vector<16xi32>,
      %swap3A_722 = vector.shape_cast %swap3A_721 : vector<16xi32> to vector<16xi32>
      %swap3A_723 = vector.shape_cast %add3A_719 : vector<16xi32> to vector<16xi32>
      tpu.vector_store %arg24[%swap3A_720], %swap3A_723 {strides = array<i32>} : memref<128xi32, #tpu.memory_space<vmem>>, vector<16xi32>,
      %swap3A_724 = arith.constant 32 : index
      %swap3A_725 = tpu.vector_load %arg25[%swap3A_724] {strides = array<i32>} : memref<128xi32, #tpu.memory_space<vmem>>, vector<16xi32>,
      %swap3A_726 = vector.shape_cast %swap3A_725 : vector<16xi32> to vector<16xi32>
      %swap3A_727 = vector.shape_cast %get3A_708 : vector<16xi32> to vector<16xi32>
      tpu.vector_store %arg25[%swap3A_724], %swap3A_727 {strides = array<i32>} : memref<128xi32, #tpu.memory_space<vmem>>, vector<16xi32>,
      %swap3A_728 = arith.constant 32 : index
      %swap3A_729 = tpu.vector_load %arg26[%swap3A_728] {strides = array<i32>} : memref<128xi32, #tpu.memory_space<vmem>>, vector<16xi32>,
      %swap3A_730 = vector.shape_cast %swap3A_729 : vector<16xi32> to vector<16xi32>
      %swap3A_731 = vector.shape_cast %get3A_711 : vector<16xi32> to vector<16xi32>
      tpu.vector_store %arg26[%swap3A_728], %swap3A_731 {strides = array<i32>} : memref<128xi32, #tpu.memory_space<vmem>>, vector<16xi32>,
      %get3A_732 = arith.constant 32 : index
      %get3A_733 = tpu.vector_load %arg22[%get3A_732] {strides = array<i32>} : memref<128xf32, #tpu.memory_space<vmem>>, vector<16xf32>,
      %get3A_734 = vector.shape_cast %get3A_733 : vector<16xf32> to vector<16xf32>
      %swap3A_735 = arith.constant 32 : index
      %swap3A_736 = tpu.vector_load %arg27[%swap3A_735] {strides = array<i32>} : memref<128xf32, #tpu.memory_space<vmem>>, vector<16xf32>,
      %swap3A_737 = vector.shape_cast %swap3A_736 : vector<16xf32> to vector<16xf32>
      %swap3A_738 = vector.shape_cast %get3A_734 : vector<16xf32> to vector<16xf32>
      tpu.vector_store %arg27[%swap3A_735], %swap3A_738 {strides = array<i32>} : memref<128xf32, #tpu.memory_space<vmem>>, vector<16xf32>,
      %get3A_739 = arith.constant 48 : index
      %get3A_740 = tpu.vector_load %arg20[%get3A_739] {strides = array<i32>} : memref<128xi32, #tpu.memory_space<vmem>>, vector<16xi32>,
      %get3A_741 = vector.shape_cast %get3A_740 : vector<16xi32> to vector<16xi32>
      %get3A_742 = arith.constant 48 : index
      %get3A_743 = tpu.vector_load %arg21[%get3A_742] {strides = array<i32>} : memref<128xi32, #tpu.memory_space<vmem>>, vector<16xi32>,
      %get3A_744 = vector.shape_cast %get3A_743 : vector<16xi32> to vector<16xi32>
      %add3A_745 = vector.broadcast %mul3A_0 : i32 to vector<16xi32>
      %add3A_746 = arith.addi %get3A_741, %add3A_745 : vector<16xi32>
      %swap3A_747 = arith.constant 48 : index
      %swap3A_748 = tpu.vector_load %arg23[%swap3A_747] {strides = array<i32>} : memref<128xi32, #tpu.memory_space<vmem>>, vector<16xi32>,
      %swap3A_749 = vector.shape_cast %swap3A_748 : vector<16xi32> to vector<16xi32>
      %swap3A_750 = vector.shape_cast %add3A_746 : vector<16xi32> to vector<16xi32>
      tpu.vector_store %arg23[%swap3A_747], %swap3A_750 {strides = array<i32>} : memref<128xi32, #tpu.memory_space<vmem>>, vector<16xi32>,
      %add3A_751 = vector.broadcast %mul3A_0 : i32 to vector<16xi32>
      %add3A_752 = arith.addi %get3A_744, %add3A_751 : vector<16xi32>
      %swap3A_753 = arith.constant 48 : index
      %swap3A_754 = tpu.vector_load %arg24[%swap3A_753] {strides = array<i32>} : memref<128xi32, #tpu.memory_space<vmem>>, vector<16xi32>,
      %swap3A_755 = vector.shape_cast %swap3A_754 : vector<16xi32> to vector<16xi32>
      %swap3A_756 = vector.shape_cast %add3A_752 : vector<16xi32> to vector<16xi32>
      tpu.vector_store %arg24[%swap3A_753], %swap3A_756 {strides = array<i32>} : memref<128xi32, #tpu.memory_space<vmem>>, vector<16xi32>,
      %swap3A_757 = arith.constant 48 : index
      %swap3A_758 = tpu.vector_load %arg25[%swap3A_757] {strides = array<i32>} : memref<128xi32, #tpu.memory_space<vmem>>, vector<16xi32>,
      %swap3A_759 = vector.shape_cast %swap3A_758 : vector<16xi32> to vector<16xi32>
      %swap3A_760 = vector.shape_cast %get3A_741 : vector<16xi32> to vector<16xi32>
      tpu.vector_store %arg25[%swap3A_757], %swap3A_760 {strides = array<i32>} : memref<128xi32, #tpu.memory_space<vmem>>, vector<16xi32>,
      %swap3A_761 = arith.constant 48 : index
      %swap3A_762 = tpu.vector_load %arg26[%swap3A_761] {strides = array<i32>} : memref<128xi32, #tpu.memory_space<vmem>>, vector<16xi32>,
      %swap3A_763 = vector.shape_cast %swap3A_762 : vector<16xi32> to vector<16xi32>
      %swap3A_764 = vector.shape_cast %get3A_744 : vector<16xi32> to vector<16xi32>
      tpu.vector_store %arg26[%swap3A_761], %swap3A_764 {strides = array<i32>} : memref<128xi32, #tpu.memory_space<vmem>>, vector<16xi32>,
      %get3A_765 = arith.constant 48 : index
      %get3A_766 = tpu.vector_load %arg22[%get3A_765] {strides = array<i32>} : memref<128xf32, #tpu.memory_space<vmem>>, vector<16xf32>,
      %get3A_767 = vector.shape_cast %get3A_766 : vector<16xf32> to vector<16xf32>
      %swap3A_768 = arith.constant 48 : index
      %swap3A_769 = tpu.vector_load %arg27[%swap3A_768] {strides = array<i32>} : memref<128xf32, #tpu.memory_space<vmem>>, vector<16xf32>,
      %swap3A_770 = vector.shape_cast %swap3A_769 : vector<16xf32> to vector<16xf32>
      %swap3A_771 = vector.shape_cast %get3A_767 : vector<16xf32> to vector<16xf32>
      tpu.vector_store %arg27[%swap3A_768], %swap3A_771 {strides = array<i32>} : memref<128xf32, #tpu.memory_space<vmem>>, vector<16xf32>,
      %get3A_772 = arith.constant 64 : index
      %get3A_773 = tpu.vector_load %arg20[%get3A_772] {strides = array<i32>} : memref<128xi32, #tpu.memory_space<vmem>>, vector<16xi32>,
      %get3A_774 = vector.shape_cast %get3A_773 : vector<16xi32> to vector<16xi32>
      %get3A_775 = arith.constant 64 : index
      %get3A_776 = tpu.vector_load %arg21[%get3A_775] {strides = array<i32>} : memref<128xi32, #tpu.memory_space<vmem>>, vector<16xi32>,
      %get3A_777 = vector.shape_cast %get3A_776 : vector<16xi32> to vector<16xi32>
      %add3A_778 = vector.broadcast %mul3A_0 : i32 to vector<16xi32>
      %add3A_779 = arith.addi %get3A_774, %add3A_778 : vector<16xi32>
      %swap3A_780 = arith.constant 64 : index
      %swap3A_781 = tpu.vector_load %arg23[%swap3A_780] {strides = array<i32>} : memref<128xi32, #tpu.memory_space<vmem>>, vector<16xi32>,
      %swap3A_782 = vector.shape_cast %swap3A_781 : vector<16xi32> to vector<16xi32>
      %swap3A_783 = vector.shape_cast %add3A_779 : vector<16xi32> to vector<16xi32>
      tpu.vector_store %arg23[%swap3A_780], %swap3A_783 {strides = array<i32>} : memref<128xi32, #tpu.memory_space<vmem>>, vector<16xi32>,
      %add3A_784 = vector.broadcast %mul3A_0 : i32 to vector<16xi32>
      %add3A_785 = arith.addi %get3A_777, %add3A_784 : vector<16xi32>
      %swap3A_786 = arith.constant 64 : index
      %swap3A_787 = tpu.vector_load %arg24[%swap3A_786] {strides = array<i32>} : memref<128xi32, #tpu.memory_space<vmem>>, vector<16xi32>,
      %swap3A_788 = vector.shape_cast %swap3A_787 : vector<16xi32> to vector<16xi32>
      %swap3A_789 = vector.shape_cast %add3A_785 : vector<16xi32> to vector<16xi32>
      tpu.vector_store %arg24[%swap3A_786], %swap3A_789 {strides = array<i32>} : memref<128xi32, #tpu.memory_space<vmem>>, vector<16xi32>,
      %swap3A_790 = arith.constant 64 : index
      %swap3A_791 = tpu.vector_load %arg25[%swap3A_790] {strides = array<i32>} : memref<128xi32, #tpu.memory_space<vmem>>, vector<16xi32>,
      %swap3A_792 = vector.shape_cast %swap3A_791 : vector<16xi32> to vector<16xi32>
      %swap3A_793 = vector.shape_cast %get3A_774 : vector<16xi32> to vector<16xi32>
      tpu.vector_store %arg25[%swap3A_790], %swap3A_793 {strides = array<i32>} : memref<128xi32, #tpu.memory_space<vmem>>, vector<16xi32>,
      %swap3A_794 = arith.constant 64 : index
      %swap3A_795 = tpu.vector_load %arg26[%swap3A_794] {strides = array<i32>} : memref<128xi32, #tpu.memory_space<vmem>>, vector<16xi32>,
      %swap3A_796 = vector.shape_cast %swap3A_795 : vector<16xi32> to vector<16xi32>
      %swap3A_797 = vector.shape_cast %get3A_777 : vector<16xi32> to vector<16xi32>
      tpu.vector_store %arg26[%swap3A_794], %swap3A_797 {strides = array<i32>} : memref<128xi32, #tpu.memory_space<vmem>>, vector<16xi32>,
      %get3A_798 = arith.constant 64 : index
      %get3A_799 = tpu.vector_load %arg22[%get3A_798] {strides = array<i32>} : memref<128xf32, #tpu.memory_space<vmem>>, vector<16xf32>,
      %get3A_800 = vector.shape_cast %get3A_799 : vector<16xf32> to vector<16xf32>
      %swap3A_801 = arith.constant 64 : index
      %swap3A_802 = tpu.vector_load %arg27[%swap3A_801] {strides = array<i32>} : memref<128xf32, #tpu.memory_space<vmem>>, vector<16xf32>,
      %swap3A_803 = vector.shape_cast %swap3A_802 : vector<16xf32> to vector<16xf32>
      %swap3A_804 = vector.shape_cast %get3A_800 : vector<16xf32> to vector<16xf32>
      tpu.vector_store %arg27[%swap3A_801], %swap3A_804 {strides = array<i32>} : memref<128xf32, #tpu.memory_space<vmem>>, vector<16xf32>,
      %get3A_805 = arith.constant 80 : index
      %get3A_806 = tpu.vector_load %arg20[%get3A_805] {strides = array<i32>} : memref<128xi32, #tpu.memory_space<vmem>>, vector<16xi32>,
      %get3A_807 = vector.shape_cast %get3A_806 : vector<16xi32> to vector<16xi32>
      %get3A_808 = arith.constant 80 : index
      %get3A_809 = tpu.vector_load %arg21[%get3A_808] {strides = array<i32>} : memref<128xi32, #tpu.memory_space<vmem>>, vector<16xi32>,
      %get3A_810 = vector.shape_cast %get3A_809 : vector<16xi32> to vector<16xi32>
      %add3A_811 = vector.broadcast %mul3A_0 : i32 to vector<16xi32>
      %add3A_812 = arith.addi %get3A_807, %add3A_811 : vector<16xi32>
      %swap3A_813 = arith.constant 80 : index
      %swap3A_814 = tpu.vector_load %arg23[%swap3A_813] {strides = array<i32>} : memref<128xi32, #tpu.memory_space<vmem>>, vector<16xi32>,
      %swap3A_815 = vector.shape_cast %swap3A_814 : vector<16xi32> to vector<16xi32>
      %swap3A_816 = vector.shape_cast %add3A_812 : vector<16xi32> to vector<16xi32>
      tpu.vector_store %arg23[%swap3A_813], %swap3A_816 {strides = array<i32>} : memref<128xi32, #tpu.memory_space<vmem>>, vector<16xi32>,
      %add3A_817 = vector.broadcast %mul3A_0 : i32 to vector<16xi32>
      %add3A_818 = arith.addi %get3A_810, %add3A_817 : vector<16xi32>
      %swap3A_819 = arith.constant 80 : index
      %swap3A_820 = tpu.vector_load %arg24[%swap3A_819] {strides = array<i32>} : memref<128xi32, #tpu.memory_space<vmem>>, vector<16xi32>,
      %swap3A_821 = vector.shape_cast %swap3A_820 : vector<16xi32> to vector<16xi32>
      %swap3A_822 = vector.shape_cast %add3A_818 : vector<16xi32> to vector<16xi32>
      tpu.vector_store %arg24[%swap3A_819], %swap3A_822 {strides = array<i32>} : memref<128xi32, #tpu.memory_space<vmem>>, vector<16xi32>,
      %swap3A_823 = arith.constant 80 : index
      %swap3A_824 = tpu.vector_load %arg25[%swap3A_823] {strides = array<i32>} : memref<128xi32, #tpu.memory_space<vmem>>, vector<16xi32>,
      %swap3A_825 = vector.shape_cast %swap3A_824 : vector<16xi32> to vector<16xi32>
      %swap3A_826 = vector.shape_cast %get3A_807 : vector<16xi32> to vector<16xi32>
      tpu.vector_store %arg25[%swap3A_823], %swap3A_826 {strides = array<i32>} : memref<128xi32, #tpu.memory_space<vmem>>, vector<16xi32>,
      %swap3A_827 = arith.constant 80 : index
      %swap3A_828 = tpu.vector_load %arg26[%swap3A_827] {strides = array<i32>} : memref<128xi32, #tpu.memory_space<vmem>>, vector<16xi32>,
      %swap3A_829 = vector.shape_cast %swap3A_828 : vector<16xi32> to vector<16xi32>
      %swap3A_830 = vector.shape_cast %get3A_810 : vector<16xi32> to vector<16xi32>
      tpu.vector_store %arg26[%swap3A_827], %swap3A_830 {strides = array<i32>} : memref<128xi32, #tpu.memory_space<vmem>>, vector<16xi32>,
      %get3A_831 = arith.constant 80 : index
      %get3A_832 = tpu.vector_load %arg22[%get3A_831] {strides = array<i32>} : memref<128xf32, #tpu.memory_space<vmem>>, vector<16xf32>,
      %get3A_833 = vector.shape_cast %get3A_832 : vector<16xf32> to vector<16xf32>
      %swap3A_834 = arith.constant 80 : index
      %swap3A_835 = tpu.vector_load %arg27[%swap3A_834] {strides = array<i32>} : memref<128xf32, #tpu.memory_space<vmem>>, vector<16xf32>,
      %swap3A_836 = vector.shape_cast %swap3A_835 : vector<16xf32> to vector<16xf32>
      %swap3A_837 = vector.shape_cast %get3A_833 : vector<16xf32> to vector<16xf32>
      tpu.vector_store %arg27[%swap3A_834], %swap3A_837 {strides = array<i32>} : memref<128xf32, #tpu.memory_space<vmem>>, vector<16xf32>,
      %get3A_838 = arith.constant 96 : index
      %get3A_839 = tpu.vector_load %arg20[%get3A_838] {strides = array<i32>} : memref<128xi32, #tpu.memory_space<vmem>>, vector<16xi32>,
      %get3A_840 = vector.shape_cast %get3A_839 : vector<16xi32> to vector<16xi32>
      %get3A_841 = arith.constant 96 : index
      %get3A_842 = tpu.vector_load %arg21[%get3A_841] {strides = array<i32>} : memref<128xi32, #tpu.memory_space<vmem>>, vector<16xi32>,
      %get3A_843 = vector.shape_cast %get3A_842 : vector<16xi32> to vector<16xi32>
      %add3A_844 = vector.broadcast %mul3A_0 : i32 to vector<16xi32>
      %add3A_845 = arith.addi %get3A_840, %add3A_844 : vector<16xi32>
      %swap3A_846 = arith.constant 96 : index
      %swap3A_847 = tpu.vector_load %arg23[%swap3A_846] {strides = array<i32>} : memref<128xi32, #tpu.memory_space<vmem>>, vector<16xi32>,
      %swap3A_848 = vector.shape_cast %swap3A_847 : vector<16xi32> to vector<16xi32>
      %swap3A_849 = vector.shape_cast %add3A_845 : vector<16xi32> to vector<16xi32>
      tpu.vector_store %arg23[%swap3A_846], %swap3A_849 {strides = array<i32>} : memref<128xi32, #tpu.memory_space<vmem>>, vector<16xi32>,
      %add3A_850 = vector.broadcast %mul3A_0 : i32 to vector<16xi32>
      %add3A_851 = arith.addi %get3A_843, %add3A_850 : vector<16xi32>
      %swap3A_852 = arith.constant 96 : index
      %swap3A_853 = tpu.vector_load %arg24[%swap3A_852] {strides = array<i32>} : memref<128xi32, #tpu.memory_space<vmem>>, vector<16xi32>,
      %swap3A_854 = vector.shape_cast %swap3A_853 : vector<16xi32> to vector<16xi32>
      %swap3A_855 = vector.shape_cast %add3A_851 : vector<16xi32> to vector<16xi32>
      tpu.vector_store %arg24[%swap3A_852], %swap3A_855 {strides = array<i32>} : memref<128xi32, #tpu.memory_space<vmem>>, vector<16xi32>,
      %swap3A_856 = arith.constant 96 : index
      %swap3A_857 = tpu.vector_load %arg25[%swap3A_856] {strides = array<i32>} : memref<128xi32, #tpu.memory_space<vmem>>, vector<16xi32>,
      %swap3A_858 = vector.shape_cast %swap3A_857 : vector<16xi32> to vector<16xi32>
      %swap3A_859 = vector.shape_cast %get3A_840 : vector<16xi32> to vector<16xi32>
      tpu.vector_store %arg25[%swap3A_856], %swap3A_859 {strides = array<i32>} : memref<128xi32, #tpu.memory_space<vmem>>, vector<16xi32>,
      %swap3A_860 = arith.constant 96 : index
      %swap3A_861 = tpu.vector_load %arg26[%swap3A_860] {strides = array<i32>} : memref<128xi32, #tpu.memory_space<vmem>>, vector<16xi32>,
      %swap3A_862 = vector.shape_cast %swap3A_861 : vector<16xi32> to vector<16xi32>
      %swap3A_863 = vector.shape_cast %get3A_843 : vector<16xi32> to vector<16xi32>
      tpu.vector_store %arg26[%swap3A_860], %swap3A_863 {strides = array<i32>} : memref<128xi32, #tpu.memory_space<vmem>>, vector<16xi32>,
      %get3A_864 = arith.constant 96 : index
      %get3A_865 = tpu.vector_load %arg22[%get3A_864] {strides = array<i32>} : memref<128xf32, #tpu.memory_space<vmem>>, vector<16xf32>,
      %get3A_866 = vector.shape_cast %get3A_865 : vector<16xf32> to vector<16xf32>
      %swap3A_867 = arith.constant 96 : index
      %swap3A_868 = tpu.vector_load %arg27[%swap3A_867] {strides = array<i32>} : memref<128xf32, #tpu.memory_space<vmem>>, vector<16xf32>,
      %swap3A_869 = vector.shape_cast %swap3A_868 : vector<16xf32> to vector<16xf32>
      %swap3A_870 = vector.shape_cast %get3A_866 : vector<16xf32> to vector<16xf32>
      tpu.vector_store %arg27[%swap3A_867], %swap3A_870 {strides = array<i32>} : memref<128xf32, #tpu.memory_space<vmem>>, vector<16xf32>,
      %get3A_871 = arith.constant 112 : index
      %get3A_872 = tpu.vector_load %arg20[%get3A_871] {strides = array<i32>} : memref<128xi32, #tpu.memory_space<vmem>>, vector<16xi32>,
      %get3A_873 = vector.shape_cast %get3A_872 : vector<16xi32> to vector<16xi32>
      %get3A_874 = arith.constant 112 : index
      %get3A_875 = tpu.vector_load %arg21[%get3A_874] {strides = array<i32>} : memref<128xi32, #tpu.memory_space<vmem>>, vector<16xi32>,
      %get3A_876 = vector.shape_cast %get3A_875 : vector<16xi32> to vector<16xi32>
      %add3A_877 = vector.broadcast %mul3A_0 : i32 to vector<16xi32>
      %add3A_878 = arith.addi %get3A_873, %add3A_877 : vector<16xi32>
      %swap3A_879 = arith.constant 112 : index
      %swap3A_880 = tpu.vector_load %arg23[%swap3A_879] {strides = array<i32>} : memref<128xi32, #tpu.memory_space<vmem>>, vector<16xi32>,
      %swap3A_881 = vector.shape_cast %swap3A_880 : vector<16xi32> to vector<16xi32>
      %swap3A_882 = vector.shape_cast %add3A_878 : vector<16xi32> to vector<16xi32>
      tpu.vector_store %arg23[%swap3A_879], %swap3A_882 {strides = array<i32>} : memref<128xi32, #tpu.memory_space<vmem>>, vector<16xi32>,
      %add3A_883 = vector.broadcast %mul3A_0 : i32 to vector<16xi32>
      %add3A_884 = arith.addi %get3A_876, %add3A_883 : vector<16xi32>
      %swap3A_885 = arith.constant 112 : index
      %swap3A_886 = tpu.vector_load %arg24[%swap3A_885] {strides = array<i32>} : memref<128xi32, #tpu.memory_space<vmem>>, vector<16xi32>,
      %swap3A_887 = vector.shape_cast %swap3A_886 : vector<16xi32> to vector<16xi32>
      %swap3A_888 = vector.shape_cast %add3A_884 : vector<16xi32> to vector<16xi32>
      tpu.vector_store %arg24[%swap3A_885], %swap3A_888 {strides = array<i32>} : memref<128xi32, #tpu.memory_space<vmem>>, vector<16xi32>,
      %swap3A_889 = arith.constant 112 : index
      %swap3A_890 = tpu.vector_load %arg25[%swap3A_889] {strides = array<i32>} : memref<128xi32, #tpu.memory_space<vmem>>, vector<16xi32>,
      %swap3A_891 = vector.shape_cast %swap3A_890 : vector<16xi32> to vector<16xi32>
      %swap3A_892 = vector.shape_cast %get3A_873 : vector<16xi32> to vector<16xi32>
      tpu.vector_store %arg25[%swap3A_889], %swap3A_892 {strides = array<i32>} : memref<128xi32, #tpu.memory_space<vmem>>, vector<16xi32>,
      %swap3A_893 = arith.constant 112 : index
      %swap3A_894 = tpu.vector_load %arg26[%swap3A_893] {strides = array<i32>} : memref<128xi32, #tpu.memory_space<vmem>>, vector<16xi32>,
      %swap3A_895 = vector.shape_cast %swap3A_894 : vector<16xi32> to vector<16xi32>
      %swap3A_896 = vector.shape_cast %get3A_876 : vector<16xi32> to vector<16xi32>
      tpu.vector_store %arg26[%swap3A_893], %swap3A_896 {strides = array<i32>} : memref<128xi32, #tpu.memory_space<vmem>>, vector<16xi32>,
      %get3A_897 = arith.constant 112 : index
      %get3A_898 = tpu.vector_load %arg22[%get3A_897] {strides = array<i32>} : memref<128xf32, #tpu.memory_space<vmem>>, vector<16xf32>,
      %get3A_899 = vector.shape_cast %get3A_898 : vector<16xf32> to vector<16xf32>
      %swap3A_900 = arith.constant 112 : index
      %swap3A_901 = tpu.vector_load %arg27[%swap3A_900] {strides = array<i32>} : memref<128xf32, #tpu.memory_space<vmem>>, vector<16xf32>,
      %swap3A_902 = vector.shape_cast %swap3A_901 : vector<16xf32> to vector<16xf32>
      %swap3A_903 = vector.shape_cast %get3A_899 : vector<16xf32> to vector<16xf32>
      tpu.vector_store %arg27[%swap3A_900], %swap3A_903 {strides = array<i32>} : memref<128xf32, #tpu.memory_space<vmem>>, vector<16xf32>,
      %dma_start3A_904 = arith.constant 0 : i32
      %dma_start3A_905 = arith.constant 0 : i32
      %dma_start3A_906 = tpu.memref_slice %arg5[%dma_start3A_904, %dma_start3A_905] : memref<200192x16xf32, #tpu.memory_space<hbm>> -> memref<200192x16xf32, #tpu.memory_space<hbm>>
      tpu.enqueue_indirect_dma source(%dma_start3A_906 : memref<200192x16xf32, #tpu.memory_space<hbm>>) target(%arg28 : memref<128x16xf32, #tpu.memory_space<vmem>>) offsets(%arg23 : memref<128xi32, #tpu.memory_space<vmem>>) semaphore(%arg36 : memref<!tpu.dma_semaphore, #tpu.memory_space<semaphore_mem>>)
      %dma_start3A_907 = arith.constant 0 : i32
      %dma_start3A_908 = arith.constant 0 : i32
      %dma_start3A_909 = tpu.memref_slice %arg5[%dma_start3A_907, %dma_start3A_908] : memref<200192x16xf32, #tpu.memory_space<hbm>> -> memref<200192x16xf32, #tpu.memory_space<hbm>>
      tpu.enqueue_indirect_dma source(%dma_start3A_909 : memref<200192x16xf32, #tpu.memory_space<hbm>>) target(%arg29 : memref<128x16xf32, #tpu.memory_space<vmem>>) offsets(%arg24 : memref<128xi32, #tpu.memory_space<vmem>>) semaphore(%arg36 : memref<!tpu.dma_semaphore, #tpu.memory_space<semaphore_mem>>)
      %dma_wait3A_910 = arith.constant 0 : i32
      %dma_wait3A_911 = arith.constant 0 : i32
      %dma_wait3A_912 = tpu.memref_slice %arg5[%dma_wait3A_910, %dma_wait3A_911] : memref<200192x16xf32, #tpu.memory_space<hbm>> -> memref<200192x16xf32, #tpu.memory_space<hbm>>
      tpu.wait_indirect_dma semaphore(%arg36 : memref<!tpu.dma_semaphore, #tpu.memory_space<semaphore_mem>>) src(%dma_wait3A_912 : memref<200192x16xf32, #tpu.memory_space<hbm>>) dst(%arg28 : memref<128x16xf32, #tpu.memory_space<vmem>>)
      %dma_wait3A_913 = arith.constant 0 : i32
      %dma_wait3A_914 = arith.constant 0 : i32
      %dma_wait3A_915 = tpu.memref_slice %arg5[%dma_wait3A_913, %dma_wait3A_914] : memref<200192x16xf32, #tpu.memory_space<hbm>> -> memref<200192x16xf32, #tpu.memory_space<hbm>>
      tpu.wait_indirect_dma semaphore(%arg36 : memref<!tpu.dma_semaphore, #tpu.memory_space<semaphore_mem>>) src(%dma_wait3A_915 : memref<200192x16xf32, #tpu.memory_space<hbm>>) dst(%arg29 : memref<128x16xf32, #tpu.memory_space<vmem>>)
      %scan3A_916 = arith.constant 0 : i32
      %scan3A_917 = arith.constant 0 : i32
      %scan3A_918 = arith.constant 8 : i32
      %scan3A_919 = arith.addi %scan3A_917, %scan3A_918 : i32
      %scan3A_920 = arith.constant 1 : i32
      %scan3A_921 = scf.for %scan3A_935 = %scan3A_917 to %scan3A_919 step %scan3A_920 iter_args(%scan3A_936 = %scan3A_916) -> (i32)  : i32 {
        %mul3A_937 = arith.constant 16 : i32
        %mul3A_938 = arith.muli %scan3A_935, %mul3A_937 : i32
        %get3A_939 = arith.index_cast %mul3A_938 : i32 to index
        %get3A_940 = tpu.vector_load %arg27[%get3A_939] {strides = array<i32>} : memref<128xf32, #tpu.memory_space<vmem>>, vector<16xf32>,
        %get3A_941 = vector.shape_cast %get3A_940 : vector<16xf32> to vector<16xf32>
        %add3A_942 = arith.constant 0 : i32
        %add3A_943 = arith.addi %mul3A_938, %add3A_942 : i32
        %get3A_944 = arith.index_cast %add3A_943 : i32 to index
        %get3A_945 = arith.constant 0 : index
        %get3A_946 = tpu.vector_load %arg28[%get3A_944, %get3A_945] {strides = array<i32>} : memref<128x16xf32, #tpu.memory_space<vmem>>, vector<1x16xf32>,
        %get3A_947 = vector.shape_cast %get3A_946 : vector<1x16xf32> to vector<16xf32>
        %get3A_948 = arith.index_cast %add3A_943 : i32 to index
        %get3A_949 = arith.constant 0 : index
        %get3A_950 = tpu.vector_load %arg29[%get3A_948, %get3A_949] {strides = array<i32>} : memref<128x16xf32, #tpu.memory_space<vmem>>, vector<1x16xf32>,
        %get3A_951 = vector.shape_cast %get3A_950 : vector<1x16xf32> to vector<16xf32>
        %sub3A = arith.subf %get3A_947, %get3A_951 : vector<16xf32>
        %slice3A = vector.extract_strided_slice %get3A_941 {offsets = [0], sizes = [1], strides = [1]} : vector<16xf32> to vector<1xf32>
        %squeeze3A = vector.extract %slice3A[0] : f32 from vector<1xf32>
        %mul3A_952 = vector.broadcast %squeeze3A : f32 to vector<16xf32>
        %mul3A_953 = arith.mulf %sub3A, %mul3A_952 : vector<16xf32>
        %swap3A_954 = arith.index_cast %add3A_943 : i32 to index
        %swap3A_955 = arith.constant 0 : index
        %swap3A_956 = tpu.vector_load %arg31[%swap3A_954, %swap3A_955] {strides = array<i32>} : memref<128x16xf32, #tpu.memory_space<vmem>>, vector<1x16xf32>,
        %swap3A_957 = vector.shape_cast %swap3A_956 : vector<1x16xf32> to vector<16xf32>
        %swap3A_958 = vector.shape_cast %mul3A_953 : vector<16xf32> to vector<1x16xf32>
        tpu.vector_store %arg31[%swap3A_954, %swap3A_955], %swap3A_958 {strides = array<i32>} : memref<128x16xf32, #tpu.memory_space<vmem>>, vector<1x16xf32>,
        %neg3A = arith.constant 0.000000e+00 : f32
        %neg3A_959 = vector.broadcast %neg3A : f32 to vector<16xf32>
        %neg3A_960 = arith.subf %neg3A_959, %mul3A_953 : vector<16xf32>
        %swap3A_961 = arith.index_cast %add3A_943 : i32 to index
        %swap3A_962 = arith.constant 0 : index
        %swap3A_963 = tpu.vector_load %arg30[%swap3A_961, %swap3A_962] {strides = array<i32>} : memref<128x16xf32, #tpu.memory_space<vmem>>, vector<1x16xf32>,
        %swap3A_964 = vector.shape_cast %swap3A_963 : vector<1x16xf32> to vector<16xf32>
        %swap3A_965 = vector.shape_cast %neg3A_960 : vector<16xf32> to vector<1x16xf32>
        tpu.vector_store %arg30[%swap3A_961, %swap3A_962], %swap3A_965 {strides = array<i32>} : memref<128x16xf32, #tpu.memory_space<vmem>>, vector<1x16xf32>,
        %add3A_966 = arith.constant 1 : i32
        %add3A_967 = arith.addi %mul3A_938, %add3A_966 : i32
        %get3A_968 = arith.index_cast %add3A_967 : i32 to index
        %get3A_969 = arith.constant 0 : index
        %get3A_970 = tpu.vector_load %arg28[%get3A_968, %get3A_969] {strides = array<i32>} : memref<128x16xf32, #tpu.memory_space<vmem>>, vector<1x16xf32>,
        %get3A_971 = vector.shape_cast %get3A_970 : vector<1x16xf32> to vector<16xf32>
        %get3A_972 = arith.index_cast %add3A_967 : i32 to index
        %get3A_973 = arith.constant 0 : index
        %get3A_974 = tpu.vector_load %arg29[%get3A_972, %get3A_973] {strides = array<i32>} : memref<128x16xf32, #tpu.memory_space<vmem>>, vector<1x16xf32>,
        %get3A_975 = vector.shape_cast %get3A_974 : vector<1x16xf32> to vector<16xf32>
        %sub3A_976 = arith.subf %get3A_971, %get3A_975 : vector<16xf32>
        %slice3A_977 = vector.extract_strided_slice %get3A_941 {offsets = [1], sizes = [1], strides = [1]} : vector<16xf32> to vector<1xf32>
        %squeeze3A_978 = vector.extract %slice3A_977[0] : f32 from vector<1xf32>
        %mul3A_979 = vector.broadcast %squeeze3A_978 : f32 to vector<16xf32>
        %mul3A_980 = arith.mulf %sub3A_976, %mul3A_979 : vector<16xf32>
        %swap3A_981 = arith.index_cast %add3A_967 : i32 to index
        %swap3A_982 = arith.constant 0 : index
        %swap3A_983 = tpu.vector_load %arg31[%swap3A_981, %swap3A_982] {strides = array<i32>} : memref<128x16xf32, #tpu.memory_space<vmem>>, vector<1x16xf32>,
        %swap3A_984 = vector.shape_cast %swap3A_983 : vector<1x16xf32> to vector<16xf32>
        %swap3A_985 = vector.shape_cast %mul3A_980 : vector<16xf32> to vector<1x16xf32>
        tpu.vector_store %arg31[%swap3A_981, %swap3A_982], %swap3A_985 {strides = array<i32>} : memref<128x16xf32, #tpu.memory_space<vmem>>, vector<1x16xf32>,
        %neg3A_986 = arith.constant 0.000000e+00 : f32
        %neg3A_987 = vector.broadcast %neg3A_986 : f32 to vector<16xf32>
        %neg3A_988 = arith.subf %neg3A_987, %mul3A_980 : vector<16xf32>
        %swap3A_989 = arith.index_cast %add3A_967 : i32 to index
        %swap3A_990 = arith.constant 0 : index
        %swap3A_991 = tpu.vector_load %arg30[%swap3A_989, %swap3A_990] {strides = array<i32>} : memref<128x16xf32, #tpu.memory_space<vmem>>, vector<1x16xf32>,
        %swap3A_992 = vector.shape_cast %swap3A_991 : vector<1x16xf32> to vector<16xf32>
        %swap3A_993 = vector.shape_cast %neg3A_988 : vector<16xf32> to vector<1x16xf32>
        tpu.vector_store %arg30[%swap3A_989, %swap3A_990], %swap3A_993 {strides = array<i32>} : memref<128x16xf32, #tpu.memory_space<vmem>>, vector<1x16xf32>,
        %add3A_994 = arith.constant 2 : i32
        %add3A_995 = arith.addi %mul3A_938, %add3A_994 : i32
        %get3A_996 = arith.index_cast %add3A_995 : i32 to index
        %get3A_997 = arith.constant 0 : index
        %get3A_998 = tpu.vector_load %arg28[%get3A_996, %get3A_997] {strides = array<i32>} : memref<128x16xf32, #tpu.memory_space<vmem>>, vector<1x16xf32>,
        %get3A_999 = vector.shape_cast %get3A_998 : vector<1x16xf32> to vector<16xf32>
        %get3A_1000 = arith.index_cast %add3A_995 : i32 to index
        %get3A_1001 = arith.constant 0 : index
        %get3A_1002 = tpu.vector_load %arg29[%get3A_1000, %get3A_1001] {strides = array<i32>} : memref<128x16xf32, #tpu.memory_space<vmem>>, vector<1x16xf32>,
        %get3A_1003 = vector.shape_cast %get3A_1002 : vector<1x16xf32> to vector<16xf32>
        %sub3A_1004 = arith.subf %get3A_999, %get3A_1003 : vector<16xf32>
        %slice3A_1005 = vector.extract_strided_slice %get3A_941 {offsets = [2], sizes = [1], strides = [1]} : vector<16xf32> to vector<1xf32>
        %squeeze3A_1006 = vector.extract %slice3A_1005[0] : f32 from vector<1xf32>
        %mul3A_1007 = vector.broadcast %squeeze3A_1006 : f32 to vector<16xf32>
        %mul3A_1008 = arith.mulf %sub3A_1004, %mul3A_1007 : vector<16xf32>
        %swap3A_1009 = arith.index_cast %add3A_995 : i32 to index
        %swap3A_1010 = arith.constant 0 : index
        %swap3A_1011 = tpu.vector_load %arg31[%swap3A_1009, %swap3A_1010] {strides = array<i32>} : memref<128x16xf32, #tpu.memory_space<vmem>>, vector<1x16xf32>,
        %swap3A_1012 = vector.shape_cast %swap3A_1011 : vector<1x16xf32> to vector<16xf32>
        %swap3A_1013 = vector.shape_cast %mul3A_1008 : vector<16xf32> to vector<1x16xf32>
        tpu.vector_store %arg31[%swap3A_1009, %swap3A_1010], %swap3A_1013 {strides = array<i32>} : memref<128x16xf32, #tpu.memory_space<vmem>>, vector<1x16xf32>,
        %neg3A_1014 = arith.constant 0.000000e+00 : f32
        %neg3A_1015 = vector.broadcast %neg3A_1014 : f32 to vector<16xf32>
        %neg3A_1016 = arith.subf %neg3A_1015, %mul3A_1008 : vector<16xf32>
        %swap3A_1017 = arith.index_cast %add3A_995 : i32 to index
        %swap3A_1018 = arith.constant 0 : index
        %swap3A_1019 = tpu.vector_load %arg30[%swap3A_1017, %swap3A_1018] {strides = array<i32>} : memref<128x16xf32, #tpu.memory_space<vmem>>, vector<1x16xf32>,
        %swap3A_1020 = vector.shape_cast %swap3A_1019 : vector<1x16xf32> to vector<16xf32>
        %swap3A_1021 = vector.shape_cast %neg3A_1016 : vector<16xf32> to vector<1x16xf32>
        tpu.vector_store %arg30[%swap3A_1017, %swap3A_1018], %swap3A_1021 {strides = array<i32>} : memref<128x16xf32, #tpu.memory_space<vmem>>, vector<1x16xf32>,
        %add3A_1022 = arith.constant 3 : i32
        %add3A_1023 = arith.addi %mul3A_938, %add3A_1022 : i32
        %get3A_1024 = arith.index_cast %add3A_1023 : i32 to index
        %get3A_1025 = arith.constant 0 : index
        %get3A_1026 = tpu.vector_load %arg28[%get3A_1024, %get3A_1025] {strides = array<i32>} : memref<128x16xf32, #tpu.memory_space<vmem>>, vector<1x16xf32>,
        %get3A_1027 = vector.shape_cast %get3A_1026 : vector<1x16xf32> to vector<16xf32>
        %get3A_1028 = arith.index_cast %add3A_1023 : i32 to index
        %get3A_1029 = arith.constant 0 : index
        %get3A_1030 = tpu.vector_load %arg29[%get3A_1028, %get3A_1029] {strides = array<i32>} : memref<128x16xf32, #tpu.memory_space<vmem>>, vector<1x16xf32>,
        %get3A_1031 = vector.shape_cast %get3A_1030 : vector<1x16xf32> to vector<16xf32>
        %sub3A_1032 = arith.subf %get3A_1027, %get3A_1031 : vector<16xf32>
        %slice3A_1033 = vector.extract_strided_slice %get3A_941 {offsets = [3], sizes = [1], strides = [1]} : vector<16xf32> to vector<1xf32>
        %squeeze3A_1034 = vector.extract %slice3A_1033[0] : f32 from vector<1xf32>
        %mul3A_1035 = vector.broadcast %squeeze3A_1034 : f32 to vector<16xf32>
        %mul3A_1036 = arith.mulf %sub3A_1032, %mul3A_1035 : vector<16xf32>
        %swap3A_1037 = arith.index_cast %add3A_1023 : i32 to index
        %swap3A_1038 = arith.constant 0 : index
        %swap3A_1039 = tpu.vector_load %arg31[%swap3A_1037, %swap3A_1038] {strides = array<i32>} : memref<128x16xf32, #tpu.memory_space<vmem>>, vector<1x16xf32>,
        %swap3A_1040 = vector.shape_cast %swap3A_1039 : vector<1x16xf32> to vector<16xf32>
        %swap3A_1041 = vector.shape_cast %mul3A_1036 : vector<16xf32> to vector<1x16xf32>
        tpu.vector_store %arg31[%swap3A_1037, %swap3A_1038], %swap3A_1041 {strides = array<i32>} : memref<128x16xf32, #tpu.memory_space<vmem>>, vector<1x16xf32>,
        %neg3A_1042 = arith.constant 0.000000e+00 : f32
        %neg3A_1043 = vector.broadcast %neg3A_1042 : f32 to vector<16xf32>
        %neg3A_1044 = arith.subf %neg3A_1043, %mul3A_1036 : vector<16xf32>
        %swap3A_1045 = arith.index_cast %add3A_1023 : i32 to index
        %swap3A_1046 = arith.constant 0 : index
        %swap3A_1047 = tpu.vector_load %arg30[%swap3A_1045, %swap3A_1046] {strides = array<i32>} : memref<128x16xf32, #tpu.memory_space<vmem>>, vector<1x16xf32>,
        %swap3A_1048 = vector.shape_cast %swap3A_1047 : vector<1x16xf32> to vector<16xf32>
        %swap3A_1049 = vector.shape_cast %neg3A_1044 : vector<16xf32> to vector<1x16xf32>
        tpu.vector_store %arg30[%swap3A_1045, %swap3A_1046], %swap3A_1049 {strides = array<i32>} : memref<128x16xf32, #tpu.memory_space<vmem>>, vector<1x16xf32>,
        %add3A_1050 = arith.constant 4 : i32
        %add3A_1051 = arith.addi %mul3A_938, %add3A_1050 : i32
        %get3A_1052 = arith.index_cast %add3A_1051 : i32 to index
        %get3A_1053 = arith.constant 0 : index
        %get3A_1054 = tpu.vector_load %arg28[%get3A_1052, %get3A_1053] {strides = array<i32>} : memref<128x16xf32, #tpu.memory_space<vmem>>, vector<1x16xf32>,
        %get3A_1055 = vector.shape_cast %get3A_1054 : vector<1x16xf32> to vector<16xf32>
        %get3A_1056 = arith.index_cast %add3A_1051 : i32 to index
        %get3A_1057 = arith.constant 0 : index
        %get3A_1058 = tpu.vector_load %arg29[%get3A_1056, %get3A_1057] {strides = array<i32>} : memref<128x16xf32, #tpu.memory_space<vmem>>, vector<1x16xf32>,
        %get3A_1059 = vector.shape_cast %get3A_1058 : vector<1x16xf32> to vector<16xf32>
        %sub3A_1060 = arith.subf %get3A_1055, %get3A_1059 : vector<16xf32>
        %slice3A_1061 = vector.extract_strided_slice %get3A_941 {offsets = [4], sizes = [1], strides = [1]} : vector<16xf32> to vector<1xf32>
        %squeeze3A_1062 = vector.extract %slice3A_1061[0] : f32 from vector<1xf32>
        %mul3A_1063 = vector.broadcast %squeeze3A_1062 : f32 to vector<16xf32>
        %mul3A_1064 = arith.mulf %sub3A_1060, %mul3A_1063 : vector<16xf32>
        %swap3A_1065 = arith.index_cast %add3A_1051 : i32 to index
        %swap3A_1066 = arith.constant 0 : index
        %swap3A_1067 = tpu.vector_load %arg31[%swap3A_1065, %swap3A_1066] {strides = array<i32>} : memref<128x16xf32, #tpu.memory_space<vmem>>, vector<1x16xf32>,
        %swap3A_1068 = vector.shape_cast %swap3A_1067 : vector<1x16xf32> to vector<16xf32>
        %swap3A_1069 = vector.shape_cast %mul3A_1064 : vector<16xf32> to vector<1x16xf32>
        tpu.vector_store %arg31[%swap3A_1065, %swap3A_1066], %swap3A_1069 {strides = array<i32>} : memref<128x16xf32, #tpu.memory_space<vmem>>, vector<1x16xf32>,
        %neg3A_1070 = arith.constant 0.000000e+00 : f32
        %neg3A_1071 = vector.broadcast %neg3A_1070 : f32 to vector<16xf32>
        %neg3A_1072 = arith.subf %neg3A_1071, %mul3A_1064 : vector<16xf32>
        %swap3A_1073 = arith.index_cast %add3A_1051 : i32 to index
        %swap3A_1074 = arith.constant 0 : index
        %swap3A_1075 = tpu.vector_load %arg30[%swap3A_1073, %swap3A_1074] {strides = array<i32>} : memref<128x16xf32, #tpu.memory_space<vmem>>, vector<1x16xf32>,
        %swap3A_1076 = vector.shape_cast %swap3A_1075 : vector<1x16xf32> to vector<16xf32>
        %swap3A_1077 = vector.shape_cast %neg3A_1072 : vector<16xf32> to vector<1x16xf32>
        tpu.vector_store %arg30[%swap3A_1073, %swap3A_1074], %swap3A_1077 {strides = array<i32>} : memref<128x16xf32, #tpu.memory_space<vmem>>, vector<1x16xf32>,
        %add3A_1078 = arith.constant 5 : i32
        %add3A_1079 = arith.addi %mul3A_938, %add3A_1078 : i32
        %get3A_1080 = arith.index_cast %add3A_1079 : i32 to index
        %get3A_1081 = arith.constant 0 : index
        %get3A_1082 = tpu.vector_load %arg28[%get3A_1080, %get3A_1081] {strides = array<i32>} : memref<128x16xf32, #tpu.memory_space<vmem>>, vector<1x16xf32>,
        %get3A_1083 = vector.shape_cast %get3A_1082 : vector<1x16xf32> to vector<16xf32>
        %get3A_1084 = arith.index_cast %add3A_1079 : i32 to index
        %get3A_1085 = arith.constant 0 : index
        %get3A_1086 = tpu.vector_load %arg29[%get3A_1084, %get3A_1085] {strides = array<i32>} : memref<128x16xf32, #tpu.memory_space<vmem>>, vector<1x16xf32>,
        %get3A_1087 = vector.shape_cast %get3A_1086 : vector<1x16xf32> to vector<16xf32>
        %sub3A_1088 = arith.subf %get3A_1083, %get3A_1087 : vector<16xf32>
        %slice3A_1089 = vector.extract_strided_slice %get3A_941 {offsets = [5], sizes = [1], strides = [1]} : vector<16xf32> to vector<1xf32>
        %squeeze3A_1090 = vector.extract %slice3A_1089[0] : f32 from vector<1xf32>
        %mul3A_1091 = vector.broadcast %squeeze3A_1090 : f32 to vector<16xf32>
        %mul3A_1092 = arith.mulf %sub3A_1088, %mul3A_1091 : vector<16xf32>
        %swap3A_1093 = arith.index_cast %add3A_1079 : i32 to index
        %swap3A_1094 = arith.constant 0 : index
        %swap3A_1095 = tpu.vector_load %arg31[%swap3A_1093, %swap3A_1094] {strides = array<i32>} : memref<128x16xf32, #tpu.memory_space<vmem>>, vector<1x16xf32>,
        %swap3A_1096 = vector.shape_cast %swap3A_1095 : vector<1x16xf32> to vector<16xf32>
        %swap3A_1097 = vector.shape_cast %mul3A_1092 : vector<16xf32> to vector<1x16xf32>
        tpu.vector_store %arg31[%swap3A_1093, %swap3A_1094], %swap3A_1097 {strides = array<i32>} : memref<128x16xf32, #tpu.memory_space<vmem>>, vector<1x16xf32>,
        %neg3A_1098 = arith.constant 0.000000e+00 : f32
        %neg3A_1099 = vector.broadcast %neg3A_1098 : f32 to vector<16xf32>
        %neg3A_1100 = arith.subf %neg3A_1099, %mul3A_1092 : vector<16xf32>
        %swap3A_1101 = arith.index_cast %add3A_1079 : i32 to index
        %swap3A_1102 = arith.constant 0 : index
        %swap3A_1103 = tpu.vector_load %arg30[%swap3A_1101, %swap3A_1102] {strides = array<i32>} : memref<128x16xf32, #tpu.memory_space<vmem>>, vector<1x16xf32>,
        %swap3A_1104 = vector.shape_cast %swap3A_1103 : vector<1x16xf32> to vector<16xf32>
        %swap3A_1105 = vector.shape_cast %neg3A_1100 : vector<16xf32> to vector<1x16xf32>
        tpu.vector_store %arg30[%swap3A_1101, %swap3A_1102], %swap3A_1105 {strides = array<i32>} : memref<128x16xf32, #tpu.memory_space<vmem>>, vector<1x16xf32>,
        %add3A_1106 = arith.constant 6 : i32
        %add3A_1107 = arith.addi %mul3A_938, %add3A_1106 : i32
        %get3A_1108 = arith.index_cast %add3A_1107 : i32 to index
        %get3A_1109 = arith.constant 0 : index
        %get3A_1110 = tpu.vector_load %arg28[%get3A_1108, %get3A_1109] {strides = array<i32>} : memref<128x16xf32, #tpu.memory_space<vmem>>, vector<1x16xf32>,
        %get3A_1111 = vector.shape_cast %get3A_1110 : vector<1x16xf32> to vector<16xf32>
        %get3A_1112 = arith.index_cast %add3A_1107 : i32 to index
        %get3A_1113 = arith.constant 0 : index
        %get3A_1114 = tpu.vector_load %arg29[%get3A_1112, %get3A_1113] {strides = array<i32>} : memref<128x16xf32, #tpu.memory_space<vmem>>, vector<1x16xf32>,
        %get3A_1115 = vector.shape_cast %get3A_1114 : vector<1x16xf32> to vector<16xf32>
        %sub3A_1116 = arith.subf %get3A_1111, %get3A_1115 : vector<16xf32>
        %slice3A_1117 = vector.extract_strided_slice %get3A_941 {offsets = [6], sizes = [1], strides = [1]} : vector<16xf32> to vector<1xf32>
        %squeeze3A_1118 = vector.extract %slice3A_1117[0] : f32 from vector<1xf32>
        %mul3A_1119 = vector.broadcast %squeeze3A_1118 : f32 to vector<16xf32>
        %mul3A_1120 = arith.mulf %sub3A_1116, %mul3A_1119 : vector<16xf32>
        %swap3A_1121 = arith.index_cast %add3A_1107 : i32 to index
        %swap3A_1122 = arith.constant 0 : index
        %swap3A_1123 = tpu.vector_load %arg31[%swap3A_1121, %swap3A_1122] {strides = array<i32>} : memref<128x16xf32, #tpu.memory_space<vmem>>, vector<1x16xf32>,
        %swap3A_1124 = vector.shape_cast %swap3A_1123 : vector<1x16xf32> to vector<16xf32>
        %swap3A_1125 = vector.shape_cast %mul3A_1120 : vector<16xf32> to vector<1x16xf32>
        tpu.vector_store %arg31[%swap3A_1121, %swap3A_1122], %swap3A_1125 {strides = array<i32>} : memref<128x16xf32, #tpu.memory_space<vmem>>, vector<1x16xf32>,
        %neg3A_1126 = arith.constant 0.000000e+00 : f32
        %neg3A_1127 = vector.broadcast %neg3A_1126 : f32 to vector<16xf32>
        %neg3A_1128 = arith.subf %neg3A_1127, %mul3A_1120 : vector<16xf32>
        %swap3A_1129 = arith.index_cast %add3A_1107 : i32 to index
        %swap3A_1130 = arith.constant 0 : index
        %swap3A_1131 = tpu.vector_load %arg30[%swap3A_1129, %swap3A_1130] {strides = array<i32>} : memref<128x16xf32, #tpu.memory_space<vmem>>, vector<1x16xf32>,
        %swap3A_1132 = vector.shape_cast %swap3A_1131 : vector<1x16xf32> to vector<16xf32>
        %swap3A_1133 = vector.shape_cast %neg3A_1128 : vector<16xf32> to vector<1x16xf32>
        tpu.vector_store %arg30[%swap3A_1129, %swap3A_1130], %swap3A_1133 {strides = array<i32>} : memref<128x16xf32, #tpu.memory_space<vmem>>, vector<1x16xf32>,
        %add3A_1134 = arith.constant 7 : i32
        %add3A_1135 = arith.addi %mul3A_938, %add3A_1134 : i32
        %get3A_1136 = arith.index_cast %add3A_1135 : i32 to index
        %get3A_1137 = arith.constant 0 : index
        %get3A_1138 = tpu.vector_load %arg28[%get3A_1136, %get3A_1137] {strides = array<i32>} : memref<128x16xf32, #tpu.memory_space<vmem>>, vector<1x16xf32>,
        %get3A_1139 = vector.shape_cast %get3A_1138 : vector<1x16xf32> to vector<16xf32>
        %get3A_1140 = arith.index_cast %add3A_1135 : i32 to index
        %get3A_1141 = arith.constant 0 : index
        %get3A_1142 = tpu.vector_load %arg29[%get3A_1140, %get3A_1141] {strides = array<i32>} : memref<128x16xf32, #tpu.memory_space<vmem>>, vector<1x16xf32>,
        %get3A_1143 = vector.shape_cast %get3A_1142 : vector<1x16xf32> to vector<16xf32>
        %sub3A_1144 = arith.subf %get3A_1139, %get3A_1143 : vector<16xf32>
        %slice3A_1145 = vector.extract_strided_slice %get3A_941 {offsets = [7], sizes = [1], strides = [1]} : vector<16xf32> to vector<1xf32>
        %squeeze3A_1146 = vector.extract %slice3A_1145[0] : f32 from vector<1xf32>
        %mul3A_1147 = vector.broadcast %squeeze3A_1146 : f32 to vector<16xf32>
        %mul3A_1148 = arith.mulf %sub3A_1144, %mul3A_1147 : vector<16xf32>
        %swap3A_1149 = arith.index_cast %add3A_1135 : i32 to index
        %swap3A_1150 = arith.constant 0 : index
        %swap3A_1151 = tpu.vector_load %arg31[%swap3A_1149, %swap3A_1150] {strides = array<i32>} : memref<128x16xf32, #tpu.memory_space<vmem>>, vector<1x16xf32>,
        %swap3A_1152 = vector.shape_cast %swap3A_1151 : vector<1x16xf32> to vector<16xf32>
        %swap3A_1153 = vector.shape_cast %mul3A_1148 : vector<16xf32> to vector<1x16xf32>
        tpu.vector_store %arg31[%swap3A_1149, %swap3A_1150], %swap3A_1153 {strides = array<i32>} : memref<128x16xf32, #tpu.memory_space<vmem>>, vector<1x16xf32>,
        %neg3A_1154 = arith.constant 0.000000e+00 : f32
        %neg3A_1155 = vector.broadcast %neg3A_1154 : f32 to vector<16xf32>
        %neg3A_1156 = arith.subf %neg3A_1155, %mul3A_1148 : vector<16xf32>
        %swap3A_1157 = arith.index_cast %add3A_1135 : i32 to index
        %swap3A_1158 = arith.constant 0 : index
        %swap3A_1159 = tpu.vector_load %arg30[%swap3A_1157, %swap3A_1158] {strides = array<i32>} : memref<128x16xf32, #tpu.memory_space<vmem>>, vector<1x16xf32>,
        %swap3A_1160 = vector.shape_cast %swap3A_1159 : vector<1x16xf32> to vector<16xf32>
        %swap3A_1161 = vector.shape_cast %neg3A_1156 : vector<16xf32> to vector<1x16xf32>
        tpu.vector_store %arg30[%swap3A_1157, %swap3A_1158], %swap3A_1161 {strides = array<i32>} : memref<128x16xf32, #tpu.memory_space<vmem>>, vector<1x16xf32>,
        %add3A_1162 = arith.constant 8 : i32
        %add3A_1163 = arith.addi %mul3A_938, %add3A_1162 : i32
        %get3A_1164 = arith.index_cast %add3A_1163 : i32 to index
        %get3A_1165 = arith.constant 0 : index
        %get3A_1166 = tpu.vector_load %arg28[%get3A_1164, %get3A_1165] {strides = array<i32>} : memref<128x16xf32, #tpu.memory_space<vmem>>, vector<1x16xf32>,
        %get3A_1167 = vector.shape_cast %get3A_1166 : vector<1x16xf32> to vector<16xf32>
        %get3A_1168 = arith.index_cast %add3A_1163 : i32 to index
        %get3A_1169 = arith.constant 0 : index
        %get3A_1170 = tpu.vector_load %arg29[%get3A_1168, %get3A_1169] {strides = array<i32>} : memref<128x16xf32, #tpu.memory_space<vmem>>, vector<1x16xf32>,
        %get3A_1171 = vector.shape_cast %get3A_1170 : vector<1x16xf32> to vector<16xf32>
        %sub3A_1172 = arith.subf %get3A_1167, %get3A_1171 : vector<16xf32>
        %slice3A_1173 = vector.extract_strided_slice %get3A_941 {offsets = [8], sizes = [1], strides = [1]} : vector<16xf32> to vector<1xf32>
        %squeeze3A_1174 = vector.extract %slice3A_1173[0] : f32 from vector<1xf32>
        %mul3A_1175 = vector.broadcast %squeeze3A_1174 : f32 to vector<16xf32>
        %mul3A_1176 = arith.mulf %sub3A_1172, %mul3A_1175 : vector<16xf32>
        %swap3A_1177 = arith.index_cast %add3A_1163 : i32 to index
        %swap3A_1178 = arith.constant 0 : index
        %swap3A_1179 = tpu.vector_load %arg31[%swap3A_1177, %swap3A_1178] {strides = array<i32>} : memref<128x16xf32, #tpu.memory_space<vmem>>, vector<1x16xf32>,
        %swap3A_1180 = vector.shape_cast %swap3A_1179 : vector<1x16xf32> to vector<16xf32>
        %swap3A_1181 = vector.shape_cast %mul3A_1176 : vector<16xf32> to vector<1x16xf32>
        tpu.vector_store %arg31[%swap3A_1177, %swap3A_1178], %swap3A_1181 {strides = array<i32>} : memref<128x16xf32, #tpu.memory_space<vmem>>, vector<1x16xf32>,
        %neg3A_1182 = arith.constant 0.000000e+00 : f32
        %neg3A_1183 = vector.broadcast %neg3A_1182 : f32 to vector<16xf32>
        %neg3A_1184 = arith.subf %neg3A_1183, %mul3A_1176 : vector<16xf32>
        %swap3A_1185 = arith.index_cast %add3A_1163 : i32 to index
        %swap3A_1186 = arith.constant 0 : index
        %swap3A_1187 = tpu.vector_load %arg30[%swap3A_1185, %swap3A_1186] {strides = array<i32>} : memref<128x16xf32, #tpu.memory_space<vmem>>, vector<1x16xf32>,
        %swap3A_1188 = vector.shape_cast %swap3A_1187 : vector<1x16xf32> to vector<16xf32>
        %swap3A_1189 = vector.shape_cast %neg3A_1184 : vector<16xf32> to vector<1x16xf32>
        tpu.vector_store %arg30[%swap3A_1185, %swap3A_1186], %swap3A_1189 {strides = array<i32>} : memref<128x16xf32, #tpu.memory_space<vmem>>, vector<1x16xf32>,
        %add3A_1190 = arith.constant 9 : i32
        %add3A_1191 = arith.addi %mul3A_938, %add3A_1190 : i32
        %get3A_1192 = arith.index_cast %add3A_1191 : i32 to index
        %get3A_1193 = arith.constant 0 : index
        %get3A_1194 = tpu.vector_load %arg28[%get3A_1192, %get3A_1193] {strides = array<i32>} : memref<128x16xf32, #tpu.memory_space<vmem>>, vector<1x16xf32>,
        %get3A_1195 = vector.shape_cast %get3A_1194 : vector<1x16xf32> to vector<16xf32>
        %get3A_1196 = arith.index_cast %add3A_1191 : i32 to index
        %get3A_1197 = arith.constant 0 : index
        %get3A_1198 = tpu.vector_load %arg29[%get3A_1196, %get3A_1197] {strides = array<i32>} : memref<128x16xf32, #tpu.memory_space<vmem>>, vector<1x16xf32>,
        %get3A_1199 = vector.shape_cast %get3A_1198 : vector<1x16xf32> to vector<16xf32>
        %sub3A_1200 = arith.subf %get3A_1195, %get3A_1199 : vector<16xf32>
        %slice3A_1201 = vector.extract_strided_slice %get3A_941 {offsets = [9], sizes = [1], strides = [1]} : vector<16xf32> to vector<1xf32>
        %squeeze3A_1202 = vector.extract %slice3A_1201[0] : f32 from vector<1xf32>
        %mul3A_1203 = vector.broadcast %squeeze3A_1202 : f32 to vector<16xf32>
        %mul3A_1204 = arith.mulf %sub3A_1200, %mul3A_1203 : vector<16xf32>
        %swap3A_1205 = arith.index_cast %add3A_1191 : i32 to index
        %swap3A_1206 = arith.constant 0 : index
        %swap3A_1207 = tpu.vector_load %arg31[%swap3A_1205, %swap3A_1206] {strides = array<i32>} : memref<128x16xf32, #tpu.memory_space<vmem>>, vector<1x16xf32>,
        %swap3A_1208 = vector.shape_cast %swap3A_1207 : vector<1x16xf32> to vector<16xf32>
        %swap3A_1209 = vector.shape_cast %mul3A_1204 : vector<16xf32> to vector<1x16xf32>
        tpu.vector_store %arg31[%swap3A_1205, %swap3A_1206], %swap3A_1209 {strides = array<i32>} : memref<128x16xf32, #tpu.memory_space<vmem>>, vector<1x16xf32>,
        %neg3A_1210 = arith.constant 0.000000e+00 : f32
        %neg3A_1211 = vector.broadcast %neg3A_1210 : f32 to vector<16xf32>
        %neg3A_1212 = arith.subf %neg3A_1211, %mul3A_1204 : vector<16xf32>
        %swap3A_1213 = arith.index_cast %add3A_1191 : i32 to index
        %swap3A_1214 = arith.constant 0 : index
        %swap3A_1215 = tpu.vector_load %arg30[%swap3A_1213, %swap3A_1214] {strides = array<i32>} : memref<128x16xf32, #tpu.memory_space<vmem>>, vector<1x16xf32>,
        %swap3A_1216 = vector.shape_cast %swap3A_1215 : vector<1x16xf32> to vector<16xf32>
        %swap3A_1217 = vector.shape_cast %neg3A_1212 : vector<16xf32> to vector<1x16xf32>
        tpu.vector_store %arg30[%swap3A_1213, %swap3A_1214], %swap3A_1217 {strides = array<i32>} : memref<128x16xf32, #tpu.memory_space<vmem>>, vector<1x16xf32>,
        %add3A_1218 = arith.constant 10 : i32
        %add3A_1219 = arith.addi %mul3A_938, %add3A_1218 : i32
        %get3A_1220 = arith.index_cast %add3A_1219 : i32 to index
        %get3A_1221 = arith.constant 0 : index
        %get3A_1222 = tpu.vector_load %arg28[%get3A_1220, %get3A_1221] {strides = array<i32>} : memref<128x16xf32, #tpu.memory_space<vmem>>, vector<1x16xf32>,
        %get3A_1223 = vector.shape_cast %get3A_1222 : vector<1x16xf32> to vector<16xf32>
        %get3A_1224 = arith.index_cast %add3A_1219 : i32 to index
        %get3A_1225 = arith.constant 0 : index
        %get3A_1226 = tpu.vector_load %arg29[%get3A_1224, %get3A_1225] {strides = array<i32>} : memref<128x16xf32, #tpu.memory_space<vmem>>, vector<1x16xf32>,
        %get3A_1227 = vector.shape_cast %get3A_1226 : vector<1x16xf32> to vector<16xf32>
        %sub3A_1228 = arith.subf %get3A_1223, %get3A_1227 : vector<16xf32>
        %slice3A_1229 = vector.extract_strided_slice %get3A_941 {offsets = [10], sizes = [1], strides = [1]} : vector<16xf32> to vector<1xf32>
        %squeeze3A_1230 = vector.extract %slice3A_1229[0] : f32 from vector<1xf32>
        %mul3A_1231 = vector.broadcast %squeeze3A_1230 : f32 to vector<16xf32>
        %mul3A_1232 = arith.mulf %sub3A_1228, %mul3A_1231 : vector<16xf32>
        %swap3A_1233 = arith.index_cast %add3A_1219 : i32 to index
        %swap3A_1234 = arith.constant 0 : index
        %swap3A_1235 = tpu.vector_load %arg31[%swap3A_1233, %swap3A_1234] {strides = array<i32>} : memref<128x16xf32, #tpu.memory_space<vmem>>, vector<1x16xf32>,
        %swap3A_1236 = vector.shape_cast %swap3A_1235 : vector<1x16xf32> to vector<16xf32>
        %swap3A_1237 = vector.shape_cast %mul3A_1232 : vector<16xf32> to vector<1x16xf32>
        tpu.vector_store %arg31[%swap3A_1233, %swap3A_1234], %swap3A_1237 {strides = array<i32>} : memref<128x16xf32, #tpu.memory_space<vmem>>, vector<1x16xf32>,
        %neg3A_1238 = arith.constant 0.000000e+00 : f32
        %neg3A_1239 = vector.broadcast %neg3A_1238 : f32 to vector<16xf32>
        %neg3A_1240 = arith.subf %neg3A_1239, %mul3A_1232 : vector<16xf32>
        %swap3A_1241 = arith.index_cast %add3A_1219 : i32 to index
        %swap3A_1242 = arith.constant 0 : index
        %swap3A_1243 = tpu.vector_load %arg30[%swap3A_1241, %swap3A_1242] {strides = array<i32>} : memref<128x16xf32, #tpu.memory_space<vmem>>, vector<1x16xf32>,
        %swap3A_1244 = vector.shape_cast %swap3A_1243 : vector<1x16xf32> to vector<16xf32>
        %swap3A_1245 = vector.shape_cast %neg3A_1240 : vector<16xf32> to vector<1x16xf32>
        tpu.vector_store %arg30[%swap3A_1241, %swap3A_1242], %swap3A_1245 {strides = array<i32>} : memref<128x16xf32, #tpu.memory_space<vmem>>, vector<1x16xf32>,
        %add3A_1246 = arith.constant 11 : i32
        %add3A_1247 = arith.addi %mul3A_938, %add3A_1246 : i32
        %get3A_1248 = arith.index_cast %add3A_1247 : i32 to index
        %get3A_1249 = arith.constant 0 : index
        %get3A_1250 = tpu.vector_load %arg28[%get3A_1248, %get3A_1249] {strides = array<i32>} : memref<128x16xf32, #tpu.memory_space<vmem>>, vector<1x16xf32>,
        %get3A_1251 = vector.shape_cast %get3A_1250 : vector<1x16xf32> to vector<16xf32>
        %get3A_1252 = arith.index_cast %add3A_1247 : i32 to index
        %get3A_1253 = arith.constant 0 : index
        %get3A_1254 = tpu.vector_load %arg29[%get3A_1252, %get3A_1253] {strides = array<i32>} : memref<128x16xf32, #tpu.memory_space<vmem>>, vector<1x16xf32>,
        %get3A_1255 = vector.shape_cast %get3A_1254 : vector<1x16xf32> to vector<16xf32>
        %sub3A_1256 = arith.subf %get3A_1251, %get3A_1255 : vector<16xf32>
        %slice3A_1257 = vector.extract_strided_slice %get3A_941 {offsets = [11], sizes = [1], strides = [1]} : vector<16xf32> to vector<1xf32>
        %squeeze3A_1258 = vector.extract %slice3A_1257[0] : f32 from vector<1xf32>
        %mul3A_1259 = vector.broadcast %squeeze3A_1258 : f32 to vector<16xf32>
        %mul3A_1260 = arith.mulf %sub3A_1256, %mul3A_1259 : vector<16xf32>
        %swap3A_1261 = arith.index_cast %add3A_1247 : i32 to index
        %swap3A_1262 = arith.constant 0 : index
        %swap3A_1263 = tpu.vector_load %arg31[%swap3A_1261, %swap3A_1262] {strides = array<i32>} : memref<128x16xf32, #tpu.memory_space<vmem>>, vector<1x16xf32>,
        %swap3A_1264 = vector.shape_cast %swap3A_1263 : vector<1x16xf32> to vector<16xf32>
        %swap3A_1265 = vector.shape_cast %mul3A_1260 : vector<16xf32> to vector<1x16xf32>
        tpu.vector_store %arg31[%swap3A_1261, %swap3A_1262], %swap3A_1265 {strides = array<i32>} : memref<128x16xf32, #tpu.memory_space<vmem>>, vector<1x16xf32>,
        %neg3A_1266 = arith.constant 0.000000e+00 : f32
        %neg3A_1267 = vector.broadcast %neg3A_1266 : f32 to vector<16xf32>
        %neg3A_1268 = arith.subf %neg3A_1267, %mul3A_1260 : vector<16xf32>
        %swap3A_1269 = arith.index_cast %add3A_1247 : i32 to index
        %swap3A_1270 = arith.constant 0 : index
        %swap3A_1271 = tpu.vector_load %arg30[%swap3A_1269, %swap3A_1270] {strides = array<i32>} : memref<128x16xf32, #tpu.memory_space<vmem>>, vector<1x16xf32>,
        %swap3A_1272 = vector.shape_cast %swap3A_1271 : vector<1x16xf32> to vector<16xf32>
        %swap3A_1273 = vector.shape_cast %neg3A_1268 : vector<16xf32> to vector<1x16xf32>
        tpu.vector_store %arg30[%swap3A_1269, %swap3A_1270], %swap3A_1273 {strides = array<i32>} : memref<128x16xf32, #tpu.memory_space<vmem>>, vector<1x16xf32>,
        %add3A_1274 = arith.constant 12 : i32
        %add3A_1275 = arith.addi %mul3A_938, %add3A_1274 : i32
        %get3A_1276 = arith.index_cast %add3A_1275 : i32 to index
        %get3A_1277 = arith.constant 0 : index
        %get3A_1278 = tpu.vector_load %arg28[%get3A_1276, %get3A_1277] {strides = array<i32>} : memref<128x16xf32, #tpu.memory_space<vmem>>, vector<1x16xf32>,
        %get3A_1279 = vector.shape_cast %get3A_1278 : vector<1x16xf32> to vector<16xf32>
        %get3A_1280 = arith.index_cast %add3A_1275 : i32 to index
        %get3A_1281 = arith.constant 0 : index
        %get3A_1282 = tpu.vector_load %arg29[%get3A_1280, %get3A_1281] {strides = array<i32>} : memref<128x16xf32, #tpu.memory_space<vmem>>, vector<1x16xf32>,
        %get3A_1283 = vector.shape_cast %get3A_1282 : vector<1x16xf32> to vector<16xf32>
        %sub3A_1284 = arith.subf %get3A_1279, %get3A_1283 : vector<16xf32>
        %slice3A_1285 = vector.extract_strided_slice %get3A_941 {offsets = [12], sizes = [1], strides = [1]} : vector<16xf32> to vector<1xf32>
        %squeeze3A_1286 = vector.extract %slice3A_1285[0] : f32 from vector<1xf32>
        %mul3A_1287 = vector.broadcast %squeeze3A_1286 : f32 to vector<16xf32>
        %mul3A_1288 = arith.mulf %sub3A_1284, %mul3A_1287 : vector<16xf32>
        %swap3A_1289 = arith.index_cast %add3A_1275 : i32 to index
        %swap3A_1290 = arith.constant 0 : index
        %swap3A_1291 = tpu.vector_load %arg31[%swap3A_1289, %swap3A_1290] {strides = array<i32>} : memref<128x16xf32, #tpu.memory_space<vmem>>, vector<1x16xf32>,
        %swap3A_1292 = vector.shape_cast %swap3A_1291 : vector<1x16xf32> to vector<16xf32>
        %swap3A_1293 = vector.shape_cast %mul3A_1288 : vector<16xf32> to vector<1x16xf32>
        tpu.vector_store %arg31[%swap3A_1289, %swap3A_1290], %swap3A_1293 {strides = array<i32>} : memref<128x16xf32, #tpu.memory_space<vmem>>, vector<1x16xf32>,
        %neg3A_1294 = arith.constant 0.000000e+00 : f32
        %neg3A_1295 = vector.broadcast %neg3A_1294 : f32 to vector<16xf32>
        %neg3A_1296 = arith.subf %neg3A_1295, %mul3A_1288 : vector<16xf32>
        %swap3A_1297 = arith.index_cast %add3A_1275 : i32 to index
        %swap3A_1298 = arith.constant 0 : index
        %swap3A_1299 = tpu.vector_load %arg30[%swap3A_1297, %swap3A_1298] {strides = array<i32>} : memref<128x16xf32, #tpu.memory_space<vmem>>, vector<1x16xf32>,
        %swap3A_1300 = vector.shape_cast %swap3A_1299 : vector<1x16xf32> to vector<16xf32>
        %swap3A_1301 = vector.shape_cast %neg3A_1296 : vector<16xf32> to vector<1x16xf32>
        tpu.vector_store %arg30[%swap3A_1297, %swap3A_1298], %swap3A_1301 {strides = array<i32>} : memref<128x16xf32, #tpu.memory_space<vmem>>, vector<1x16xf32>,
        %add3A_1302 = arith.constant 13 : i32
        %add3A_1303 = arith.addi %mul3A_938, %add3A_1302 : i32
        %get3A_1304 = arith.index_cast %add3A_1303 : i32 to index
        %get3A_1305 = arith.constant 0 : index
        %get3A_1306 = tpu.vector_load %arg28[%get3A_1304, %get3A_1305] {strides = array<i32>} : memref<128x16xf32, #tpu.memory_space<vmem>>, vector<1x16xf32>,
        %get3A_1307 = vector.shape_cast %get3A_1306 : vector<1x16xf32> to vector<16xf32>
        %get3A_1308 = arith.index_cast %add3A_1303 : i32 to index
        %get3A_1309 = arith.constant 0 : index
        %get3A_1310 = tpu.vector_load %arg29[%get3A_1308, %get3A_1309] {strides = array<i32>} : memref<128x16xf32, #tpu.memory_space<vmem>>, vector<1x16xf32>,
        %get3A_1311 = vector.shape_cast %get3A_1310 : vector<1x16xf32> to vector<16xf32>
        %sub3A_1312 = arith.subf %get3A_1307, %get3A_1311 : vector<16xf32>
        %slice3A_1313 = vector.extract_strided_slice %get3A_941 {offsets = [13], sizes = [1], strides = [1]} : vector<16xf32> to vector<1xf32>
        %squeeze3A_1314 = vector.extract %slice3A_1313[0] : f32 from vector<1xf32>
        %mul3A_1315 = vector.broadcast %squeeze3A_1314 : f32 to vector<16xf32>
        %mul3A_1316 = arith.mulf %sub3A_1312, %mul3A_1315 : vector<16xf32>
        %swap3A_1317 = arith.index_cast %add3A_1303 : i32 to index
        %swap3A_1318 = arith.constant 0 : index
        %swap3A_1319 = tpu.vector_load %arg31[%swap3A_1317, %swap3A_1318] {strides = array<i32>} : memref<128x16xf32, #tpu.memory_space<vmem>>, vector<1x16xf32>,
        %swap3A_1320 = vector.shape_cast %swap3A_1319 : vector<1x16xf32> to vector<16xf32>
        %swap3A_1321 = vector.shape_cast %mul3A_1316 : vector<16xf32> to vector<1x16xf32>
        tpu.vector_store %arg31[%swap3A_1317, %swap3A_1318], %swap3A_1321 {strides = array<i32>} : memref<128x16xf32, #tpu.memory_space<vmem>>, vector<1x16xf32>,
        %neg3A_1322 = arith.constant 0.000000e+00 : f32
        %neg3A_1323 = vector.broadcast %neg3A_1322 : f32 to vector<16xf32>
        %neg3A_1324 = arith.subf %neg3A_1323, %mul3A_1316 : vector<16xf32>
        %swap3A_1325 = arith.index_cast %add3A_1303 : i32 to index
        %swap3A_1326 = arith.constant 0 : index
        %swap3A_1327 = tpu.vector_load %arg30[%swap3A_1325, %swap3A_1326] {strides = array<i32>} : memref<128x16xf32, #tpu.memory_space<vmem>>, vector<1x16xf32>,
        %swap3A_1328 = vector.shape_cast %swap3A_1327 : vector<1x16xf32> to vector<16xf32>
        %swap3A_1329 = vector.shape_cast %neg3A_1324 : vector<16xf32> to vector<1x16xf32>
        tpu.vector_store %arg30[%swap3A_1325, %swap3A_1326], %swap3A_1329 {strides = array<i32>} : memref<128x16xf32, #tpu.memory_space<vmem>>, vector<1x16xf32>,
        %add3A_1330 = arith.constant 14 : i32
        %add3A_1331 = arith.addi %mul3A_938, %add3A_1330 : i32
        %get3A_1332 = arith.index_cast %add3A_1331 : i32 to index
        %get3A_1333 = arith.constant 0 : index
        %get3A_1334 = tpu.vector_load %arg28[%get3A_1332, %get3A_1333] {strides = array<i32>} : memref<128x16xf32, #tpu.memory_space<vmem>>, vector<1x16xf32>,
        %get3A_1335 = vector.shape_cast %get3A_1334 : vector<1x16xf32> to vector<16xf32>
        %get3A_1336 = arith.index_cast %add3A_1331 : i32 to index
        %get3A_1337 = arith.constant 0 : index
        %get3A_1338 = tpu.vector_load %arg29[%get3A_1336, %get3A_1337] {strides = array<i32>} : memref<128x16xf32, #tpu.memory_space<vmem>>, vector<1x16xf32>,
        %get3A_1339 = vector.shape_cast %get3A_1338 : vector<1x16xf32> to vector<16xf32>
        %sub3A_1340 = arith.subf %get3A_1335, %get3A_1339 : vector<16xf32>
        %slice3A_1341 = vector.extract_strided_slice %get3A_941 {offsets = [14], sizes = [1], strides = [1]} : vector<16xf32> to vector<1xf32>
        %squeeze3A_1342 = vector.extract %slice3A_1341[0] : f32 from vector<1xf32>
        %mul3A_1343 = vector.broadcast %squeeze3A_1342 : f32 to vector<16xf32>
        %mul3A_1344 = arith.mulf %sub3A_1340, %mul3A_1343 : vector<16xf32>
        %swap3A_1345 = arith.index_cast %add3A_1331 : i32 to index
        %swap3A_1346 = arith.constant 0 : index
        %swap3A_1347 = tpu.vector_load %arg31[%swap3A_1345, %swap3A_1346] {strides = array<i32>} : memref<128x16xf32, #tpu.memory_space<vmem>>, vector<1x16xf32>,
        %swap3A_1348 = vector.shape_cast %swap3A_1347 : vector<1x16xf32> to vector<16xf32>
        %swap3A_1349 = vector.shape_cast %mul3A_1344 : vector<16xf32> to vector<1x16xf32>
        tpu.vector_store %arg31[%swap3A_1345, %swap3A_1346], %swap3A_1349 {strides = array<i32>} : memref<128x16xf32, #tpu.memory_space<vmem>>, vector<1x16xf32>,
        %neg3A_1350 = arith.constant 0.000000e+00 : f32
        %neg3A_1351 = vector.broadcast %neg3A_1350 : f32 to vector<16xf32>
        %neg3A_1352 = arith.subf %neg3A_1351, %mul3A_1344 : vector<16xf32>
        %swap3A_1353 = arith.index_cast %add3A_1331 : i32 to index
        %swap3A_1354 = arith.constant 0 : index
        %swap3A_1355 = tpu.vector_load %arg30[%swap3A_1353, %swap3A_1354] {strides = array<i32>} : memref<128x16xf32, #tpu.memory_space<vmem>>, vector<1x16xf32>,
        %swap3A_1356 = vector.shape_cast %swap3A_1355 : vector<1x16xf32> to vector<16xf32>
        %swap3A_1357 = vector.shape_cast %neg3A_1352 : vector<16xf32> to vector<1x16xf32>
        tpu.vector_store %arg30[%swap3A_1353, %swap3A_1354], %swap3A_1357 {strides = array<i32>} : memref<128x16xf32, #tpu.memory_space<vmem>>, vector<1x16xf32>,
        %add3A_1358 = arith.constant 15 : i32
        %add3A_1359 = arith.addi %mul3A_938, %add3A_1358 : i32
        %get3A_1360 = arith.index_cast %add3A_1359 : i32 to index
        %get3A_1361 = arith.constant 0 : index
        %get3A_1362 = tpu.vector_load %arg28[%get3A_1360, %get3A_1361] {strides = array<i32>} : memref<128x16xf32, #tpu.memory_space<vmem>>, vector<1x16xf32>,
        %get3A_1363 = vector.shape_cast %get3A_1362 : vector<1x16xf32> to vector<16xf32>
        %get3A_1364 = arith.index_cast %add3A_1359 : i32 to index
        %get3A_1365 = arith.constant 0 : index
        %get3A_1366 = tpu.vector_load %arg29[%get3A_1364, %get3A_1365] {strides = array<i32>} : memref<128x16xf32, #tpu.memory_space<vmem>>, vector<1x16xf32>,
        %get3A_1367 = vector.shape_cast %get3A_1366 : vector<1x16xf32> to vector<16xf32>
        %sub3A_1368 = arith.subf %get3A_1363, %get3A_1367 : vector<16xf32>
        %slice3A_1369 = vector.extract_strided_slice %get3A_941 {offsets = [15], sizes = [1], strides = [1]} : vector<16xf32> to vector<1xf32>
        %squeeze3A_1370 = vector.extract %slice3A_1369[0] : f32 from vector<1xf32>
        %mul3A_1371 = vector.broadcast %squeeze3A_1370 : f32 to vector<16xf32>
        %mul3A_1372 = arith.mulf %sub3A_1368, %mul3A_1371 : vector<16xf32>
        %swap3A_1373 = arith.index_cast %add3A_1359 : i32 to index
        %swap3A_1374 = arith.constant 0 : index
        %swap3A_1375 = tpu.vector_load %arg31[%swap3A_1373, %swap3A_1374] {strides = array<i32>} : memref<128x16xf32, #tpu.memory_space<vmem>>, vector<1x16xf32>,
        %swap3A_1376 = vector.shape_cast %swap3A_1375 : vector<1x16xf32> to vector<16xf32>
        %swap3A_1377 = vector.shape_cast %mul3A_1372 : vector<16xf32> to vector<1x16xf32>
        tpu.vector_store %arg31[%swap3A_1373, %swap3A_1374], %swap3A_1377 {strides = array<i32>} : memref<128x16xf32, #tpu.memory_space<vmem>>, vector<1x16xf32>,
        %neg3A_1378 = arith.constant 0.000000e+00 : f32
        %neg3A_1379 = vector.broadcast %neg3A_1378 : f32 to vector<16xf32>
        %neg3A_1380 = arith.subf %neg3A_1379, %mul3A_1372 : vector<16xf32>
        %swap3A_1381 = arith.index_cast %add3A_1359 : i32 to index
        %swap3A_1382 = arith.constant 0 : index
        %swap3A_1383 = tpu.vector_load %arg30[%swap3A_1381, %swap3A_1382] {strides = array<i32>} : memref<128x16xf32, #tpu.memory_space<vmem>>, vector<1x16xf32>,
        %swap3A_1384 = vector.shape_cast %swap3A_1383 : vector<1x16xf32> to vector<16xf32>
        %swap3A_1385 = vector.shape_cast %neg3A_1380 : vector<16xf32> to vector<1x16xf32>
        tpu.vector_store %arg30[%swap3A_1381, %swap3A_1382], %swap3A_1385 {strides = array<i32>} : memref<128x16xf32, #tpu.memory_space<vmem>>, vector<1x16xf32>,
        %scan3A_1386 = arith.constant 0 : i32
        scf.yield %scan3A_1386 : i32
      }
      %scan3A_922 = arith.constant 8 : i32
      %dma_start3A_923 = arith.constant 0 : i32
      %dma_start3A_924 = arith.constant 0 : i32
      %dma_start3A_925 = tpu.memref_slice %arg32[%dma_start3A_923, %dma_start3A_924] : memref<100096x16xf32, #tpu.memory_space<vmem_shared>> -> memref<100096x16xf32, #tpu.memory_space<vmem_shared>>
      tpu.enqueue_indirect_dma source(%arg30 : memref<128x16xf32, #tpu.memory_space<vmem>>) target(%dma_start3A_925 : memref<100096x16xf32, #tpu.memory_space<vmem_shared>>) offsets(%arg25 : memref<128xi32, #tpu.memory_space<vmem>>) semaphore(%arg38 : memref<!tpu.dma_semaphore, #tpu.memory_space<semaphore_mem>>) {add = true}
      %dma_start3A_926 = arith.constant 0 : i32
      %dma_start3A_927 = arith.constant 0 : i32
      %dma_start3A_928 = tpu.memref_slice %arg32[%dma_start3A_926, %dma_start3A_927] : memref<100096x16xf32, #tpu.memory_space<vmem_shared>> -> memref<100096x16xf32, #tpu.memory_space<vmem_shared>>
      tpu.enqueue_indirect_dma source(%arg31 : memref<128x16xf32, #tpu.memory_space<vmem>>) target(%dma_start3A_928 : memref<100096x16xf32, #tpu.memory_space<vmem_shared>>) offsets(%arg26 : memref<128xi32, #tpu.memory_space<vmem>>) semaphore(%arg38 : memref<!tpu.dma_semaphore, #tpu.memory_space<semaphore_mem>>) {add = true}
      %dma_wait3A_929 = arith.constant 0 : i32
      %dma_wait3A_930 = arith.constant 0 : i32
      %dma_wait3A_931 = tpu.memref_slice %arg32[%dma_wait3A_929, %dma_wait3A_930] : memref<100096x16xf32, #tpu.memory_space<vmem_shared>> -> memref<100096x16xf32, #tpu.memory_space<vmem_shared>>
      tpu.wait_indirect_dma semaphore(%arg38 : memref<!tpu.dma_semaphore, #tpu.memory_space<semaphore_mem>>) src(%arg30 : memref<128x16xf32, #tpu.memory_space<vmem>>) dst(%dma_wait3A_931 : memref<100096x16xf32, #tpu.memory_space<vmem_shared>>)
      %dma_wait3A_932 = arith.constant 0 : i32
      %dma_wait3A_933 = arith.constant 0 : i32
      %dma_wait3A_934 = tpu.memref_slice %arg32[%dma_wait3A_932, %dma_wait3A_933] : memref<100096x16xf32, #tpu.memory_space<vmem_shared>> -> memref<100096x16xf32, #tpu.memory_space<vmem_shared>>
      tpu.wait_indirect_dma semaphore(%arg38 : memref<!tpu.dma_semaphore, #tpu.memory_space<semaphore_mem>>) src(%arg31 : memref<128x16xf32, #tpu.memory_space<vmem>>) dst(%dma_wait3A_934 : memref<100096x16xf32, #tpu.memory_space<vmem_shared>>)
    } else {
    }
    %barrier3A_620 = arith.constant 0 : index
    tpu.barrier barrier_id(%barrier3A_620)
    %mul3A_621 = arith.constant 100096 : i32
    %mul3A_622 = arith.muli %arg0, %mul3A_621 : i32
    %add3A_623 = arith.addi %mul3A_622, %mul3A_6 : i32
    "tpu.region"() ({
      %run_scoped3A = tpu.sem_alloc : memref<!tpu.dma_semaphore, #tpu.memory_space<semaphore_mem>>
      %dma_start3A_624 = arith.constant 0 : i32
      %dma_start3A_625 = tpu.memref_slice %arg7[%add3A_623, %dma_start3A_624] : memref<200192x16xf32, #tpu.memory_space<hbm>> -> memref<6256x16xf32, #tpu.memory_space<hbm>>
      %dma_start3A_626 = arith.constant 0 : i32
      %dma_start3A_627 = tpu.memref_slice %arg32[%mul3A_6, %dma_start3A_626] : memref<100096x16xf32, #tpu.memory_space<vmem_shared>> -> memref<6256x16xf32, #tpu.memory_space<vmem_shared>>
      tpu.enqueue_dma source(%dma_start3A_627 : memref<6256x16xf32, #tpu.memory_space<vmem_shared>>) target(%dma_start3A_625 : memref<6256x16xf32, #tpu.memory_space<hbm>>) target_semaphore(%run_scoped3A : memref<!tpu.dma_semaphore, #tpu.memory_space<semaphore_mem>>)
      %dma_wait3A_628 = arith.constant 0 : i32
      %dma_wait3A_629 = tpu.memref_slice %arg7[%add3A_623, %dma_wait3A_628] : memref<200192x16xf32, #tpu.memory_space<hbm>> -> memref<6256x16xf32, #tpu.memory_space<hbm>>
      %dma_wait3A_630 = arith.constant 0 : i32
      %dma_wait3A_631 = tpu.memref_slice %arg32[%mul3A_6, %dma_wait3A_630] : memref<100096x16xf32, #tpu.memory_space<vmem_shared>> -> memref<6256x16xf32, #tpu.memory_space<vmem_shared>>
      tpu.wait_dma2 semaphore(%run_scoped3A : memref<!tpu.dma_semaphore, #tpu.memory_space<semaphore_mem>>) src(%dma_wait3A_631 : memref<6256x16xf32, #tpu.memory_space<vmem_shared>>) dst(%dma_wait3A_629 : memref<6256x16xf32, #tpu.memory_space<hbm>>)
      tpu.yield
    }) : () -> ()
    return
  }
}

</mosaic_0001>

<sc_bundles>
// kernel: kernel.3.cloned.1.call-start
scs
__scs_entry_jumppad:
0x0: {  	(pc) =	sbr.rel $0x88, $3  }
0x1: {  	(tag) =	ssettag $0x0;
	lr =	simm.s32 $0x1  }
0x2: {  	[smem:$0x3F9D] =	sst lr;
	_ =	strace $0xD0000000  }
0x3: {  	_ = 	snop  }
0x4: {  	_ = 	snop  }
0x5: {  	_ = 	snop  }
0x6: {  	_ = 	snop  }
0x7: {  	_ = 	snop  }
__scs_overlays_trampoline_lowered:
0x8: {  	[smem:$0x3FAC] =	sst s0  }
0x9: {  	[smem:$0x3FAD] =	sst s1  }
0xa: {  	[smem:$0x3FAE] =	sst s2  }
0xb: {  	[smem:$0x3FAF] =	sst s3  }
0xc: {  	[smem:$0x3FB0] =	sst s4  }
0xd: {  	[smem:$0x3FB1] =	sst s5  }
0xe: {  	[smem:$0x3FB2] =	sst s6  }
0xf: {  	[smem:$0x3FB3] =	sst s7  }
0x10: {  	[smem:$0x3FB4] =	sst s8  }
0x11: {  	[smem:$0x3FB5] =	sst s9;
	s0 =	simm.s32 @!p0 $0x0  }
0x12: {  	s1 =	sld [smem:$0x3F9B];
	s0 =	simm.s32 @p0 $0x1  }
0x13: {  	[smem:$0x3FB6] =	sst s0;
	s0 =	simm.s32 @!p1 $0x0  }
0x14: {  	s2 =	sld [smem:$0x3F9A];
	s0 =	simm.s32 @p1 $0x1  }
0x15: {  	[smem:$0x3FB7] =	sst s0;
	s0 =	simm.s32 @!p2 $0x0  }
0x16: {  	s3 =	sld [smem:$0x3FDB];
	s0 =	simm.s32 @p2 $0x1  }
0x17: {  	s4 =	simm.s32 $0x1BF5;
	[smem:$0x3FB9] =	sst s0  }
0x18: {  	s0 =	sld [smem:$0x3F9C];
	_ =	swait.ge [sflag:s4], $0x0  }
0x19: {  	s7 =	sld [smem:$0x3F9D]  }
0x1a: {  	s8 =	sadd.s32 $0xFFFFE003, lr  }
0x1b: {  	s9 =	sadd.s32 $0xFFFFFEF7, lr;
	s5 =	simm.s32 $0xFFFFFFFF;
	p2 =	slt.u32 s8, $0xFFFFF086  }
0x1c: {  	p1 =	slt.u32 s9, $0xF7A;
	s5 =	simm.s32 @!p2 $0x0  }
0x1d: {  	s5 =	simm.s32 @p1 $0x1;
	p0 =	seq.s32 s7, s2  }
0x1e: {  	s7 =	smul.u32 @!p0 $0xF7A, s2;
	p2 =	seq.s32 @!p0 s5, $0x0  }
0x1f: {  	s9 =	smul.u32 $0xF7A, s1;
	s8 =	simm.s32 @!p0 $0x1BF5;
	p2 =	por !p2, p0  }
0x20: {  	[sflag:s8] =	ssyncset.s32 @!p0 $0xFFFFF086;
	s6 =	sadd.s32 @!p0 s3, s7;
	s7 =	simm.s32 @!p0 $0x108  }
0x21: {  	s3 =	sadd.s32 s3, s9;
	s6 =	sadd.s32 @!p0 $0x88, s6;
	s7 =	simm.s32 @p2 $0x1082  }
0x22: {  	[simem:s7], [sflag:s8] =	dma.local @!p0 [hbm:s6], $0xF7A  }
0x23: {  	s9 =	sor.u32 $0xD0000000, s2;
	s6 =	simm.s32 $0x108;
	_ =	swait.ge @!p0 [sflag:s8], $0x0  }
0x24: {  	s3 =	sadd.s32 $0x88, s3;
	s6 =	simm.s32 @!p1 $0x1082;
	[sflag:s4] =	ssyncset.s32 $0xFFFFF086  }
0x25: {  	[simem:s6], [sflag:s4] =	dma.local [hbm:s3], $0xF7A  }
0x26: {  	[smem:$0x3F9D] =	sst s1;
	(tag) =	ssettag s2;
	_ =	strace s9  }
0x27: {  	s1 =	sld [smem:$0x3FAD]  }
0x28: {  	s2 =	sld [smem:$0x3FAE]  }
0x29: {  	s4 =	sld [smem:$0x3FB0]  }
0x2a: {  	p0 =	seq.s32 s5, $0x0;
	s5 =	sld [smem:$0x3FB1]  }
0x2b: {  	s6 =	sld [smem:$0x3FB2]  }
0x2c: {  	s7 =	sld [smem:$0x3FB3]  }
0x2d: {  	s3 =	simm.s32 $0x108;
	s8 =	sld [smem:$0x3FB4]  }
0x2e: {  	s3 =	simm.s32 @!p0 $0x1082;
	s9 =	sld [smem:$0x3FB5]  }
0x2f: {  	lr =	sadd.s32 s0, s3;
	s0 =	sld [smem:$0x3FAC]  }
0x30: {  	s3 =	sld [smem:$0x3FAF]  }
0x31: {  	[smem:$0x3FB8] =	sst s10  }
0x32: {  	s10 =	sld [smem:$0x3FB6];
	_ =	sdelay $0x3  }
0x33: {  	p0 =	seq.s32 s10, $0x1;
	s10 =	sld [smem:$0x3FB8];
	_ =	sdelay $0x3  }
0x34: {  	[smem:$0x3FB8] =	sst s10  }
0x35: {  	s10 =	sld [smem:$0x3FB7];
	_ =	sdelay $0x3  }
0x36: {  	p1 =	seq.s32 s10, $0x1;
	s10 =	sld [smem:$0x3FB8];
	_ =	sdelay $0x3  }
0x37: {  	[smem:$0x3FB8] =	sst s10  }
0x38: {  	s10 =	sld [smem:$0x3FB9]  }
0x39: {  	_ = 	snop;
	(pc) =	sbr.ind lr, $3  }
0x3a: {  	_ = 	snop  }
0x3b: {  	_ = 	snop  }
0x3c: {  	p2 =	seq.s32 s10, $0x1;
	s10 =	sld [smem:$0x3FB8]  }
0x3d: {  	_ =	shalt  }
0x3e: {  	_ =	shalt  }
0x3f: {  	_ =	shalt  }
0x40: {  	_ =	shalt  }
0x41: {  	_ =	shalt  }
0x42: {  	_ =	shalt  }
0x43: {  	_ =	shalt  }
0x44: {  	_ =	shalt  }
0x45: {  	_ =	shalt  }
0x46: {  	_ =	shalt  }
0x47: {  	_ =	shalt  }
0x48: {  	_ =	shalt  }
0x49: {  	_ =	shalt  }
0x4a: {  	_ =	shalt  }
0x4b: {  	_ =	shalt  }
0x4c: {  	_ =	shalt  }
0x4d: {  	_ =	shalt  }
0x4e: {  	_ =	shalt  }
0x4f: {  	_ =	shalt  }
0x50: {  	_ =	shalt  }
0x51: {  	_ =	shalt  }
0x52: {  	_ =	shalt  }
0x53: {  	_ =	shalt  }
0x54: {  	_ =	shalt  }
0x55: {  	_ =	shalt  }
0x56: {  	_ =	shalt  }
0x57: {  	_ =	shalt  }
0x58: {  	_ =	shalt  }
0x59: {  	_ =	shalt  }
0x5a: {  	_ =	shalt  }
0x5b: {  	_ =	shalt  }
0x5c: {  	_ =	shalt  }
0x5d: {  	_ =	shalt  }
0x5e: {  	_ =	shalt  }
0x5f: {  	_ =	shalt  }
0x60: {  	_ =	shalt  }
0x61: {  	_ =	shalt  }
0x62: {  	_ =	shalt  }
0x63: {  	_ =	shalt  }
0x64: {  	_ =	shalt  }
0x65: {  	_ =	shalt  }
0x66: {  	_ =	shalt  }
0x67: {  	_ =	shalt  }
0x68: {  	_ =	shalt  }
0x69: {  	_ =	shalt  }
0x6a: {  	_ =	shalt  }
0x6b: {  	_ =	shalt  }
0x6c: {  	_ =	shalt  }
0x6d: {  	_ =	shalt  }
0x6e: {  	_ =	shalt  }
0x6f: {  	_ =	shalt  }
0x70: {  	_ =	shalt  }
0x71: {  	_ =	shalt  }
0x72: {  	_ =	shalt  }
0x73: {  	_ =	shalt  }
0x74: {  	_ =	shalt  }
0x75: {  	_ =	shalt  }
0x76: {  	_ =	shalt  }
0x77: {  	_ =	shalt  }
0x78: {  	_ =	shalt  }
0x79: {  	_ =	shalt  }
0x7a: {  	_ =	shalt  }
0x7b: {  	_ =	shalt  }
0x7c: {  	_ =	shalt  }
0x7d: {  	_ =	shalt  }
0x7e: {  	_ =	shalt  }
0x7f: {  	_ =	shalt  }
0x80: {  	_ =	shalt  }
0x81: {  	_ =	shalt  }
0x82: {  	_ =	shalt  }
0x83: {  	_ =	shalt  }
0x84: {  	_ =	shalt  }
0x85: {  	_ =	shalt  }
0x86: {  	_ =	shalt  }
0x87: {  	_ =	shalt  }
.Lfunc_end0:
.L_simem_size_0:
called_computation_lowered:
.L_overlay_start_0:
0x88: {  	s2 =	sld [smem:$0x3FD9]  }
0x89: {  	s3 =	sld [smem:$0x3FFE];
	_ =	sdelay $0x1  }
0x8a: {  	s1 =	srdreg.scid  }
0x8b: {  	s0 =	sand.u32 $0x1, s1  }
0x8c: {  	s17 =	sshll.u32 s0, $0xA;
	s2 =	sadd.s32 s3, s2  }
0x8d: {  	s2 =	sadd.s32 s2, s17  }
0x8e: {  	[smem:$0x3FC4] =	sst s2  }
0x8f: {  	_ = 	snop  }
0x90: {  	s2 =	sld [smem:$0x3FC8]  }
0x91: {  	s18 =	sld [smem:$0x3FC7]  }
0x92: {  	s4 =	sld [smem:$0x3FC6]  }
0x93: {  	s5 =	sld [smem:$0x3FD0];
	(tm) =	ssettm $0x1  }
0x94: {  	s6 =	sld [smem:$0x3FFB];
	_ =	sdelay $0x3  }
0x95: {  	_ =	strace s6  }
0x96: {  	s6 =	sld [smem:$0x3FFC];
	_ =	sdelay $0x3  }
0x97: {  	_ =	strace s6  }
0x98: {  	s6 =	sld [smem:$0x3FFD];
	_ =	sdelay $0x3  }
0x99: {  	_ =	strace s6  }
0x9a: {  	_ =	strace $0x8FFFFFFF  }
0x9b: {  	s19 =	sld [smem:$0x3FDB];
	_ =	sdelay $0x1  }
0x9c: {  	s7 =	simm.s32 $_scs_section_size  }
0x9d: {  	s8 =	simm.s32 $_size__tile_overlayer_lowered;
	s9 =	simm.s32 $_tile_overlayer_lowered  }
0x9e: {  	s22 =	simm.s32 $0x1BFF;
	s21 =	sshll.u32 s9, $0x1;
	s6 =	sadd.s32 s7, s19  }
0x9f: {  	s10 =	simm.s32 $0x0;
	s20 =	sshll.u32 s8, $0x1;
	s8 =	sadd.s32 s21, s6  }
0xa0: {  	[timem:s10], [sflag:s22] =	dma.local [hbm:s8], s20  }
0xa1: {  	_ =	swait.ge [sflag:s22], s20  }
0xa2: {  	s7 =	ssub.s32 $0x0, s20;
	[sflag:s22] =	ssyncset.done $0x0  }
0xa3: {  	[sflag:s22] =	ssyncadd.s32 s7;
	_ =	sdelay $0x1  }
0xa4: {  	s23 =	simm.s32 $0x1B8B  }
0xa5: {  	_ =	swait.ge [sflag:s23], $0x1  }
0xa6: {  	[sflag:s23] =	ssyncset.done $0x0  }
0xa7: {  	s25 =	simm.s32 $0x1B8E;
	s24 =	sld [smem:$0x3FFE];
	[sflag:s23] =	ssyncadd.s32 $0xFFFFFFFF  }
0xa8: {  	s26 =	simm.s32 $execute0_lowered;
	[smem:$0x3FD2] =	sst s25  }
0xa9: {  	s8 =	sshll.u32 s26, $0x1;
	_ =	strace $0x80000046;
	[dreg:$0x1] =	wrdreg $0xFFFFFFFF  }
0xaa: {  	s28 =	simm.s32 $_size_execute0_lowered;
	s6 =	sadd.s32 s6, s8;
	[dreg:$0x0] =	wrdreg $0x0  }
0xab: {  	s8 =	sshll.u32 s28, $0x1;
	[dreg:$0x2] =	wrdreg s6  }
0xac: {  	[dreg:$0x3] =	wrdreg s8  }
0xad: {  	[dreg:$0x4] =	wrdreg $0xC0  }
0xae: {  	_ =	task [dreg:s10], $0x5FFFF  }
0xaf: {  	[dreg:$0x1] =	wrdreg $0xFFFFFFFF  }
0xb0: {  	[dreg:$0x0] =	wrdreg $0x60  }
0xb1: {  	[dreg:$0x2] =	wrdreg s2  }
0xb2: {  	[dreg:$0x3] =	wrdreg s18  }
0xb3: {  	[dreg:$0x4] =	wrdreg s4  }
0xb4: {  	[dreg:$0x5] =	wrdreg s5  }
0xb5: {  	[dreg:$0x6] =	wrdreg s24  }
0xb6: {  	[dreg:$0x7] =	wrdreg $0x48000  }
0xb7: {  	[dreg:$0x8] =	wrdreg $0x9  }
0xb8: {  	_ =	task.clear_ibuf [dreg:s10], $0x9FFFF;
	_ =	strace $0x90000046  }
0xb9: {  	s29 =	simm.s32 $0x9;
	_ =	strace $0x80000048  }
0xba: {  	_ =	swait.ge [sflag:s29], $0x1  }
0xbb: {  	[sflag:s29] =	ssyncadd.s32 $0xFFFFFFFF  }
0xbc: {  	_ =	strace $0x90000048  }
0xbd: {  	_ =	sfence  }
0xbe: {  	s30 =	sld [smem:$0x0];
	_ =	sdelay $0x2  }
0xbf: {  	s31 =	sshll.u32 s1, $0xD;
	s1 =	sshrl.u32 s1, $0x2  }
0xc0: {  	s3 =	sand.u32 $0x4000, s31;
	s1 =	sadd.s32 s1, s30  }
0xc1: {  	s0 =	sor.u32 s3, s0;
	s1 =	sshll.u32 s1, $0x11  }
0xc2: {  	s0 =	sor.u32 s1, s0  }
0xc3: {  	s0 =	sadd.s32 $0x8F2B, s0  }
0xc4: {  	[sflag:s0] =	ssyncadd.remote.s32 $0x1  }
0xc5: {  	_ =	sfence.sel $0xFFFF  }
0xc6: {  	[dreg:$0x0] =	wrdreg $0xFFFFFFFF;
	(pc) =	sbr.abs _section_cstart, $3  }
0xc7: {  	[dreg:$0x1] =	wrdreg $0xFFFFFFFF  }
0xc8: {  	_ =	task.clear_ibuf [dreg:s10], $0x2FFFF;
	_ =	strace $0x9FFFFFFF  }
0xc9: {  	(tm) =	ssettm $0x7FFFFFFF  }
tec
execute0_lowered:
.L_overlay_start_1:
0x0: {  	(tag) =	ssettag $0x1  }
0x1: {  	s0 =	rddreg [dreg:$0x0]  }
0x2: {  	s2 =	rddreg [dreg:$0x1]  }
0x3: {  	s3 =	rddreg [dreg:$0x2]  }
0x4: {  	s4 =	rddreg [dreg:$0x3]  }
0x5: {  	s6 =	rddreg [dreg:$0x4]  }
0x6: {  	s5 =	rddreg [dreg:$0x5];
	s1 =	srdreg.scid;
	s7 =	simm.s32 $0x0  }
0x7: {  	s13 =	stileid.u32;
	s29 =	simm.s32 $0x80;
	s28 =	simm.s32 $0x2700  }
0x8: {  	s31 =	simm.s32 $0x4000;
	s8 =	sand.u32 $0x1, s1;
	s9 =	smul.u32 $0x1870, s13  }
0x9: {  	[smem:$0x7FF] =	sst s7;
	s10 =	sadd.s32 $0x400, s6;
	s22 =	smul.u32 $0x61C00, s13  }
0xa: {  	s12 =	smul.u32 $0x18680, s13;
	s24 =	sshll.u32 s13, $0x6;
	s21 =	sshll.u32 s13, $0x4  }
0xb: {  	p0 =	sgt.u32 s13, $0x3;
	s13 =	simm.s32 $0x2600;
	s1 =	smul.u32 $0x18700, s8  }
0xc: {  	_ =	strace $0x80000047;
	[dreg:$0x7] =	wrdreg s10;
	s8 =	ssub.s32 $0x2, s8  }
0xd: {  	s18 =	sor.u32 $0x1C07, s24;
	s10 =	sor.u32 $0x30D00, s21;
	s21 =	simm.s32 $0x1C00  }
0xe: {  	s11 =	sshrl.u32 s8, $0x1;
	s23 =	sshrl.u32 s22, $0x2;
	s25 =	sshrl.u32 s12, $0x3  }
0xf: {  	s19 =	sadd.s32 $0x180, s12;
	s24 =	sadd.s32 s0, s10;
	[dreg:$0x9] =	wrdreg s18  }
0x10: {  	s9 =	sadd.s32 s9, s1;
	s8 =	ssub.s32 s8, s11;
	s26 =	sadd.s32 s0, s25  }
0x11: {  	s30 =	sadd.s32 $0x10, s25;
	s14 =	sadd.s32 s2, s25;
	[dreg:$0x10] =	wrdreg s19  }
0x12: {  	s15 =	sadd.s32 s3, s25;
	s20 =	sadd.s32 $0x30C0, s25;
	[dreg:$0x14] =	wrdreg s24  }
0x13: {  	s25 =	sadd.s32 s2, s10;
	s24 =	simm.s32 $0x100;
	[dreg:$0xa] =	wrdreg s26  }
0x14: {  	s11 =	simm.s32 $0x2580;
	s19 =	simm.s32 $0x1400;
	[dreg:$0xb] =	wrdreg s14  }
0x15: {  	v0 =	vmov s1;
	s1 =	simm.s32 $0x5;
	s9 =	sshll.u32 s9, $0x1;
	[dreg:$0xc] =	wrdreg s15  }
0x16: {  	s16 =	sadd.s32 s0, s30;
	s17 =	sadd.s32 s2, s30;
	s22 =	sadd.s32 s0, s20  }
0x17: {  	[dreg:$0x15] =	wrdreg s25;
	s26 =	sadd.s32 s3, s10;
	s14 =	simm.s32 $0x3000  }
0x18: {  	s15 =	simm.s32 $0x3;
	s25 =	simm.s32 $0x4;
	[dreg:$0xd] =	wrdreg s16  }
0x19: {  	s10 =	simm.s32 $0x3800;
	s6 =	sadd.s32 s9, s6;
	[dreg:$0xe] =	wrdreg s17  }
0x1a: {  	s9 =	sadd.s32 s23, s5;
	s17 =	sadd.s32 $0x100, s12;
	[dreg:$0x11] =	wrdreg s22  }
0x1b: {  	s23 =	sadd.s32 s2, s20;
	[dreg:$0x16] =	wrdreg s26;
	s22 =	simm.s32 $0x1  }
0x1c: {  	s12 =	simm.s32 $0x2800;
	s16 =	simm.s32 $0x280;
	[dreg:$0x8] =	wrdreg s9  }
.Ltmp0:
0x1d: {  	s9 =	sadd.s32 s3, s30;
	[dreg:$0x12] =	wrdreg s23;
	(pc) =	sbr.rel .LBB2_1-.Ltmp0, $4  }
0x1e: {  	s26 =	simm.s32 $0x2680;
	s6 =	sadd.s32 $0x3600, s6;
	[dreg:$0xf] =	wrdreg s9  }
0x1f: {  	s30 =	smax.u32 s8, $0x1;
	s8 =	simm.s32 $0x7;
	[dreg:$0x17] =	wrdreg s6  }
0x20: {  	s23 =	simm.s32 $0x0;
	s9 =	sadd.s32 s3, s20;
	[dreg:$0x18] =	wrdreg s30  }
0x21: {  	s20 =	simm.s32 $0x300;
	[dreg:$0x13] =	wrdreg s9;
	s9 =	simm.s32 $0x2  }
.LBB2_15:
0x22: {  	[bflag:$0x0] =	sbarrier.arrive $0xFFFF  }
0x23: {  	s18 =	rddreg [dreg:$0x9]  }
0x24: {  	s6 =	rddreg [dreg:$0x17]  }
0x25: {  	s8 =	rddreg [dreg:$0x1a]  }
0x26: {  	[hbm:s6], [sflag:s18] =	dma.local [spmem:s8], $0x30E0  }
0x27: {  	s8 =	simm.s32 $0x7  }
0x28: {  	_ =	swait.ge [sflag:s8], $0x30E0  }
0x29: {  	s23 =	sadd.s32 $0x1, s23;
	s30 =	rddreg [dreg:$0x18]  }
0x2a: {  	p1 =	sne.s32 s23, s30  }
.Ltmp1:
0x2b: {  	_ = 	snop;
	(pc) =	sbr.rel @!p1 .LBB2_16-.Ltmp1, $3  }
0x2c: {  	_ =	sdelay $0x1  }
0x2d: {  	[sflag:s8] =	ssyncset.done $0x0  }
0x2e: {  	[sflag:s8] =	ssyncadd.s32 $0xFFFFCF20  }
.LBB2_1:
0x2f: {  	[dreg:$0x19] =	wrdreg s23  }
0x30: {  	s6 =	rddreg [dreg:$0x8]  }
0x31: {  	s30 =	rddreg [dreg:$0x7];
	s6 =	sshrl.u32 s6, $0x3  }
0x32: {  	[dreg:$0x1a] =	wrdreg s6  }
0x33: {  	[spmem:s6], [sflag:s18] =	dma.local [hbm:s30], $0x30E0  }
0x34: {  	_ =	swait.ge [sflag:s8], $0x30E0  }
0x35: {  	[sflag:s8] =	ssyncset.done $0x0  }
0x36: {  	[sflag:s8] =	ssyncadd.s32 $0xFFFFCF20  }
0x37: {  	[bflag:$0x0] =	sbarrier.arrive $0xFFFF  }
0x38: {  	s8 =	rddreg [dreg:$0xa]  }
0x39: {  	[tilespmem:s7], [sflag:$0x1] =	stream.linear.gather [hbm4b:s8+s7], $0x80, $0x38;
	[tilespmem:$0x1CF00] =	vst v63  }
0x3a: {  	s18 =	rddreg [dreg:$0xb]  }
0x3b: {  	[tilespmem:s29], [sflag:$0x1] =	stream.linear.gather [hbm4b:s18+s7], $0x80, $0x38;
	[tilespmem:$0x1CF00] =	vst v63  }
0x3c: {  	s23 =	rddreg [dreg:$0xc]  }
0x3d: {  	[tilespmem:s24], [sflag:$0x1] =	stream.linear.gather [hbm4b:s23+s7], $0x80, $0x38;
	[tilespmem:$0x1CF00] =	vst v63  }
0x3e: {  	s30 =	simm.s32 $0x2400;
	s24 =	rddreg [dreg:$0xd]  }
0x3f: {  	[tilespmem:s30], [sflag:$0x2] =	stream.linear.gather [hbm4b:s24+s7], $0x80, $0x38;
	[tilespmem:$0x1CF00] =	vst v63  }
0x40: {  	s18 =	rddreg [dreg:$0xe];
	s23 =	simm.s32 $0x2480  }
0x41: {  	[tilespmem:s23], [sflag:$0x2] =	stream.linear.gather [hbm4b:s18+s7], $0x80, $0x38;
	[tilespmem:$0x1CF00] =	vst v63  }
0x42: {  	s24 =	rddreg [dreg:$0xf];
	s30 =	simm.s32 $0x2500  }
0x43: {  	[tilespmem:s30], [sflag:$0x2] =	stream.linear.gather [hbm4b:s24+s7], $0x80, $0x38;
	[tilespmem:$0x1CF00] =	vst v63  }
0x44: {  	_ =	swait.ge [sflag:s22], $0x80  }
0x45: {  	[sflag:s22] =	ssyncset.done $0x0  }
0x46: {  	[sflag:s22] =	ssyncadd.s32 $0xFFFFFF80  }
0x47: {  	_ =	swait.ge [sflag:s22], $0x80  }
0x48: {  	[sflag:s22] =	ssyncset.done $0x0  }
0x49: {  	[sflag:s22] =	ssyncadd.s32 $0xFFFFFF80  }
0x4a: {  	_ =	swait.ge [sflag:s22], $0x80  }
0x4b: {  	[sflag:s22] =	ssyncset.done $0x0  }
0x4c: {  	[sflag:s22] =	ssyncadd.s32 $0xFFFFFF80  }
0x4d: {  	v1 =	vld [tilespmem:$0x0]  }
0x4e: {  	v2 =	vld [tilespmem:$0x80]  }
0x4f: {  	v3 =	vld [tilespmem:$0x100]  }
0x50: {  	v5 =	vld [tilespmem:$0x10]  }
0x51: {  	v6 =	vld [tilespmem:$0x90]  }
0x52: {  	v55 =	vld [tilespmem:$0xA0];
	[tilespmem:$0x280] =	vst v1  }
0x53: {  	v56 =	vld [tilespmem:$0x30];
	[tilespmem:$0x300] =	vst v2  }
0x54: {  	v57 =	vld [tilespmem:$0xB0];
	[tilespmem:$0x380] =	vst v3  }
0x55: {  	v58 =	vld [tilespmem:$0xC0];
	[tilespmem:$0x290] =	vst v5  }
0x56: {  	v59 =	vld [tilespmem:$0x50];
	[tilespmem:$0x310] =	vst v6  }
0x57: {  	v60 =	vld [tilespmem:$0xD0];
	[tilespmem:$0x320] =	vst v55  }
0x58: {  	v61 =	vld [tilespmem:$0xE0];
	[tilespmem:$0x2B0] =	vst v56  }
0x59: {  	v62 =	vld [tilespmem:$0x70];
	[tilespmem:$0x330] =	vst v57  }
0x5a: {  	v63 =	vld [tilespmem:$0xF0];
	[tilespmem:$0x340] =	vst v58  }
0x5b: {  	[tilespmem:$0x2D0] =	vst v59  }
0x5c: {  	[tilespmem:$0x350] =	vst v60  }
0x5d: {  	v4 =	vadd.s32 v0, v1;
	v1 =	vld [tilespmem:$0x110];
	[tilespmem:$0x360] =	vst v61  }
0x5e: {  	v3 =	vld [tilespmem:$0x20];
	[tilespmem:$0x2F0] =	vst v62  }
0x5f: {  	v54 =	vadd.s32 v0, v2;
	v2 =	vadd.s32 v0, v5;
	[tilespmem:$0x370] =	vst v63  }
0x60: {  	[tilespmem:$0x190] =	vst v2;
	v2 =	vadd.s32 v0, v6  }
0x61: {  	[tilespmem:$0x210] =	vst v2;
	v2 =	vld [tilespmem:$0x120]  }
0x62: {  	[tilespmem:$0x390] =	vst v1  }
0x63: {  	v1 =	vadd.s32 v0, v3;
	[tilespmem:$0x2A0] =	vst v3  }
0x64: {  	v3 =	vld [tilespmem:$0x40];
	[tilespmem:$0x1A0] =	vst v1;
	v1 =	vadd.s32 v0, v55  }
0x65: {  	[tilespmem:$0x220] =	vst v1;
	v1 =	vld [tilespmem:$0x130]  }
0x66: {  	[tilespmem:$0x3A0] =	vst v2;
	v2 =	vadd.s32 v0, v56  }
0x67: {  	[tilespmem:$0x1B0] =	vst v2;
	v2 =	vadd.s32 v0, v57  }
0x68: {  	[tilespmem:$0x230] =	vst v2;
	v2 =	vld [tilespmem:$0x140]  }
0x69: {  	[tilespmem:$0x2C0] =	vst v3  }
0x6a: {  	[tilespmem:$0x3B0] =	vst v1;
	v1 =	vadd.s32 v0, v3  }
0x6b: {  	[tilespmem:$0x1C0] =	vst v1;
	v1 =	vadd.s32 v0, v58  }
0x6c: {  	[tilespmem:$0x240] =	vst v1  }
0x6d: {  	v3 =	vld [tilespmem:$0x60];
	[tilespmem:$0x3C0] =	vst v2;
	v2 =	vadd.s32 v0, v59  }
0x6e: {  	v1 =	vld [tilespmem:$0x150];
	[tilespmem:$0x1D0] =	vst v2;
	v2 =	vadd.s32 v0, v60  }
0x6f: {  	[tilespmem:$0x250] =	vst v2;
	v2 =	vld [tilespmem:$0x160]  }
0x70: {  	[tilespmem:$0x180] =	vst v4  }
0x71: {  	[tilespmem:$0x200] =	vst v54  }
0x72: {  	[tilespmem:$0x2E0] =	vst v3  }
0x73: {  	[tilespmem:$0x3D0] =	vst v1  }
0x74: {  	v1 =	vadd.s32 v0, v3;
	[tilespmem:$0x3E0] =	vst v2;
	v2 =	vld [tilespmem:$0x170]  }
0x75: {  	[tilespmem:$0x1E0] =	vst v1;
	v1 =	vadd.s32 v0, v61  }
0x76: {  	[tilespmem:$0x260] =	vst v1;
	v1 =	vadd.s32 v0, v62  }
0x77: {  	[tilespmem:$0x1F0] =	vst v1;
	v1 =	vadd.s32 v0, v63  }
0x78: {  	[tilespmem:$0x270] =	vst v1  }
0x79: {  	s18 =	simm.s32 $0x180;
	s23 =	simm.s32 $0x400;
	[tilespmem:$0x3F0] =	vst v2  }
0x7a: {  	[tilespmem:s23], [sflag:$0x3] =	stream.indirect.gather [hbm4b:s4+s29], $0x10, s18, s29, $0xb8;
	[tilespmem:$0x1CF00] =	vst v63  }
0x7b: {  	s6 =	simm.s32 $0x0;
	s24 =	simm.s32 $0x200;
	s30 =	simm.s32 $0xC00  }
0x7c: {  	[tilespmem:s30], [sflag:$0x3] =	stream.indirect.gather [hbm4b:s4+s29], $0x10, s24, s29, $0xb8;
	[tilespmem:$0x1CF00] =	vst v63  }
.LBB2_2:
0x7d: {  	_ =	swait.ge [sflag:s9], $0x80  }
0x7e: {  	[sflag:s9] =	ssyncset.done $0x0  }
0x7f: {  	[sflag:s9] =	ssyncadd.s32 $0xFFFFFF80  }
0x80: {  	_ =	swait.ge [sflag:s9], $0x80  }
0x81: {  	[sflag:s9] =	ssyncset.done $0x0  }
0x82: {  	[sflag:s9] =	ssyncadd.s32 $0xFFFFFF80  }
0x83: {  	_ =	swait.ge [sflag:s9], $0x80  }
0x84: {  	p1 =	seq.s32 s6, $0x0;
	[sflag:s9] =	ssyncset.done $0x0  }
0x85: {  	s8 =	simm.s32 @!p1 $0x6;
	[sflag:s9] =	ssyncadd.s32 $0xFFFFFF80  }
0x86: {  	_ =	swait.ge @!p1 [sflag:s8], $0x800  }
0x87: {  	[sflag:s8] =	ssyncset.done @!p1 $0x0  }
0x88: {  	[sflag:s8] =	ssyncadd.s32 @!p1 $0xFFFFF800  }
0x89: {  	_ =	swait.ge @!p1 [sflag:s8], $0x800  }
0x8a: {  	[sflag:s8] =	ssyncset.done @!p1 $0x0  }
0x8b: {  	[sflag:s8] =	ssyncadd.s32 @!p1 $0xFFFFF800  }
0x8c: {  	v1 =	vld [tilespmem:$0x2400]  }
0x8d: {  	v2 =	vld [tilespmem:$0x2480]  }
0x8e: {  	v3 =	vld [tilespmem:$0x2500]  }
0x8f: {  	v5 =	vld [tilespmem:$0x2410]  }
0x90: {  	v6 =	vld [tilespmem:$0x2490]  }
0x91: {  	[tilespmem:$0x2680] =	vst v1  }
0x92: {  	[tilespmem:$0x2700] =	vst v2  }
0x93: {  	[tilespmem:$0x2780] =	vst v3  }
0x94: {  	[tilespmem:$0x2690] =	vst v5  }
0x95: {  	v4 =	vadd.s32 v0, v1;
	v1 =	vld [tilespmem:$0x2510];
	[tilespmem:$0x2710] =	vst v6  }
0x96: {  	v3 =	vld [tilespmem:$0x2420];
	[tilespmem:$0x2580] =	vst v4;
	v4 =	vadd.s32 v0, v2  }
0x97: {  	v2 =	vadd.s32 v0, v5;
	[tilespmem:$0x2600] =	vst v4  }
0x98: {  	v5 =	vld [tilespmem:$0x2430];
	[tilespmem:$0x2590] =	vst v2;
	v2 =	vadd.s32 v0, v6  }
0x99: {  	v4 =	vld [tilespmem:$0x24A0];
	[tilespmem:$0x2610] =	vst v2  }
0x9a: {  	v6 =	vld [tilespmem:$0x24B0];
	[tilespmem:$0x2790] =	vst v1  }
0x9b: {  	v1 =	vadd.s32 v0, v3;
	[tilespmem:$0x26A0] =	vst v3  }
0x9c: {  	v2 =	vld [tilespmem:$0x2520];
	[tilespmem:$0x25A0] =	vst v1  }
0x9d: {  	[tilespmem:$0x26B0] =	vst v5  }
0x9e: {  	[tilespmem:$0x2720] =	vst v4  }
0x9f: {  	v3 =	vld [tilespmem:$0x2440];
	v1 =	vadd.s32 v0, v4;
	[tilespmem:$0x2730] =	vst v6  }
0xa0: {  	v4 =	vld [tilespmem:$0x24C0];
	[tilespmem:$0x2620] =	vst v1  }
0xa1: {  	v1 =	vld [tilespmem:$0x2530];
	[tilespmem:$0x27A0] =	vst v2;
	v2 =	vadd.s32 v0, v5  }
0xa2: {  	v5 =	vld [tilespmem:$0x2450];
	[tilespmem:$0x25B0] =	vst v2;
	v2 =	vadd.s32 v0, v6  }
0xa3: {  	[tilespmem:$0x2630] =	vst v2  }
0xa4: {  	v6 =	vld [tilespmem:$0x24D0];
	[tilespmem:$0x26C0] =	vst v3  }
0xa5: {  	[tilespmem:$0x2740] =	vst v4  }
0xa6: {  	v2 =	vld [tilespmem:$0x2540];
	[tilespmem:$0x27B0] =	vst v1  }
0xa7: {  	v1 =	vadd.s32 v0, v3;
	[tilespmem:$0x26D0] =	vst v5  }
0xa8: {  	[tilespmem:$0x25C0] =	vst v1  }
0xa9: {  	v3 =	vld [tilespmem:$0x2460];
	v1 =	vadd.s32 v0, v4;
	[tilespmem:$0x2750] =	vst v6  }
0xaa: {  	v4 =	vld [tilespmem:$0x24E0];
	[tilespmem:$0x2640] =	vst v1  }
0xab: {  	v1 =	vld [tilespmem:$0x2550];
	[tilespmem:$0x27C0] =	vst v2;
	v2 =	vadd.s32 v0, v5  }
0xac: {  	v5 =	vld [tilespmem:$0x2470];
	[tilespmem:$0x25D0] =	vst v2;
	v2 =	vadd.s32 v0, v6  }
0xad: {  	[tilespmem:$0x2650] =	vst v2  }
0xae: {  	v2 =	vld [tilespmem:$0x2560];
	[tilespmem:$0x26E0] =	vst v3  }
0xaf: {  	v6 =	vld [tilespmem:$0x24F0];
	[tilespmem:$0x2760] =	vst v4  }
0xb0: {  	[tilespmem:$0x27D0] =	vst v1  }
0xb1: {  	v1 =	vadd.s32 v0, v3;
	[tilespmem:$0x26F0] =	vst v5  }
0xb2: {  	[tilespmem:$0x25E0] =	vst v1  }
0xb3: {  	[tilespmem:$0x27E0] =	vst v2;
	v2 =	vld [tilespmem:$0x2570]  }
0xb4: {  	v1 =	vadd.s32 v0, v4;
	[tilespmem:$0x2770] =	vst v6  }
0xb5: {  	[tilespmem:$0x2660] =	vst v1;
	v1 =	vadd.s32 v0, v5  }
0xb6: {  	[tilespmem:$0x25F0] =	vst v1;
	v1 =	vadd.s32 v0, v6  }
0xb7: {  	s23 =	sshll.u32 s6, $0x8;
	p1 =	seq.s32 s6, $0x185;
	[tilespmem:$0x2670] =	vst v1  }
0xb8: {  	s8 =	sadd.s32 @!p1 s23, s17;
	[tilespmem:$0x27F0] =	vst v2  }
0xb9: {  	[tilespmem:s12], [sflag:$0x4] =	stream.indirect.gather [hbm4b:s4+s29], $0x10, s11, s29, $0xb8;
	[tilespmem:$0x1CF00] =	vst v63  }
0xba: {  	s8 =	sshrl.u32 @!p1 s8, $0x3  }
0xbb: {  	[tilespmem:s14], [sflag:$0x4] =	stream.indirect.gather [hbm4b:s4+s29], $0x10, s13, s29, $0xb8;
	[tilespmem:$0x1CF00] =	vst v63  }
0xbc: {  	s24 =	simm.s32 @!p1 $0x0;
	s18 =	sadd.s32 @!p1 s0, s8  }
0xbd: {  	[tilespmem:s24], [sflag:$0x1] =	stream.linear.gather @!p1 [hbm4b:s18+s24], $0x80, $0x38;
	[tilespmem:$0x1CF00] =	vst v63  }
0xbe: {  	s30 =	simm.s32 @!p1 $0x80;
	s18 =	sadd.s32 @!p1 s2, s8  }
0xbf: {  	[tilespmem:s30], [sflag:$0x1] =	stream.linear.gather @!p1 [hbm4b:s18+s24], $0x80, $0x38;
	[tilespmem:$0x1CF00] =	vst v63  }
0xc0: {  	s8 =	sadd.s32 @!p1 s3, s8;
	s18 =	simm.s32 @!p1 $0x100  }
0xc1: {  	[tilespmem:s18], [sflag:$0x1] =	stream.linear.gather @!p1 [hbm4b:s8+s24], $0x80, $0x38;
	[tilespmem:$0x1CF00] =	vst v63  }
0xc2: {  	_ =	swait.ge [sflag:s15], $0x800  }
0xc3: {  	[sflag:s15] =	ssyncset.done $0x0  }
0xc4: {  	[sflag:s15] =	ssyncadd.s32 $0xFFFFF800  }
0xc5: {  	_ =	swait.ge [sflag:s15], $0x800  }
0xc6: {  	[sflag:s15] =	ssyncset.done $0x0  }
0xc7: {  	s24 =	simm.s32 $0x0;
	[sflag:s15] =	ssyncadd.s32 $0xFFFFF800  }
0xc8: {  	v1 =	vld [tilespmem:s24+$0x400]  }
0xc9: {  	v2 =	vld [tilespmem:s24+$0xC00]  }
0xca: {  	v3 =	vld [tilespmem:s24+$0x410]  }
0xcb: {  	v4 =	vld [tilespmem:s24+$0xC10]  }
0xcc: {  	v5 =	vld [tilespmem:s24+$0x420]  }
0xcd: {  	v6 =	vld [tilespmem:s24+$0xC20]  }
0xce: {  	v7 =	vld [tilespmem:s24+$0x430]  }
0xcf: {  	v8 =	vld [tilespmem:s24+$0xC30]  }
0xd0: {  	v9 =	vld [tilespmem:s24+$0x440]  }
0xd1: {  	v10 =	vld [tilespmem:s24+$0xC40]  }
0xd2: {  	v11 =	vld [tilespmem:s24+$0x450]  }
0xd3: {  	v13 =	vld [tilespmem:s24+$0xC50]  }
0xd4: {  	v12 =	vld [tilespmem:s24+$0x460]  }
0xd5: {  	v14 =	vld [tilespmem:s24+$0xC60]  }
0xd6: {  	v15 =	vld [tilespmem:s24+$0x470]  }
0xd7: {  	v17 =	vld [tilespmem:s24+$0xC70]  }
0xd8: {  	v16 =	vld [tilespmem:s24+$0x480]  }
0xd9: {  	v18 =	vld [tilespmem:s24+$0xC80]  }
0xda: {  	v22 =	vld [tilespmem:s24+$0x490]  }
0xdb: {  	v25 =	vld [tilespmem:s24+$0xC90]  }
0xdc: {  	v21 =	vld [tilespmem:s24+$0x4A0]  }
0xdd: {  	v24 =	vld [tilespmem:s24+$0xCA0]  }
0xde: {  	v19 =	vld [tilespmem:s24+$0x4B0]  }
0xdf: {  	v23 =	vld [tilespmem:s24+$0xCB0]  }
0xe0: {  	s30 =	simm.s32 $0x400;
	s8 =	simm.s32 $0x380;
	v20 =	vld [tilespmem:s24+$0x4C0]  }
.LBB2_3:
0xe1: {  	p2 =	sne.s32 s30, $0x1C00;
	v26 =	vld [tilespmem:s8+$0x0];
	v1 =	vsub.f32 v1, v2;
	v2 =	vsub.f32 v3, v4  }
0xe2: {  	v3 =	vsub.f32 v5, v6;
	v4 =	vsub.f32 v7, v8;
	v5 =	vld [tilespmem:s24+$0xCC0]  }
0xe3: {  	v6 =	vsub.f32 v9, v10;
	v7 =	vsub.f32 v11, v13;
	v8 =	vld [tilespmem:s24+$0x4D0]  }
0xe4: {  	v9 =	vsub.f32 v12, v14;
	v10 =	vsub.f32 v15, v17;
	v11 =	vld [tilespmem:s24+$0xCD0]  }
0xe5: {  	v12 =	vsub.f32 v16, v18;
	v13 =	vsub.f32 v22, v25;
	v14 =	vld [tilespmem:s24+$0x4E0]  }
0xe6: {  	v17 =	vsub.f32 v21, v24;
	v15 =	vbroadcast v26, $0x0;
	v16 =	vbroadcast v26, $0x1;
	v18 =	vld [tilespmem:s24+$0xCE0]  }
0xe7: {  	v19 =	vsub.f32 v19, v23;
	v21 =	vbroadcast v26, $0x2;
	v22 =	vbroadcast v26, $0x3;
	v23 =	vld [tilespmem:s24+$0x4F0]  }
0xe8: {  	v5 =	vsub.f32 v20, v5;
	v1 =	vmul.f32 v1, v15;
	v2 =	vmul.f32 v2, v16;
	v15 =	vld [tilespmem:s24+$0xCF0]  }
0xe9: {  	v16 =	vmul.f32 v3, v21;
	v20 =	vmul.f32 v4, v22;
	v8 =	vsub.f32 v8, v11  }
0xea: {  	v4 =	vbroadcast v26, $0x4;
	[tilespmem:s24+$0x1C00] =	vst v1;
	v1 =	vsub.f32 $0.0e+00, v1;
	v3 =	vsub.f32 $0.0e+00, v2  }
0xeb: {  	v21 =	vbroadcast v26, $0x5;
	v11 =	vsub.f32 $0.0e+00, v20;
	[tilespmem:s24+$0x1C10] =	vst v2;
	v2 =	vsub.f32 $0.0e+00, v16  }
0xec: {  	v22 =	vmul.f32 v6, v4;
	v14 =	vsub.f32 v14, v18;
	[tilespmem:s24+$0x1400] =	vst v1;
	v1 =	vbroadcast v26, $0x6  }
0xed: {  	v18 =	vmul.f32 v7, v21;
	[tilespmem:s24+$0x1410] =	vst v3;
	v3 =	vbroadcast v26, $0x7;
	v15 =	vsub.f32 v23, v15  }
0xee: {  	[tilespmem:s24+$0x1420] =	vst v2;
	v2 =	vsub.f32 $0.0e+00, v22;
	v21 =	vmul.f32 v9, v1;
	v1 =	vbroadcast v26, $0x8  }
0xef: {  	v4 =	vsub.f32 $0.0e+00, v18;
	[tilespmem:s24+$0x1430] =	vst v11;
	v23 =	vmul.f32 v10, v3;
	v3 =	vbroadcast v26, $0x9  }
0xf0: {  	s18 =	sshra.s32 s30, $0x2;
	v7 =	vbroadcast v26, $0xA;
	[tilespmem:s24+$0x1440] =	vst v2;
	v6 =	vsub.f32 $0.0e+00, v21;
	v24 =	vmul.f32 v12, v1  }
0xf1: {  	v9 =	vbroadcast v26, $0xB;
	v1 =	vld [tilespmem:s18+$0x400];
	[tilespmem:s24+$0x1450] =	vst v4;
	v4 =	vsub.f32 $0.0e+00, v23;
	v25 =	vmul.f32 v13, v3  }
0xf2: {  	v27 =	vmul.f32 v17, v7;
	v7 =	vbroadcast v26, $0xC;
	v2 =	vld [tilespmem:s18+$0xC00];
	[tilespmem:s24+$0x1460] =	vst v6;
	v6 =	vsub.f32 $0.0e+00, v24  }
0xf3: {  	v19 =	vmul.f32 v19, v9;
	v9 =	vbroadcast v26, $0xD;
	v3 =	vld [tilespmem:s18+$0x410];
	[tilespmem:s24+$0x1470] =	vst v4;
	v10 =	vsub.f32 $0.0e+00, v25  }
0xf4: {  	v11 =	vsub.f32 $0.0e+00, v27;
	v28 =	vmul.f32 v5, v7;
	v7 =	vbroadcast v26, $0xE;
	v4 =	vld [tilespmem:s18+$0xC10];
	[tilespmem:s24+$0x1480] =	vst v6  }
0xf5: {  	v29 =	vmul.f32 v8, v9;
	v8 =	vbroadcast v26, $0xF;
	v5 =	vld [tilespmem:s18+$0x420];
	[tilespmem:s24+$0x1490] =	vst v10;
	v10 =	vsub.f32 $0.0e+00, v19  }
0xf6: {  	v9 =	vsub.f32 $0.0e+00, v28;
	v26 =	vmul.f32 v14, v7;
	v6 =	vld [tilespmem:s18+$0xC20];
	[tilespmem:s24+$0x14A0] =	vst v11  }
0xf7: {  	v30 =	vmul.f32 v15, v8;
	v7 =	vld [tilespmem:s18+$0x430];
	[tilespmem:s24+$0x14B0] =	vst v10;
	v10 =	vsub.f32 $0.0e+00, v29  }
0xf8: {  	v11 =	vsub.f32 $0.0e+00, v26;
	v8 =	vld [tilespmem:s18+$0xC30];
	[tilespmem:s24+$0x14C0] =	vst v9  }
0xf9: {  	v12 =	vsub.f32 $0.0e+00, v30;
	v9 =	vld [tilespmem:s18+$0x440];
	[tilespmem:s24+$0x14D0] =	vst v10  }
0xfa: {  	v10 =	vld [tilespmem:s18+$0xC40];
	[tilespmem:s24+$0x14E0] =	vst v11  }
0xfb: {  	v11 =	vld [tilespmem:s18+$0x450];
	[tilespmem:s24+$0x14F0] =	vst v12  }
0xfc: {  	v13 =	vld [tilespmem:s18+$0xC50];
	[tilespmem:s24+$0x1C20] =	vst v16  }
0xfd: {  	v12 =	vld [tilespmem:s18+$0x460];
	[tilespmem:s24+$0x1C30] =	vst v20  }
0xfe: {  	v14 =	vld [tilespmem:s18+$0xC60];
	[tilespmem:s24+$0x1C40] =	vst v22  }
0xff: {  	v15 =	vld [tilespmem:s18+$0x470];
	[tilespmem:s24+$0x1C50] =	vst v18  }
0x100: {  	v17 =	vld [tilespmem:s18+$0xC70];
	[tilespmem:s24+$0x1C60] =	vst v21  }
0x101: {  	v16 =	vld [tilespmem:s18+$0x480];
	[tilespmem:s24+$0x1C70] =	vst v23  }
0x102: {  	v18 =	vld [tilespmem:s18+$0xC80];
	[tilespmem:s24+$0x1C80] =	vst v24  }
0x103: {  	v22 =	vld [tilespmem:s18+$0x490];
	[tilespmem:s24+$0x1C90] =	vst v25  }
0x104: {  	v25 =	vld [tilespmem:s18+$0xC90];
	[tilespmem:s24+$0x1CA0] =	vst v27  }
.Ltmp2:
0x105: {  	v21 =	vld [tilespmem:s18+$0x4A0];
	[tilespmem:s24+$0x1CB0] =	vst v19;
	(pc) =	sbr.rel @p2 .LBB2_3-.Ltmp2, $4  }
0x106: {  	v24 =	vld [tilespmem:s18+$0xCA0];
	[tilespmem:s24+$0x1CC0] =	vst v28  }
0x107: {  	v19 =	vld [tilespmem:s18+$0x4B0];
	[tilespmem:s24+$0x1CD0] =	vst v29  }
0x108: {  	v23 =	vld [tilespmem:s18+$0xCB0];
	[tilespmem:s24+$0x1CE0] =	vst v26  }
0x109: {  	s30 =	sadd.s32 $0x400, s30;
	s8 =	sadd.s32 $0x10, s8;
	v20 =	vld [tilespmem:s18+$0x4C0];
	[tilespmem:s24+$0x1CF0] =	vst v30;
	s24 =	smov.u32 s18  }
0x10a: {  	v26 =	vld [tilespmem:s8+$0x0];
	_ =	sdelay $0x4  }
0x10b: {  	v1 =	vsub.f32 v1, v2;
	v36 =	vbroadcast v26, $0x0  }
0x10c: {  	v2 =	vsub.f32 v3, v4;
	v3 =	vsub.f32 v5, v6;
	v37 =	vbroadcast v26, $0x1  }
0x10d: {  	v62 =	vsub.f32 v7, v8;
	v40 =	vbroadcast v26, $0x2;
	v1 =	vmul.f32 v1, v36  }
0x10e: {  	v63 =	vld [tilespmem:s24+$0xCC0];
	v27 =	vsub.f32 v9, v10;
	v41 =	vbroadcast v26, $0x3;
	v2 =	vmul.f32 v2, v37  }
0x10f: {  	v28 =	vsub.f32 v11, v13;
	v29 =	vld [tilespmem:s24+$0x4D0];
	v47 =	vbroadcast v26, $0x5;
	v3 =	vmul.f32 v3, v40;
	[tilespmem:s24+$0x1C00] =	vst v1  }
0x110: {  	v30 =	vsub.f32 v12, v14;
	v32 =	vld [tilespmem:s24+$0xCD0];
	v48 =	vbroadcast v26, $0x6;
	v4 =	vmul.f32 v62, v41;
	[tilespmem:s24+$0x1C10] =	vst v2  }
0x111: {  	v31 =	vsub.f32 v15, v17;
	v35 =	vld [tilespmem:s24+$0x4E0];
	v49 =	vbroadcast v26, $0x7;
	v7 =	vmul.f32 v28, v47;
	[tilespmem:s24+$0x1C20] =	vst v3  }
0x112: {  	v33 =	vsub.f32 v16, v18;
	v39 =	vld [tilespmem:s24+$0xCE0];
	v50 =	vbroadcast v26, $0x8;
	v6 =	vmul.f32 v30, v48;
	[tilespmem:s24+$0x1C30] =	vst v4  }
0x113: {  	v34 =	vsub.f32 v22, v25;
	v42 =	vld [tilespmem:s24+$0x4F0];
	v52 =	vbroadcast v26, $0x9;
	v10 =	vmul.f32 v31, v49;
	[tilespmem:s24+$0x1C50] =	vst v7  }
0x114: {  	v43 =	vld [tilespmem:s24+$0xCF0];
	v38 =	vsub.f32 v21, v24;
	v53 =	vbroadcast v26, $0xA;
	v9 =	vmul.f32 v33, v50;
	[tilespmem:s24+$0x1C60] =	vst v6  }
0x115: {  	v19 =	vsub.f32 v19, v23;
	v55 =	vbroadcast v26, $0xB;
	v11 =	vmul.f32 v34, v52;
	[tilespmem:s24+$0x1C70] =	vst v10  }
0x116: {  	v5 =	vsub.f32 v20, v63;
	v56 =	vbroadcast v26, $0xC;
	v12 =	vmul.f32 v38, v53;
	[tilespmem:s24+$0x1C80] =	vst v9  }
0x117: {  	v8 =	vsub.f32 v29, v32;
	v58 =	vbroadcast v26, $0xD;
	v13 =	vmul.f32 v19, v55;
	[tilespmem:s24+$0x1C90] =	vst v11  }
0x118: {  	v14 =	vsub.f32 v35, v39;
	v59 =	vbroadcast v26, $0xE;
	v5 =	vmul.f32 v5, v56;
	[tilespmem:s24+$0x1CA0] =	vst v12  }
0x119: {  	v15 =	vsub.f32 v42, v43;
	v61 =	vbroadcast v26, $0xF;
	v8 =	vmul.f32 v8, v58;
	[tilespmem:s24+$0x1CB0] =	vst v13  }
0x11a: {  	v14 =	vmul.f32 v14, v59;
	[tilespmem:s24+$0x1CC0] =	vst v5  }
0x11b: {  	v15 =	vmul.f32 v15, v61;
	[tilespmem:s24+$0x1CD0] =	vst v8  }
0x11c: {  	v1 =	vsub.f32 $0.0e+00, v1;
	[tilespmem:s24+$0x1CE0] =	vst v14  }
0x11d: {  	v44 =	vsub.f32 $0.0e+00, v2;
	[tilespmem:s24+$0x1CF0] =	vst v15  }
0x11e: {  	v45 =	vbroadcast v26, $0x4;
	v2 =	vsub.f32 $0.0e+00, v3;
	[tilespmem:s24+$0x1400] =	vst v1  }
0x11f: {  	v46 =	vsub.f32 $0.0e+00, v4;
	[tilespmem:s24+$0x1410] =	vst v44  }
0x120: {  	v51 =	vsub.f32 $0.0e+00, v7;
	v1 =	vmul.f32 v27, v45;
	[tilespmem:s24+$0x1420] =	vst v2  }
0x121: {  	v54 =	vsub.f32 $0.0e+00, v10;
	[tilespmem:s24+$0x1430] =	vst v46  }
0x122: {  	[tilespmem:s24+$0x1450] =	vst v51;
	v2 =	vsub.f32 $0.0e+00, v1  }
0x123: {  	v57 =	vsub.f32 $0.0e+00, v11;
	[tilespmem:s24+$0x1470] =	vst v54  }
0x124: {  	[tilespmem:s24+$0x1440] =	vst v2;
	v2 =	vsub.f32 $0.0e+00, v6  }
0x125: {  	v60 =	vsub.f32 $0.0e+00, v13;
	[tilespmem:s24+$0x1490] =	vst v57  }
0x126: {  	[tilespmem:s24+$0x1460] =	vst v2;
	v2 =	vsub.f32 $0.0e+00, v9  }
0x127: {  	v62 =	vsub.f32 $0.0e+00, v8;
	[tilespmem:s24+$0x14B0] =	vst v60  }
0x128: {  	[tilespmem:s24+$0x1480] =	vst v2;
	v2 =	vsub.f32 $0.0e+00, v12  }
0x129: {  	v63 =	vsub.f32 $0.0e+00, v15;
	[tilespmem:s24+$0x14D0] =	vst v62  }
0x12a: {  	[tilespmem:s24+$0x14A0] =	vst v2;
	v2 =	vsub.f32 $0.0e+00, v5  }
0x12b: {  	[tilespmem:s24+$0x14F0] =	vst v63  }
0x12c: {  	[tilespmem:s24+$0x14C0] =	vst v2;
	v2 =	vsub.f32 $0.0e+00, v14  }
.Ltmp3:
0x12d: {  	[tilespmem:s24+$0x1C40] =	vst v1;
	(pc) =	sbr.rel @p1 .LBB2_6-.Ltmp3, $4  }
0x12e: {  	[tilespmem:s24+$0x14E0] =	vst v2  }
0x12f: {  	[spmem:s5] =	stream.indirect.scatter.add.f32 [tilespmem:s19], [sflag:$0x5], $0x10, s16, s29, $0xb8;
	[tilespmem:$0x1CF00] =	vst v63  }
0x130: {  	_ = 	snop  }
0x131: {  	[spmem:s5] =	stream.indirect.scatter.add.f32 [tilespmem:s21], [sflag:$0x5], $0x10, s20, s29, $0xb8;
	[tilespmem:$0x1CF00] =	vst v63  }
0x132: {  	_ =	swait.ge [sflag:s22], $0x80  }
0x133: {  	[sflag:s22] =	ssyncset.done $0x0  }
0x134: {  	[sflag:s22] =	ssyncadd.s32 $0xFFFFFF80  }
0x135: {  	_ =	swait.ge [sflag:s22], $0x80  }
0x136: {  	[sflag:s22] =	ssyncset.done $0x0  }
0x137: {  	[sflag:s22] =	ssyncadd.s32 $0xFFFFFF80  }
0x138: {  	_ =	swait.ge [sflag:s22], $0x80  }
0x139: {  	[sflag:s22] =	ssyncset.done $0x0  }
0x13a: {  	[sflag:s22] =	ssyncadd.s32 $0xFFFFFF80  }
0x13b: {  	_ =	swait.ge [sflag:s1], $0x800  }
0x13c: {  	[sflag:s1] =	ssyncset.done $0x0  }
0x13d: {  	[sflag:s1] =	ssyncadd.s32 $0xFFFFF800  }
0x13e: {  	_ =	swait.ge [sflag:s1], $0x800  }
0x13f: {  	[sflag:s1] =	ssyncset.done $0x0  }
0x140: {  	[sflag:s1] =	ssyncadd.s32 $0xFFFFF800  }
0x141: {  	v1 =	vld [tilespmem:$0x0]  }
0x142: {  	v2 =	vld [tilespmem:$0x80]  }
0x143: {  	v3 =	vld [tilespmem:$0x100]  }
0x144: {  	v5 =	vld [tilespmem:$0x10]  }
0x145: {  	v6 =	vld [tilespmem:$0x90]  }
0x146: {  	v55 =	vld [tilespmem:$0xA0];
	[tilespmem:$0x280] =	vst v1  }
0x147: {  	v56 =	vld [tilespmem:$0x30];
	[tilespmem:$0x300] =	vst v2  }
0x148: {  	v57 =	vld [tilespmem:$0xB0];
	[tilespmem:$0x380] =	vst v3  }
0x149: {  	v58 =	vld [tilespmem:$0xC0];
	[tilespmem:$0x290] =	vst v5  }
0x14a: {  	v59 =	vld [tilespmem:$0x50];
	[tilespmem:$0x310] =	vst v6  }
0x14b: {  	v60 =	vld [tilespmem:$0xD0];
	[tilespmem:$0x320] =	vst v55  }
0x14c: {  	v61 =	vld [tilespmem:$0xE0];
	[tilespmem:$0x2B0] =	vst v56  }
0x14d: {  	v62 =	vld [tilespmem:$0x70];
	[tilespmem:$0x330] =	vst v57  }
0x14e: {  	v63 =	vld [tilespmem:$0xF0];
	[tilespmem:$0x340] =	vst v58  }
0x14f: {  	[tilespmem:$0x2D0] =	vst v59  }
0x150: {  	[tilespmem:$0x350] =	vst v60  }
0x151: {  	v4 =	vadd.s32 v0, v1;
	v1 =	vld [tilespmem:$0x110];
	[tilespmem:$0x360] =	vst v61  }
0x152: {  	v3 =	vld [tilespmem:$0x20];
	[tilespmem:$0x2F0] =	vst v62  }
0x153: {  	v54 =	vadd.s32 v0, v2;
	v2 =	vadd.s32 v0, v5;
	[tilespmem:$0x370] =	vst v63  }
0x154: {  	[tilespmem:$0x190] =	vst v2;
	v2 =	vadd.s32 v0, v6  }
0x155: {  	[tilespmem:$0x210] =	vst v2;
	v2 =	vld [tilespmem:$0x120]  }
0x156: {  	[tilespmem:$0x390] =	vst v1  }
0x157: {  	v1 =	vadd.s32 v0, v3;
	[tilespmem:$0x2A0] =	vst v3  }
0x158: {  	v3 =	vld [tilespmem:$0x40];
	[tilespmem:$0x1A0] =	vst v1;
	v1 =	vadd.s32 v0, v55  }
0x159: {  	[tilespmem:$0x220] =	vst v1;
	v1 =	vld [tilespmem:$0x130]  }
0x15a: {  	[tilespmem:$0x3A0] =	vst v2;
	v2 =	vadd.s32 v0, v56  }
0x15b: {  	[tilespmem:$0x1B0] =	vst v2;
	v2 =	vadd.s32 v0, v57  }
0x15c: {  	[tilespmem:$0x230] =	vst v2;
	v2 =	vld [tilespmem:$0x140]  }
0x15d: {  	[tilespmem:$0x2C0] =	vst v3  }
0x15e: {  	[tilespmem:$0x3B0] =	vst v1;
	v1 =	vadd.s32 v0, v3  }
0x15f: {  	[tilespmem:$0x1C0] =	vst v1;
	v1 =	vadd.s32 v0, v58  }
0x160: {  	[tilespmem:$0x240] =	vst v1  }
0x161: {  	v3 =	vld [tilespmem:$0x60];
	[tilespmem:$0x3C0] =	vst v2;
	v2 =	vadd.s32 v0, v59  }
0x162: {  	v1 =	vld [tilespmem:$0x150];
	[tilespmem:$0x1D0] =	vst v2;
	v2 =	vadd.s32 v0, v60  }
0x163: {  	[tilespmem:$0x250] =	vst v2;
	v2 =	vld [tilespmem:$0x160]  }
0x164: {  	[tilespmem:$0x180] =	vst v4  }
0x165: {  	[tilespmem:$0x200] =	vst v54  }
0x166: {  	[tilespmem:$0x2E0] =	vst v3  }
0x167: {  	[tilespmem:$0x3D0] =	vst v1  }
0x168: {  	v1 =	vadd.s32 v0, v3;
	[tilespmem:$0x3E0] =	vst v2;
	v2 =	vld [tilespmem:$0x170]  }
0x169: {  	[tilespmem:$0x1E0] =	vst v1;
	v1 =	vadd.s32 v0, v61  }
0x16a: {  	[tilespmem:$0x260] =	vst v1;
	v1 =	vadd.s32 v0, v62  }
0x16b: {  	[tilespmem:$0x1F0] =	vst v1;
	v1 =	vadd.s32 v0, v63  }
0x16c: {  	[tilespmem:$0x270] =	vst v1  }
0x16d: {  	s8 =	simm.s32 $0x180;
	s18 =	simm.s32 $0x400;
	[tilespmem:$0x3F0] =	vst v2  }
0x16e: {  	[tilespmem:s18], [sflag:$0x3] =	stream.indirect.gather [hbm4b:s4+s29], $0x10, s8, s29, $0xb8;
	[tilespmem:$0x1CF00] =	vst v63  }
0x16f: {  	s18 =	rddreg [dreg:$0x10]  }
0x170: {  	s24 =	simm.s32 $0x200;
	s30 =	simm.s32 $0xC00;
	s8 =	sadd.s32 s23, s18  }
0x171: {  	[tilespmem:s30], [sflag:$0x3] =	stream.indirect.gather [hbm4b:s4+s29], $0x10, s24, s29, $0xb8;
	[tilespmem:$0x1CF00] =	vst v63  }
0x172: {  	s8 =	sshrl.u32 s8, $0x3  }
0x173: {  	s30 =	simm.s32 $0x2400;
	s24 =	sadd.s32 s0, s8  }
0x174: {  	[tilespmem:s30], [sflag:$0x2] =	stream.linear.gather [hbm4b:s24+s7], $0x80, $0x38;
	[tilespmem:$0x1CF00] =	vst v63  }
0x175: {  	s23 =	sadd.s32 s2, s8;
	s24 =	simm.s32 $0x2480  }
0x176: {  	[tilespmem:s24], [sflag:$0x2] =	stream.linear.gather [hbm4b:s23+s7], $0x80, $0x38;
	[tilespmem:$0x1CF00] =	vst v63  }
0x177: {  	s8 =	sadd.s32 s3, s8;
	s30 =	simm.s32 $0x2500  }
0x178: {  	[tilespmem:s30], [sflag:$0x2] =	stream.linear.gather [hbm4b:s8+s7], $0x80, $0x38;
	[tilespmem:$0x1CF00] =	vst v63  }
.LBB2_6:
0x179: {  	_ =	swait.ge [sflag:s25], $0x800  }
0x17a: {  	[sflag:s25] =	ssyncset.done $0x0  }
0x17b: {  	[sflag:s25] =	ssyncadd.s32 $0xFFFFF800  }
0x17c: {  	_ =	swait.ge [sflag:s25], $0x800  }
0x17d: {  	[sflag:s25] =	ssyncset.done $0x0  }
0x17e: {  	s23 =	simm.s32 $0x0;
	[sflag:s25] =	ssyncadd.s32 $0xFFFFF800  }
0x17f: {  	v1 =	vld [tilespmem:s23+$0x2800]  }
0x180: {  	v2 =	vld [tilespmem:s23+$0x3000]  }
0x181: {  	v3 =	vld [tilespmem:s23+$0x2810]  }
0x182: {  	v4 =	vld [tilespmem:s23+$0x3010]  }
0x183: {  	v5 =	vld [tilespmem:s23+$0x2820]  }
0x184: {  	v6 =	vld [tilespmem:s23+$0x3020]  }
0x185: {  	v7 =	vld [tilespmem:s23+$0x2830]  }
0x186: {  	v8 =	vld [tilespmem:s23+$0x3030]  }
0x187: {  	v9 =	vld [tilespmem:s23+$0x2840]  }
0x188: {  	v10 =	vld [tilespmem:s23+$0x3040]  }
0x189: {  	v11 =	vld [tilespmem:s23+$0x2850]  }
0x18a: {  	v13 =	vld [tilespmem:s23+$0x3050]  }
0x18b: {  	v12 =	vld [tilespmem:s23+$0x2860]  }
0x18c: {  	v14 =	vld [tilespmem:s23+$0x3060]  }
0x18d: {  	v15 =	vld [tilespmem:s23+$0x2870]  }
0x18e: {  	v17 =	vld [tilespmem:s23+$0x3070]  }
0x18f: {  	v16 =	vld [tilespmem:s23+$0x2880]  }
0x190: {  	v18 =	vld [tilespmem:s23+$0x3080]  }
0x191: {  	v22 =	vld [tilespmem:s23+$0x2890]  }
0x192: {  	v25 =	vld [tilespmem:s23+$0x3090]  }
0x193: {  	v21 =	vld [tilespmem:s23+$0x28A0]  }
0x194: {  	v24 =	vld [tilespmem:s23+$0x30A0]  }
0x195: {  	v19 =	vld [tilespmem:s23+$0x28B0]  }
0x196: {  	v23 =	vld [tilespmem:s23+$0x30B0]  }
0x197: {  	s8 =	simm.s32 $0x2780;
	s24 =	simm.s32 $0x400;
	v20 =	vld [tilespmem:s23+$0x28C0]  }
.LBB2_7:
0x198: {  	p1 =	sne.s32 s24, $0x1C00;
	v26 =	vld [tilespmem:s8+$0x0];
	v1 =	vsub.f32 v1, v2;
	v2 =	vsub.f32 v3, v4  }
0x199: {  	v3 =	vsub.f32 v5, v6;
	v4 =	vsub.f32 v7, v8;
	v5 =	vld [tilespmem:s23+$0x30C0]  }
0x19a: {  	v6 =	vsub.f32 v9, v10;
	v7 =	vsub.f32 v11, v13;
	v8 =	vld [tilespmem:s23+$0x28D0]  }
0x19b: {  	v9 =	vsub.f32 v12, v14;
	v10 =	vsub.f32 v15, v17;
	v11 =	vld [tilespmem:s23+$0x30D0]  }
0x19c: {  	v12 =	vsub.f32 v16, v18;
	v13 =	vsub.f32 v22, v25;
	v14 =	vld [tilespmem:s23+$0x28E0]  }
0x19d: {  	v17 =	vsub.f32 v21, v24;
	v15 =	vbroadcast v26, $0x0;
	v16 =	vbroadcast v26, $0x1;
	v18 =	vld [tilespmem:s23+$0x30E0]  }
0x19e: {  	v19 =	vsub.f32 v19, v23;
	v21 =	vbroadcast v26, $0x2;
	v22 =	vbroadcast v26, $0x3;
	v23 =	vld [tilespmem:s23+$0x28F0]  }
0x19f: {  	v5 =	vsub.f32 v20, v5;
	v1 =	vmul.f32 v1, v15;
	v2 =	vmul.f32 v2, v16;
	v15 =	vld [tilespmem:s23+$0x30F0]  }
0x1a0: {  	v16 =	vmul.f32 v3, v21;
	v20 =	vmul.f32 v4, v22;
	v8 =	vsub.f32 v8, v11  }
0x1a1: {  	v4 =	vbroadcast v26, $0x4;
	[tilespmem:s23+$0x4000] =	vst v1;
	v1 =	vsub.f32 $0.0e+00, v1;
	v3 =	vsub.f32 $0.0e+00, v2  }
0x1a2: {  	v21 =	vbroadcast v26, $0x5;
	v11 =	vsub.f32 $0.0e+00, v20;
	[tilespmem:s23+$0x4010] =	vst v2;
	v2 =	vsub.f32 $0.0e+00, v16  }
0x1a3: {  	v22 =	vmul.f32 v6, v4;
	v14 =	vsub.f32 v14, v18;
	[tilespmem:s23+$0x3800] =	vst v1;
	v1 =	vbroadcast v26, $0x6  }
0x1a4: {  	v18 =	vmul.f32 v7, v21;
	[tilespmem:s23+$0x3810] =	vst v3;
	v3 =	vbroadcast v26, $0x7;
	v15 =	vsub.f32 v23, v15  }
0x1a5: {  	[tilespmem:s23+$0x3820] =	vst v2;
	v2 =	vsub.f32 $0.0e+00, v22;
	v21 =	vmul.f32 v9, v1;
	v1 =	vbroadcast v26, $0x8  }
0x1a6: {  	v4 =	vsub.f32 $0.0e+00, v18;
	[tilespmem:s23+$0x3830] =	vst v11;
	v23 =	vmul.f32 v10, v3;
	v3 =	vbroadcast v26, $0x9  }
0x1a7: {  	s18 =	sshra.s32 s24, $0x2;
	v7 =	vbroadcast v26, $0xA;
	[tilespmem:s23+$0x3840] =	vst v2;
	v6 =	vsub.f32 $0.0e+00, v21;
	v24 =	vmul.f32 v12, v1  }
0x1a8: {  	v9 =	vbroadcast v26, $0xB;
	v1 =	vld [tilespmem:s18+$0x2800];
	[tilespmem:s23+$0x3850] =	vst v4;
	v4 =	vsub.f32 $0.0e+00, v23;
	v25 =	vmul.f32 v13, v3  }
0x1a9: {  	v27 =	vmul.f32 v17, v7;
	v7 =	vbroadcast v26, $0xC;
	v2 =	vld [tilespmem:s18+$0x3000];
	[tilespmem:s23+$0x3860] =	vst v6;
	v6 =	vsub.f32 $0.0e+00, v24  }
0x1aa: {  	v19 =	vmul.f32 v19, v9;
	v9 =	vbroadcast v26, $0xD;
	v3 =	vld [tilespmem:s18+$0x2810];
	[tilespmem:s23+$0x3870] =	vst v4;
	v10 =	vsub.f32 $0.0e+00, v25  }
0x1ab: {  	v11 =	vsub.f32 $0.0e+00, v27;
	v28 =	vmul.f32 v5, v7;
	v7 =	vbroadcast v26, $0xE;
	v4 =	vld [tilespmem:s18+$0x3010];
	[tilespmem:s23+$0x3880] =	vst v6  }
0x1ac: {  	v29 =	vmul.f32 v8, v9;
	v8 =	vbroadcast v26, $0xF;
	v5 =	vld [tilespmem:s18+$0x2820];
	[tilespmem:s23+$0x3890] =	vst v10;
	v10 =	vsub.f32 $0.0e+00, v19  }
0x1ad: {  	v9 =	vsub.f32 $0.0e+00, v28;
	v26 =	vmul.f32 v14, v7;
	v6 =	vld [tilespmem:s18+$0x3020];
	[tilespmem:s23+$0x38A0] =	vst v11  }
0x1ae: {  	v30 =	vmul.f32 v15, v8;
	v7 =	vld [tilespmem:s18+$0x2830];
	[tilespmem:s23+$0x38B0] =	vst v10;
	v10 =	vsub.f32 $0.0e+00, v29  }
0x1af: {  	v11 =	vsub.f32 $0.0e+00, v26;
	v8 =	vld [tilespmem:s18+$0x3030];
	[tilespmem:s23+$0x38C0] =	vst v9  }
0x1b0: {  	v12 =	vsub.f32 $0.0e+00, v30;
	v9 =	vld [tilespmem:s18+$0x2840];
	[tilespmem:s23+$0x38D0] =	vst v10  }
0x1b1: {  	v10 =	vld [tilespmem:s18+$0x3040];
	[tilespmem:s23+$0x38E0] =	vst v11  }
0x1b2: {  	v11 =	vld [tilespmem:s18+$0x2850];
	[tilespmem:s23+$0x38F0] =	vst v12  }
0x1b3: {  	v13 =	vld [tilespmem:s18+$0x3050];
	[tilespmem:s23+$0x4020] =	vst v16  }
0x1b4: {  	v12 =	vld [tilespmem:s18+$0x2860];
	[tilespmem:s23+$0x4030] =	vst v20  }
0x1b5: {  	v14 =	vld [tilespmem:s18+$0x3060];
	[tilespmem:s23+$0x4040] =	vst v22  }
0x1b6: {  	v15 =	vld [tilespmem:s18+$0x2870];
	[tilespmem:s23+$0x4050] =	vst v18  }
0x1b7: {  	v17 =	vld [tilespmem:s18+$0x3070];
	[tilespmem:s23+$0x4060] =	vst v21  }
0x1b8: {  	v16 =	vld [tilespmem:s18+$0x2880];
	[tilespmem:s23+$0x4070] =	vst v23  }
0x1b9: {  	v18 =	vld [tilespmem:s18+$0x3080];
	[tilespmem:s23+$0x4080] =	vst v24  }
0x1ba: {  	v22 =	vld [tilespmem:s18+$0x2890];
	[tilespmem:s23+$0x4090] =	vst v25  }
0x1bb: {  	v25 =	vld [tilespmem:s18+$0x3090];
	[tilespmem:s23+$0x40A0] =	vst v27  }
.Ltmp4:
0x1bc: {  	v21 =	vld [tilespmem:s18+$0x28A0];
	[tilespmem:s23+$0x40B0] =	vst v19;
	(pc) =	sbr.rel @p1 .LBB2_7-.Ltmp4, $4  }
0x1bd: {  	v24 =	vld [tilespmem:s18+$0x30A0];
	[tilespmem:s23+$0x40C0] =	vst v28  }
0x1be: {  	v19 =	vld [tilespmem:s18+$0x28B0];
	[tilespmem:s23+$0x40D0] =	vst v29  }
0x1bf: {  	v23 =	vld [tilespmem:s18+$0x30B0];
	[tilespmem:s23+$0x40E0] =	vst v26  }
0x1c0: {  	s24 =	sadd.s32 $0x400, s24;
	s8 =	sadd.s32 $0x10, s8;
	v20 =	vld [tilespmem:s18+$0x28C0];
	[tilespmem:s23+$0x40F0] =	vst v30;
	s23 =	smov.u32 s18  }
0x1c1: {  	v26 =	vld [tilespmem:s8+$0x0];
	_ =	sdelay $0x4  }
0x1c2: {  	v1 =	vsub.f32 v1, v2;
	v36 =	vbroadcast v26, $0x0  }
0x1c3: {  	v2 =	vsub.f32 v3, v4;
	v3 =	vsub.f32 v5, v6;
	v37 =	vbroadcast v26, $0x1  }
0x1c4: {  	v62 =	vsub.f32 v7, v8;
	v40 =	vbroadcast v26, $0x2;
	v1 =	vmul.f32 v1, v36  }
0x1c5: {  	v63 =	vld [tilespmem:s23+$0x30C0];
	v27 =	vsub.f32 v9, v10;
	v41 =	vbroadcast v26, $0x3;
	v2 =	vmul.f32 v2, v37  }
0x1c6: {  	v28 =	vsub.f32 v11, v13;
	v29 =	vld [tilespmem:s23+$0x28D0];
	v47 =	vbroadcast v26, $0x5;
	v3 =	vmul.f32 v3, v40;
	[tilespmem:s23+$0x4000] =	vst v1  }
0x1c7: {  	v30 =	vsub.f32 v12, v14;
	v32 =	vld [tilespmem:s23+$0x30D0];
	v48 =	vbroadcast v26, $0x6;
	v4 =	vmul.f32 v62, v41;
	[tilespmem:s23+$0x4010] =	vst v2  }
0x1c8: {  	v31 =	vsub.f32 v15, v17;
	v35 =	vld [tilespmem:s23+$0x28E0];
	v49 =	vbroadcast v26, $0x7;
	v7 =	vmul.f32 v28, v47;
	[tilespmem:s23+$0x4020] =	vst v3  }
0x1c9: {  	v33 =	vsub.f32 v16, v18;
	v39 =	vld [tilespmem:s23+$0x30E0];
	v50 =	vbroadcast v26, $0x8;
	v6 =	vmul.f32 v30, v48;
	[tilespmem:s23+$0x4030] =	vst v4  }
0x1ca: {  	v34 =	vsub.f32 v22, v25;
	v42 =	vld [tilespmem:s23+$0x28F0];
	v52 =	vbroadcast v26, $0x9;
	v10 =	vmul.f32 v31, v49;
	[tilespmem:s23+$0x4050] =	vst v7  }
0x1cb: {  	v43 =	vld [tilespmem:s23+$0x30F0];
	v38 =	vsub.f32 v21, v24;
	v53 =	vbroadcast v26, $0xA;
	v9 =	vmul.f32 v33, v50;
	[tilespmem:s23+$0x4060] =	vst v6  }
0x1cc: {  	v19 =	vsub.f32 v19, v23;
	v55 =	vbroadcast v26, $0xB;
	v11 =	vmul.f32 v34, v52;
	[tilespmem:s23+$0x4070] =	vst v10  }
0x1cd: {  	v5 =	vsub.f32 v20, v63;
	v56 =	vbroadcast v26, $0xC;
	v12 =	vmul.f32 v38, v53;
	[tilespmem:s23+$0x4080] =	vst v9  }
0x1ce: {  	v8 =	vsub.f32 v29, v32;
	v58 =	vbroadcast v26, $0xD;
	v13 =	vmul.f32 v19, v55;
	[tilespmem:s23+$0x4090] =	vst v11  }
0x1cf: {  	v14 =	vsub.f32 v35, v39;
	v59 =	vbroadcast v26, $0xE;
	v5 =	vmul.f32 v5, v56;
	[tilespmem:s23+$0x40A0] =	vst v12  }
0x1d0: {  	v15 =	vsub.f32 v42, v43;
	v61 =	vbroadcast v26, $0xF;
	v8 =	vmul.f32 v8, v58;
	[tilespmem:s23+$0x40B0] =	vst v13  }
0x1d1: {  	v14 =	vmul.f32 v14, v59;
	[tilespmem:s23+$0x40C0] =	vst v5  }
0x1d2: {  	v15 =	vmul.f32 v15, v61;
	[tilespmem:s23+$0x40D0] =	vst v8  }
0x1d3: {  	v1 =	vsub.f32 $0.0e+00, v1;
	[tilespmem:s23+$0x40E0] =	vst v14  }
0x1d4: {  	v44 =	vsub.f32 $0.0e+00, v2;
	[tilespmem:s23+$0x40F0] =	vst v15  }
0x1d5: {  	v45 =	vbroadcast v26, $0x4;
	v2 =	vsub.f32 $0.0e+00, v3;
	[tilespmem:s23+$0x3800] =	vst v1  }
0x1d6: {  	v46 =	vsub.f32 $0.0e+00, v4;
	[tilespmem:s23+$0x3810] =	vst v44  }
0x1d7: {  	v51 =	vsub.f32 $0.0e+00, v7;
	v1 =	vmul.f32 v27, v45;
	[tilespmem:s23+$0x3820] =	vst v2  }
0x1d8: {  	v54 =	vsub.f32 $0.0e+00, v10;
	[tilespmem:s23+$0x3830] =	vst v46  }
0x1d9: {  	[tilespmem:s23+$0x3850] =	vst v51;
	v2 =	vsub.f32 $0.0e+00, v1  }
0x1da: {  	v57 =	vsub.f32 $0.0e+00, v11;
	[tilespmem:s23+$0x3870] =	vst v54  }
0x1db: {  	[tilespmem:s23+$0x3840] =	vst v2;
	v2 =	vsub.f32 $0.0e+00, v6  }
0x1dc: {  	v60 =	vsub.f32 $0.0e+00, v13;
	[tilespmem:s23+$0x3890] =	vst v57  }
0x1dd: {  	[tilespmem:s23+$0x3860] =	vst v2;
	v2 =	vsub.f32 $0.0e+00, v9  }
0x1de: {  	v62 =	vsub.f32 $0.0e+00, v8;
	[tilespmem:s23+$0x38B0] =	vst v60  }
0x1df: {  	[tilespmem:s23+$0x3880] =	vst v2;
	v2 =	vsub.f32 $0.0e+00, v12  }
0x1e0: {  	v63 =	vsub.f32 $0.0e+00, v15;
	[tilespmem:s23+$0x38D0] =	vst v62  }
0x1e1: {  	[tilespmem:s23+$0x38A0] =	vst v2;
	v2 =	vsub.f32 $0.0e+00, v5  }
0x1e2: {  	s6 =	sadd.s32 $0x1, s6;
	[tilespmem:s23+$0x38F0] =	vst v63  }
0x1e3: {  	p1 =	sne.s32 s6, $0x186;
	[tilespmem:s23+$0x38C0] =	vst v2;
	v2 =	vsub.f32 $0.0e+00, v14  }
.Ltmp5:
0x1e4: {  	[tilespmem:s23+$0x4040] =	vst v1;
	(pc) =	sbr.rel @p1 .LBB2_2-.Ltmp5, $4  }
0x1e5: {  	[tilespmem:s23+$0x38E0] =	vst v2  }
0x1e6: {  	[spmem:s5] =	stream.indirect.scatter.add.f32 [tilespmem:s10], [sflag:$0x6], $0x10, s26, s29, $0xb8;
	[tilespmem:$0x1CF00] =	vst v63  }
0x1e7: {  	_ = 	snop  }
0x1e8: {  	[spmem:s5] =	stream.indirect.scatter.add.f32 [tilespmem:s31], [sflag:$0x6], $0x10, s28, s29, $0xb8;
	[tilespmem:$0x1CF00] =	vst v63  }
0x1e9: {  	_ =	swait.ge [sflag:s1], $0x800  }
0x1ea: {  	[sflag:s1] =	ssyncset.done $0x0  }
0x1eb: {  	[sflag:s1] =	ssyncadd.s32 $0xFFFFF800  }
0x1ec: {  	_ =	swait.ge [sflag:s1], $0x800  }
0x1ed: {  	[sflag:s1] =	ssyncset.done $0x0  }
0x1ee: {  	s6 =	simm.s32 $0x6;
	[sflag:s1] =	ssyncadd.s32 $0xFFFFF800  }
0x1ef: {  	_ =	swait.ge [sflag:s6], $0x800  }
0x1f0: {  	[sflag:s6] =	ssyncset.done $0x0  }
0x1f1: {  	[sflag:s6] =	ssyncadd.s32 $0xFFFFF800  }
0x1f2: {  	_ =	swait.ge [sflag:s6], $0x800  }
0x1f3: {  	[sflag:s6] =	ssyncset.done $0x0  }
0x1f4: {  	s23 =	simm.s32 $0x0;
	s8 =	rddreg [dreg:$0x11];
	[sflag:s6] =	ssyncadd.s32 $0xFFFFF800  }
0x1f5: {  	[tilespmem:s23], [sflag:$0x1] =	stream.linear.gather [hbm4b:s8+s23], $0x80, $0x38;
	[tilespmem:$0x1CF00] =	vst v63  }
0x1f6: {  	s24 =	rddreg [dreg:$0x12]  }
0x1f7: {  	[tilespmem:s29], [sflag:$0x1] =	stream.linear.gather [hbm4b:s24+s23], $0x80, $0x38;
	[tilespmem:$0x1CF00] =	vst v63  }
0x1f8: {  	s30 =	rddreg [dreg:$0x13];
	s24 =	simm.s32 $0x100  }
0x1f9: {  	[tilespmem:s24], [sflag:$0x1] =	stream.linear.gather [hbm4b:s30+s23], $0x80, $0x38;
	[tilespmem:$0x1CF00] =	vst v63  }
0x1fa: {  	_ =	swait.ge [sflag:s22], $0x80  }
0x1fb: {  	[sflag:s22] =	ssyncset.done $0x0  }
0x1fc: {  	[sflag:s22] =	ssyncadd.s32 $0xFFFFFF80  }
0x1fd: {  	_ =	swait.ge [sflag:s22], $0x80  }
0x1fe: {  	[sflag:s22] =	ssyncset.done $0x0  }
0x1ff: {  	[sflag:s22] =	ssyncadd.s32 $0xFFFFFF80  }
0x200: {  	_ =	swait.ge [sflag:s22], $0x80  }
0x201: {  	[sflag:s22] =	ssyncset.done $0x0  }
0x202: {  	[sflag:s22] =	ssyncadd.s32 $0xFFFFFF80  }
0x203: {  	v1 =	vld [tilespmem:$0x0]  }
0x204: {  	v2 =	vld [tilespmem:$0x80]  }
0x205: {  	v3 =	vld [tilespmem:$0x100]  }
0x206: {  	v5 =	vld [tilespmem:$0x10]  }
0x207: {  	v6 =	vld [tilespmem:$0x90]  }
0x208: {  	[tilespmem:$0x280] =	vst v1  }
0x209: {  	[tilespmem:$0x300] =	vst v2  }
0x20a: {  	[tilespmem:$0x380] =	vst v3  }
0x20b: {  	[tilespmem:$0x290] =	vst v5  }
0x20c: {  	v4 =	vadd.s32 v0, v1;
	v1 =	vld [tilespmem:$0x110];
	[tilespmem:$0x310] =	vst v6  }
0x20d: {  	v3 =	vld [tilespmem:$0x20];
	[tilespmem:$0x180] =	vst v4;
	v4 =	vadd.s32 v0, v2  }
0x20e: {  	v2 =	vadd.s32 v0, v5;
	[tilespmem:$0x200] =	vst v4  }
0x20f: {  	v5 =	vld [tilespmem:$0x30];
	[tilespmem:$0x190] =	vst v2;
	v2 =	vadd.s32 v0, v6  }
0x210: {  	v4 =	vld [tilespmem:$0xA0];
	[tilespmem:$0x210] =	vst v2  }
0x211: {  	v6 =	vld [tilespmem:$0xB0];
	[tilespmem:$0x390] =	vst v1  }
0x212: {  	v1 =	vadd.s32 v0, v3;
	[tilespmem:$0x2A0] =	vst v3  }
0x213: {  	v2 =	vld [tilespmem:$0x120];
	[tilespmem:$0x1A0] =	vst v1  }
0x214: {  	[tilespmem:$0x2B0] =	vst v5  }
0x215: {  	[tilespmem:$0x320] =	vst v4  }
0x216: {  	v3 =	vld [tilespmem:$0x40];
	v1 =	vadd.s32 v0, v4;
	[tilespmem:$0x330] =	vst v6  }
0x217: {  	v4 =	vld [tilespmem:$0xC0];
	[tilespmem:$0x220] =	vst v1  }
0x218: {  	v1 =	vld [tilespmem:$0x130];
	[tilespmem:$0x3A0] =	vst v2;
	v2 =	vadd.s32 v0, v5  }
0x219: {  	v5 =	vld [tilespmem:$0x50];
	[tilespmem:$0x1B0] =	vst v2;
	v2 =	vadd.s32 v0, v6  }
0x21a: {  	[tilespmem:$0x230] =	vst v2  }
0x21b: {  	v6 =	vld [tilespmem:$0xD0];
	[tilespmem:$0x2C0] =	vst v3  }
0x21c: {  	[tilespmem:$0x340] =	vst v4  }
0x21d: {  	v2 =	vld [tilespmem:$0x140];
	[tilespmem:$0x3B0] =	vst v1  }
0x21e: {  	v1 =	vadd.s32 v0, v3;
	[tilespmem:$0x2D0] =	vst v5  }
0x21f: {  	[tilespmem:$0x1C0] =	vst v1  }
0x220: {  	v3 =	vld [tilespmem:$0x60];
	v1 =	vadd.s32 v0, v4;
	[tilespmem:$0x350] =	vst v6  }
0x221: {  	v4 =	vld [tilespmem:$0xE0];
	[tilespmem:$0x240] =	vst v1  }
0x222: {  	v1 =	vld [tilespmem:$0x150];
	[tilespmem:$0x3C0] =	vst v2;
	v2 =	vadd.s32 v0, v5  }
0x223: {  	v5 =	vld [tilespmem:$0x70];
	[tilespmem:$0x1D0] =	vst v2;
	v2 =	vadd.s32 v0, v6  }
0x224: {  	[tilespmem:$0x250] =	vst v2  }
0x225: {  	v2 =	vld [tilespmem:$0x160];
	[tilespmem:$0x2E0] =	vst v3  }
0x226: {  	v6 =	vld [tilespmem:$0xF0];
	[tilespmem:$0x360] =	vst v4  }
0x227: {  	[tilespmem:$0x3D0] =	vst v1  }
0x228: {  	v1 =	vadd.s32 v0, v3;
	[tilespmem:$0x2F0] =	vst v5  }
0x229: {  	[tilespmem:$0x1E0] =	vst v1  }
0x22a: {  	[tilespmem:$0x3E0] =	vst v2;
	v2 =	vld [tilespmem:$0x170]  }
0x22b: {  	v1 =	vadd.s32 v0, v4;
	[tilespmem:$0x370] =	vst v6  }
0x22c: {  	[tilespmem:$0x260] =	vst v1;
	v1 =	vadd.s32 v0, v5  }
0x22d: {  	[tilespmem:$0x1F0] =	vst v1;
	v1 =	vadd.s32 v0, v6  }
0x22e: {  	[tilespmem:$0x270] =	vst v1  }
0x22f: {  	s18 =	simm.s32 $0x400;
	s8 =	simm.s32 $0x180;
	[tilespmem:$0x3F0] =	vst v2  }
0x230: {  	[tilespmem:s18], [sflag:$0x3] =	stream.indirect.gather [hbm4b:s4+s29], $0x10, s8, s29, $0xb8;
	[tilespmem:$0x1CF00] =	vst v63  }
0x231: {  	s23 =	simm.s32 $0x200;
	s30 =	simm.s32 $0xC00  }
0x232: {  	[tilespmem:s30], [sflag:$0x3] =	stream.indirect.gather [hbm4b:s4+s29], $0x10, s23, s29, $0xb8;
	[tilespmem:$0x1CF00] =	vst v63  }
0x233: {  	_ =	swait.ge [sflag:s15], $0x800  }
0x234: {  	[sflag:s15] =	ssyncset.done $0x0  }
0x235: {  	[sflag:s15] =	ssyncadd.s32 $0xFFFFF800  }
0x236: {  	_ =	swait.ge [sflag:s15], $0x800  }
0x237: {  	[sflag:s15] =	ssyncset.done $0x0  }
0x238: {  	s6 =	simm.s32 $0x0;
	[sflag:s15] =	ssyncadd.s32 $0xFFFFF800  }
0x239: {  	v1 =	vld [tilespmem:s6+$0x400]  }
0x23a: {  	v2 =	vld [tilespmem:s6+$0xC00]  }
0x23b: {  	v3 =	vld [tilespmem:s6+$0x410]  }
0x23c: {  	v4 =	vld [tilespmem:s6+$0xC10]  }
0x23d: {  	v5 =	vld [tilespmem:s6+$0x420]  }
0x23e: {  	v6 =	vld [tilespmem:s6+$0xC20]  }
0x23f: {  	v7 =	vld [tilespmem:s6+$0x430]  }
0x240: {  	v8 =	vld [tilespmem:s6+$0xC30]  }
0x241: {  	v9 =	vld [tilespmem:s6+$0x440]  }
0x242: {  	v10 =	vld [tilespmem:s6+$0xC40]  }
0x243: {  	v11 =	vld [tilespmem:s6+$0x450]  }
0x244: {  	v13 =	vld [tilespmem:s6+$0xC50]  }
0x245: {  	v12 =	vld [tilespmem:s6+$0x460]  }
0x246: {  	v14 =	vld [tilespmem:s6+$0xC60]  }
0x247: {  	v15 =	vld [tilespmem:s6+$0x470]  }
0x248: {  	v17 =	vld [tilespmem:s6+$0xC70]  }
0x249: {  	v16 =	vld [tilespmem:s6+$0x480]  }
0x24a: {  	v18 =	vld [tilespmem:s6+$0xC80]  }
0x24b: {  	v22 =	vld [tilespmem:s6+$0x490]  }
0x24c: {  	v25 =	vld [tilespmem:s6+$0xC90]  }
0x24d: {  	v21 =	vld [tilespmem:s6+$0x4A0]  }
0x24e: {  	v24 =	vld [tilespmem:s6+$0xCA0]  }
0x24f: {  	v19 =	vld [tilespmem:s6+$0x4B0]  }
0x250: {  	v23 =	vld [tilespmem:s6+$0xCB0]  }
0x251: {  	s8 =	simm.s32 $0x380;
	s23 =	simm.s32 $0x400;
	v20 =	vld [tilespmem:s6+$0x4C0]  }
.LBB2_10:
0x252: {  	p1 =	sne.s32 s23, $0x1C00;
	v26 =	vld [tilespmem:s8+$0x0];
	v1 =	vsub.f32 v1, v2;
	v2 =	vsub.f32 v3, v4  }
0x253: {  	v3 =	vsub.f32 v5, v6;
	v4 =	vsub.f32 v7, v8;
	v5 =	vld [tilespmem:s6+$0xCC0]  }
0x254: {  	v6 =	vsub.f32 v9, v10;
	v7 =	vsub.f32 v11, v13;
	v8 =	vld [tilespmem:s6+$0x4D0]  }
0x255: {  	v9 =	vsub.f32 v12, v14;
	v10 =	vsub.f32 v15, v17;
	v11 =	vld [tilespmem:s6+$0xCD0]  }
0x256: {  	v12 =	vsub.f32 v16, v18;
	v13 =	vsub.f32 v22, v25;
	v14 =	vld [tilespmem:s6+$0x4E0]  }
0x257: {  	v17 =	vsub.f32 v21, v24;
	v15 =	vbroadcast v26, $0x0;
	v16 =	vbroadcast v26, $0x1;
	v18 =	vld [tilespmem:s6+$0xCE0]  }
0x258: {  	v19 =	vsub.f32 v19, v23;
	v21 =	vbroadcast v26, $0x2;
	v22 =	vbroadcast v26, $0x3;
	v23 =	vld [tilespmem:s6+$0x4F0]  }
0x259: {  	v5 =	vsub.f32 v20, v5;
	v1 =	vmul.f32 v1, v15;
	v2 =	vmul.f32 v2, v16;
	v15 =	vld [tilespmem:s6+$0xCF0]  }
0x25a: {  	v16 =	vmul.f32 v3, v21;
	v20 =	vmul.f32 v4, v22;
	v8 =	vsub.f32 v8, v11  }
0x25b: {  	v4 =	vbroadcast v26, $0x4;
	[tilespmem:s6+$0x1C00] =	vst v1;
	v1 =	vsub.f32 $0.0e+00, v1;
	v3 =	vsub.f32 $0.0e+00, v2  }
0x25c: {  	v21 =	vbroadcast v26, $0x5;
	v11 =	vsub.f32 $0.0e+00, v20;
	[tilespmem:s6+$0x1C10] =	vst v2;
	v2 =	vsub.f32 $0.0e+00, v16  }
0x25d: {  	v22 =	vmul.f32 v6, v4;
	v14 =	vsub.f32 v14, v18;
	[tilespmem:s6+$0x1400] =	vst v1;
	v1 =	vbroadcast v26, $0x6  }
0x25e: {  	v18 =	vmul.f32 v7, v21;
	[tilespmem:s6+$0x1410] =	vst v3;
	v3 =	vbroadcast v26, $0x7;
	v15 =	vsub.f32 v23, v15  }
0x25f: {  	[tilespmem:s6+$0x1420] =	vst v2;
	v2 =	vsub.f32 $0.0e+00, v22;
	v21 =	vmul.f32 v9, v1;
	v1 =	vbroadcast v26, $0x8  }
0x260: {  	v4 =	vsub.f32 $0.0e+00, v18;
	[tilespmem:s6+$0x1430] =	vst v11;
	v23 =	vmul.f32 v10, v3;
	v3 =	vbroadcast v26, $0x9  }
0x261: {  	s18 =	sshra.s32 s23, $0x2;
	v7 =	vbroadcast v26, $0xA;
	[tilespmem:s6+$0x1440] =	vst v2;
	v6 =	vsub.f32 $0.0e+00, v21;
	v24 =	vmul.f32 v12, v1  }
0x262: {  	v9 =	vbroadcast v26, $0xB;
	v1 =	vld [tilespmem:s18+$0x400];
	[tilespmem:s6+$0x1450] =	vst v4;
	v4 =	vsub.f32 $0.0e+00, v23;
	v25 =	vmul.f32 v13, v3  }
0x263: {  	v27 =	vmul.f32 v17, v7;
	v7 =	vbroadcast v26, $0xC;
	v2 =	vld [tilespmem:s18+$0xC00];
	[tilespmem:s6+$0x1460] =	vst v6;
	v6 =	vsub.f32 $0.0e+00, v24  }
0x264: {  	v19 =	vmul.f32 v19, v9;
	v9 =	vbroadcast v26, $0xD;
	v3 =	vld [tilespmem:s18+$0x410];
	[tilespmem:s6+$0x1470] =	vst v4;
	v10 =	vsub.f32 $0.0e+00, v25  }
0x265: {  	v11 =	vsub.f32 $0.0e+00, v27;
	v28 =	vmul.f32 v5, v7;
	v7 =	vbroadcast v26, $0xE;
	v4 =	vld [tilespmem:s18+$0xC10];
	[tilespmem:s6+$0x1480] =	vst v6  }
0x266: {  	v29 =	vmul.f32 v8, v9;
	v8 =	vbroadcast v26, $0xF;
	v5 =	vld [tilespmem:s18+$0x420];
	[tilespmem:s6+$0x1490] =	vst v10;
	v10 =	vsub.f32 $0.0e+00, v19  }
0x267: {  	v9 =	vsub.f32 $0.0e+00, v28;
	v26 =	vmul.f32 v14, v7;
	v6 =	vld [tilespmem:s18+$0xC20];
	[tilespmem:s6+$0x14A0] =	vst v11  }
0x268: {  	v30 =	vmul.f32 v15, v8;
	v7 =	vld [tilespmem:s18+$0x430];
	[tilespmem:s6+$0x14B0] =	vst v10;
	v10 =	vsub.f32 $0.0e+00, v29  }
0x269: {  	v11 =	vsub.f32 $0.0e+00, v26;
	v8 =	vld [tilespmem:s18+$0xC30];
	[tilespmem:s6+$0x14C0] =	vst v9  }
0x26a: {  	v12 =	vsub.f32 $0.0e+00, v30;
	v9 =	vld [tilespmem:s18+$0x440];
	[tilespmem:s6+$0x14D0] =	vst v10  }
0x26b: {  	v10 =	vld [tilespmem:s18+$0xC40];
	[tilespmem:s6+$0x14E0] =	vst v11  }
0x26c: {  	v11 =	vld [tilespmem:s18+$0x450];
	[tilespmem:s6+$0x14F0] =	vst v12  }
0x26d: {  	v13 =	vld [tilespmem:s18+$0xC50];
	[tilespmem:s6+$0x1C20] =	vst v16  }
0x26e: {  	v12 =	vld [tilespmem:s18+$0x460];
	[tilespmem:s6+$0x1C30] =	vst v20  }
0x26f: {  	v14 =	vld [tilespmem:s18+$0xC60];
	[tilespmem:s6+$0x1C40] =	vst v22  }
0x270: {  	v15 =	vld [tilespmem:s18+$0x470];
	[tilespmem:s6+$0x1C50] =	vst v18  }
0x271: {  	v17 =	vld [tilespmem:s18+$0xC70];
	[tilespmem:s6+$0x1C60] =	vst v21  }
0x272: {  	v16 =	vld [tilespmem:s18+$0x480];
	[tilespmem:s6+$0x1C70] =	vst v23  }
0x273: {  	v18 =	vld [tilespmem:s18+$0xC80];
	[tilespmem:s6+$0x1C80] =	vst v24  }
0x274: {  	v22 =	vld [tilespmem:s18+$0x490];
	[tilespmem:s6+$0x1C90] =	vst v25  }
0x275: {  	v25 =	vld [tilespmem:s18+$0xC90];
	[tilespmem:s6+$0x1CA0] =	vst v27  }
.Ltmp6:
0x276: {  	v21 =	vld [tilespmem:s18+$0x4A0];
	[tilespmem:s6+$0x1CB0] =	vst v19;
	(pc) =	sbr.rel @p1 .LBB2_10-.Ltmp6, $4  }
0x277: {  	v24 =	vld [tilespmem:s18+$0xCA0];
	[tilespmem:s6+$0x1CC0] =	vst v28  }
0x278: {  	v19 =	vld [tilespmem:s18+$0x4B0];
	[tilespmem:s6+$0x1CD0] =	vst v29  }
0x279: {  	v23 =	vld [tilespmem:s18+$0xCB0];
	[tilespmem:s6+$0x1CE0] =	vst v26  }
0x27a: {  	s23 =	sadd.s32 $0x400, s23;
	s8 =	sadd.s32 $0x10, s8;
	v20 =	vld [tilespmem:s18+$0x4C0];
	[tilespmem:s6+$0x1CF0] =	vst v30;
	s6 =	smov.u32 s18  }
0x27b: {  	v26 =	vld [tilespmem:s8+$0x0];
	_ =	sdelay $0x4  }
0x27c: {  	v1 =	vsub.f32 v1, v2;
	v36 =	vbroadcast v26, $0x0  }
0x27d: {  	v2 =	vsub.f32 v3, v4;
	v3 =	vsub.f32 v5, v6;
	v37 =	vbroadcast v26, $0x1  }
0x27e: {  	v62 =	vsub.f32 v7, v8;
	v40 =	vbroadcast v26, $0x2;
	v1 =	vmul.f32 v1, v36  }
0x27f: {  	v63 =	vld [tilespmem:s6+$0xCC0];
	v27 =	vsub.f32 v9, v10;
	v41 =	vbroadcast v26, $0x3;
	v2 =	vmul.f32 v2, v37  }
0x280: {  	v28 =	vsub.f32 v11, v13;
	v29 =	vld [tilespmem:s6+$0x4D0];
	v47 =	vbroadcast v26, $0x5;
	v3 =	vmul.f32 v3, v40;
	[tilespmem:s6+$0x1C00] =	vst v1  }
0x281: {  	v30 =	vsub.f32 v12, v14;
	v32 =	vld [tilespmem:s6+$0xCD0];
	v48 =	vbroadcast v26, $0x6;
	v4 =	vmul.f32 v62, v41;
	[tilespmem:s6+$0x1C10] =	vst v2  }
0x282: {  	v31 =	vsub.f32 v15, v17;
	v35 =	vld [tilespmem:s6+$0x4E0];
	v49 =	vbroadcast v26, $0x7;
	v7 =	vmul.f32 v28, v47;
	[tilespmem:s6+$0x1C20] =	vst v3  }
0x283: {  	v33 =	vsub.f32 v16, v18;
	v39 =	vld [tilespmem:s6+$0xCE0];
	v50 =	vbroadcast v26, $0x8;
	v6 =	vmul.f32 v30, v48;
	[tilespmem:s6+$0x1C30] =	vst v4  }
0x284: {  	v34 =	vsub.f32 v22, v25;
	v42 =	vld [tilespmem:s6+$0x4F0];
	v52 =	vbroadcast v26, $0x9;
	v10 =	vmul.f32 v31, v49;
	[tilespmem:s6+$0x1C50] =	vst v7  }
0x285: {  	v43 =	vld [tilespmem:s6+$0xCF0];
	v38 =	vsub.f32 v21, v24;
	v53 =	vbroadcast v26, $0xA;
	v9 =	vmul.f32 v33, v50;
	[tilespmem:s6+$0x1C60] =	vst v6  }
0x286: {  	v19 =	vsub.f32 v19, v23;
	v55 =	vbroadcast v26, $0xB;
	v11 =	vmul.f32 v34, v52;
	[tilespmem:s6+$0x1C70] =	vst v10  }
0x287: {  	v5 =	vsub.f32 v20, v63;
	v56 =	vbroadcast v26, $0xC;
	v12 =	vmul.f32 v38, v53;
	[tilespmem:s6+$0x1C80] =	vst v9  }
0x288: {  	v8 =	vsub.f32 v29, v32;
	v58 =	vbroadcast v26, $0xD;
	v13 =	vmul.f32 v19, v55;
	[tilespmem:s6+$0x1C90] =	vst v11  }
0x289: {  	v14 =	vsub.f32 v35, v39;
	v59 =	vbroadcast v26, $0xE;
	v5 =	vmul.f32 v5, v56;
	[tilespmem:s6+$0x1CA0] =	vst v12  }
0x28a: {  	v15 =	vsub.f32 v42, v43;
	v61 =	vbroadcast v26, $0xF;
	v8 =	vmul.f32 v8, v58;
	[tilespmem:s6+$0x1CB0] =	vst v13  }
0x28b: {  	v14 =	vmul.f32 v14, v59;
	[tilespmem:s6+$0x1CC0] =	vst v5  }
0x28c: {  	v15 =	vmul.f32 v15, v61;
	[tilespmem:s6+$0x1CD0] =	vst v8  }
0x28d: {  	v1 =	vsub.f32 $0.0e+00, v1;
	[tilespmem:s6+$0x1CE0] =	vst v14  }
0x28e: {  	v44 =	vsub.f32 $0.0e+00, v2;
	[tilespmem:s6+$0x1CF0] =	vst v15  }
0x28f: {  	v45 =	vbroadcast v26, $0x4;
	v2 =	vsub.f32 $0.0e+00, v3;
	[tilespmem:s6+$0x1400] =	vst v1  }
0x290: {  	v46 =	vsub.f32 $0.0e+00, v4;
	[tilespmem:s6+$0x1410] =	vst v44  }
0x291: {  	v51 =	vsub.f32 $0.0e+00, v7;
	v1 =	vmul.f32 v27, v45;
	[tilespmem:s6+$0x1420] =	vst v2  }
0x292: {  	v54 =	vsub.f32 $0.0e+00, v10;
	[tilespmem:s6+$0x1430] =	vst v46  }
0x293: {  	[tilespmem:s6+$0x1450] =	vst v51;
	v2 =	vsub.f32 $0.0e+00, v1  }
0x294: {  	v57 =	vsub.f32 $0.0e+00, v11;
	[tilespmem:s6+$0x1470] =	vst v54  }
0x295: {  	[tilespmem:s6+$0x1440] =	vst v2;
	v2 =	vsub.f32 $0.0e+00, v6  }
0x296: {  	v60 =	vsub.f32 $0.0e+00, v13;
	[tilespmem:s6+$0x1490] =	vst v57  }
0x297: {  	[tilespmem:s6+$0x1460] =	vst v2;
	v2 =	vsub.f32 $0.0e+00, v9  }
0x298: {  	v62 =	vsub.f32 $0.0e+00, v8;
	[tilespmem:s6+$0x14B0] =	vst v60  }
0x299: {  	[tilespmem:s6+$0x1480] =	vst v2;
	v2 =	vsub.f32 $0.0e+00, v12  }
0x29a: {  	v63 =	vsub.f32 $0.0e+00, v15;
	[tilespmem:s6+$0x14D0] =	vst v62  }
0x29b: {  	[tilespmem:s6+$0x14A0] =	vst v2;
	v2 =	vsub.f32 $0.0e+00, v5  }
0x29c: {  	[tilespmem:s6+$0x14F0] =	vst v63  }
0x29d: {  	[tilespmem:s6+$0x14C0] =	vst v2;
	v2 =	vsub.f32 $0.0e+00, v14  }
0x29e: {  	[tilespmem:s6+$0x1C40] =	vst v1  }
0x29f: {  	[tilespmem:s6+$0x14E0] =	vst v2  }
0x2a0: {  	[spmem:s5] =	stream.indirect.scatter.add.f32 [tilespmem:s19], [sflag:$0x5], $0x10, s16, s29, $0xb8;
	[tilespmem:$0x1CF00] =	vst v63  }
0x2a1: {  	_ = 	snop  }
0x2a2: {  	[spmem:s5] =	stream.indirect.scatter.add.f32 [tilespmem:s21], [sflag:$0x5], $0x10, s20, s29, $0xb8;
	[tilespmem:$0x1CF00] =	vst v63  }
0x2a3: {  	_ =	swait.ge [sflag:s1], $0x800  }
.Ltmp7:
0x2a4: {  	[sflag:s1] =	ssyncset.done $0x0;
	(pc) =	sbr.rel @p0 .LBB2_15-.Ltmp7, $4  }
0x2a5: {  	[sflag:s1] =	ssyncadd.s32 $0xFFFFF800  }
0x2a6: {  	_ =	swait.ge [sflag:s1], $0x800  }
0x2a7: {  	[sflag:s1] =	ssyncset.done $0x0  }
0x2a8: {  	s23 =	rddreg [dreg:$0x19];
	[sflag:s1] =	ssyncadd.s32 $0xFFFFF800  }
0x2a9: {  	s6 =	simm.s32 $0x0;
	s8 =	rddreg [dreg:$0x14];
	s18 =	simm.s32 $0x2400  }
0x2aa: {  	[tilespmem:s18], [sflag:$0x2] =	stream.linear.gather [hbm4b:s8+s6], $0x80, $0x38;
	[tilespmem:$0x1CF00] =	vst v63  }
0x2ab: {  	s23 =	rddreg [dreg:$0x15];
	s30 =	simm.s32 $0x2480  }
0x2ac: {  	[tilespmem:s30], [sflag:$0x2] =	stream.linear.gather [hbm4b:s23+s6], $0x80, $0x38;
	[tilespmem:$0x1CF00] =	vst v63  }
0x2ad: {  	s23 =	rddreg [dreg:$0x16];
	s30 =	simm.s32 $0x2500  }
0x2ae: {  	[tilespmem:s30], [sflag:$0x2] =	stream.linear.gather [hbm4b:s23+s6], $0x80, $0x38;
	[tilespmem:$0x1CF00] =	vst v63  }
0x2af: {  	_ =	swait.ge [sflag:s9], $0x80  }
0x2b0: {  	[sflag:s9] =	ssyncset.done $0x0  }
0x2b1: {  	[sflag:s9] =	ssyncadd.s32 $0xFFFFFF80  }
0x2b2: {  	_ =	swait.ge [sflag:s9], $0x80  }
0x2b3: {  	[sflag:s9] =	ssyncset.done $0x0  }
0x2b4: {  	[sflag:s9] =	ssyncadd.s32 $0xFFFFFF80  }
0x2b5: {  	_ =	swait.ge [sflag:s9], $0x80  }
0x2b6: {  	[sflag:s9] =	ssyncset.done $0x0  }
0x2b7: {  	[sflag:s9] =	ssyncadd.s32 $0xFFFFFF80  }
0x2b8: {  	v1 =	vld [tilespmem:$0x2400]  }
0x2b9: {  	v2 =	vld [tilespmem:$0x2480]  }
0x2ba: {  	v3 =	vld [tilespmem:$0x2500]  }
0x2bb: {  	v5 =	vld [tilespmem:$0x2410]  }
0x2bc: {  	v6 =	vld [tilespmem:$0x2490]  }
0x2bd: {  	[tilespmem:$0x2680] =	vst v1  }
0x2be: {  	[tilespmem:$0x2700] =	vst v2  }
0x2bf: {  	[tilespmem:$0x2780] =	vst v3  }
0x2c0: {  	[tilespmem:$0x2690] =	vst v5  }
0x2c1: {  	v4 =	vadd.s32 v0, v1;
	v1 =	vld [tilespmem:$0x2510];
	[tilespmem:$0x2710] =	vst v6  }
0x2c2: {  	v3 =	vld [tilespmem:$0x2420];
	[tilespmem:$0x2580] =	vst v4;
	v4 =	vadd.s32 v0, v2  }
0x2c3: {  	v2 =	vadd.s32 v0, v5;
	[tilespmem:$0x2600] =	vst v4  }
0x2c4: {  	v5 =	vld [tilespmem:$0x2430];
	[tilespmem:$0x2590] =	vst v2;
	v2 =	vadd.s32 v0, v6  }
0x2c5: {  	v4 =	vld [tilespmem:$0x24A0];
	[tilespmem:$0x2610] =	vst v2  }
0x2c6: {  	v6 =	vld [tilespmem:$0x24B0];
	[tilespmem:$0x2790] =	vst v1  }
0x2c7: {  	v1 =	vadd.s32 v0, v3;
	[tilespmem:$0x26A0] =	vst v3  }
0x2c8: {  	v2 =	vld [tilespmem:$0x2520];
	[tilespmem:$0x25A0] =	vst v1  }
0x2c9: {  	[tilespmem:$0x26B0] =	vst v5  }
0x2ca: {  	[tilespmem:$0x2720] =	vst v4  }
0x2cb: {  	v3 =	vld [tilespmem:$0x2440];
	v1 =	vadd.s32 v0, v4;
	[tilespmem:$0x2730] =	vst v6  }
0x2cc: {  	v4 =	vld [tilespmem:$0x24C0];
	[tilespmem:$0x2620] =	vst v1  }
0x2cd: {  	v1 =	vld [tilespmem:$0x2530];
	[tilespmem:$0x27A0] =	vst v2;
	v2 =	vadd.s32 v0, v5  }
0x2ce: {  	v5 =	vld [tilespmem:$0x2450];
	[tilespmem:$0x25B0] =	vst v2;
	v2 =	vadd.s32 v0, v6  }
0x2cf: {  	[tilespmem:$0x2630] =	vst v2  }
0x2d0: {  	v6 =	vld [tilespmem:$0x24D0];
	[tilespmem:$0x26C0] =	vst v3  }
0x2d1: {  	[tilespmem:$0x2740] =	vst v4  }
0x2d2: {  	v2 =	vld [tilespmem:$0x2540];
	[tilespmem:$0x27B0] =	vst v1  }
0x2d3: {  	v1 =	vadd.s32 v0, v3;
	[tilespmem:$0x26D0] =	vst v5  }
0x2d4: {  	[tilespmem:$0x25C0] =	vst v1  }
0x2d5: {  	v3 =	vld [tilespmem:$0x2460];
	v1 =	vadd.s32 v0, v4;
	[tilespmem:$0x2750] =	vst v6  }
0x2d6: {  	v4 =	vld [tilespmem:$0x24E0];
	[tilespmem:$0x2640] =	vst v1  }
0x2d7: {  	v1 =	vld [tilespmem:$0x2550];
	[tilespmem:$0x27C0] =	vst v2;
	v2 =	vadd.s32 v0, v5  }
0x2d8: {  	v5 =	vld [tilespmem:$0x2470];
	[tilespmem:$0x25D0] =	vst v2;
	v2 =	vadd.s32 v0, v6  }
0x2d9: {  	[tilespmem:$0x2650] =	vst v2  }
0x2da: {  	v2 =	vld [tilespmem:$0x2560];
	[tilespmem:$0x26E0] =	vst v3  }
0x2db: {  	v6 =	vld [tilespmem:$0x24F0];
	[tilespmem:$0x2760] =	vst v4  }
0x2dc: {  	[tilespmem:$0x27D0] =	vst v1  }
0x2dd: {  	v1 =	vadd.s32 v0, v3;
	[tilespmem:$0x26F0] =	vst v5  }
0x2de: {  	[tilespmem:$0x25E0] =	vst v1  }
0x2df: {  	[tilespmem:$0x27E0] =	vst v2;
	v2 =	vld [tilespmem:$0x2570]  }
0x2e0: {  	v1 =	vadd.s32 v0, v4;
	[tilespmem:$0x2770] =	vst v6  }
0x2e1: {  	[tilespmem:$0x2660] =	vst v1;
	v1 =	vadd.s32 v0, v5  }
0x2e2: {  	[tilespmem:$0x25F0] =	vst v1;
	v1 =	vadd.s32 v0, v6  }
0x2e3: {  	[tilespmem:$0x2670] =	vst v1  }
0x2e4: {  	[tilespmem:$0x27F0] =	vst v2  }
0x2e5: {  	[tilespmem:s12], [sflag:$0x4] =	stream.indirect.gather [hbm4b:s4+s29], $0x10, s11, s29, $0xb8;
	[tilespmem:$0x1CF00] =	vst v63  }
0x2e6: {  	_ = 	snop  }
0x2e7: {  	[tilespmem:s14], [sflag:$0x4] =	stream.indirect.gather [hbm4b:s4+s29], $0x10, s13, s29, $0xb8;
	[tilespmem:$0x1CF00] =	vst v63  }
0x2e8: {  	_ =	swait.ge [sflag:s25], $0x800  }
0x2e9: {  	[sflag:s25] =	ssyncset.done $0x0  }
0x2ea: {  	[sflag:s25] =	ssyncadd.s32 $0xFFFFF800  }
0x2eb: {  	_ =	swait.ge [sflag:s25], $0x800  }
0x2ec: {  	[sflag:s25] =	ssyncset.done $0x0  }
0x2ed: {  	s6 =	simm.s32 $0x0;
	[sflag:s25] =	ssyncadd.s32 $0xFFFFF800  }
0x2ee: {  	v1 =	vld [tilespmem:s6+$0x2800]  }
0x2ef: {  	v2 =	vld [tilespmem:s6+$0x3000]  }
0x2f0: {  	v3 =	vld [tilespmem:s6+$0x2810]  }
0x2f1: {  	v4 =	vld [tilespmem:s6+$0x3010]  }
0x2f2: {  	v5 =	vld [tilespmem:s6+$0x2820]  }
0x2f3: {  	v6 =	vld [tilespmem:s6+$0x3020]  }
0x2f4: {  	v7 =	vld [tilespmem:s6+$0x2830]  }
0x2f5: {  	v8 =	vld [tilespmem:s6+$0x3030]  }
0x2f6: {  	v9 =	vld [tilespmem:s6+$0x2840]  }
0x2f7: {  	v10 =	vld [tilespmem:s6+$0x3040]  }
0x2f8: {  	v11 =	vld [tilespmem:s6+$0x2850]  }
0x2f9: {  	v13 =	vld [tilespmem:s6+$0x3050]  }
0x2fa: {  	v12 =	vld [tilespmem:s6+$0x2860]  }
0x2fb: {  	v14 =	vld [tilespmem:s6+$0x3060]  }
0x2fc: {  	v15 =	vld [tilespmem:s6+$0x2870]  }
0x2fd: {  	v17 =	vld [tilespmem:s6+$0x3070]  }
0x2fe: {  	v16 =	vld [tilespmem:s6+$0x2880]  }
0x2ff: {  	v18 =	vld [tilespmem:s6+$0x3080]  }
0x300: {  	v22 =	vld [tilespmem:s6+$0x2890]  }
0x301: {  	v25 =	vld [tilespmem:s6+$0x3090]  }
0x302: {  	v21 =	vld [tilespmem:s6+$0x28A0]  }
0x303: {  	v24 =	vld [tilespmem:s6+$0x30A0]  }
0x304: {  	v19 =	vld [tilespmem:s6+$0x28B0]  }
0x305: {  	v23 =	vld [tilespmem:s6+$0x30B0]  }
0x306: {  	s8 =	simm.s32 $0x2780;
	s23 =	simm.s32 $0x400;
	v20 =	vld [tilespmem:s6+$0x28C0]  }
.LBB2_13:
0x307: {  	p1 =	sne.s32 s23, $0x1C00;
	v26 =	vld [tilespmem:s8+$0x0];
	v1 =	vsub.f32 v1, v2;
	v2 =	vsub.f32 v3, v4  }
0x308: {  	v3 =	vsub.f32 v5, v6;
	v4 =	vsub.f32 v7, v8;
	v5 =	vld [tilespmem:s6+$0x30C0]  }
0x309: {  	v6 =	vsub.f32 v9, v10;
	v7 =	vsub.f32 v11, v13;
	v8 =	vld [tilespmem:s6+$0x28D0]  }
0x30a: {  	v9 =	vsub.f32 v12, v14;
	v10 =	vsub.f32 v15, v17;
	v11 =	vld [tilespmem:s6+$0x30D0]  }
0x30b: {  	v12 =	vsub.f32 v16, v18;
	v13 =	vsub.f32 v22, v25;
	v14 =	vld [tilespmem:s6+$0x28E0]  }
0x30c: {  	v17 =	vsub.f32 v21, v24;
	v15 =	vbroadcast v26, $0x0;
	v16 =	vbroadcast v26, $0x1;
	v18 =	vld [tilespmem:s6+$0x30E0]  }
0x30d: {  	v19 =	vsub.f32 v19, v23;
	v21 =	vbroadcast v26, $0x2;
	v22 =	vbroadcast v26, $0x3;
	v23 =	vld [tilespmem:s6+$0x28F0]  }
0x30e: {  	v5 =	vsub.f32 v20, v5;
	v1 =	vmul.f32 v1, v15;
	v2 =	vmul.f32 v2, v16;
	v15 =	vld [tilespmem:s6+$0x30F0]  }
0x30f: {  	v16 =	vmul.f32 v3, v21;
	v20 =	vmul.f32 v4, v22;
	v8 =	vsub.f32 v8, v11  }
0x310: {  	v4 =	vbroadcast v26, $0x4;
	[tilespmem:s6+$0x4000] =	vst v1;
	v1 =	vsub.f32 $0.0e+00, v1;
	v3 =	vsub.f32 $0.0e+00, v2  }
0x311: {  	v21 =	vbroadcast v26, $0x5;
	v11 =	vsub.f32 $0.0e+00, v20;
	[tilespmem:s6+$0x4010] =	vst v2;
	v2 =	vsub.f32 $0.0e+00, v16  }
0x312: {  	v22 =	vmul.f32 v6, v4;
	v14 =	vsub.f32 v14, v18;
	[tilespmem:s6+$0x3800] =	vst v1;
	v1 =	vbroadcast v26, $0x6  }
0x313: {  	v18 =	vmul.f32 v7, v21;
	[tilespmem:s6+$0x3810] =	vst v3;
	v3 =	vbroadcast v26, $0x7;
	v15 =	vsub.f32 v23, v15  }
0x314: {  	[tilespmem:s6+$0x3820] =	vst v2;
	v2 =	vsub.f32 $0.0e+00, v22;
	v21 =	vmul.f32 v9, v1;
	v1 =	vbroadcast v26, $0x8  }
0x315: {  	v4 =	vsub.f32 $0.0e+00, v18;
	[tilespmem:s6+$0x3830] =	vst v11;
	v23 =	vmul.f32 v10, v3;
	v3 =	vbroadcast v26, $0x9  }
0x316: {  	s18 =	sshra.s32 s23, $0x2;
	v7 =	vbroadcast v26, $0xA;
	[tilespmem:s6+$0x3840] =	vst v2;
	v6 =	vsub.f32 $0.0e+00, v21;
	v24 =	vmul.f32 v12, v1  }
0x317: {  	v9 =	vbroadcast v26, $0xB;
	v1 =	vld [tilespmem:s18+$0x2800];
	[tilespmem:s6+$0x3850] =	vst v4;
	v4 =	vsub.f32 $0.0e+00, v23;
	v25 =	vmul.f32 v13, v3  }
0x318: {  	v27 =	vmul.f32 v17, v7;
	v7 =	vbroadcast v26, $0xC;
	v2 =	vld [tilespmem:s18+$0x3000];
	[tilespmem:s6+$0x3860] =	vst v6;
	v6 =	vsub.f32 $0.0e+00, v24  }
0x319: {  	v19 =	vmul.f32 v19, v9;
	v9 =	vbroadcast v26, $0xD;
	v3 =	vld [tilespmem:s18+$0x2810];
	[tilespmem:s6+$0x3870] =	vst v4;
	v10 =	vsub.f32 $0.0e+00, v25  }
0x31a: {  	v11 =	vsub.f32 $0.0e+00, v27;
	v28 =	vmul.f32 v5, v7;
	v7 =	vbroadcast v26, $0xE;
	v4 =	vld [tilespmem:s18+$0x3010];
	[tilespmem:s6+$0x3880] =	vst v6  }
0x31b: {  	v29 =	vmul.f32 v8, v9;
	v8 =	vbroadcast v26, $0xF;
	v5 =	vld [tilespmem:s18+$0x2820];
	[tilespmem:s6+$0x3890] =	vst v10;
	v10 =	vsub.f32 $0.0e+00, v19  }
0x31c: {  	v9 =	vsub.f32 $0.0e+00, v28;
	v26 =	vmul.f32 v14, v7;
	v6 =	vld [tilespmem:s18+$0x3020];
	[tilespmem:s6+$0x38A0] =	vst v11  }
0x31d: {  	v30 =	vmul.f32 v15, v8;
	v7 =	vld [tilespmem:s18+$0x2830];
	[tilespmem:s6+$0x38B0] =	vst v10;
	v10 =	vsub.f32 $0.0e+00, v29  }
0x31e: {  	v11 =	vsub.f32 $0.0e+00, v26;
	v8 =	vld [tilespmem:s18+$0x3030];
	[tilespmem:s6+$0x38C0] =	vst v9  }
0x31f: {  	v12 =	vsub.f32 $0.0e+00, v30;
	v9 =	vld [tilespmem:s18+$0x2840];
	[tilespmem:s6+$0x38D0] =	vst v10  }
0x320: {  	v10 =	vld [tilespmem:s18+$0x3040];
	[tilespmem:s6+$0x38E0] =	vst v11  }
0x321: {  	v11 =	vld [tilespmem:s18+$0x2850];
	[tilespmem:s6+$0x38F0] =	vst v12  }
0x322: {  	v13 =	vld [tilespmem:s18+$0x3050];
	[tilespmem:s6+$0x4020] =	vst v16  }
0x323: {  	v12 =	vld [tilespmem:s18+$0x2860];
	[tilespmem:s6+$0x4030] =	vst v20  }
0x324: {  	v14 =	vld [tilespmem:s18+$0x3060];
	[tilespmem:s6+$0x4040] =	vst v22  }
0x325: {  	v15 =	vld [tilespmem:s18+$0x2870];
	[tilespmem:s6+$0x4050] =	vst v18  }
0x326: {  	v17 =	vld [tilespmem:s18+$0x3070];
	[tilespmem:s6+$0x4060] =	vst v21  }
0x327: {  	v16 =	vld [tilespmem:s18+$0x2880];
	[tilespmem:s6+$0x4070] =	vst v23  }
0x328: {  	v18 =	vld [tilespmem:s18+$0x3080];
	[tilespmem:s6+$0x4080] =	vst v24  }
0x329: {  	v22 =	vld [tilespmem:s18+$0x2890];
	[tilespmem:s6+$0x4090] =	vst v25  }
0x32a: {  	v25 =	vld [tilespmem:s18+$0x3090];
	[tilespmem:s6+$0x40A0] =	vst v27  }
.Ltmp8:
0x32b: {  	v21 =	vld [tilespmem:s18+$0x28A0];
	[tilespmem:s6+$0x40B0] =	vst v19;
	(pc) =	sbr.rel @p1 .LBB2_13-.Ltmp8, $4  }
0x32c: {  	v24 =	vld [tilespmem:s18+$0x30A0];
	[tilespmem:s6+$0x40C0] =	vst v28  }
0x32d: {  	v19 =	vld [tilespmem:s18+$0x28B0];
	[tilespmem:s6+$0x40D0] =	vst v29  }
0x32e: {  	v23 =	vld [tilespmem:s18+$0x30B0];
	[tilespmem:s6+$0x40E0] =	vst v26  }
0x32f: {  	s23 =	sadd.s32 $0x400, s23;
	s8 =	sadd.s32 $0x10, s8;
	v20 =	vld [tilespmem:s18+$0x28C0];
	[tilespmem:s6+$0x40F0] =	vst v30;
	s6 =	smov.u32 s18  }
0x330: {  	v26 =	vld [tilespmem:s8+$0x0];
	_ =	sdelay $0x4  }
0x331: {  	v1 =	vsub.f32 v1, v2;
	v36 =	vbroadcast v26, $0x0  }
0x332: {  	v2 =	vsub.f32 v3, v4;
	v3 =	vsub.f32 v5, v6;
	v37 =	vbroadcast v26, $0x1  }
0x333: {  	v62 =	vsub.f32 v7, v8;
	v40 =	vbroadcast v26, $0x2;
	v1 =	vmul.f32 v1, v36  }
0x334: {  	v63 =	vld [tilespmem:s6+$0x30C0];
	v27 =	vsub.f32 v9, v10;
	v41 =	vbroadcast v26, $0x3;
	v2 =	vmul.f32 v2, v37  }
0x335: {  	v28 =	vsub.f32 v11, v13;
	v29 =	vld [tilespmem:s6+$0x28D0];
	v47 =	vbroadcast v26, $0x5;
	v3 =	vmul.f32 v3, v40;
	[tilespmem:s6+$0x4000] =	vst v1  }
0x336: {  	v30 =	vsub.f32 v12, v14;
	v32 =	vld [tilespmem:s6+$0x30D0];
	v48 =	vbroadcast v26, $0x6;
	v4 =	vmul.f32 v62, v41;
	[tilespmem:s6+$0x4010] =	vst v2  }
0x337: {  	v31 =	vsub.f32 v15, v17;
	v35 =	vld [tilespmem:s6+$0x28E0];
	v49 =	vbroadcast v26, $0x7;
	v7 =	vmul.f32 v28, v47;
	[tilespmem:s6+$0x4020] =	vst v3  }
0x338: {  	v33 =	vsub.f32 v16, v18;
	v39 =	vld [tilespmem:s6+$0x30E0];
	v50 =	vbroadcast v26, $0x8;
	v6 =	vmul.f32 v30, v48;
	[tilespmem:s6+$0x4030] =	vst v4  }
0x339: {  	v34 =	vsub.f32 v22, v25;
	v42 =	vld [tilespmem:s6+$0x28F0];
	v52 =	vbroadcast v26, $0x9;
	v10 =	vmul.f32 v31, v49;
	[tilespmem:s6+$0x4050] =	vst v7  }
0x33a: {  	v43 =	vld [tilespmem:s6+$0x30F0];
	v38 =	vsub.f32 v21, v24;
	v53 =	vbroadcast v26, $0xA;
	v9 =	vmul.f32 v33, v50;
	[tilespmem:s6+$0x4060] =	vst v6  }
0x33b: {  	v19 =	vsub.f32 v19, v23;
	v55 =	vbroadcast v26, $0xB;
	v11 =	vmul.f32 v34, v52;
	[tilespmem:s6+$0x4070] =	vst v10  }
0x33c: {  	v5 =	vsub.f32 v20, v63;
	v56 =	vbroadcast v26, $0xC;
	v12 =	vmul.f32 v38, v53;
	[tilespmem:s6+$0x4080] =	vst v9  }
0x33d: {  	v8 =	vsub.f32 v29, v32;
	v58 =	vbroadcast v26, $0xD;
	v13 =	vmul.f32 v19, v55;
	[tilespmem:s6+$0x4090] =	vst v11  }
0x33e: {  	v14 =	vsub.f32 v35, v39;
	v59 =	vbroadcast v26, $0xE;
	v5 =	vmul.f32 v5, v56;
	[tilespmem:s6+$0x40A0] =	vst v12  }
0x33f: {  	v15 =	vsub.f32 v42, v43;
	v61 =	vbroadcast v26, $0xF;
	v8 =	vmul.f32 v8, v58;
	[tilespmem:s6+$0x40B0] =	vst v13  }
0x340: {  	v14 =	vmul.f32 v14, v59;
	[tilespmem:s6+$0x40C0] =	vst v5  }
0x341: {  	v15 =	vmul.f32 v15, v61;
	[tilespmem:s6+$0x40D0] =	vst v8  }
0x342: {  	v1 =	vsub.f32 $0.0e+00, v1;
	[tilespmem:s6+$0x40E0] =	vst v14  }
0x343: {  	v44 =	vsub.f32 $0.0e+00, v2;
	[tilespmem:s6+$0x40F0] =	vst v15  }
0x344: {  	v45 =	vbroadcast v26, $0x4;
	v2 =	vsub.f32 $0.0e+00, v3;
	[tilespmem:s6+$0x3800] =	vst v1  }
0x345: {  	v46 =	vsub.f32 $0.0e+00, v4;
	[tilespmem:s6+$0x3810] =	vst v44  }
0x346: {  	v51 =	vsub.f32 $0.0e+00, v7;
	v1 =	vmul.f32 v27, v45;
	[tilespmem:s6+$0x3820] =	vst v2  }
0x347: {  	v54 =	vsub.f32 $0.0e+00, v10;
	[tilespmem:s6+$0x3830] =	vst v46  }
0x348: {  	[tilespmem:s6+$0x3850] =	vst v51;
	v2 =	vsub.f32 $0.0e+00, v1  }
0x349: {  	v57 =	vsub.f32 $0.0e+00, v11;
	[tilespmem:s6+$0x3870] =	vst v54  }
0x34a: {  	[tilespmem:s6+$0x3840] =	vst v2;
	v2 =	vsub.f32 $0.0e+00, v6  }
0x34b: {  	v60 =	vsub.f32 $0.0e+00, v13;
	[tilespmem:s6+$0x3890] =	vst v57  }
0x34c: {  	[tilespmem:s6+$0x3860] =	vst v2;
	v2 =	vsub.f32 $0.0e+00, v9  }
0x34d: {  	v62 =	vsub.f32 $0.0e+00, v8;
	[tilespmem:s6+$0x38B0] =	vst v60  }
0x34e: {  	[tilespmem:s6+$0x3880] =	vst v2;
	v2 =	vsub.f32 $0.0e+00, v12  }
0x34f: {  	v63 =	vsub.f32 $0.0e+00, v15;
	[tilespmem:s6+$0x38D0] =	vst v62  }
0x350: {  	[tilespmem:s6+$0x38A0] =	vst v2;
	v2 =	vsub.f32 $0.0e+00, v5  }
0x351: {  	[tilespmem:s6+$0x38F0] =	vst v63  }
0x352: {  	[tilespmem:s6+$0x38C0] =	vst v2;
	v2 =	vsub.f32 $0.0e+00, v14  }
0x353: {  	[tilespmem:s6+$0x4040] =	vst v1  }
0x354: {  	[tilespmem:s6+$0x38E0] =	vst v2  }
0x355: {  	[spmem:s5] =	stream.indirect.scatter.add.f32 [tilespmem:s10], [sflag:$0x6], $0x10, s26, s29, $0xb8;
	[tilespmem:$0x1CF00] =	vst v63  }
0x356: {  	s30 =	simm.s32 $0x6  }
0x357: {  	[spmem:s5] =	stream.indirect.scatter.add.f32 [tilespmem:s31], [sflag:$0x6], $0x10, s28, s29, $0xb8;
	[tilespmem:$0x1CF00] =	vst v63  }
0x358: {  	_ =	swait.ge [sflag:s30], $0x800  }
.Ltmp9:
0x359: {  	[sflag:s30] =	ssyncset.done $0x0;
	(pc) =	sbr.rel .LBB2_15-.Ltmp9, $4  }
0x35a: {  	[sflag:s30] =	ssyncadd.s32 $0xFFFFF800  }
0x35b: {  	_ =	swait.ge [sflag:s30], $0x800  }
0x35c: {  	[sflag:s30] =	ssyncset.done $0x0  }
0x35d: {  	s23 =	rddreg [dreg:$0x19];
	[sflag:s30] =	ssyncadd.s32 $0xFFFFF800  }
.LBB2_16:
0x35e: {  	_ =	sfence.sel $0x180000  }
0x35f: {  	[bflag:$0x0] =	sbarrier.arrive $0xFFFF  }
0x360: {  	_ =	strace $0x90000047  }
0x361: {  	s0 =	stileid.u32;
	[bflag:$0x2] =	sbarrier.arrive $0xFFFF  }
0x362: {  	p0 =	sne.s32 s0, $0x0;
	s0 =	rddreg [dreg:$0x6]  }
0x363: {  	s0 =	sadd.s32 @!p0 $0x100000, s0  }
0x364: {  	[sflag:s0] =	ssyncadd.tile.s32 @!p0 $0x1;
	_ =	shalt  }
.Lfunc_end2:
_tile_overlayer_lowered:
.L_overlay_start_2:
0x365: {  	(tag) =	ssettag $0x2  }
0x366: {  	s0 =	rddreg [dreg:$0x0];
	s2 =	stileid.u32  }
0x367: {  	s1 =	rddreg [dreg:$0x1];
	p0 =	sne.s32 s2, $0x0  }
0x368: {  	s3 =	rddreg [dreg:$0x2];
	[bflag:$0x3] =	sbarrier.arrive $0xFFFF;
	s2 =	simm.s32 @!p0 $0x1C07  }
0x369: {  	[timem:s3], [sflag:s2] =	dma.local @!p0 [hbm:s0], s1  }
0x36a: {  	s0 =	simm.s32 @!p0 $0x7  }
0x36b: {  	_ =	swait.ge @!p0 [sflag:s0], s1  }
0x36c: {  	s1 =	ssub.s32 @!p0 $0x0, s1;
	[sflag:s0] =	ssyncset.done @!p0 $0x0  }
0x36d: {  	[sflag:s0] =	ssyncadd.s32 @!p0 s1  }
0x36e: {  	[bflag:$0x3] =	sbarrier.arrive $0xFFFF  }
0x36f: {  	_ =	shalt  }

</sc_bundles>
